<compile_context>
chip_gen: v7x
topology: tpu7x:2x2x1
jax: 0.10.2.dev20260603
libtpu: 0.0.44.dev20260713+nightly
codegen_flags: <defaults>
</compile_context>

<pallas_src>
import functools

import numpy as np
import jax
import jax.numpy as jnp
from jax import lax
from jax.experimental import pallas as pl
from jax.experimental.pallas import tpu as pltpu
from jax.experimental.pallas import tpu_sc as plsc

N = 1024
T = 96
K = 20
E = N * K
RANK_LR = 8
ROLE_DIM = 8
ROLE_ITERS = 80
SPEC_RANK = 16
SPEC_MOM = 4
S_SRC = 4
TAU = 1.0
ALPHA, BETA, GAMMA, DELTA = 0.3, 0.4, 0.2, 0.1
EPS = 1e-8

TBL_W = 128
NW = 32
CH = E // NW
RW = N // NW

_G = np.random.RandomState(0).randn(N, RANK_LR).astype(np.float32)
_Z = np.random.RandomState(1).randn(N, SPEC_RANK).astype(np.float32)
_W0 = np.random.RandomState(2).rand(N, ROLE_DIM).astype(np.float32)

_MM = jnp.bfloat16


def _k1_body(x_ref, s_ref, m_ref):
    x = x_ref[...]
    s = x.sum(axis=0) * 0.125
    mu = jnp.mean(s, axis=1, keepdims=True)
    var = jnp.mean((s - mu) ** 2, axis=1, keepdims=True)
    s = (s - mu) / (jnp.sqrt(var) + EPS)
    s_ref[...] = s
    sb = s.astype(_MM)
    c0 = lax.dot_general(sb, sb, (((1,), (1,)), ((), ())),
                         preferred_element_type=jnp.float32) / T
    c1 = lax.dot_general(sb[:, 1:], sb[:, :-1], (((1,), (1,)), ((), ())),
                         preferred_element_type=jnp.float32) / (T - 1)
    m = 0.5 * c0 + 0.25 * (c1 + c1.T)
    m_ref[...] = jnp.abs(m)


def _k1(x4, interpret=False):
    return pl.pallas_call(
        _k1_body,
        out_shape=(jax.ShapeDtypeStruct((N, T), jnp.float32),
                   jax.ShapeDtypeStruct((N, N), jnp.float32)),
        interpret=interpret,
    )(x4)


def _k2_body(m_ref, idx_ref):
    a = m_ref[...]
    row = lax.broadcasted_iota(jnp.int32, (N, N), 0)
    col = lax.broadcasted_iota(jnp.int32, (N, N), 1)
    a = jnp.where(row == col, -1e9, a)
    rbase = lax.broadcasted_iota(jnp.int32, (N, 1), 0) * N
    cols = []
    for _ in range(K):
        mx = jnp.max(a, axis=1, keepdims=True)
        amax = jnp.min(jnp.where(a >= mx, col, N), axis=1, keepdims=True)
        cols.append(rbase + amax)
        a = jnp.where(col == amax, -3e9, a)
    idx_ref[...] = jnp.concatenate(cols, axis=1)


def _k2(m0, interpret=False):
    return pl.pallas_call(
        _k2_body,
        out_shape=jax.ShapeDtypeStruct((N, K), jnp.int32),
        interpret=interpret,
    )(m0)


def _k3_body(m_ref, g_ref, a_ref):
    m = m_ref[...]
    y = jnp.dot(m.astype(_MM), g_ref[...].astype(_MM),
                preferred_element_type=jnp.float32)
    qcols = []
    for j in range(RANK_LR):
        v = y[:, j:j + 1]
        for q in qcols:
            v = v - q * jnp.sum(q * v)
        nrm = jnp.sqrt(jnp.sum(v * v))
        qcols.append(v / nrm)
    q = jnp.concatenate(qcols, axis=1)
    qtm = lax.dot_general(q, m, (((0,), (0,)), ((), ())),
                          preferred_element_type=jnp.float32)
    l = jnp.dot(q, qtm, preferred_element_type=jnp.float32)
    l = jnp.abs(l)
    mx = jnp.max(l, axis=1, keepdims=True)
    e = jnp.exp(l - mx)
    a_ref[...] = e / jnp.sum(e, axis=1, keepdims=True)


def _k3(m0, interpret=False):
    return pl.pallas_call(
        _k3_body,
        out_shape=jax.ShapeDtypeStruct((N, N), jnp.float32),
        interpret=interpret,
    )(m0, jnp.asarray(_G))


def _spec_moments(a, z):
    r = jnp.sum(a, axis=1)
    sc = 1.0 / (jnp.max(r) + EPS)
    v = z
    moms = []
    for _ in range(SPEC_MOM):
        v = jnp.dot(a, v, preferred_element_type=jnp.float32) * sc
        moms.append(jnp.reshape(jnp.sum(z * v) * (1.0 / (SPEC_RANK * N)), (1, 1)))
    return jnp.concatenate(moms, axis=1), r


def _k4_body(c_ref, m_ref, z_ref, rho_ref, den_ref, moms_sc, rs_sc):
    s = pl.program_id(0)
    z = z_ref[...]

    @pl.when(s == 0)
    def _():
        moms, _ = _spec_moments(m_ref[...], z)
        moms_sc[4:5, :] = moms

    moms, r = _spec_moments(c_ref[0], z)
    rs_sc[pl.ds(s, 1), :] = r.reshape(1, N)
    moms_sc[pl.ds(s, 1), :] = moms

    @pl.when(s == S_SRC - 1)
    def _():
        mm = moms_sc[...]
        m0m = mm[4:5, :]
        d = jnp.sqrt(jnp.sum((mm[:4, :] - m0m) ** 2, axis=1, keepdims=True))
        nd = -d / TAU
        ex = jnp.exp(nd - jnp.max(nd))
        rho = ex / jnp.sum(ex)
        rho_ref[...] = rho.reshape(1, S_SRC)
        den = jnp.sum(rs_sc[...] * rho, axis=0) + EPS
        den_ref[...] = den.reshape(N, 1)


def _k4(m0, cache, interpret=False):
    return pl.pallas_call(
        _k4_body,
        grid=(S_SRC,),
        in_specs=[
            pl.BlockSpec((1, N, N), lambda s: (s, 0, 0)),
            pl.BlockSpec((N, N), lambda s: (0, 0)),
            pl.BlockSpec((N, SPEC_RANK), lambda s: (0, 0)),
        ],
        out_specs=[
            pl.BlockSpec((1, S_SRC), lambda s: (0, 0)),
            pl.BlockSpec((N, 1), lambda s: (0, 0)),
        ],
        out_shape=(jax.ShapeDtypeStruct((1, S_SRC), jnp.float32),
                   jax.ShapeDtypeStruct((N, 1), jnp.float32)),
        scratch_shapes=[pltpu.VMEM((8, SPEC_MOM), jnp.float32),
                        pltpu.VMEM((S_SRC, N), jnp.float32)],
        interpret=interpret,
    )(cache, m0, jnp.asarray(_Z))


def _k5_body(m_ref, w0_ref, h_ref):
    m = m_ref[...]
    scale = jnp.sqrt(jnp.mean(m) / ROLE_DIM + EPS)
    w = w0_ref[...] * scale

    def it(_, w):
        num = jnp.dot(m, w, preferred_element_type=jnp.float32)
        wtw = lax.dot_general(w, w, (((0,), (0,)), ((), ())),
                              preferred_element_type=jnp.float32)
        den = jnp.dot(w, wtw, preferred_element_type=jnp.float32) + EPS
        return jnp.maximum(w * (num / den), 0.0)

    w = lax.fori_loop(0, ROLE_ITERS, it, w)
    nrm = jnp.sqrt(jnp.sum(w * w, axis=1, keepdims=True))
    h = w / (nrm + EPS)
    h_ref[...] = jnp.concatenate([h, jnp.zeros((N, 8), jnp.float32)], axis=1)


def _k5(m0, interpret=False):
    return pl.pallas_call(
        _k5_body,
        out_shape=jax.ShapeDtypeStruct((N, 16), jnp.float32),
        interpret=interpret,
    )(m0, jnp.asarray(_W0))


_NCHUNK = CH // 128


def _sc_gather_body(idxf, alr, cachef, table, vlr, vc, xj,
                    fidx_v, jidx_v, cidx_v, val_v, vc_v, xj_v, sem):
    wid = lax.axis_index("s") * 2 + lax.axis_index("c")
    pbase = wid * CH

    for kk in range(_NCHUNK):
        pltpu.sync_copy(idxf.at[pl.ds(pbase + kk * 128, 128)], fidx_v.at[kk])

    for v in range(CH // 16):
        r, c = divmod(v, 8)
        f = fidx_v[r, pl.ds(c * 16, 16)]
        jidx_v[r, pl.ds(c * 16, 16)] = lax.bitwise_and(f, N - 1)
        for s in range(S_SRC):
            cidx_v[s * _NCHUNK + r, pl.ds(c * 16, 16)] = f + s * (N * N)

    cps = []
    for kk in range(_NCHUNK):
        cps.append(pltpu.async_copy(table.at[jidx_v.at[kk]],
                                    xj_v.at[pl.ds(kk * 128, 128)], sem))
        cps.append(pltpu.async_copy(alr.at[fidx_v.at[kk]],
                                    val_v.at[pl.ds(kk * 128, 128)], sem))
        for s in range(S_SRC):
            cps.append(pltpu.async_copy(cachef.at[cidx_v.at[s * _NCHUNK + kk]],
                                        vc_v.at[s, pl.ds(kk * 128, 128)], sem))
    for cp in cps:
        cp.wait()

    pltpu.sync_copy(xj_v, xj.at[pl.ds(pbase, CH)])
    pltpu.sync_copy(val_v, vlr.at[pl.ds(pbase, CH)])
    for s in range(S_SRC):
        pltpu.sync_copy(vc_v.at[s], vc.at[pl.ds(s * E + pbase, CH)])


def _sc_gather(idx_flat, alr_flat, cache_flat, table):
    mesh = plsc.VectorSubcoreMesh(core_axis_name="c", subcore_axis_name="s")
    fn = pl.kernel(
        _sc_gather_body, mesh=mesh,
        out_type=(jax.ShapeDtypeStruct((E,), jnp.float32),
                  jax.ShapeDtypeStruct((S_SRC * E,), jnp.float32),
                  jax.ShapeDtypeStruct((E, TBL_W), jnp.float32)),
        scratch_types=[
            pltpu.VMEM((_NCHUNK, 128), jnp.int32),
            pltpu.VMEM((_NCHUNK, 128), jnp.int32),
            pltpu.VMEM((S_SRC * _NCHUNK, 128), jnp.int32),
            pltpu.VMEM((CH,), jnp.float32),
            pltpu.VMEM((S_SRC, CH), jnp.float32),
            pltpu.VMEM((CH, TBL_W), jnp.float32),
            pltpu.SemaphoreType.DMA,
        ],
    )
    return fn(idx_flat, alr_flat, cache_flat, table)


def _k6_body(s_ref, h_ref, xj_ref, cv_ref, rho_ref, den_ref,
             w1_ref, b1_ref, w2_ref, b2_ref, sr_ref, res_ref):
    xj = xj_ref[...]
    xjs = xj[:, :T]
    hj = xj[:, T:T + ROLE_DIM]
    sb = s_ref[...]
    hb = h_ref[...][:, :ROLE_DIM]

    rv = jnp.sum(hb * hj, axis=1, keepdims=True)
    cv = cv_ref[...]
    rho = jnp.reshape(rho_ref[...], (S_SRC, 1))
    num = jnp.sum(cv * rho, axis=0)[:, None]
    sr = rv * num / den_ref[...]
    sr_ref[...] = sr.reshape(1, 1, N)

    feats = []
    for l in range(8):
        f = jnp.sum(sb[:, l:] * xjs[:, :T - l], axis=1, keepdims=True) / (T - l)
        feats.append(f)
    fe = jnp.concatenate(feats, axis=1)
    h1 = jnp.maximum(jnp.dot(fe, w1_ref[...], preferred_element_type=jnp.float32)
                     + b1_ref[...], 0.0)
    res = jnp.sum(h1 * w2_ref[...], axis=1, keepdims=True) + b2_ref[...]
    res_ref[...] = res.reshape(1, 1, N)


def _k6(s, h16, xj, cv2, rho, den, w1, b1r, w2r, b2r, interpret=False):
    return pl.pallas_call(
        _k6_body,
        grid=(K,),
        in_specs=[
            pl.BlockSpec((N, T), lambda k: (0, 0)),
            pl.BlockSpec((N, 16), lambda k: (0, 0)),
            pl.BlockSpec((N, TBL_W), lambda k: (k, 0)),
            pl.BlockSpec((S_SRC, N), lambda k: (0, k)),
            pl.BlockSpec((1, S_SRC), lambda k: (0, 0)),
            pl.BlockSpec((N, 1), lambda k: (0, 0)),
            pl.BlockSpec((8, 32), lambda k: (0, 0)),
            pl.BlockSpec((1, 32), lambda k: (0, 0)),
            pl.BlockSpec((1, 32), lambda k: (0, 0)),
            pl.BlockSpec((1, 1), lambda k: (0, 0)),
        ],
        out_specs=[
            pl.BlockSpec((1, 1, N), lambda k: (k, 0, 0)),
            pl.BlockSpec((1, 1, N), lambda k: (k, 0, 0)),
        ],
        out_shape=(jax.ShapeDtypeStruct((K, 1, N), jnp.float32),
                   jax.ShapeDtypeStruct((K, 1, N), jnp.float32)),
        interpret=interpret,
    )(s, h16, xj, cv2, rho, den, w1, b1r, w2r, b2r)


def _k7_body(lr_ref, sr_ref, res_ref, p_ref):
    def nzs(v):
        mu = jnp.mean(v)
        sd = jnp.sqrt(jnp.mean((v - mu) ** 2))
        return (v - mu) / (sd + EPS)

    sf = (ALPHA * nzs(lr_ref[...]) + BETA * nzs(sr_ref[...])
          + DELTA * nzs(res_ref[...]))
    sig = 1.0 / (1.0 + jnp.exp(-sf))
    mx = jnp.max(sig, axis=0, keepdims=True)
    e = jnp.exp(sig - mx)
    p_ref[...] = e / jnp.sum(e, axis=0, keepdims=True)


def _k7(lr, sr, res, interpret=False):
    return pl.pallas_call(
        _k7_body,
        out_shape=jax.ShapeDtypeStruct((K, N), jnp.float32),
        interpret=interpret,
    )(lr, sr, res)


def _sc_scatter_body(idxf, pvals, zeros, out, fidx_v, buf_v, p_v, sem):
    wid = lax.axis_index("s") * 2 + lax.axis_index("c")
    pbase = wid * CH
    rbase = wid * RW
    pltpu.sync_copy(zeros, buf_v)
    pltpu.sync_copy(buf_v, out.at[pl.ds(rbase * N, RW * N)])
    for kk in range(_NCHUNK):
        pltpu.sync_copy(idxf.at[pl.ds(pbase + kk * 128, 128)], fidx_v.at[kk])
    pltpu.sync_copy(pvals.at[pl.ds(pbase, CH)], p_v)
    cps = [pltpu.async_copy(p_v.at[pl.ds(kk * 128, 128)],
                            out.at[fidx_v.at[kk]], sem)
           for kk in range(_NCHUNK)]
    for cp in cps:
        cp.wait()


def _sc_scatter(idx_flat, p_flat, zeros):
    mesh = plsc.VectorSubcoreMesh(core_axis_name="c", subcore_axis_name="s")
    fn = pl.kernel(
        _sc_scatter_body, mesh=mesh,
        out_type=jax.ShapeDtypeStruct((N * N,), jnp.float32),
        scratch_types=[
            pltpu.VMEM((_NCHUNK, 128), jnp.int32),
            pltpu.VMEM((RW * N,), jnp.float32),
            pltpu.VMEM((CH,), jnp.float32),
            pltpu.SemaphoreType.DMA,
        ],
    )
    return fn(idx_flat, p_flat, zeros)


def kernel(x_target, source_structure_cache, W1, b1, W2, b2):
    xt = x_target.transpose(0, 3, 1, 2).reshape(8, N, T)
    s, m0 = _k1(xt)
    idx = _k2(m0)
    alr = _k3(m0)
    rho, den = _k4(m0, source_structure_cache)
    h16 = _k5(m0)

    idx_flat = idx.reshape(E)
    idx_kmaj = jnp.transpose(idx).reshape(E)
    table = jnp.concatenate(
        [s, h16, jnp.zeros((N, TBL_W - T - 16), jnp.float32)], axis=1)
    vlr, vc, xj = _sc_gather(idx_kmaj, alr.reshape(N * N),
                             source_structure_cache.reshape(S_SRC * N * N), table)

    sr, res = _k6(s, h16, xj, vc.reshape(S_SRC, E), rho, den,
                  W1, b1.reshape(1, 32), W2.reshape(1, 32), b2.reshape(1, 1))
    p = _k7(vlr.reshape(K, N), sr.reshape(K, N), res.reshape(K, N))

    zeros = jnp.zeros((RW * N,), jnp.float32)
    out = _sc_scatter(idx_flat, jnp.transpose(p).reshape(E), zeros)
    return out.reshape(N, N)

# --- scband reference (transcript-rebuilt; emitter-appended) ---
"""Pipeline reference for scband-sagtgraph-constructor-47614007443565 (READ-ONLY COPY).

The authoritative reference and input builder live on the scoring server;
editing this copy changes nothing except your own understanding.
"""

import jax, jax.numpy as jnp
import numpy as np

B, N, T, C = 4, 1024, 96, 2
S_SRC = 4
CAND_TOPK = 20
SPARSE_TOPK = 20
RANK_LR = 8
ROLE_DIM = 8
ROLE_ITERS = 80
SPEC_RANK = 16
SPEC_MOM = 4
TAU = 1.0
ALPHA, BETA, GAMMA, DELTA = 0.3, 0.4, 0.2, 0.1
EPS = 1e-8


def _znorm_rows(x):
    m = x.mean(axis=1, keepdims=True)
    s = x.std(axis=1, keepdims=True)
    return (x - m) / (s + EPS)


def _node_series(x4):
    s = x4.mean(axis=(0, 3))
    return _znorm_rows(s)


def build_relation_matrix(x4, abs_value=True):
    s = _node_series(x4)
    T_ = s.shape[1]
    C0 = (s @ s.T) / T_
    C1 = (s[:, 1:] @ s[:, :-1].T) / (T_ - 1)
    M = 0.5 * C0 + 0.25 * (C1 + C1.T)
    if abs_value:
        M = jnp.abs(M)
    return M


def build_candidate_edges(x4, topk, include_self_loop=False):
    W = build_relation_matrix(x4, True)
    n = W.shape[0]
    if not include_self_loop:
        W = W - 1e9 * jnp.eye(n, dtype=W.dtype)
    vals, idx = jax.lax.top_k(W, topk)
    rows = jnp.repeat(jnp.arange(n), topk)
    pairs = jnp.stack([rows, idx.reshape(-1)], axis=1)
    return pairs, vals.reshape(-1)


def low_rank_reconstruct(M, rank):
    G = jnp.asarray(np.random.RandomState(0).randn(M.shape[0], rank).astype(np.float32))
    Q, _ = jnp.linalg.qr(M @ G)
    return Q @ (Q.T @ M)


def lowrank_matrix(M0):
    L = low_rank_reconstruct(M0, RANK_LR)
    L = jnp.abs(L)
    return jax.nn.softmax(L, axis=1)


def spectral_moments(A):
    n = A.shape[0]
    Z = jnp.asarray(np.random.RandomState(1).randn(n, SPEC_RANK).astype(np.float32))
    An = A / (jnp.max(jnp.sum(jnp.abs(A), axis=1)) + EPS)
    v = Z
    moms = []
    for _ in range(SPEC_MOM):
        v = An @ v
        moms.append(jnp.mean(jnp.sum(Z * v, axis=0)) / n)
    return jnp.stack(moms)


def source_weights(M0, cache):
    mt = spectral_moments(M0)
    ds = jnp.stack([jnp.linalg.norm(mt - spectral_moments(cache[s])) for s in range(cache.shape[0])])
    return jax.nn.softmax(-ds / TAU)


def sym_nmf(M, rank, iters):
    n = M.shape[0]
    scale = jnp.sqrt(jnp.mean(jnp.abs(M)) / rank + EPS)
    W = jnp.asarray(np.random.RandomState(2).rand(n, rank).astype(np.float32)) * scale
    for _ in range(iters):
        num = M @ W
        den = W @ (W.T @ W) + EPS
        W = jax.nn.relu(W * (num / den))
    return W


def source_role_matrix(Wt, cache, rho):
    H = Wt / (jnp.linalg.norm(Wt, axis=1, keepdims=True) + EPS)
    R = H @ H.T
    A_mix = jnp.tensordot(rho, cache, axes=1)
    A_mix = A_mix / (jnp.sum(A_mix, axis=1, keepdims=True) + EPS)
    return R * A_mix


def edge_feature_from_pairs(x4, pairs):
    s = _node_series(x4)
    xi = s[pairs[:, 0]]
    xj = s[pairs[:, 1]]
    T_ = s.shape[1]
    feats = []
    for l in range(8):
        if l == 0:
            f = jnp.mean(xi * xj, axis=1)
        else:
            f = jnp.sum(xi[:, l:] * xj[:, :T_ - l], axis=1) / (T_ - l)
        feats.append(f)
    return jnp.stack(feats, axis=1)


def safe_normalize_score(v):
    return (v - v.mean()) / (v.std() + EPS)


def masked_row_softmax(A):
    mask = A > 0
    logits = jnp.where(mask, A, -1e9)
    P = jax.nn.softmax(logits, axis=1)
    return jnp.where(mask, P, 0.0)


def safe_topk_row(A, k):
    vals, _ = jax.lax.top_k(A, k)
    thr = vals[:, -1:]
    return jnp.where(A >= thr, A, 0.0)


def setup_inputs(seed: int = 0):
    key = jax.random.key(seed)
    k1, k2, k3, k4 = jax.random.split(key, 4)
    x_target = jax.random.normal(k1, (B, N, T, C), dtype=jnp.float32)
    cache = jax.random.uniform(k2, (S_SRC, N, N), dtype=jnp.float32)
    cache = 0.5 * (cache + jnp.transpose(cache, (0, 2, 1)))
    W1 = jax.random.normal(k3, (8, 32), dtype=jnp.float32) * 0.1
    b1 = jnp.zeros((32,), jnp.float32)
    W2 = jax.random.normal(k4, (32, 1), dtype=jnp.float32) * 0.1
    b2 = jnp.zeros((1,), jnp.float32)
    return {'x_target': x_target, 'source_structure_cache': cache, 'W1': W1, 'b1': b1, 'W2': W2, 'b2': b2}


def reference(x_target, source_structure_cache, W1, b1, W2, b2):
    sg = jax.lax.stop_gradient
    x4 = x_target
    n = x4.shape[1]
    pairs, _tew = build_candidate_edges(x4, CAND_TOPK, False)
    M0 = sg(build_relation_matrix(x4, True))
    A_lowrank = sg(lowrank_matrix(M0))
    score_lowrank = A_lowrank[pairs[:, 0], pairs[:, 1]]
    rho = sg(source_weights(M0, source_structure_cache))
    Wt = sym_nmf(M0, ROLE_DIM, ROLE_ITERS)
    A_src_role = sg(source_role_matrix(Wt, source_structure_cache, rho))
    score_src_role = A_src_role[pairs[:, 0], pairs[:, 1]]
    feats = edge_feature_from_pairs(x4, pairs)
    h = jax.nn.relu(feats @ W1 + b1)
    score_res = (h @ W2 + b2)[:, 0]
    score_lowrank_n = sg(safe_normalize_score(score_lowrank))
    score_src_role_n = sg(safe_normalize_score(score_src_role))
    score_eagt_n = jnp.zeros_like(score_res)
    score_res_n = safe_normalize_score(score_res)
    score_final = ALPHA * score_lowrank_n + BETA * score_src_role_n + GAMMA * score_eagt_n + DELTA * score_res_n
    A_sagt = jnp.zeros((n, n), jnp.float32).at[pairs[:, 0], pairs[:, 1]].set(jax.nn.sigmoid(score_final))
    A_sagt = masked_row_softmax(A_sagt)
    A_sagt = safe_topk_row(A_sagt, SPARSE_TOPK)
    return A_sagt

if __name__ == "__main__":
    import jax
    _d = setup_inputs()
    print(jax.jit(kernel)(*tuple(_d.values())))

</pallas_src>

<mosaic_0001>
#map = affine_map<(d0, d1) -> (0)>
module attributes {stable_mosaic.version = 14 : i64} {
  func.func @_sc_scatter_body(%arg0: i32, %arg1: i32, %arg2: memref<20480xi32, #tpu.memory_space<hbm>>, %arg3: memref<20480xf32, #tpu.memory_space<hbm>>, %arg4: memref<32768xf32, #tpu.memory_space<hbm>>, %arg5: memref<1048576xf32, #tpu.memory_space<hbm>>, %arg6: memref<5x128xi32, #tpu.memory_space<vmem>>, %arg7: memref<32768xf32, #tpu.memory_space<vmem>>, %arg8: memref<640xf32, #tpu.memory_space<vmem>>, %arg9: memref<!tpu.dma_semaphore, #tpu.memory_space<semaphore_mem>>) attributes {dimension_semantics = [#tpu.dimension_semantics<core_parallel>, #tpu.dimension_semantics<subcore_parallel>], iteration_bounds = array<i64: 2, 16>, scalar_prefetch = 0 : i64, scratch_operands = 4 : i64, tpu.core_type = #tpu.core_type<sc_vector_subcore>, window_params = [{transform_indices = #map}, {transform_indices = #map}, {transform_indices = #map}, {transform_indices = #map}]} {
    %mul3A = arith.constant 2 : i32
    %mul3A_0 = arith.muli %arg1, %mul3A : i32
    %add3A = arith.addi %mul3A_0, %arg0 : i32
    %mul3A_1 = arith.constant 640 : i32
    %mul3A_2 = arith.muli %add3A, %mul3A_1 : i32
    %mul3A_3 = arith.constant 32 : i32
    %mul3A_4 = arith.muli %add3A, %mul3A_3 : i32
    "tpu.region"() ({
      %run_scoped3A_99 = tpu.sem_alloc : memref<!tpu.dma_semaphore, #tpu.memory_space<semaphore_mem>>
      tpu.enqueue_dma source(%arg4 : memref<32768xf32, #tpu.memory_space<hbm>>) target(%arg7 : memref<32768xf32, #tpu.memory_space<vmem>>) target_semaphore(%run_scoped3A_99 : memref<!tpu.dma_semaphore, #tpu.memory_space<semaphore_mem>>)
      tpu.wait_dma2 semaphore(%run_scoped3A_99 : memref<!tpu.dma_semaphore, #tpu.memory_space<semaphore_mem>>) src(%arg4 : memref<32768xf32, #tpu.memory_space<hbm>>) dst(%arg7 : memref<32768xf32, #tpu.memory_space<vmem>>)
      tpu.yield
    }) : () -> ()
    %mul3A_5 = arith.constant 1024 : i32
    %mul3A_6 = arith.muli %mul3A_4, %mul3A_5 : i32
    "tpu.region"() ({
      %run_scoped3A_99 = tpu.sem_alloc : memref<!tpu.dma_semaphore, #tpu.memory_space<semaphore_mem>>
      %dma_start3A_100 = tpu.memref_slice %arg5[%mul3A_6] : memref<1048576xf32, #tpu.memory_space<hbm>> -> memref<32768xf32, #tpu.memory_space<hbm>>
      %dma_start3A_101 = tpu.memref_slice %arg5[%mul3A_6] : memref<1048576xf32, #tpu.memory_space<hbm>> -> memref<32768xf32, #tpu.memory_space<hbm>>
      tpu.enqueue_dma source(%arg7 : memref<32768xf32, #tpu.memory_space<vmem>>) target(%dma_start3A_101 : memref<32768xf32, #tpu.memory_space<hbm>>) target_semaphore(%run_scoped3A_99 : memref<!tpu.dma_semaphore, #tpu.memory_space<semaphore_mem>>)
      %dma_wait3A_102 = tpu.memref_slice %arg5[%mul3A_6] : memref<1048576xf32, #tpu.memory_space<hbm>> -> memref<32768xf32, #tpu.memory_space<hbm>>
      %dma_wait3A_103 = tpu.memref_slice %arg5[%mul3A_6] : memref<1048576xf32, #tpu.memory_space<hbm>> -> memref<32768xf32, #tpu.memory_space<hbm>>
      tpu.wait_dma2 semaphore(%run_scoped3A_99 : memref<!tpu.dma_semaphore, #tpu.memory_space<semaphore_mem>>) src(%arg7 : memref<32768xf32, #tpu.memory_space<vmem>>) dst(%dma_wait3A_103 : memref<32768xf32, #tpu.memory_space<hbm>>)
      tpu.yield
    }) : () -> ()
    %add3A_7 = arith.constant 0 : i32
    %add3A_8 = arith.addi %mul3A_2, %add3A_7 : i32
    %run_scoped3A = arith.constant 0 : i32
    "tpu.region"() ({
      %run_scoped3A_99 = tpu.sem_alloc : memref<!tpu.dma_semaphore, #tpu.memory_space<semaphore_mem>>
      %dma_start3A_100 = arith.constant 0 : i32
      %dma_start3A_101 = tpu.memref_slice %arg6[%run_scoped3A, %dma_start3A_100] : memref<5x128xi32, #tpu.memory_space<vmem>> -> memref<1x128xi32, #tpu.memory_space<vmem>>
      %dma_start3A_102 = tpu.memref_squeeze %dma_start3A_101 : memref<1x128xi32, #tpu.memory_space<vmem>> -> memref<128xi32, #tpu.memory_space<vmem>>
      %dma_start3A_103 = tpu.memref_slice %arg2[%add3A_8] : memref<20480xi32, #tpu.memory_space<hbm>> -> memref<128xi32, #tpu.memory_space<hbm>>
      %dma_start3A_104 = arith.constant 0 : i32
      %dma_start3A_105 = tpu.memref_slice %arg6[%run_scoped3A, %dma_start3A_104] : memref<5x128xi32, #tpu.memory_space<vmem>> -> memref<1x128xi32, #tpu.memory_space<vmem>>
      %dma_start3A_106 = tpu.memref_squeeze %dma_start3A_105 : memref<1x128xi32, #tpu.memory_space<vmem>> -> memref<128xi32, #tpu.memory_space<vmem>>
      %dma_start3A_107 = tpu.memref_slice %arg2[%add3A_8] : memref<20480xi32, #tpu.memory_space<hbm>> -> memref<128xi32, #tpu.memory_space<hbm>>
      tpu.enqueue_dma source(%dma_start3A_107 : memref<128xi32, #tpu.memory_space<hbm>>) target(%dma_start3A_106 : memref<128xi32, #tpu.memory_space<vmem>>) target_semaphore(%run_scoped3A_99 : memref<!tpu.dma_semaphore, #tpu.memory_space<semaphore_mem>>)
      %dma_wait3A_108 = arith.constant 0 : i32
      %dma_wait3A_109 = tpu.memref_slice %arg6[%run_scoped3A, %dma_wait3A_108] : memref<5x128xi32, #tpu.memory_space<vmem>> -> memref<1x128xi32, #tpu.memory_space<vmem>>
      %dma_wait3A_110 = tpu.memref_squeeze %dma_wait3A_109 : memref<1x128xi32, #tpu.memory_space<vmem>> -> memref<128xi32, #tpu.memory_space<vmem>>
      %dma_wait3A_111 = tpu.memref_slice %arg2[%add3A_8] : memref<20480xi32, #tpu.memory_space<hbm>> -> memref<128xi32, #tpu.memory_space<hbm>>
      %dma_wait3A_112 = arith.constant 0 : i32
      %dma_wait3A_113 = tpu.memref_slice %arg6[%run_scoped3A, %dma_wait3A_112] : memref<5x128xi32, #tpu.memory_space<vmem>> -> memref<1x128xi32, #tpu.memory_space<vmem>>
      %dma_wait3A_114 = tpu.memref_squeeze %dma_wait3A_113 : memref<1x128xi32, #tpu.memory_space<vmem>> -> memref<128xi32, #tpu.memory_space<vmem>>
      %dma_wait3A_115 = tpu.memref_slice %arg2[%add3A_8] : memref<20480xi32, #tpu.memory_space<hbm>> -> memref<128xi32, #tpu.memory_space<hbm>>
      tpu.wait_dma2 semaphore(%run_scoped3A_99 : memref<!tpu.dma_semaphore, #tpu.memory_space<semaphore_mem>>) src(%dma_wait3A_115 : memref<128xi32, #tpu.memory_space<hbm>>) dst(%dma_wait3A_114 : memref<128xi32, #tpu.memory_space<vmem>>)
      tpu.yield
    }) : () -> ()
    %add3A_9 = arith.constant 128 : i32
    %add3A_10 = arith.addi %mul3A_2, %add3A_9 : i32
    %run_scoped3A_11 = arith.constant 1 : i32
    "tpu.region"() ({
      %run_scoped3A_99 = tpu.sem_alloc : memref<!tpu.dma_semaphore, #tpu.memory_space<semaphore_mem>>
      %dma_start3A_100 = arith.constant 0 : i32
      %dma_start3A_101 = tpu.memref_slice %arg6[%run_scoped3A_11, %dma_start3A_100] : memref<5x128xi32, #tpu.memory_space<vmem>> -> memref<1x128xi32, #tpu.memory_space<vmem>>
      %dma_start3A_102 = tpu.memref_squeeze %dma_start3A_101 : memref<1x128xi32, #tpu.memory_space<vmem>> -> memref<128xi32, #tpu.memory_space<vmem>>
      %dma_start3A_103 = tpu.memref_slice %arg2[%add3A_10] : memref<20480xi32, #tpu.memory_space<hbm>> -> memref<128xi32, #tpu.memory_space<hbm>>
      %dma_start3A_104 = arith.constant 0 : i32
      %dma_start3A_105 = tpu.memref_slice %arg6[%run_scoped3A_11, %dma_start3A_104] : memref<5x128xi32, #tpu.memory_space<vmem>> -> memref<1x128xi32, #tpu.memory_space<vmem>>
      %dma_start3A_106 = tpu.memref_squeeze %dma_start3A_105 : memref<1x128xi32, #tpu.memory_space<vmem>> -> memref<128xi32, #tpu.memory_space<vmem>>
      %dma_start3A_107 = tpu.memref_slice %arg2[%add3A_10] : memref<20480xi32, #tpu.memory_space<hbm>> -> memref<128xi32, #tpu.memory_space<hbm>>
      tpu.enqueue_dma source(%dma_start3A_107 : memref<128xi32, #tpu.memory_space<hbm>>) target(%dma_start3A_106 : memref<128xi32, #tpu.memory_space<vmem>>) target_semaphore(%run_scoped3A_99 : memref<!tpu.dma_semaphore, #tpu.memory_space<semaphore_mem>>)
      %dma_wait3A_108 = arith.constant 0 : i32
      %dma_wait3A_109 = tpu.memref_slice %arg6[%run_scoped3A_11, %dma_wait3A_108] : memref<5x128xi32, #tpu.memory_space<vmem>> -> memref<1x128xi32, #tpu.memory_space<vmem>>
      %dma_wait3A_110 = tpu.memref_squeeze %dma_wait3A_109 : memref<1x128xi32, #tpu.memory_space<vmem>> -> memref<128xi32, #tpu.memory_space<vmem>>
      %dma_wait3A_111 = tpu.memref_slice %arg2[%add3A_10] : memref<20480xi32, #tpu.memory_space<hbm>> -> memref<128xi32, #tpu.memory_space<hbm>>
      %dma_wait3A_112 = arith.constant 0 : i32
      %dma_wait3A_113 = tpu.memref_slice %arg6[%run_scoped3A_11, %dma_wait3A_112] : memref<5x128xi32, #tpu.memory_space<vmem>> -> memref<1x128xi32, #tpu.memory_space<vmem>>
      %dma_wait3A_114 = tpu.memref_squeeze %dma_wait3A_113 : memref<1x128xi32, #tpu.memory_space<vmem>> -> memref<128xi32, #tpu.memory_space<vmem>>
      %dma_wait3A_115 = tpu.memref_slice %arg2[%add3A_10] : memref<20480xi32, #tpu.memory_space<hbm>> -> memref<128xi32, #tpu.memory_space<hbm>>
      tpu.wait_dma2 semaphore(%run_scoped3A_99 : memref<!tpu.dma_semaphore, #tpu.memory_space<semaphore_mem>>) src(%dma_wait3A_115 : memref<128xi32, #tpu.memory_space<hbm>>) dst(%dma_wait3A_114 : memref<128xi32, #tpu.memory_space<vmem>>)
      tpu.yield
    }) : () -> ()
    %add3A_12 = arith.constant 256 : i32
    %add3A_13 = arith.addi %mul3A_2, %add3A_12 : i32
    %run_scoped3A_14 = arith.constant 2 : i32
    "tpu.region"() ({
      %run_scoped3A_99 = tpu.sem_alloc : memref<!tpu.dma_semaphore, #tpu.memory_space<semaphore_mem>>
      %dma_start3A_100 = arith.constant 0 : i32
      %dma_start3A_101 = tpu.memref_slice %arg6[%run_scoped3A_14, %dma_start3A_100] : memref<5x128xi32, #tpu.memory_space<vmem>> -> memref<1x128xi32, #tpu.memory_space<vmem>>
      %dma_start3A_102 = tpu.memref_squeeze %dma_start3A_101 : memref<1x128xi32, #tpu.memory_space<vmem>> -> memref<128xi32, #tpu.memory_space<vmem>>
      %dma_start3A_103 = tpu.memref_slice %arg2[%add3A_13] : memref<20480xi32, #tpu.memory_space<hbm>> -> memref<128xi32, #tpu.memory_space<hbm>>
      %dma_start3A_104 = arith.constant 0 : i32
      %dma_start3A_105 = tpu.memref_slice %arg6[%run_scoped3A_14, %dma_start3A_104] : memref<5x128xi32, #tpu.memory_space<vmem>> -> memref<1x128xi32, #tpu.memory_space<vmem>>
      %dma_start3A_106 = tpu.memref_squeeze %dma_start3A_105 : memref<1x128xi32, #tpu.memory_space<vmem>> -> memref<128xi32, #tpu.memory_space<vmem>>
      %dma_start3A_107 = tpu.memref_slice %arg2[%add3A_13] : memref<20480xi32, #tpu.memory_space<hbm>> -> memref<128xi32, #tpu.memory_space<hbm>>
      tpu.enqueue_dma source(%dma_start3A_107 : memref<128xi32, #tpu.memory_space<hbm>>) target(%dma_start3A_106 : memref<128xi32, #tpu.memory_space<vmem>>) target_semaphore(%run_scoped3A_99 : memref<!tpu.dma_semaphore, #tpu.memory_space<semaphore_mem>>)
      %dma_wait3A_108 = arith.constant 0 : i32
      %dma_wait3A_109 = tpu.memref_slice %arg6[%run_scoped3A_14, %dma_wait3A_108] : memref<5x128xi32, #tpu.memory_space<vmem>> -> memref<1x128xi32, #tpu.memory_space<vmem>>
      %dma_wait3A_110 = tpu.memref_squeeze %dma_wait3A_109 : memref<1x128xi32, #tpu.memory_space<vmem>> -> memref<128xi32, #tpu.memory_space<vmem>>
      %dma_wait3A_111 = tpu.memref_slice %arg2[%add3A_13] : memref<20480xi32, #tpu.memory_space<hbm>> -> memref<128xi32, #tpu.memory_space<hbm>>
      %dma_wait3A_112 = arith.constant 0 : i32
      %dma_wait3A_113 = tpu.memref_slice %arg6[%run_scoped3A_14, %dma_wait3A_112] : memref<5x128xi32, #tpu.memory_space<vmem>> -> memref<1x128xi32, #tpu.memory_space<vmem>>
      %dma_wait3A_114 = tpu.memref_squeeze %dma_wait3A_113 : memref<1x128xi32, #tpu.memory_space<vmem>> -> memref<128xi32, #tpu.memory_space<vmem>>
      %dma_wait3A_115 = tpu.memref_slice %arg2[%add3A_13] : memref<20480xi32, #tpu.memory_space<hbm>> -> memref<128xi32, #tpu.memory_space<hbm>>
      tpu.wait_dma2 semaphore(%run_scoped3A_99 : memref<!tpu.dma_semaphore, #tpu.memory_space<semaphore_mem>>) src(%dma_wait3A_115 : memref<128xi32, #tpu.memory_space<hbm>>) dst(%dma_wait3A_114 : memref<128xi32, #tpu.memory_space<vmem>>)
      tpu.yield
    }) : () -> ()
    %add3A_15 = arith.constant 384 : i32
    %add3A_16 = arith.addi %mul3A_2, %add3A_15 : i32
    %run_scoped3A_17 = arith.constant 3 : i32
    "tpu.region"() ({
      %run_scoped3A_99 = tpu.sem_alloc : memref<!tpu.dma_semaphore, #tpu.memory_space<semaphore_mem>>
      %dma_start3A_100 = arith.constant 0 : i32
      %dma_start3A_101 = tpu.memref_slice %arg6[%run_scoped3A_17, %dma_start3A_100] : memref<5x128xi32, #tpu.memory_space<vmem>> -> memref<1x128xi32, #tpu.memory_space<vmem>>
      %dma_start3A_102 = tpu.memref_squeeze %dma_start3A_101 : memref<1x128xi32, #tpu.memory_space<vmem>> -> memref<128xi32, #tpu.memory_space<vmem>>
      %dma_start3A_103 = tpu.memref_slice %arg2[%add3A_16] : memref<20480xi32, #tpu.memory_space<hbm>> -> memref<128xi32, #tpu.memory_space<hbm>>
      %dma_start3A_104 = arith.constant 0 : i32
      %dma_start3A_105 = tpu.memref_slice %arg6[%run_scoped3A_17, %dma_start3A_104] : memref<5x128xi32, #tpu.memory_space<vmem>> -> memref<1x128xi32, #tpu.memory_space<vmem>>
      %dma_start3A_106 = tpu.memref_squeeze %dma_start3A_105 : memref<1x128xi32, #tpu.memory_space<vmem>> -> memref<128xi32, #tpu.memory_space<vmem>>
      %dma_start3A_107 = tpu.memref_slice %arg2[%add3A_16] : memref<20480xi32, #tpu.memory_space<hbm>> -> memref<128xi32, #tpu.memory_space<hbm>>
      tpu.enqueue_dma source(%dma_start3A_107 : memref<128xi32, #tpu.memory_space<hbm>>) target(%dma_start3A_106 : memref<128xi32, #tpu.memory_space<vmem>>) target_semaphore(%run_scoped3A_99 : memref<!tpu.dma_semaphore, #tpu.memory_space<semaphore_mem>>)
      %dma_wait3A_108 = arith.constant 0 : i32
      %dma_wait3A_109 = tpu.memref_slice %arg6[%run_scoped3A_17, %dma_wait3A_108] : memref<5x128xi32, #tpu.memory_space<vmem>> -> memref<1x128xi32, #tpu.memory_space<vmem>>
      %dma_wait3A_110 = tpu.memref_squeeze %dma_wait3A_109 : memref<1x128xi32, #tpu.memory_space<vmem>> -> memref<128xi32, #tpu.memory_space<vmem>>
      %dma_wait3A_111 = tpu.memref_slice %arg2[%add3A_16] : memref<20480xi32, #tpu.memory_space<hbm>> -> memref<128xi32, #tpu.memory_space<hbm>>
      %dma_wait3A_112 = arith.constant 0 : i32
      %dma_wait3A_113 = tpu.memref_slice %arg6[%run_scoped3A_17, %dma_wait3A_112] : memref<5x128xi32, #tpu.memory_space<vmem>> -> memref<1x128xi32, #tpu.memory_space<vmem>>
      %dma_wait3A_114 = tpu.memref_squeeze %dma_wait3A_113 : memref<1x128xi32, #tpu.memory_space<vmem>> -> memref<128xi32, #tpu.memory_space<vmem>>
      %dma_wait3A_115 = tpu.memref_slice %arg2[%add3A_16] : memref<20480xi32, #tpu.memory_space<hbm>> -> memref<128xi32, #tpu.memory_space<hbm>>
      tpu.wait_dma2 semaphore(%run_scoped3A_99 : memref<!tpu.dma_semaphore, #tpu.memory_space<semaphore_mem>>) src(%dma_wait3A_115 : memref<128xi32, #tpu.memory_space<hbm>>) dst(%dma_wait3A_114 : memref<128xi32, #tpu.memory_space<vmem>>)
      tpu.yield
    }) : () -> ()
    %add3A_18 = arith.constant 512 : i32
    %add3A_19 = arith.addi %mul3A_2, %add3A_18 : i32
    %run_scoped3A_20 = arith.constant 4 : i32
    "tpu.region"() ({
      %run_scoped3A_99 = tpu.sem_alloc : memref<!tpu.dma_semaphore, #tpu.memory_space<semaphore_mem>>
      %dma_start3A_100 = arith.constant 0 : i32
      %dma_start3A_101 = tpu.memref_slice %arg6[%run_scoped3A_20, %dma_start3A_100] : memref<5x128xi32, #tpu.memory_space<vmem>> -> memref<1x128xi32, #tpu.memory_space<vmem>>
      %dma_start3A_102 = tpu.memref_squeeze %dma_start3A_101 : memref<1x128xi32, #tpu.memory_space<vmem>> -> memref<128xi32, #tpu.memory_space<vmem>>
      %dma_start3A_103 = tpu.memref_slice %arg2[%add3A_19] : memref<20480xi32, #tpu.memory_space<hbm>> -> memref<128xi32, #tpu.memory_space<hbm>>
      %dma_start3A_104 = arith.constant 0 : i32
      %dma_start3A_105 = tpu.memref_slice %arg6[%run_scoped3A_20, %dma_start3A_104] : memref<5x128xi32, #tpu.memory_space<vmem>> -> memref<1x128xi32, #tpu.memory_space<vmem>>
      %dma_start3A_106 = tpu.memref_squeeze %dma_start3A_105 : memref<1x128xi32, #tpu.memory_space<vmem>> -> memref<128xi32, #tpu.memory_space<vmem>>
      %dma_start3A_107 = tpu.memref_slice %arg2[%add3A_19] : memref<20480xi32, #tpu.memory_space<hbm>> -> memref<128xi32, #tpu.memory_space<hbm>>
      tpu.enqueue_dma source(%dma_start3A_107 : memref<128xi32, #tpu.memory_space<hbm>>) target(%dma_start3A_106 : memref<128xi32, #tpu.memory_space<vmem>>) target_semaphore(%run_scoped3A_99 : memref<!tpu.dma_semaphore, #tpu.memory_space<semaphore_mem>>)
      %dma_wait3A_108 = arith.constant 0 : i32
      %dma_wait3A_109 = tpu.memref_slice %arg6[%run_scoped3A_20, %dma_wait3A_108] : memref<5x128xi32, #tpu.memory_space<vmem>> -> memref<1x128xi32, #tpu.memory_space<vmem>>
      %dma_wait3A_110 = tpu.memref_squeeze %dma_wait3A_109 : memref<1x128xi32, #tpu.memory_space<vmem>> -> memref<128xi32, #tpu.memory_space<vmem>>
      %dma_wait3A_111 = tpu.memref_slice %arg2[%add3A_19] : memref<20480xi32, #tpu.memory_space<hbm>> -> memref<128xi32, #tpu.memory_space<hbm>>
      %dma_wait3A_112 = arith.constant 0 : i32
      %dma_wait3A_113 = tpu.memref_slice %arg6[%run_scoped3A_20, %dma_wait3A_112] : memref<5x128xi32, #tpu.memory_space<vmem>> -> memref<1x128xi32, #tpu.memory_space<vmem>>
      %dma_wait3A_114 = tpu.memref_squeeze %dma_wait3A_113 : memref<1x128xi32, #tpu.memory_space<vmem>> -> memref<128xi32, #tpu.memory_space<vmem>>
      %dma_wait3A_115 = tpu.memref_slice %arg2[%add3A_19] : memref<20480xi32, #tpu.memory_space<hbm>> -> memref<128xi32, #tpu.memory_space<hbm>>
      tpu.wait_dma2 semaphore(%run_scoped3A_99 : memref<!tpu.dma_semaphore, #tpu.memory_space<semaphore_mem>>) src(%dma_wait3A_115 : memref<128xi32, #tpu.memory_space<hbm>>) dst(%dma_wait3A_114 : memref<128xi32, #tpu.memory_space<vmem>>)
      tpu.yield
    }) : () -> ()
    "tpu.region"() ({
      %run_scoped3A_99 = tpu.sem_alloc : memref<!tpu.dma_semaphore, #tpu.memory_space<semaphore_mem>>
      %dma_start3A_100 = tpu.memref_slice %arg3[%mul3A_2] : memref<20480xf32, #tpu.memory_space<hbm>> -> memref<640xf32, #tpu.memory_space<hbm>>
      %dma_start3A_101 = tpu.memref_slice %arg3[%mul3A_2] : memref<20480xf32, #tpu.memory_space<hbm>> -> memref<640xf32, #tpu.memory_space<hbm>>
      tpu.enqueue_dma source(%dma_start3A_101 : memref<640xf32, #tpu.memory_space<hbm>>) target(%arg8 : memref<640xf32, #tpu.memory_space<vmem>>) target_semaphore(%run_scoped3A_99 : memref<!tpu.dma_semaphore, #tpu.memory_space<semaphore_mem>>)
      %dma_wait3A_102 = tpu.memref_slice %arg3[%mul3A_2] : memref<20480xf32, #tpu.memory_space<hbm>> -> memref<640xf32, #tpu.memory_space<hbm>>
      %dma_wait3A_103 = tpu.memref_slice %arg3[%mul3A_2] : memref<20480xf32, #tpu.memory_space<hbm>> -> memref<640xf32, #tpu.memory_space<hbm>>
      tpu.wait_dma2 semaphore(%run_scoped3A_99 : memref<!tpu.dma_semaphore, #tpu.memory_space<semaphore_mem>>) src(%dma_wait3A_103 : memref<640xf32, #tpu.memory_space<hbm>>) dst(%arg8 : memref<640xf32, #tpu.memory_space<vmem>>)
      tpu.yield
    }) : () -> ()
    %dma_start3A = arith.constant 0 : i32
    %dma_start3A_21 = arith.constant 0 : i32
    %dma_start3A_22 = tpu.memref_slice %arg8[%dma_start3A_21] : memref<640xf32, #tpu.memory_space<vmem>> -> memref<128xf32, #tpu.memory_space<vmem>>
    %dma_start3A_23 = arith.constant 0 : i32
    %dma_start3A_24 = tpu.memref_slice %arg6[%dma_start3A, %dma_start3A_23] : memref<5x128xi32, #tpu.memory_space<vmem>> -> memref<1x128xi32, #tpu.memory_space<vmem>>
    %dma_start3A_25 = tpu.memref_squeeze %dma_start3A_24 : memref<1x128xi32, #tpu.memory_space<vmem>> -> memref<128xi32, #tpu.memory_space<vmem>>
    %dma_start3A_26 = arith.constant 0 : i32
    %dma_start3A_27 = tpu.memref_slice %arg5[%dma_start3A_26] : memref<1048576xf32, #tpu.memory_space<hbm>> -> memref<1048576xf32, #tpu.memory_space<hbm>>
    tpu.enqueue_indirect_dma source(%dma_start3A_22 : memref<128xf32, #tpu.memory_space<vmem>>) target(%dma_start3A_27 : memref<1048576xf32, #tpu.memory_space<hbm>>) offsets(%dma_start3A_25 : memref<128xi32, #tpu.memory_space<vmem>>) semaphore(%arg9 : memref<!tpu.dma_semaphore, #tpu.memory_space<semaphore_mem>>)
    %dma_start3A_28 = arith.constant 1 : i32
    %dma_start3A_29 = arith.constant 128 : i32
    %dma_start3A_30 = tpu.memref_slice %arg8[%dma_start3A_29] : memref<640xf32, #tpu.memory_space<vmem>> -> memref<128xf32, #tpu.memory_space<vmem>>
    %dma_start3A_31 = arith.constant 0 : i32
    %dma_start3A_32 = tpu.memref_slice %arg6[%dma_start3A_28, %dma_start3A_31] : memref<5x128xi32, #tpu.memory_space<vmem>> -> memref<1x128xi32, #tpu.memory_space<vmem>>
    %dma_start3A_33 = tpu.memref_squeeze %dma_start3A_32 : memref<1x128xi32, #tpu.memory_space<vmem>> -> memref<128xi32, #tpu.memory_space<vmem>>
    %dma_start3A_34 = arith.constant 0 : i32
    %dma_start3A_35 = tpu.memref_slice %arg5[%dma_start3A_34] : memref<1048576xf32, #tpu.memory_space<hbm>> -> memref<1048576xf32, #tpu.memory_space<hbm>>
    tpu.enqueue_indirect_dma source(%dma_start3A_30 : memref<128xf32, #tpu.memory_space<vmem>>) target(%dma_start3A_35 : memref<1048576xf32, #tpu.memory_space<hbm>>) offsets(%dma_start3A_33 : memref<128xi32, #tpu.memory_space<vmem>>) semaphore(%arg9 : memref<!tpu.dma_semaphore, #tpu.memory_space<semaphore_mem>>)
    %dma_start3A_36 = arith.constant 2 : i32
    %dma_start3A_37 = arith.constant 256 : i32
    %dma_start3A_38 = tpu.memref_slice %arg8[%dma_start3A_37] : memref<640xf32, #tpu.memory_space<vmem>> -> memref<128xf32, #tpu.memory_space<vmem>>
    %dma_start3A_39 = arith.constant 0 : i32
    %dma_start3A_40 = tpu.memref_slice %arg6[%dma_start3A_36, %dma_start3A_39] : memref<5x128xi32, #tpu.memory_space<vmem>> -> memref<1x128xi32, #tpu.memory_space<vmem>>
    %dma_start3A_41 = tpu.memref_squeeze %dma_start3A_40 : memref<1x128xi32, #tpu.memory_space<vmem>> -> memref<128xi32, #tpu.memory_space<vmem>>
    %dma_start3A_42 = arith.constant 0 : i32
    %dma_start3A_43 = tpu.memref_slice %arg5[%dma_start3A_42] : memref<1048576xf32, #tpu.memory_space<hbm>> -> memref<1048576xf32, #tpu.memory_space<hbm>>
    tpu.enqueue_indirect_dma source(%dma_start3A_38 : memref<128xf32, #tpu.memory_space<vmem>>) target(%dma_start3A_43 : memref<1048576xf32, #tpu.memory_space<hbm>>) offsets(%dma_start3A_41 : memref<128xi32, #tpu.memory_space<vmem>>) semaphore(%arg9 : memref<!tpu.dma_semaphore, #tpu.memory_space<semaphore_mem>>)
    %dma_start3A_44 = arith.constant 3 : i32
    %dma_start3A_45 = arith.constant 384 : i32
    %dma_start3A_46 = tpu.memref_slice %arg8[%dma_start3A_45] : memref<640xf32, #tpu.memory_space<vmem>> -> memref<128xf32, #tpu.memory_space<vmem>>
    %dma_start3A_47 = arith.constant 0 : i32
    %dma_start3A_48 = tpu.memref_slice %arg6[%dma_start3A_44, %dma_start3A_47] : memref<5x128xi32, #tpu.memory_space<vmem>> -> memref<1x128xi32, #tpu.memory_space<vmem>>
    %dma_start3A_49 = tpu.memref_squeeze %dma_start3A_48 : memref<1x128xi32, #tpu.memory_space<vmem>> -> memref<128xi32, #tpu.memory_space<vmem>>
    %dma_start3A_50 = arith.constant 0 : i32
    %dma_start3A_51 = tpu.memref_slice %arg5[%dma_start3A_50] : memref<1048576xf32, #tpu.memory_space<hbm>> -> memref<1048576xf32, #tpu.memory_space<hbm>>
    tpu.enqueue_indirect_dma source(%dma_start3A_46 : memref<128xf32, #tpu.memory_space<vmem>>) target(%dma_start3A_51 : memref<1048576xf32, #tpu.memory_space<hbm>>) offsets(%dma_start3A_49 : memref<128xi32, #tpu.memory_space<vmem>>) semaphore(%arg9 : memref<!tpu.dma_semaphore, #tpu.memory_space<semaphore_mem>>)
    %dma_start3A_52 = arith.constant 4 : i32
    %dma_start3A_53 = arith.constant 512 : i32
    %dma_start3A_54 = tpu.memref_slice %arg8[%dma_start3A_53] : memref<640xf32, #tpu.memory_space<vmem>> -> memref<128xf32, #tpu.memory_space<vmem>>
    %dma_start3A_55 = arith.constant 0 : i32
    %dma_start3A_56 = tpu.memref_slice %arg6[%dma_start3A_52, %dma_start3A_55] : memref<5x128xi32, #tpu.memory_space<vmem>> -> memref<1x128xi32, #tpu.memory_space<vmem>>
    %dma_start3A_57 = tpu.memref_squeeze %dma_start3A_56 : memref<1x128xi32, #tpu.memory_space<vmem>> -> memref<128xi32, #tpu.memory_space<vmem>>
    %dma_start3A_58 = arith.constant 0 : i32
    %dma_start3A_59 = tpu.memref_slice %arg5[%dma_start3A_58] : memref<1048576xf32, #tpu.memory_space<hbm>> -> memref<1048576xf32, #tpu.memory_space<hbm>>
    tpu.enqueue_indirect_dma source(%dma_start3A_54 : memref<128xf32, #tpu.memory_space<vmem>>) target(%dma_start3A_59 : memref<1048576xf32, #tpu.memory_space<hbm>>) offsets(%dma_start3A_57 : memref<128xi32, #tpu.memory_space<vmem>>) semaphore(%arg9 : memref<!tpu.dma_semaphore, #tpu.memory_space<semaphore_mem>>)
    %dma_wait3A = arith.constant 0 : i32
    %dma_wait3A_60 = arith.constant 0 : i32
    %dma_wait3A_61 = tpu.memref_slice %arg8[%dma_wait3A_60] : memref<640xf32, #tpu.memory_space<vmem>> -> memref<128xf32, #tpu.memory_space<vmem>>
    %dma_wait3A_62 = arith.constant 0 : i32
    %dma_wait3A_63 = tpu.memref_slice %arg6[%dma_wait3A, %dma_wait3A_62] : memref<5x128xi32, #tpu.memory_space<vmem>> -> memref<1x128xi32, #tpu.memory_space<vmem>>
    %dma_wait3A_64 = tpu.memref_squeeze %dma_wait3A_63 : memref<1x128xi32, #tpu.memory_space<vmem>> -> memref<128xi32, #tpu.memory_space<vmem>>
    %dma_wait3A_65 = arith.constant 0 : i32
    %dma_wait3A_66 = tpu.memref_slice %arg5[%dma_wait3A_65] : memref<1048576xf32, #tpu.memory_space<hbm>> -> memref<1048576xf32, #tpu.memory_space<hbm>>
    tpu.wait_indirect_dma semaphore(%arg9 : memref<!tpu.dma_semaphore, #tpu.memory_space<semaphore_mem>>) src(%dma_wait3A_61 : memref<128xf32, #tpu.memory_space<vmem>>) dst(%dma_wait3A_66 : memref<1048576xf32, #tpu.memory_space<hbm>>)
    %dma_wait3A_67 = arith.constant 1 : i32
    %dma_wait3A_68 = arith.constant 128 : i32
    %dma_wait3A_69 = tpu.memref_slice %arg8[%dma_wait3A_68] : memref<640xf32, #tpu.memory_space<vmem>> -> memref<128xf32, #tpu.memory_space<vmem>>
    %dma_wait3A_70 = arith.constant 0 : i32
    %dma_wait3A_71 = tpu.memref_slice %arg6[%dma_wait3A_67, %dma_wait3A_70] : memref<5x128xi32, #tpu.memory_space<vmem>> -> memref<1x128xi32, #tpu.memory_space<vmem>>
    %dma_wait3A_72 = tpu.memref_squeeze %dma_wait3A_71 : memref<1x128xi32, #tpu.memory_space<vmem>> -> memref<128xi32, #tpu.memory_space<vmem>>
    %dma_wait3A_73 = arith.constant 0 : i32
    %dma_wait3A_74 = tpu.memref_slice %arg5[%dma_wait3A_73] : memref<1048576xf32, #tpu.memory_space<hbm>> -> memref<1048576xf32, #tpu.memory_space<hbm>>
    tpu.wait_indirect_dma semaphore(%arg9 : memref<!tpu.dma_semaphore, #tpu.memory_space<semaphore_mem>>) src(%dma_wait3A_69 : memref<128xf32, #tpu.memory_space<vmem>>) dst(%dma_wait3A_74 : memref<1048576xf32, #tpu.memory_space<hbm>>)
    %dma_wait3A_75 = arith.constant 2 : i32
    %dma_wait3A_76 = arith.constant 256 : i32
    %dma_wait3A_77 = tpu.memref_slice %arg8[%dma_wait3A_76] : memref<640xf32, #tpu.memory_space<vmem>> -> memref<128xf32, #tpu.memory_space<vmem>>
    %dma_wait3A_78 = arith.constant 0 : i32
    %dma_wait3A_79 = tpu.memref_slice %arg6[%dma_wait3A_75, %dma_wait3A_78] : memref<5x128xi32, #tpu.memory_space<vmem>> -> memref<1x128xi32, #tpu.memory_space<vmem>>
    %dma_wait3A_80 = tpu.memref_squeeze %dma_wait3A_79 : memref<1x128xi32, #tpu.memory_space<vmem>> -> memref<128xi32, #tpu.memory_space<vmem>>
    %dma_wait3A_81 = arith.constant 0 : i32
    %dma_wait3A_82 = tpu.memref_slice %arg5[%dma_wait3A_81] : memref<1048576xf32, #tpu.memory_space<hbm>> -> memref<1048576xf32, #tpu.memory_space<hbm>>
    tpu.wait_indirect_dma semaphore(%arg9 : memref<!tpu.dma_semaphore, #tpu.memory_space<semaphore_mem>>) src(%dma_wait3A_77 : memref<128xf32, #tpu.memory_space<vmem>>) dst(%dma_wait3A_82 : memref<1048576xf32, #tpu.memory_space<hbm>>)
    %dma_wait3A_83 = arith.constant 3 : i32
    %dma_wait3A_84 = arith.constant 384 : i32
    %dma_wait3A_85 = tpu.memref_slice %arg8[%dma_wait3A_84] : memref<640xf32, #tpu.memory_space<vmem>> -> memref<128xf32, #tpu.memory_space<vmem>>
    %dma_wait3A_86 = arith.constant 0 : i32
    %dma_wait3A_87 = tpu.memref_slice %arg6[%dma_wait3A_83, %dma_wait3A_86] : memref<5x128xi32, #tpu.memory_space<vmem>> -> memref<1x128xi32, #tpu.memory_space<vmem>>
    %dma_wait3A_88 = tpu.memref_squeeze %dma_wait3A_87 : memref<1x128xi32, #tpu.memory_space<vmem>> -> memref<128xi32, #tpu.memory_space<vmem>>
    %dma_wait3A_89 = arith.constant 0 : i32
    %dma_wait3A_90 = tpu.memref_slice %arg5[%dma_wait3A_89] : memref<1048576xf32, #tpu.memory_space<hbm>> -> memref<1048576xf32, #tpu.memory_space<hbm>>
    tpu.wait_indirect_dma semaphore(%arg9 : memref<!tpu.dma_semaphore, #tpu.memory_space<semaphore_mem>>) src(%dma_wait3A_85 : memref<128xf32, #tpu.memory_space<vmem>>) dst(%dma_wait3A_90 : memref<1048576xf32, #tpu.memory_space<hbm>>)
    %dma_wait3A_91 = arith.constant 4 : i32
    %dma_wait3A_92 = arith.constant 512 : i32
    %dma_wait3A_93 = tpu.memref_slice %arg8[%dma_wait3A_92] : memref<640xf32, #tpu.memory_space<vmem>> -> memref<128xf32, #tpu.memory_space<vmem>>
    %dma_wait3A_94 = arith.constant 0 : i32
    %dma_wait3A_95 = tpu.memref_slice %arg6[%dma_wait3A_91, %dma_wait3A_94] : memref<5x128xi32, #tpu.memory_space<vmem>> -> memref<1x128xi32, #tpu.memory_space<vmem>>
    %dma_wait3A_96 = tpu.memref_squeeze %dma_wait3A_95 : memref<1x128xi32, #tpu.memory_space<vmem>> -> memref<128xi32, #tpu.memory_space<vmem>>
    %dma_wait3A_97 = arith.constant 0 : i32
    %dma_wait3A_98 = tpu.memref_slice %arg5[%dma_wait3A_97] : memref<1048576xf32, #tpu.memory_space<hbm>> -> memref<1048576xf32, #tpu.memory_space<hbm>>
    tpu.wait_indirect_dma semaphore(%arg9 : memref<!tpu.dma_semaphore, #tpu.memory_space<semaphore_mem>>) src(%dma_wait3A_93 : memref<128xf32, #tpu.memory_space<vmem>>) dst(%dma_wait3A_98 : memref<1048576xf32, #tpu.memory_space<hbm>>)
    return
  }
}

#map = affine_map<(d0, d1) -> (0)>
#map1 = affine_map<(d0, d1) -> (0, 0)>
module attributes {stable_mosaic.version = 14 : i64} {
  func.func @_sc_gather_body(%arg0: i32, %arg1: i32, %arg2: memref<20480xi32, #tpu.memory_space<hbm>>, %arg3: memref<1048576xf32, #tpu.memory_space<hbm>>, %arg4: memref<4194304xf32, #tpu.memory_space<hbm>>, %arg5: memref<1024x128xf32, #tpu.memory_space<hbm>>, %arg6: memref<20480xf32, #tpu.memory_space<hbm>>, %arg7: memref<81920xf32, #tpu.memory_space<hbm>>, %arg8: memref<20480x128xf32, #tpu.memory_space<hbm>>, %arg9: memref<5x128xi32, #tpu.memory_space<vmem>>, %arg10: memref<5x128xi32, #tpu.memory_space<vmem>>, %arg11: memref<20x128xi32, #tpu.memory_space<vmem>>, %arg12: memref<640xf32, #tpu.memory_space<vmem>>, %arg13: memref<4x640xf32, #tpu.memory_space<vmem>>, %arg14: memref<640x128xf32, #tpu.memory_space<vmem>>, %arg15: memref<!tpu.dma_semaphore, #tpu.memory_space<semaphore_mem>>) attributes {dimension_semantics = [#tpu.dimension_semantics<core_parallel>, #tpu.dimension_semantics<subcore_parallel>], iteration_bounds = array<i64: 2, 16>, scalar_prefetch = 0 : i64, scratch_operands = 7 : i64, tpu.core_type = #tpu.core_type<sc_vector_subcore>, window_params = [{transform_indices = #map}, {transform_indices = #map}, {transform_indices = #map}, {transform_indices = #map1}, {transform_indices = #map}, {transform_indices = #map}, {transform_indices = #map1}]} {
    %mul3A = arith.constant 2 : i32
    %mul3A_0 = arith.muli %arg1, %mul3A : i32
    %add3A = arith.addi %mul3A_0, %arg0 : i32
    %mul3A_1 = arith.constant 640 : i32
    %mul3A_2 = arith.muli %add3A, %mul3A_1 : i32
    %add3A_3 = arith.constant 0 : i32
    %add3A_4 = arith.addi %mul3A_2, %add3A_3 : i32
    %run_scoped3A = arith.constant 0 : i32
    "tpu.region"() ({
      %run_scoped3A_2604 = tpu.sem_alloc : memref<!tpu.dma_semaphore, #tpu.memory_space<semaphore_mem>>
      %dma_start3A_2605 = arith.constant 0 : i32
      %dma_start3A_2606 = tpu.memref_slice %arg9[%run_scoped3A, %dma_start3A_2605] : memref<5x128xi32, #tpu.memory_space<vmem>> -> memref<1x128xi32, #tpu.memory_space<vmem>>
      %dma_start3A_2607 = tpu.memref_squeeze %dma_start3A_2606 : memref<1x128xi32, #tpu.memory_space<vmem>> -> memref<128xi32, #tpu.memory_space<vmem>>
      %dma_start3A_2608 = tpu.memref_slice %arg2[%add3A_4] : memref<20480xi32, #tpu.memory_space<hbm>> -> memref<128xi32, #tpu.memory_space<hbm>>
      %dma_start3A_2609 = arith.constant 0 : i32
      %dma_start3A_2610 = tpu.memref_slice %arg9[%run_scoped3A, %dma_start3A_2609] : memref<5x128xi32, #tpu.memory_space<vmem>> -> memref<1x128xi32, #tpu.memory_space<vmem>>
      %dma_start3A_2611 = tpu.memref_squeeze %dma_start3A_2610 : memref<1x128xi32, #tpu.memory_space<vmem>> -> memref<128xi32, #tpu.memory_space<vmem>>
      %dma_start3A_2612 = tpu.memref_slice %arg2[%add3A_4] : memref<20480xi32, #tpu.memory_space<hbm>> -> memref<128xi32, #tpu.memory_space<hbm>>
      tpu.enqueue_dma source(%dma_start3A_2612 : memref<128xi32, #tpu.memory_space<hbm>>) target(%dma_start3A_2611 : memref<128xi32, #tpu.memory_space<vmem>>) target_semaphore(%run_scoped3A_2604 : memref<!tpu.dma_semaphore, #tpu.memory_space<semaphore_mem>>)
      %dma_wait3A_2613 = arith.constant 0 : i32
      %dma_wait3A_2614 = tpu.memref_slice %arg9[%run_scoped3A, %dma_wait3A_2613] : memref<5x128xi32, #tpu.memory_space<vmem>> -> memref<1x128xi32, #tpu.memory_space<vmem>>
      %dma_wait3A_2615 = tpu.memref_squeeze %dma_wait3A_2614 : memref<1x128xi32, #tpu.memory_space<vmem>> -> memref<128xi32, #tpu.memory_space<vmem>>
      %dma_wait3A_2616 = tpu.memref_slice %arg2[%add3A_4] : memref<20480xi32, #tpu.memory_space<hbm>> -> memref<128xi32, #tpu.memory_space<hbm>>
      %dma_wait3A_2617 = arith.constant 0 : i32
      %dma_wait3A_2618 = tpu.memref_slice %arg9[%run_scoped3A, %dma_wait3A_2617] : memref<5x128xi32, #tpu.memory_space<vmem>> -> memref<1x128xi32, #tpu.memory_space<vmem>>
      %dma_wait3A_2619 = tpu.memref_squeeze %dma_wait3A_2618 : memref<1x128xi32, #tpu.memory_space<vmem>> -> memref<128xi32, #tpu.memory_space<vmem>>
      %dma_wait3A_2620 = tpu.memref_slice %arg2[%add3A_4] : memref<20480xi32, #tpu.memory_space<hbm>> -> memref<128xi32, #tpu.memory_space<hbm>>
      tpu.wait_dma2 semaphore(%run_scoped3A_2604 : memref<!tpu.dma_semaphore, #tpu.memory_space<semaphore_mem>>) src(%dma_wait3A_2620 : memref<128xi32, #tpu.memory_space<hbm>>) dst(%dma_wait3A_2619 : memref<128xi32, #tpu.memory_space<vmem>>)
      tpu.yield
    }) : () -> ()
    %add3A_5 = arith.constant 128 : i32
    %add3A_6 = arith.addi %mul3A_2, %add3A_5 : i32
    %run_scoped3A_7 = arith.constant 1 : i32
    "tpu.region"() ({
      %run_scoped3A_2604 = tpu.sem_alloc : memref<!tpu.dma_semaphore, #tpu.memory_space<semaphore_mem>>
      %dma_start3A_2605 = arith.constant 0 : i32
      %dma_start3A_2606 = tpu.memref_slice %arg9[%run_scoped3A_7, %dma_start3A_2605] : memref<5x128xi32, #tpu.memory_space<vmem>> -> memref<1x128xi32, #tpu.memory_space<vmem>>
      %dma_start3A_2607 = tpu.memref_squeeze %dma_start3A_2606 : memref<1x128xi32, #tpu.memory_space<vmem>> -> memref<128xi32, #tpu.memory_space<vmem>>
      %dma_start3A_2608 = tpu.memref_slice %arg2[%add3A_6] : memref<20480xi32, #tpu.memory_space<hbm>> -> memref<128xi32, #tpu.memory_space<hbm>>
      %dma_start3A_2609 = arith.constant 0 : i32
      %dma_start3A_2610 = tpu.memref_slice %arg9[%run_scoped3A_7, %dma_start3A_2609] : memref<5x128xi32, #tpu.memory_space<vmem>> -> memref<1x128xi32, #tpu.memory_space<vmem>>
      %dma_start3A_2611 = tpu.memref_squeeze %dma_start3A_2610 : memref<1x128xi32, #tpu.memory_space<vmem>> -> memref<128xi32, #tpu.memory_space<vmem>>
      %dma_start3A_2612 = tpu.memref_slice %arg2[%add3A_6] : memref<20480xi32, #tpu.memory_space<hbm>> -> memref<128xi32, #tpu.memory_space<hbm>>
      tpu.enqueue_dma source(%dma_start3A_2612 : memref<128xi32, #tpu.memory_space<hbm>>) target(%dma_start3A_2611 : memref<128xi32, #tpu.memory_space<vmem>>) target_semaphore(%run_scoped3A_2604 : memref<!tpu.dma_semaphore, #tpu.memory_space<semaphore_mem>>)
      %dma_wait3A_2613 = arith.constant 0 : i32
      %dma_wait3A_2614 = tpu.memref_slice %arg9[%run_scoped3A_7, %dma_wait3A_2613] : memref<5x128xi32, #tpu.memory_space<vmem>> -> memref<1x128xi32, #tpu.memory_space<vmem>>
      %dma_wait3A_2615 = tpu.memref_squeeze %dma_wait3A_2614 : memref<1x128xi32, #tpu.memory_space<vmem>> -> memref<128xi32, #tpu.memory_space<vmem>>
      %dma_wait3A_2616 = tpu.memref_slice %arg2[%add3A_6] : memref<20480xi32, #tpu.memory_space<hbm>> -> memref<128xi32, #tpu.memory_space<hbm>>
      %dma_wait3A_2617 = arith.constant 0 : i32
      %dma_wait3A_2618 = tpu.memref_slice %arg9[%run_scoped3A_7, %dma_wait3A_2617] : memref<5x128xi32, #tpu.memory_space<vmem>> -> memref<1x128xi32, #tpu.memory_space<vmem>>
      %dma_wait3A_2619 = tpu.memref_squeeze %dma_wait3A_2618 : memref<1x128xi32, #tpu.memory_space<vmem>> -> memref<128xi32, #tpu.memory_space<vmem>>
      %dma_wait3A_2620 = tpu.memref_slice %arg2[%add3A_6] : memref<20480xi32, #tpu.memory_space<hbm>> -> memref<128xi32, #tpu.memory_space<hbm>>
      tpu.wait_dma2 semaphore(%run_scoped3A_2604 : memref<!tpu.dma_semaphore, #tpu.memory_space<semaphore_mem>>) src(%dma_wait3A_2620 : memref<128xi32, #tpu.memory_space<hbm>>) dst(%dma_wait3A_2619 : memref<128xi32, #tpu.memory_space<vmem>>)
      tpu.yield
    }) : () -> ()
    %add3A_8 = arith.constant 256 : i32
    %add3A_9 = arith.addi %mul3A_2, %add3A_8 : i32
    %run_scoped3A_10 = arith.constant 2 : i32
    "tpu.region"() ({
      %run_scoped3A_2604 = tpu.sem_alloc : memref<!tpu.dma_semaphore, #tpu.memory_space<semaphore_mem>>
      %dma_start3A_2605 = arith.constant 0 : i32
      %dma_start3A_2606 = tpu.memref_slice %arg9[%run_scoped3A_10, %dma_start3A_2605] : memref<5x128xi32, #tpu.memory_space<vmem>> -> memref<1x128xi32, #tpu.memory_space<vmem>>
      %dma_start3A_2607 = tpu.memref_squeeze %dma_start3A_2606 : memref<1x128xi32, #tpu.memory_space<vmem>> -> memref<128xi32, #tpu.memory_space<vmem>>
      %dma_start3A_2608 = tpu.memref_slice %arg2[%add3A_9] : memref<20480xi32, #tpu.memory_space<hbm>> -> memref<128xi32, #tpu.memory_space<hbm>>
      %dma_start3A_2609 = arith.constant 0 : i32
      %dma_start3A_2610 = tpu.memref_slice %arg9[%run_scoped3A_10, %dma_start3A_2609] : memref<5x128xi32, #tpu.memory_space<vmem>> -> memref<1x128xi32, #tpu.memory_space<vmem>>
      %dma_start3A_2611 = tpu.memref_squeeze %dma_start3A_2610 : memref<1x128xi32, #tpu.memory_space<vmem>> -> memref<128xi32, #tpu.memory_space<vmem>>
      %dma_start3A_2612 = tpu.memref_slice %arg2[%add3A_9] : memref<20480xi32, #tpu.memory_space<hbm>> -> memref<128xi32, #tpu.memory_space<hbm>>
      tpu.enqueue_dma source(%dma_start3A_2612 : memref<128xi32, #tpu.memory_space<hbm>>) target(%dma_start3A_2611 : memref<128xi32, #tpu.memory_space<vmem>>) target_semaphore(%run_scoped3A_2604 : memref<!tpu.dma_semaphore, #tpu.memory_space<semaphore_mem>>)
      %dma_wait3A_2613 = arith.constant 0 : i32
      %dma_wait3A_2614 = tpu.memref_slice %arg9[%run_scoped3A_10, %dma_wait3A_2613] : memref<5x128xi32, #tpu.memory_space<vmem>> -> memref<1x128xi32, #tpu.memory_space<vmem>>
      %dma_wait3A_2615 = tpu.memref_squeeze %dma_wait3A_2614 : memref<1x128xi32, #tpu.memory_space<vmem>> -> memref<128xi32, #tpu.memory_space<vmem>>
      %dma_wait3A_2616 = tpu.memref_slice %arg2[%add3A_9] : memref<20480xi32, #tpu.memory_space<hbm>> -> memref<128xi32, #tpu.memory_space<hbm>>
      %dma_wait3A_2617 = arith.constant 0 : i32
      %dma_wait3A_2618 = tpu.memref_slice %arg9[%run_scoped3A_10, %dma_wait3A_2617] : memref<5x128xi32, #tpu.memory_space<vmem>> -> memref<1x128xi32, #tpu.memory_space<vmem>>
      %dma_wait3A_2619 = tpu.memref_squeeze %dma_wait3A_2618 : memref<1x128xi32, #tpu.memory_space<vmem>> -> memref<128xi32, #tpu.memory_space<vmem>>
      %dma_wait3A_2620 = tpu.memref_slice %arg2[%add3A_9] : memref<20480xi32, #tpu.memory_space<hbm>> -> memref<128xi32, #tpu.memory_space<hbm>>
      tpu.wait_dma2 semaphore(%run_scoped3A_2604 : memref<!tpu.dma_semaphore, #tpu.memory_space<semaphore_mem>>) src(%dma_wait3A_2620 : memref<128xi32, #tpu.memory_space<hbm>>) dst(%dma_wait3A_2619 : memref<128xi32, #tpu.memory_space<vmem>>)
      tpu.yield
    }) : () -> ()
    %add3A_11 = arith.constant 384 : i32
    %add3A_12 = arith.addi %mul3A_2, %add3A_11 : i32
    %run_scoped3A_13 = arith.constant 3 : i32
    "tpu.region"() ({
      %run_scoped3A_2604 = tpu.sem_alloc : memref<!tpu.dma_semaphore, #tpu.memory_space<semaphore_mem>>
      %dma_start3A_2605 = arith.constant 0 : i32
      %dma_start3A_2606 = tpu.memref_slice %arg9[%run_scoped3A_13, %dma_start3A_2605] : memref<5x128xi32, #tpu.memory_space<vmem>> -> memref<1x128xi32, #tpu.memory_space<vmem>>
      %dma_start3A_2607 = tpu.memref_squeeze %dma_start3A_2606 : memref<1x128xi32, #tpu.memory_space<vmem>> -> memref<128xi32, #tpu.memory_space<vmem>>
      %dma_start3A_2608 = tpu.memref_slice %arg2[%add3A_12] : memref<20480xi32, #tpu.memory_space<hbm>> -> memref<128xi32, #tpu.memory_space<hbm>>
      %dma_start3A_2609 = arith.constant 0 : i32
      %dma_start3A_2610 = tpu.memref_slice %arg9[%run_scoped3A_13, %dma_start3A_2609] : memref<5x128xi32, #tpu.memory_space<vmem>> -> memref<1x128xi32, #tpu.memory_space<vmem>>
      %dma_start3A_2611 = tpu.memref_squeeze %dma_start3A_2610 : memref<1x128xi32, #tpu.memory_space<vmem>> -> memref<128xi32, #tpu.memory_space<vmem>>
      %dma_start3A_2612 = tpu.memref_slice %arg2[%add3A_12] : memref<20480xi32, #tpu.memory_space<hbm>> -> memref<128xi32, #tpu.memory_space<hbm>>
      tpu.enqueue_dma source(%dma_start3A_2612 : memref<128xi32, #tpu.memory_space<hbm>>) target(%dma_start3A_2611 : memref<128xi32, #tpu.memory_space<vmem>>) target_semaphore(%run_scoped3A_2604 : memref<!tpu.dma_semaphore, #tpu.memory_space<semaphore_mem>>)
      %dma_wait3A_2613 = arith.constant 0 : i32
      %dma_wait3A_2614 = tpu.memref_slice %arg9[%run_scoped3A_13, %dma_wait3A_2613] : memref<5x128xi32, #tpu.memory_space<vmem>> -> memref<1x128xi32, #tpu.memory_space<vmem>>
      %dma_wait3A_2615 = tpu.memref_squeeze %dma_wait3A_2614 : memref<1x128xi32, #tpu.memory_space<vmem>> -> memref<128xi32, #tpu.memory_space<vmem>>
      %dma_wait3A_2616 = tpu.memref_slice %arg2[%add3A_12] : memref<20480xi32, #tpu.memory_space<hbm>> -> memref<128xi32, #tpu.memory_space<hbm>>
      %dma_wait3A_2617 = arith.constant 0 : i32
      %dma_wait3A_2618 = tpu.memref_slice %arg9[%run_scoped3A_13, %dma_wait3A_2617] : memref<5x128xi32, #tpu.memory_space<vmem>> -> memref<1x128xi32, #tpu.memory_space<vmem>>
      %dma_wait3A_2619 = tpu.memref_squeeze %dma_wait3A_2618 : memref<1x128xi32, #tpu.memory_space<vmem>> -> memref<128xi32, #tpu.memory_space<vmem>>
      %dma_wait3A_2620 = tpu.memref_slice %arg2[%add3A_12] : memref<20480xi32, #tpu.memory_space<hbm>> -> memref<128xi32, #tpu.memory_space<hbm>>
      tpu.wait_dma2 semaphore(%run_scoped3A_2604 : memref<!tpu.dma_semaphore, #tpu.memory_space<semaphore_mem>>) src(%dma_wait3A_2620 : memref<128xi32, #tpu.memory_space<hbm>>) dst(%dma_wait3A_2619 : memref<128xi32, #tpu.memory_space<vmem>>)
      tpu.yield
    }) : () -> ()
    %add3A_14 = arith.constant 512 : i32
    %add3A_15 = arith.addi %mul3A_2, %add3A_14 : i32
    %run_scoped3A_16 = arith.constant 4 : i32
    "tpu.region"() ({
      %run_scoped3A_2604 = tpu.sem_alloc : memref<!tpu.dma_semaphore, #tpu.memory_space<semaphore_mem>>
      %dma_start3A_2605 = arith.constant 0 : i32
      %dma_start3A_2606 = tpu.memref_slice %arg9[%run_scoped3A_16, %dma_start3A_2605] : memref<5x128xi32, #tpu.memory_space<vmem>> -> memref<1x128xi32, #tpu.memory_space<vmem>>
      %dma_start3A_2607 = tpu.memref_squeeze %dma_start3A_2606 : memref<1x128xi32, #tpu.memory_space<vmem>> -> memref<128xi32, #tpu.memory_space<vmem>>
      %dma_start3A_2608 = tpu.memref_slice %arg2[%add3A_15] : memref<20480xi32, #tpu.memory_space<hbm>> -> memref<128xi32, #tpu.memory_space<hbm>>
      %dma_start3A_2609 = arith.constant 0 : i32
      %dma_start3A_2610 = tpu.memref_slice %arg9[%run_scoped3A_16, %dma_start3A_2609] : memref<5x128xi32, #tpu.memory_space<vmem>> -> memref<1x128xi32, #tpu.memory_space<vmem>>
      %dma_start3A_2611 = tpu.memref_squeeze %dma_start3A_2610 : memref<1x128xi32, #tpu.memory_space<vmem>> -> memref<128xi32, #tpu.memory_space<vmem>>
      %dma_start3A_2612 = tpu.memref_slice %arg2[%add3A_15] : memref<20480xi32, #tpu.memory_space<hbm>> -> memref<128xi32, #tpu.memory_space<hbm>>
      tpu.enqueue_dma source(%dma_start3A_2612 : memref<128xi32, #tpu.memory_space<hbm>>) target(%dma_start3A_2611 : memref<128xi32, #tpu.memory_space<vmem>>) target_semaphore(%run_scoped3A_2604 : memref<!tpu.dma_semaphore, #tpu.memory_space<semaphore_mem>>)
      %dma_wait3A_2613 = arith.constant 0 : i32
      %dma_wait3A_2614 = tpu.memref_slice %arg9[%run_scoped3A_16, %dma_wait3A_2613] : memref<5x128xi32, #tpu.memory_space<vmem>> -> memref<1x128xi32, #tpu.memory_space<vmem>>
      %dma_wait3A_2615 = tpu.memref_squeeze %dma_wait3A_2614 : memref<1x128xi32, #tpu.memory_space<vmem>> -> memref<128xi32, #tpu.memory_space<vmem>>
      %dma_wait3A_2616 = tpu.memref_slice %arg2[%add3A_15] : memref<20480xi32, #tpu.memory_space<hbm>> -> memref<128xi32, #tpu.memory_space<hbm>>
      %dma_wait3A_2617 = arith.constant 0 : i32
      %dma_wait3A_2618 = tpu.memref_slice %arg9[%run_scoped3A_16, %dma_wait3A_2617] : memref<5x128xi32, #tpu.memory_space<vmem>> -> memref<1x128xi32, #tpu.memory_space<vmem>>
      %dma_wait3A_2619 = tpu.memref_squeeze %dma_wait3A_2618 : memref<1x128xi32, #tpu.memory_space<vmem>> -> memref<128xi32, #tpu.memory_space<vmem>>
      %dma_wait3A_2620 = tpu.memref_slice %arg2[%add3A_15] : memref<20480xi32, #tpu.memory_space<hbm>> -> memref<128xi32, #tpu.memory_space<hbm>>
      tpu.wait_dma2 semaphore(%run_scoped3A_2604 : memref<!tpu.dma_semaphore, #tpu.memory_space<semaphore_mem>>) src(%dma_wait3A_2620 : memref<128xi32, #tpu.memory_space<hbm>>) dst(%dma_wait3A_2619 : memref<128xi32, #tpu.memory_space<vmem>>)
      tpu.yield
    }) : () -> ()
    %get3A = arith.constant 0 : i32
    %get3A_17 = arith.index_cast %get3A : i32 to index
    %get3A_18 = arith.constant 0 : index
    %get3A_19 = tpu.vector_load %arg9[%get3A_17, %get3A_18] {strides = array<i32>} : memref<5x128xi32, #tpu.memory_space<vmem>>, vector<1x16xi32>,
    %get3A_20 = vector.shape_cast %get3A_19 : vector<1x16xi32> to vector<16xi32>
    %and3A = arith.constant 1023 : i32
    %and3A_21 = vector.broadcast %and3A : i32 to vector<16xi32>
    %and3A_22 = arith.andi %get3A_20, %and3A_21 : vector<16xi32>
    %swap3A = arith.constant 0 : i32
    %swap3A_23 = arith.index_cast %swap3A : i32 to index
    %swap3A_24 = arith.constant 0 : index
    %swap3A_25 = tpu.vector_load %arg10[%swap3A_23, %swap3A_24] {strides = array<i32>} : memref<5x128xi32, #tpu.memory_space<vmem>>, vector<1x16xi32>,
    %swap3A_26 = vector.shape_cast %swap3A_25 : vector<1x16xi32> to vector<16xi32>
    %swap3A_27 = vector.shape_cast %and3A_22 : vector<16xi32> to vector<1x16xi32>
    tpu.vector_store %arg10[%swap3A_23, %swap3A_24], %swap3A_27 {strides = array<i32>} : memref<5x128xi32, #tpu.memory_space<vmem>>, vector<1x16xi32>,
    %add3A_28 = arith.constant 0 : i32
    %add3A_29 = vector.broadcast %add3A_28 : i32 to vector<16xi32>
    %add3A_30 = arith.addi %get3A_20, %add3A_29 : vector<16xi32>
    %swap3A_31 = arith.constant 0 : i32
    %swap3A_32 = arith.index_cast %swap3A_31 : i32 to index
    %swap3A_33 = arith.constant 0 : index
    %swap3A_34 = tpu.vector_load %arg11[%swap3A_32, %swap3A_33] {strides = array<i32>} : memref<20x128xi32, #tpu.memory_space<vmem>>, vector<1x16xi32>,
    %swap3A_35 = vector.shape_cast %swap3A_34 : vector<1x16xi32> to vector<16xi32>
    %swap3A_36 = vector.shape_cast %add3A_30 : vector<16xi32> to vector<1x16xi32>
    tpu.vector_store %arg11[%swap3A_32, %swap3A_33], %swap3A_36 {strides = array<i32>} : memref<20x128xi32, #tpu.memory_space<vmem>>, vector<1x16xi32>,
    %add3A_37 = arith.constant 1048576 : i32
    %add3A_38 = vector.broadcast %add3A_37 : i32 to vector<16xi32>
    %add3A_39 = arith.addi %get3A_20, %add3A_38 : vector<16xi32>
    %swap3A_40 = arith.constant 5 : i32
    %swap3A_41 = arith.index_cast %swap3A_40 : i32 to index
    %swap3A_42 = arith.constant 0 : index
    %swap3A_43 = tpu.vector_load %arg11[%swap3A_41, %swap3A_42] {strides = array<i32>} : memref<20x128xi32, #tpu.memory_space<vmem>>, vector<1x16xi32>,
    %swap3A_44 = vector.shape_cast %swap3A_43 : vector<1x16xi32> to vector<16xi32>
    %swap3A_45 = vector.shape_cast %add3A_39 : vector<16xi32> to vector<1x16xi32>
    tpu.vector_store %arg11[%swap3A_41, %swap3A_42], %swap3A_45 {strides = array<i32>} : memref<20x128xi32, #tpu.memory_space<vmem>>, vector<1x16xi32>,
    %add3A_46 = arith.constant 2097152 : i32
    %add3A_47 = vector.broadcast %add3A_46 : i32 to vector<16xi32>
    %add3A_48 = arith.addi %get3A_20, %add3A_47 : vector<16xi32>
    %swap3A_49 = arith.constant 10 : i32
    %swap3A_50 = arith.index_cast %swap3A_49 : i32 to index
    %swap3A_51 = arith.constant 0 : index
    %swap3A_52 = tpu.vector_load %arg11[%swap3A_50, %swap3A_51] {strides = array<i32>} : memref<20x128xi32, #tpu.memory_space<vmem>>, vector<1x16xi32>,
    %swap3A_53 = vector.shape_cast %swap3A_52 : vector<1x16xi32> to vector<16xi32>
    %swap3A_54 = vector.shape_cast %add3A_48 : vector<16xi32> to vector<1x16xi32>
    tpu.vector_store %arg11[%swap3A_50, %swap3A_51], %swap3A_54 {strides = array<i32>} : memref<20x128xi32, #tpu.memory_space<vmem>>, vector<1x16xi32>,
    %add3A_55 = arith.constant 3145728 : i32
    %add3A_56 = vector.broadcast %add3A_55 : i32 to vector<16xi32>
    %add3A_57 = arith.addi %get3A_20, %add3A_56 : vector<16xi32>
    %swap3A_58 = arith.constant 15 : i32
    %swap3A_59 = arith.index_cast %swap3A_58 : i32 to index
    %swap3A_60 = arith.constant 0 : index
    %swap3A_61 = tpu.vector_load %arg11[%swap3A_59, %swap3A_60] {strides = array<i32>} : memref<20x128xi32, #tpu.memory_space<vmem>>, vector<1x16xi32>,
    %swap3A_62 = vector.shape_cast %swap3A_61 : vector<1x16xi32> to vector<16xi32>
    %swap3A_63 = vector.shape_cast %add3A_57 : vector<16xi32> to vector<1x16xi32>
    tpu.vector_store %arg11[%swap3A_59, %swap3A_60], %swap3A_63 {strides = array<i32>} : memref<20x128xi32, #tpu.memory_space<vmem>>, vector<1x16xi32>,
    %get3A_64 = arith.constant 0 : i32
    %get3A_65 = arith.index_cast %get3A_64 : i32 to index
    %get3A_66 = arith.constant 16 : index
    %get3A_67 = tpu.vector_load %arg9[%get3A_65, %get3A_66] {strides = array<i32>} : memref<5x128xi32, #tpu.memory_space<vmem>>, vector<1x16xi32>,
    %get3A_68 = vector.shape_cast %get3A_67 : vector<1x16xi32> to vector<16xi32>
    %and3A_69 = arith.constant 1023 : i32
    %and3A_70 = vector.broadcast %and3A_69 : i32 to vector<16xi32>
    %and3A_71 = arith.andi %get3A_68, %and3A_70 : vector<16xi32>
    %swap3A_72 = arith.constant 0 : i32
    %swap3A_73 = arith.index_cast %swap3A_72 : i32 to index
    %swap3A_74 = arith.constant 16 : index
    %swap3A_75 = tpu.vector_load %arg10[%swap3A_73, %swap3A_74] {strides = array<i32>} : memref<5x128xi32, #tpu.memory_space<vmem>>, vector<1x16xi32>,
    %swap3A_76 = vector.shape_cast %swap3A_75 : vector<1x16xi32> to vector<16xi32>
    %swap3A_77 = vector.shape_cast %and3A_71 : vector<16xi32> to vector<1x16xi32>
    tpu.vector_store %arg10[%swap3A_73, %swap3A_74], %swap3A_77 {strides = array<i32>} : memref<5x128xi32, #tpu.memory_space<vmem>>, vector<1x16xi32>,
    %add3A_78 = arith.constant 0 : i32
    %add3A_79 = vector.broadcast %add3A_78 : i32 to vector<16xi32>
    %add3A_80 = arith.addi %get3A_68, %add3A_79 : vector<16xi32>
    %swap3A_81 = arith.constant 0 : i32
    %swap3A_82 = arith.index_cast %swap3A_81 : i32 to index
    %swap3A_83 = arith.constant 16 : index
    %swap3A_84 = tpu.vector_load %arg11[%swap3A_82, %swap3A_83] {strides = array<i32>} : memref<20x128xi32, #tpu.memory_space<vmem>>, vector<1x16xi32>,
    %swap3A_85 = vector.shape_cast %swap3A_84 : vector<1x16xi32> to vector<16xi32>
    %swap3A_86 = vector.shape_cast %add3A_80 : vector<16xi32> to vector<1x16xi32>
    tpu.vector_store %arg11[%swap3A_82, %swap3A_83], %swap3A_86 {strides = array<i32>} : memref<20x128xi32, #tpu.memory_space<vmem>>, vector<1x16xi32>,
    %add3A_87 = arith.constant 1048576 : i32
    %add3A_88 = vector.broadcast %add3A_87 : i32 to vector<16xi32>
    %add3A_89 = arith.addi %get3A_68, %add3A_88 : vector<16xi32>
    %swap3A_90 = arith.constant 5 : i32
    %swap3A_91 = arith.index_cast %swap3A_90 : i32 to index
    %swap3A_92 = arith.constant 16 : index
    %swap3A_93 = tpu.vector_load %arg11[%swap3A_91, %swap3A_92] {strides = array<i32>} : memref<20x128xi32, #tpu.memory_space<vmem>>, vector<1x16xi32>,
    %swap3A_94 = vector.shape_cast %swap3A_93 : vector<1x16xi32> to vector<16xi32>
    %swap3A_95 = vector.shape_cast %add3A_89 : vector<16xi32> to vector<1x16xi32>
    tpu.vector_store %arg11[%swap3A_91, %swap3A_92], %swap3A_95 {strides = array<i32>} : memref<20x128xi32, #tpu.memory_space<vmem>>, vector<1x16xi32>,
    %add3A_96 = arith.constant 2097152 : i32
    %add3A_97 = vector.broadcast %add3A_96 : i32 to vector<16xi32>
    %add3A_98 = arith.addi %get3A_68, %add3A_97 : vector<16xi32>
    %swap3A_99 = arith.constant 10 : i32
    %swap3A_100 = arith.index_cast %swap3A_99 : i32 to index
    %swap3A_101 = arith.constant 16 : index
    %swap3A_102 = tpu.vector_load %arg11[%swap3A_100, %swap3A_101] {strides = array<i32>} : memref<20x128xi32, #tpu.memory_space<vmem>>, vector<1x16xi32>,
    %swap3A_103 = vector.shape_cast %swap3A_102 : vector<1x16xi32> to vector<16xi32>
    %swap3A_104 = vector.shape_cast %add3A_98 : vector<16xi32> to vector<1x16xi32>
    tpu.vector_store %arg11[%swap3A_100, %swap3A_101], %swap3A_104 {strides = array<i32>} : memref<20x128xi32, #tpu.memory_space<vmem>>, vector<1x16xi32>,
    %add3A_105 = arith.constant 3145728 : i32
    %add3A_106 = vector.broadcast %add3A_105 : i32 to vector<16xi32>
    %add3A_107 = arith.addi %get3A_68, %add3A_106 : vector<16xi32>
    %swap3A_108 = arith.constant 15 : i32
    %swap3A_109 = arith.index_cast %swap3A_108 : i32 to index
    %swap3A_110 = arith.constant 16 : index
    %swap3A_111 = tpu.vector_load %arg11[%swap3A_109, %swap3A_110] {strides = array<i32>} : memref<20x128xi32, #tpu.memory_space<vmem>>, vector<1x16xi32>,
    %swap3A_112 = vector.shape_cast %swap3A_111 : vector<1x16xi32> to vector<16xi32>
    %swap3A_113 = vector.shape_cast %add3A_107 : vector<16xi32> to vector<1x16xi32>
    tpu.vector_store %arg11[%swap3A_109, %swap3A_110], %swap3A_113 {strides = array<i32>} : memref<20x128xi32, #tpu.memory_space<vmem>>, vector<1x16xi32>,
    %get3A_114 = arith.constant 0 : i32
    %get3A_115 = arith.index_cast %get3A_114 : i32 to index
    %get3A_116 = arith.constant 32 : index
    %get3A_117 = tpu.vector_load %arg9[%get3A_115, %get3A_116] {strides = array<i32>} : memref<5x128xi32, #tpu.memory_space<vmem>>, vector<1x16xi32>,
    %get3A_118 = vector.shape_cast %get3A_117 : vector<1x16xi32> to vector<16xi32>
    %and3A_119 = arith.constant 1023 : i32
    %and3A_120 = vector.broadcast %and3A_119 : i32 to vector<16xi32>
    %and3A_121 = arith.andi %get3A_118, %and3A_120 : vector<16xi32>
    %swap3A_122 = arith.constant 0 : i32
    %swap3A_123 = arith.index_cast %swap3A_122 : i32 to index
    %swap3A_124 = arith.constant 32 : index
    %swap3A_125 = tpu.vector_load %arg10[%swap3A_123, %swap3A_124] {strides = array<i32>} : memref<5x128xi32, #tpu.memory_space<vmem>>, vector<1x16xi32>,
    %swap3A_126 = vector.shape_cast %swap3A_125 : vector<1x16xi32> to vector<16xi32>
    %swap3A_127 = vector.shape_cast %and3A_121 : vector<16xi32> to vector<1x16xi32>
    tpu.vector_store %arg10[%swap3A_123, %swap3A_124], %swap3A_127 {strides = array<i32>} : memref<5x128xi32, #tpu.memory_space<vmem>>, vector<1x16xi32>,
    %add3A_128 = arith.constant 0 : i32
    %add3A_129 = vector.broadcast %add3A_128 : i32 to vector<16xi32>
    %add3A_130 = arith.addi %get3A_118, %add3A_129 : vector<16xi32>
    %swap3A_131 = arith.constant 0 : i32
    %swap3A_132 = arith.index_cast %swap3A_131 : i32 to index
    %swap3A_133 = arith.constant 32 : index
    %swap3A_134 = tpu.vector_load %arg11[%swap3A_132, %swap3A_133] {strides = array<i32>} : memref<20x128xi32, #tpu.memory_space<vmem>>, vector<1x16xi32>,
    %swap3A_135 = vector.shape_cast %swap3A_134 : vector<1x16xi32> to vector<16xi32>
    %swap3A_136 = vector.shape_cast %add3A_130 : vector<16xi32> to vector<1x16xi32>
    tpu.vector_store %arg11[%swap3A_132, %swap3A_133], %swap3A_136 {strides = array<i32>} : memref<20x128xi32, #tpu.memory_space<vmem>>, vector<1x16xi32>,
    %add3A_137 = arith.constant 1048576 : i32
    %add3A_138 = vector.broadcast %add3A_137 : i32 to vector<16xi32>
    %add3A_139 = arith.addi %get3A_118, %add3A_138 : vector<16xi32>
    %swap3A_140 = arith.constant 5 : i32
    %swap3A_141 = arith.index_cast %swap3A_140 : i32 to index
    %swap3A_142 = arith.constant 32 : index
    %swap3A_143 = tpu.vector_load %arg11[%swap3A_141, %swap3A_142] {strides = array<i32>} : memref<20x128xi32, #tpu.memory_space<vmem>>, vector<1x16xi32>,
    %swap3A_144 = vector.shape_cast %swap3A_143 : vector<1x16xi32> to vector<16xi32>
    %swap3A_145 = vector.shape_cast %add3A_139 : vector<16xi32> to vector<1x16xi32>
    tpu.vector_store %arg11[%swap3A_141, %swap3A_142], %swap3A_145 {strides = array<i32>} : memref<20x128xi32, #tpu.memory_space<vmem>>, vector<1x16xi32>,
    %add3A_146 = arith.constant 2097152 : i32
    %add3A_147 = vector.broadcast %add3A_146 : i32 to vector<16xi32>
    %add3A_148 = arith.addi %get3A_118, %add3A_147 : vector<16xi32>
    %swap3A_149 = arith.constant 10 : i32
    %swap3A_150 = arith.index_cast %swap3A_149 : i32 to index
    %swap3A_151 = arith.constant 32 : index
    %swap3A_152 = tpu.vector_load %arg11[%swap3A_150, %swap3A_151] {strides = array<i32>} : memref<20x128xi32, #tpu.memory_space<vmem>>, vector<1x16xi32>,
    %swap3A_153 = vector.shape_cast %swap3A_152 : vector<1x16xi32> to vector<16xi32>
    %swap3A_154 = vector.shape_cast %add3A_148 : vector<16xi32> to vector<1x16xi32>
    tpu.vector_store %arg11[%swap3A_150, %swap3A_151], %swap3A_154 {strides = array<i32>} : memref<20x128xi32, #tpu.memory_space<vmem>>, vector<1x16xi32>,
    %add3A_155 = arith.constant 3145728 : i32
    %add3A_156 = vector.broadcast %add3A_155 : i32 to vector<16xi32>
    %add3A_157 = arith.addi %get3A_118, %add3A_156 : vector<16xi32>
    %swap3A_158 = arith.constant 15 : i32
    %swap3A_159 = arith.index_cast %swap3A_158 : i32 to index
    %swap3A_160 = arith.constant 32 : index
    %swap3A_161 = tpu.vector_load %arg11[%swap3A_159, %swap3A_160] {strides = array<i32>} : memref<20x128xi32, #tpu.memory_space<vmem>>, vector<1x16xi32>,
    %swap3A_162 = vector.shape_cast %swap3A_161 : vector<1x16xi32> to vector<16xi32>
    %swap3A_163 = vector.shape_cast %add3A_157 : vector<16xi32> to vector<1x16xi32>
    tpu.vector_store %arg11[%swap3A_159, %swap3A_160], %swap3A_163 {strides = array<i32>} : memref<20x128xi32, #tpu.memory_space<vmem>>, vector<1x16xi32>,
    %get3A_164 = arith.constant 0 : i32
    %get3A_165 = arith.index_cast %get3A_164 : i32 to index
    %get3A_166 = arith.constant 48 : index
    %get3A_167 = tpu.vector_load %arg9[%get3A_165, %get3A_166] {strides = array<i32>} : memref<5x128xi32, #tpu.memory_space<vmem>>, vector<1x16xi32>,
    %get3A_168 = vector.shape_cast %get3A_167 : vector<1x16xi32> to vector<16xi32>
    %and3A_169 = arith.constant 1023 : i32
    %and3A_170 = vector.broadcast %and3A_169 : i32 to vector<16xi32>
    %and3A_171 = arith.andi %get3A_168, %and3A_170 : vector<16xi32>
    %swap3A_172 = arith.constant 0 : i32
    %swap3A_173 = arith.index_cast %swap3A_172 : i32 to index
    %swap3A_174 = arith.constant 48 : index
    %swap3A_175 = tpu.vector_load %arg10[%swap3A_173, %swap3A_174] {strides = array<i32>} : memref<5x128xi32, #tpu.memory_space<vmem>>, vector<1x16xi32>,
    %swap3A_176 = vector.shape_cast %swap3A_175 : vector<1x16xi32> to vector<16xi32>
    %swap3A_177 = vector.shape_cast %and3A_171 : vector<16xi32> to vector<1x16xi32>
    tpu.vector_store %arg10[%swap3A_173, %swap3A_174], %swap3A_177 {strides = array<i32>} : memref<5x128xi32, #tpu.memory_space<vmem>>, vector<1x16xi32>,
    %add3A_178 = arith.constant 0 : i32
    %add3A_179 = vector.broadcast %add3A_178 : i32 to vector<16xi32>
    %add3A_180 = arith.addi %get3A_168, %add3A_179 : vector<16xi32>
    %swap3A_181 = arith.constant 0 : i32
    %swap3A_182 = arith.index_cast %swap3A_181 : i32 to index
    %swap3A_183 = arith.constant 48 : index
    %swap3A_184 = tpu.vector_load %arg11[%swap3A_182, %swap3A_183] {strides = array<i32>} : memref<20x128xi32, #tpu.memory_space<vmem>>, vector<1x16xi32>,
    %swap3A_185 = vector.shape_cast %swap3A_184 : vector<1x16xi32> to vector<16xi32>
    %swap3A_186 = vector.shape_cast %add3A_180 : vector<16xi32> to vector<1x16xi32>
    tpu.vector_store %arg11[%swap3A_182, %swap3A_183], %swap3A_186 {strides = array<i32>} : memref<20x128xi32, #tpu.memory_space<vmem>>, vector<1x16xi32>,
    %add3A_187 = arith.constant 1048576 : i32
    %add3A_188 = vector.broadcast %add3A_187 : i32 to vector<16xi32>
    %add3A_189 = arith.addi %get3A_168, %add3A_188 : vector<16xi32>
    %swap3A_190 = arith.constant 5 : i32
    %swap3A_191 = arith.index_cast %swap3A_190 : i32 to index
    %swap3A_192 = arith.constant 48 : index
    %swap3A_193 = tpu.vector_load %arg11[%swap3A_191, %swap3A_192] {strides = array<i32>} : memref<20x128xi32, #tpu.memory_space<vmem>>, vector<1x16xi32>,
    %swap3A_194 = vector.shape_cast %swap3A_193 : vector<1x16xi32> to vector<16xi32>
    %swap3A_195 = vector.shape_cast %add3A_189 : vector<16xi32> to vector<1x16xi32>
    tpu.vector_store %arg11[%swap3A_191, %swap3A_192], %swap3A_195 {strides = array<i32>} : memref<20x128xi32, #tpu.memory_space<vmem>>, vector<1x16xi32>,
    %add3A_196 = arith.constant 2097152 : i32
    %add3A_197 = vector.broadcast %add3A_196 : i32 to vector<16xi32>
    %add3A_198 = arith.addi %get3A_168, %add3A_197 : vector<16xi32>
    %swap3A_199 = arith.constant 10 : i32
    %swap3A_200 = arith.index_cast %swap3A_199 : i32 to index
    %swap3A_201 = arith.constant 48 : index
    %swap3A_202 = tpu.vector_load %arg11[%swap3A_200, %swap3A_201] {strides = array<i32>} : memref<20x128xi32, #tpu.memory_space<vmem>>, vector<1x16xi32>,
    %swap3A_203 = vector.shape_cast %swap3A_202 : vector<1x16xi32> to vector<16xi32>
    %swap3A_204 = vector.shape_cast %add3A_198 : vector<16xi32> to vector<1x16xi32>
    tpu.vector_store %arg11[%swap3A_200, %swap3A_201], %swap3A_204 {strides = array<i32>} : memref<20x128xi32, #tpu.memory_space<vmem>>, vector<1x16xi32>,
    %add3A_205 = arith.constant 3145728 : i32
    %add3A_206 = vector.broadcast %add3A_205 : i32 to vector<16xi32>
    %add3A_207 = arith.addi %get3A_168, %add3A_206 : vector<16xi32>
    %swap3A_208 = arith.constant 15 : i32
    %swap3A_209 = arith.index_cast %swap3A_208 : i32 to index
    %swap3A_210 = arith.constant 48 : index
    %swap3A_211 = tpu.vector_load %arg11[%swap3A_209, %swap3A_210] {strides = array<i32>} : memref<20x128xi32, #tpu.memory_space<vmem>>, vector<1x16xi32>,
    %swap3A_212 = vector.shape_cast %swap3A_211 : vector<1x16xi32> to vector<16xi32>
    %swap3A_213 = vector.shape_cast %add3A_207 : vector<16xi32> to vector<1x16xi32>
    tpu.vector_store %arg11[%swap3A_209, %swap3A_210], %swap3A_213 {strides = array<i32>} : memref<20x128xi32, #tpu.memory_space<vmem>>, vector<1x16xi32>,
    %get3A_214 = arith.constant 0 : i32
    %get3A_215 = arith.index_cast %get3A_214 : i32 to index
    %get3A_216 = arith.constant 64 : index
    %get3A_217 = tpu.vector_load %arg9[%get3A_215, %get3A_216] {strides = array<i32>} : memref<5x128xi32, #tpu.memory_space<vmem>>, vector<1x16xi32>,
    %get3A_218 = vector.shape_cast %get3A_217 : vector<1x16xi32> to vector<16xi32>
    %and3A_219 = arith.constant 1023 : i32
    %and3A_220 = vector.broadcast %and3A_219 : i32 to vector<16xi32>
    %and3A_221 = arith.andi %get3A_218, %and3A_220 : vector<16xi32>
    %swap3A_222 = arith.constant 0 : i32
    %swap3A_223 = arith.index_cast %swap3A_222 : i32 to index
    %swap3A_224 = arith.constant 64 : index
    %swap3A_225 = tpu.vector_load %arg10[%swap3A_223, %swap3A_224] {strides = array<i32>} : memref<5x128xi32, #tpu.memory_space<vmem>>, vector<1x16xi32>,
    %swap3A_226 = vector.shape_cast %swap3A_225 : vector<1x16xi32> to vector<16xi32>
    %swap3A_227 = vector.shape_cast %and3A_221 : vector<16xi32> to vector<1x16xi32>
    tpu.vector_store %arg10[%swap3A_223, %swap3A_224], %swap3A_227 {strides = array<i32>} : memref<5x128xi32, #tpu.memory_space<vmem>>, vector<1x16xi32>,
    %add3A_228 = arith.constant 0 : i32
    %add3A_229 = vector.broadcast %add3A_228 : i32 to vector<16xi32>
    %add3A_230 = arith.addi %get3A_218, %add3A_229 : vector<16xi32>
    %swap3A_231 = arith.constant 0 : i32
    %swap3A_232 = arith.index_cast %swap3A_231 : i32 to index
    %swap3A_233 = arith.constant 64 : index
    %swap3A_234 = tpu.vector_load %arg11[%swap3A_232, %swap3A_233] {strides = array<i32>} : memref<20x128xi32, #tpu.memory_space<vmem>>, vector<1x16xi32>,
    %swap3A_235 = vector.shape_cast %swap3A_234 : vector<1x16xi32> to vector<16xi32>
    %swap3A_236 = vector.shape_cast %add3A_230 : vector<16xi32> to vector<1x16xi32>
    tpu.vector_store %arg11[%swap3A_232, %swap3A_233], %swap3A_236 {strides = array<i32>} : memref<20x128xi32, #tpu.memory_space<vmem>>, vector<1x16xi32>,
    %add3A_237 = arith.constant 1048576 : i32
    %add3A_238 = vector.broadcast %add3A_237 : i32 to vector<16xi32>
    %add3A_239 = arith.addi %get3A_218, %add3A_238 : vector<16xi32>
    %swap3A_240 = arith.constant 5 : i32
    %swap3A_241 = arith.index_cast %swap3A_240 : i32 to index
    %swap3A_242 = arith.constant 64 : index
    %swap3A_243 = tpu.vector_load %arg11[%swap3A_241, %swap3A_242] {strides = array<i32>} : memref<20x128xi32, #tpu.memory_space<vmem>>, vector<1x16xi32>,
    %swap3A_244 = vector.shape_cast %swap3A_243 : vector<1x16xi32> to vector<16xi32>
    %swap3A_245 = vector.shape_cast %add3A_239 : vector<16xi32> to vector<1x16xi32>
    tpu.vector_store %arg11[%swap3A_241, %swap3A_242], %swap3A_245 {strides = array<i32>} : memref<20x128xi32, #tpu.memory_space<vmem>>, vector<1x16xi32>,
    %add3A_246 = arith.constant 2097152 : i32
    %add3A_247 = vector.broadcast %add3A_246 : i32 to vector<16xi32>
    %add3A_248 = arith.addi %get3A_218, %add3A_247 : vector<16xi32>
    %swap3A_249 = arith.constant 10 : i32
    %swap3A_250 = arith.index_cast %swap3A_249 : i32 to index
    %swap3A_251 = arith.constant 64 : index
    %swap3A_252 = tpu.vector_load %arg11[%swap3A_250, %swap3A_251] {strides = array<i32>} : memref<20x128xi32, #tpu.memory_space<vmem>>, vector<1x16xi32>,
    %swap3A_253 = vector.shape_cast %swap3A_252 : vector<1x16xi32> to vector<16xi32>
    %swap3A_254 = vector.shape_cast %add3A_248 : vector<16xi32> to vector<1x16xi32>
    tpu.vector_store %arg11[%swap3A_250, %swap3A_251], %swap3A_254 {strides = array<i32>} : memref<20x128xi32, #tpu.memory_space<vmem>>, vector<1x16xi32>,
    %add3A_255 = arith.constant 3145728 : i32
    %add3A_256 = vector.broadcast %add3A_255 : i32 to vector<16xi32>
    %add3A_257 = arith.addi %get3A_218, %add3A_256 : vector<16xi32>
    %swap3A_258 = arith.constant 15 : i32
    %swap3A_259 = arith.index_cast %swap3A_258 : i32 to index
    %swap3A_260 = arith.constant 64 : index
    %swap3A_261 = tpu.vector_load %arg11[%swap3A_259, %swap3A_260] {strides = array<i32>} : memref<20x128xi32, #tpu.memory_space<vmem>>, vector<1x16xi32>,
    %swap3A_262 = vector.shape_cast %swap3A_261 : vector<1x16xi32> to vector<16xi32>
    %swap3A_263 = vector.shape_cast %add3A_257 : vector<16xi32> to vector<1x16xi32>
    tpu.vector_store %arg11[%swap3A_259, %swap3A_260], %swap3A_263 {strides = array<i32>} : memref<20x128xi32, #tpu.memory_space<vmem>>, vector<1x16xi32>,
    %get3A_264 = arith.constant 0 : i32
    %get3A_265 = arith.index_cast %get3A_264 : i32 to index
    %get3A_266 = arith.constant 80 : index
    %get3A_267 = tpu.vector_load %arg9[%get3A_265, %get3A_266] {strides = array<i32>} : memref<5x128xi32, #tpu.memory_space<vmem>>, vector<1x16xi32>,
    %get3A_268 = vector.shape_cast %get3A_267 : vector<1x16xi32> to vector<16xi32>
    %and3A_269 = arith.constant 1023 : i32
    %and3A_270 = vector.broadcast %and3A_269 : i32 to vector<16xi32>
    %and3A_271 = arith.andi %get3A_268, %and3A_270 : vector<16xi32>
    %swap3A_272 = arith.constant 0 : i32
    %swap3A_273 = arith.index_cast %swap3A_272 : i32 to index
    %swap3A_274 = arith.constant 80 : index
    %swap3A_275 = tpu.vector_load %arg10[%swap3A_273, %swap3A_274] {strides = array<i32>} : memref<5x128xi32, #tpu.memory_space<vmem>>, vector<1x16xi32>,
    %swap3A_276 = vector.shape_cast %swap3A_275 : vector<1x16xi32> to vector<16xi32>
    %swap3A_277 = vector.shape_cast %and3A_271 : vector<16xi32> to vector<1x16xi32>
    tpu.vector_store %arg10[%swap3A_273, %swap3A_274], %swap3A_277 {strides = array<i32>} : memref<5x128xi32, #tpu.memory_space<vmem>>, vector<1x16xi32>,
    %add3A_278 = arith.constant 0 : i32
    %add3A_279 = vector.broadcast %add3A_278 : i32 to vector<16xi32>
    %add3A_280 = arith.addi %get3A_268, %add3A_279 : vector<16xi32>
    %swap3A_281 = arith.constant 0 : i32
    %swap3A_282 = arith.index_cast %swap3A_281 : i32 to index
    %swap3A_283 = arith.constant 80 : index
    %swap3A_284 = tpu.vector_load %arg11[%swap3A_282, %swap3A_283] {strides = array<i32>} : memref<20x128xi32, #tpu.memory_space<vmem>>, vector<1x16xi32>,
    %swap3A_285 = vector.shape_cast %swap3A_284 : vector<1x16xi32> to vector<16xi32>
    %swap3A_286 = vector.shape_cast %add3A_280 : vector<16xi32> to vector<1x16xi32>
    tpu.vector_store %arg11[%swap3A_282, %swap3A_283], %swap3A_286 {strides = array<i32>} : memref<20x128xi32, #tpu.memory_space<vmem>>, vector<1x16xi32>,
    %add3A_287 = arith.constant 1048576 : i32
    %add3A_288 = vector.broadcast %add3A_287 : i32 to vector<16xi32>
    %add3A_289 = arith.addi %get3A_268, %add3A_288 : vector<16xi32>
    %swap3A_290 = arith.constant 5 : i32
    %swap3A_291 = arith.index_cast %swap3A_290 : i32 to index
    %swap3A_292 = arith.constant 80 : index
    %swap3A_293 = tpu.vector_load %arg11[%swap3A_291, %swap3A_292] {strides = array<i32>} : memref<20x128xi32, #tpu.memory_space<vmem>>, vector<1x16xi32>,
    %swap3A_294 = vector.shape_cast %swap3A_293 : vector<1x16xi32> to vector<16xi32>
    %swap3A_295 = vector.shape_cast %add3A_289 : vector<16xi32> to vector<1x16xi32>
    tpu.vector_store %arg11[%swap3A_291, %swap3A_292], %swap3A_295 {strides = array<i32>} : memref<20x128xi32, #tpu.memory_space<vmem>>, vector<1x16xi32>,
    %add3A_296 = arith.constant 2097152 : i32
    %add3A_297 = vector.broadcast %add3A_296 : i32 to vector<16xi32>
    %add3A_298 = arith.addi %get3A_268, %add3A_297 : vector<16xi32>
    %swap3A_299 = arith.constant 10 : i32
    %swap3A_300 = arith.index_cast %swap3A_299 : i32 to index
    %swap3A_301 = arith.constant 80 : index
    %swap3A_302 = tpu.vector_load %arg11[%swap3A_300, %swap3A_301] {strides = array<i32>} : memref<20x128xi32, #tpu.memory_space<vmem>>, vector<1x16xi32>,
    %swap3A_303 = vector.shape_cast %swap3A_302 : vector<1x16xi32> to vector<16xi32>
    %swap3A_304 = vector.shape_cast %add3A_298 : vector<16xi32> to vector<1x16xi32>
    tpu.vector_store %arg11[%swap3A_300, %swap3A_301], %swap3A_304 {strides = array<i32>} : memref<20x128xi32, #tpu.memory_space<vmem>>, vector<1x16xi32>,
    %add3A_305 = arith.constant 3145728 : i32
    %add3A_306 = vector.broadcast %add3A_305 : i32 to vector<16xi32>
    %add3A_307 = arith.addi %get3A_268, %add3A_306 : vector<16xi32>
    %swap3A_308 = arith.constant 15 : i32
    %swap3A_309 = arith.index_cast %swap3A_308 : i32 to index
    %swap3A_310 = arith.constant 80 : index
    %swap3A_311 = tpu.vector_load %arg11[%swap3A_309, %swap3A_310] {strides = array<i32>} : memref<20x128xi32, #tpu.memory_space<vmem>>, vector<1x16xi32>,
    %swap3A_312 = vector.shape_cast %swap3A_311 : vector<1x16xi32> to vector<16xi32>
    %swap3A_313 = vector.shape_cast %add3A_307 : vector<16xi32> to vector<1x16xi32>
    tpu.vector_store %arg11[%swap3A_309, %swap3A_310], %swap3A_313 {strides = array<i32>} : memref<20x128xi32, #tpu.memory_space<vmem>>, vector<1x16xi32>,
    %get3A_314 = arith.constant 0 : i32
    %get3A_315 = arith.index_cast %get3A_314 : i32 to index
    %get3A_316 = arith.constant 96 : index
    %get3A_317 = tpu.vector_load %arg9[%get3A_315, %get3A_316] {strides = array<i32>} : memref<5x128xi32, #tpu.memory_space<vmem>>, vector<1x16xi32>,
    %get3A_318 = vector.shape_cast %get3A_317 : vector<1x16xi32> to vector<16xi32>
    %and3A_319 = arith.constant 1023 : i32
    %and3A_320 = vector.broadcast %and3A_319 : i32 to vector<16xi32>
    %and3A_321 = arith.andi %get3A_318, %and3A_320 : vector<16xi32>
    %swap3A_322 = arith.constant 0 : i32
    %swap3A_323 = arith.index_cast %swap3A_322 : i32 to index
    %swap3A_324 = arith.constant 96 : index
    %swap3A_325 = tpu.vector_load %arg10[%swap3A_323, %swap3A_324] {strides = array<i32>} : memref<5x128xi32, #tpu.memory_space<vmem>>, vector<1x16xi32>,
    %swap3A_326 = vector.shape_cast %swap3A_325 : vector<1x16xi32> to vector<16xi32>
    %swap3A_327 = vector.shape_cast %and3A_321 : vector<16xi32> to vector<1x16xi32>
    tpu.vector_store %arg10[%swap3A_323, %swap3A_324], %swap3A_327 {strides = array<i32>} : memref<5x128xi32, #tpu.memory_space<vmem>>, vector<1x16xi32>,
    %add3A_328 = arith.constant 0 : i32
    %add3A_329 = vector.broadcast %add3A_328 : i32 to vector<16xi32>
    %add3A_330 = arith.addi %get3A_318, %add3A_329 : vector<16xi32>
    %swap3A_331 = arith.constant 0 : i32
    %swap3A_332 = arith.index_cast %swap3A_331 : i32 to index
    %swap3A_333 = arith.constant 96 : index
    %swap3A_334 = tpu.vector_load %arg11[%swap3A_332, %swap3A_333] {strides = array<i32>} : memref<20x128xi32, #tpu.memory_space<vmem>>, vector<1x16xi32>,
    %swap3A_335 = vector.shape_cast %swap3A_334 : vector<1x16xi32> to vector<16xi32>
    %swap3A_336 = vector.shape_cast %add3A_330 : vector<16xi32> to vector<1x16xi32>
    tpu.vector_store %arg11[%swap3A_332, %swap3A_333], %swap3A_336 {strides = array<i32>} : memref<20x128xi32, #tpu.memory_space<vmem>>, vector<1x16xi32>,
    %add3A_337 = arith.constant 1048576 : i32
    %add3A_338 = vector.broadcast %add3A_337 : i32 to vector<16xi32>
    %add3A_339 = arith.addi %get3A_318, %add3A_338 : vector<16xi32>
    %swap3A_340 = arith.constant 5 : i32
    %swap3A_341 = arith.index_cast %swap3A_340 : i32 to index
    %swap3A_342 = arith.constant 96 : index
    %swap3A_343 = tpu.vector_load %arg11[%swap3A_341, %swap3A_342] {strides = array<i32>} : memref<20x128xi32, #tpu.memory_space<vmem>>, vector<1x16xi32>,
    %swap3A_344 = vector.shape_cast %swap3A_343 : vector<1x16xi32> to vector<16xi32>
    %swap3A_345 = vector.shape_cast %add3A_339 : vector<16xi32> to vector<1x16xi32>
    tpu.vector_store %arg11[%swap3A_341, %swap3A_342], %swap3A_345 {strides = array<i32>} : memref<20x128xi32, #tpu.memory_space<vmem>>, vector<1x16xi32>,
    %add3A_346 = arith.constant 2097152 : i32
    %add3A_347 = vector.broadcast %add3A_346 : i32 to vector<16xi32>
    %add3A_348 = arith.addi %get3A_318, %add3A_347 : vector<16xi32>
    %swap3A_349 = arith.constant 10 : i32
    %swap3A_350 = arith.index_cast %swap3A_349 : i32 to index
    %swap3A_351 = arith.constant 96 : index
    %swap3A_352 = tpu.vector_load %arg11[%swap3A_350, %swap3A_351] {strides = array<i32>} : memref<20x128xi32, #tpu.memory_space<vmem>>, vector<1x16xi32>,
    %swap3A_353 = vector.shape_cast %swap3A_352 : vector<1x16xi32> to vector<16xi32>
    %swap3A_354 = vector.shape_cast %add3A_348 : vector<16xi32> to vector<1x16xi32>
    tpu.vector_store %arg11[%swap3A_350, %swap3A_351], %swap3A_354 {strides = array<i32>} : memref<20x128xi32, #tpu.memory_space<vmem>>, vector<1x16xi32>,
    %add3A_355 = arith.constant 3145728 : i32
    %add3A_356 = vector.broadcast %add3A_355 : i32 to vector<16xi32>
    %add3A_357 = arith.addi %get3A_318, %add3A_356 : vector<16xi32>
    %swap3A_358 = arith.constant 15 : i32
    %swap3A_359 = arith.index_cast %swap3A_358 : i32 to index
    %swap3A_360 = arith.constant 96 : index
    %swap3A_361 = tpu.vector_load %arg11[%swap3A_359, %swap3A_360] {strides = array<i32>} : memref<20x128xi32, #tpu.memory_space<vmem>>, vector<1x16xi32>,
    %swap3A_362 = vector.shape_cast %swap3A_361 : vector<1x16xi32> to vector<16xi32>
    %swap3A_363 = vector.shape_cast %add3A_357 : vector<16xi32> to vector<1x16xi32>
    tpu.vector_store %arg11[%swap3A_359, %swap3A_360], %swap3A_363 {strides = array<i32>} : memref<20x128xi32, #tpu.memory_space<vmem>>, vector<1x16xi32>,
    %get3A_364 = arith.constant 0 : i32
    %get3A_365 = arith.index_cast %get3A_364 : i32 to index
    %get3A_366 = arith.constant 112 : index
    %get3A_367 = tpu.vector_load %arg9[%get3A_365, %get3A_366] {strides = array<i32>} : memref<5x128xi32, #tpu.memory_space<vmem>>, vector<1x16xi32>,
    %get3A_368 = vector.shape_cast %get3A_367 : vector<1x16xi32> to vector<16xi32>
    %and3A_369 = arith.constant 1023 : i32
    %and3A_370 = vector.broadcast %and3A_369 : i32 to vector<16xi32>
    %and3A_371 = arith.andi %get3A_368, %and3A_370 : vector<16xi32>
    %swap3A_372 = arith.constant 0 : i32
    %swap3A_373 = arith.index_cast %swap3A_372 : i32 to index
    %swap3A_374 = arith.constant 112 : index
    %swap3A_375 = tpu.vector_load %arg10[%swap3A_373, %swap3A_374] {strides = array<i32>} : memref<5x128xi32, #tpu.memory_space<vmem>>, vector<1x16xi32>,
    %swap3A_376 = vector.shape_cast %swap3A_375 : vector<1x16xi32> to vector<16xi32>
    %swap3A_377 = vector.shape_cast %and3A_371 : vector<16xi32> to vector<1x16xi32>
    tpu.vector_store %arg10[%swap3A_373, %swap3A_374], %swap3A_377 {strides = array<i32>} : memref<5x128xi32, #tpu.memory_space<vmem>>, vector<1x16xi32>,
    %add3A_378 = arith.constant 0 : i32
    %add3A_379 = vector.broadcast %add3A_378 : i32 to vector<16xi32>
    %add3A_380 = arith.addi %get3A_368, %add3A_379 : vector<16xi32>
    %swap3A_381 = arith.constant 0 : i32
    %swap3A_382 = arith.index_cast %swap3A_381 : i32 to index
    %swap3A_383 = arith.constant 112 : index
    %swap3A_384 = tpu.vector_load %arg11[%swap3A_382, %swap3A_383] {strides = array<i32>} : memref<20x128xi32, #tpu.memory_space<vmem>>, vector<1x16xi32>,
    %swap3A_385 = vector.shape_cast %swap3A_384 : vector<1x16xi32> to vector<16xi32>
    %swap3A_386 = vector.shape_cast %add3A_380 : vector<16xi32> to vector<1x16xi32>
    tpu.vector_store %arg11[%swap3A_382, %swap3A_383], %swap3A_386 {strides = array<i32>} : memref<20x128xi32, #tpu.memory_space<vmem>>, vector<1x16xi32>,
    %add3A_387 = arith.constant 1048576 : i32
    %add3A_388 = vector.broadcast %add3A_387 : i32 to vector<16xi32>
    %add3A_389 = arith.addi %get3A_368, %add3A_388 : vector<16xi32>
    %swap3A_390 = arith.constant 5 : i32
    %swap3A_391 = arith.index_cast %swap3A_390 : i32 to index
    %swap3A_392 = arith.constant 112 : index
    %swap3A_393 = tpu.vector_load %arg11[%swap3A_391, %swap3A_392] {strides = array<i32>} : memref<20x128xi32, #tpu.memory_space<vmem>>, vector<1x16xi32>,
    %swap3A_394 = vector.shape_cast %swap3A_393 : vector<1x16xi32> to vector<16xi32>
    %swap3A_395 = vector.shape_cast %add3A_389 : vector<16xi32> to vector<1x16xi32>
    tpu.vector_store %arg11[%swap3A_391, %swap3A_392], %swap3A_395 {strides = array<i32>} : memref<20x128xi32, #tpu.memory_space<vmem>>, vector<1x16xi32>,
    %add3A_396 = arith.constant 2097152 : i32
    %add3A_397 = vector.broadcast %add3A_396 : i32 to vector<16xi32>
    %add3A_398 = arith.addi %get3A_368, %add3A_397 : vector<16xi32>
    %swap3A_399 = arith.constant 10 : i32
    %swap3A_400 = arith.index_cast %swap3A_399 : i32 to index
    %swap3A_401 = arith.constant 112 : index
    %swap3A_402 = tpu.vector_load %arg11[%swap3A_400, %swap3A_401] {strides = array<i32>} : memref<20x128xi32, #tpu.memory_space<vmem>>, vector<1x16xi32>,
    %swap3A_403 = vector.shape_cast %swap3A_402 : vector<1x16xi32> to vector<16xi32>
    %swap3A_404 = vector.shape_cast %add3A_398 : vector<16xi32> to vector<1x16xi32>
    tpu.vector_store %arg11[%swap3A_400, %swap3A_401], %swap3A_404 {strides = array<i32>} : memref<20x128xi32, #tpu.memory_space<vmem>>, vector<1x16xi32>,
    %add3A_405 = arith.constant 3145728 : i32
    %add3A_406 = vector.broadcast %add3A_405 : i32 to vector<16xi32>
    %add3A_407 = arith.addi %get3A_368, %add3A_406 : vector<16xi32>
    %swap3A_408 = arith.constant 15 : i32
    %swap3A_409 = arith.index_cast %swap3A_408 : i32 to index
    %swap3A_410 = arith.constant 112 : index
    %swap3A_411 = tpu.vector_load %arg11[%swap3A_409, %swap3A_410] {strides = array<i32>} : memref<20x128xi32, #tpu.memory_space<vmem>>, vector<1x16xi32>,
    %swap3A_412 = vector.shape_cast %swap3A_411 : vector<1x16xi32> to vector<16xi32>
    %swap3A_413 = vector.shape_cast %add3A_407 : vector<16xi32> to vector<1x16xi32>
    tpu.vector_store %arg11[%swap3A_409, %swap3A_410], %swap3A_413 {strides = array<i32>} : memref<20x128xi32, #tpu.memory_space<vmem>>, vector<1x16xi32>,
    %get3A_414 = arith.constant 1 : i32
    %get3A_415 = arith.index_cast %get3A_414 : i32 to index
    %get3A_416 = arith.constant 0 : index
    %get3A_417 = tpu.vector_load %arg9[%get3A_415, %get3A_416] {strides = array<i32>} : memref<5x128xi32, #tpu.memory_space<vmem>>, vector<1x16xi32>,
    %get3A_418 = vector.shape_cast %get3A_417 : vector<1x16xi32> to vector<16xi32>
    %and3A_419 = arith.constant 1023 : i32
    %and3A_420 = vector.broadcast %and3A_419 : i32 to vector<16xi32>
    %and3A_421 = arith.andi %get3A_418, %and3A_420 : vector<16xi32>
    %swap3A_422 = arith.constant 1 : i32
    %swap3A_423 = arith.index_cast %swap3A_422 : i32 to index
    %swap3A_424 = arith.constant 0 : index
    %swap3A_425 = tpu.vector_load %arg10[%swap3A_423, %swap3A_424] {strides = array<i32>} : memref<5x128xi32, #tpu.memory_space<vmem>>, vector<1x16xi32>,
    %swap3A_426 = vector.shape_cast %swap3A_425 : vector<1x16xi32> to vector<16xi32>
    %swap3A_427 = vector.shape_cast %and3A_421 : vector<16xi32> to vector<1x16xi32>
    tpu.vector_store %arg10[%swap3A_423, %swap3A_424], %swap3A_427 {strides = array<i32>} : memref<5x128xi32, #tpu.memory_space<vmem>>, vector<1x16xi32>,
    %add3A_428 = arith.constant 0 : i32
    %add3A_429 = vector.broadcast %add3A_428 : i32 to vector<16xi32>
    %add3A_430 = arith.addi %get3A_418, %add3A_429 : vector<16xi32>
    %swap3A_431 = arith.constant 1 : i32
    %swap3A_432 = arith.index_cast %swap3A_431 : i32 to index
    %swap3A_433 = arith.constant 0 : index
    %swap3A_434 = tpu.vector_load %arg11[%swap3A_432, %swap3A_433] {strides = array<i32>} : memref<20x128xi32, #tpu.memory_space<vmem>>, vector<1x16xi32>,
    %swap3A_435 = vector.shape_cast %swap3A_434 : vector<1x16xi32> to vector<16xi32>
    %swap3A_436 = vector.shape_cast %add3A_430 : vector<16xi32> to vector<1x16xi32>
    tpu.vector_store %arg11[%swap3A_432, %swap3A_433], %swap3A_436 {strides = array<i32>} : memref<20x128xi32, #tpu.memory_space<vmem>>, vector<1x16xi32>,
    %add3A_437 = arith.constant 1048576 : i32
    %add3A_438 = vector.broadcast %add3A_437 : i32 to vector<16xi32>
    %add3A_439 = arith.addi %get3A_418, %add3A_438 : vector<16xi32>
    %swap3A_440 = arith.constant 6 : i32
    %swap3A_441 = arith.index_cast %swap3A_440 : i32 to index
    %swap3A_442 = arith.constant 0 : index
    %swap3A_443 = tpu.vector_load %arg11[%swap3A_441, %swap3A_442] {strides = array<i32>} : memref<20x128xi32, #tpu.memory_space<vmem>>, vector<1x16xi32>,
    %swap3A_444 = vector.shape_cast %swap3A_443 : vector<1x16xi32> to vector<16xi32>
    %swap3A_445 = vector.shape_cast %add3A_439 : vector<16xi32> to vector<1x16xi32>
    tpu.vector_store %arg11[%swap3A_441, %swap3A_442], %swap3A_445 {strides = array<i32>} : memref<20x128xi32, #tpu.memory_space<vmem>>, vector<1x16xi32>,
    %add3A_446 = arith.constant 2097152 : i32
    %add3A_447 = vector.broadcast %add3A_446 : i32 to vector<16xi32>
    %add3A_448 = arith.addi %get3A_418, %add3A_447 : vector<16xi32>
    %swap3A_449 = arith.constant 11 : i32
    %swap3A_450 = arith.index_cast %swap3A_449 : i32 to index
    %swap3A_451 = arith.constant 0 : index
    %swap3A_452 = tpu.vector_load %arg11[%swap3A_450, %swap3A_451] {strides = array<i32>} : memref<20x128xi32, #tpu.memory_space<vmem>>, vector<1x16xi32>,
    %swap3A_453 = vector.shape_cast %swap3A_452 : vector<1x16xi32> to vector<16xi32>
    %swap3A_454 = vector.shape_cast %add3A_448 : vector<16xi32> to vector<1x16xi32>
    tpu.vector_store %arg11[%swap3A_450, %swap3A_451], %swap3A_454 {strides = array<i32>} : memref<20x128xi32, #tpu.memory_space<vmem>>, vector<1x16xi32>,
    %add3A_455 = arith.constant 3145728 : i32
    %add3A_456 = vector.broadcast %add3A_455 : i32 to vector<16xi32>
    %add3A_457 = arith.addi %get3A_418, %add3A_456 : vector<16xi32>
    %swap3A_458 = arith.constant 16 : i32
    %swap3A_459 = arith.index_cast %swap3A_458 : i32 to index
    %swap3A_460 = arith.constant 0 : index
    %swap3A_461 = tpu.vector_load %arg11[%swap3A_459, %swap3A_460] {strides = array<i32>} : memref<20x128xi32, #tpu.memory_space<vmem>>, vector<1x16xi32>,
    %swap3A_462 = vector.shape_cast %swap3A_461 : vector<1x16xi32> to vector<16xi32>
    %swap3A_463 = vector.shape_cast %add3A_457 : vector<16xi32> to vector<1x16xi32>
    tpu.vector_store %arg11[%swap3A_459, %swap3A_460], %swap3A_463 {strides = array<i32>} : memref<20x128xi32, #tpu.memory_space<vmem>>, vector<1x16xi32>,
    %get3A_464 = arith.constant 1 : i32
    %get3A_465 = arith.index_cast %get3A_464 : i32 to index
    %get3A_466 = arith.constant 16 : index
    %get3A_467 = tpu.vector_load %arg9[%get3A_465, %get3A_466] {strides = array<i32>} : memref<5x128xi32, #tpu.memory_space<vmem>>, vector<1x16xi32>,
    %get3A_468 = vector.shape_cast %get3A_467 : vector<1x16xi32> to vector<16xi32>
    %and3A_469 = arith.constant 1023 : i32
    %and3A_470 = vector.broadcast %and3A_469 : i32 to vector<16xi32>
    %and3A_471 = arith.andi %get3A_468, %and3A_470 : vector<16xi32>
    %swap3A_472 = arith.constant 1 : i32
    %swap3A_473 = arith.index_cast %swap3A_472 : i32 to index
    %swap3A_474 = arith.constant 16 : index
    %swap3A_475 = tpu.vector_load %arg10[%swap3A_473, %swap3A_474] {strides = array<i32>} : memref<5x128xi32, #tpu.memory_space<vmem>>, vector<1x16xi32>,
    %swap3A_476 = vector.shape_cast %swap3A_475 : vector<1x16xi32> to vector<16xi32>
    %swap3A_477 = vector.shape_cast %and3A_471 : vector<16xi32> to vector<1x16xi32>
    tpu.vector_store %arg10[%swap3A_473, %swap3A_474], %swap3A_477 {strides = array<i32>} : memref<5x128xi32, #tpu.memory_space<vmem>>, vector<1x16xi32>,
    %add3A_478 = arith.constant 0 : i32
    %add3A_479 = vector.broadcast %add3A_478 : i32 to vector<16xi32>
    %add3A_480 = arith.addi %get3A_468, %add3A_479 : vector<16xi32>
    %swap3A_481 = arith.constant 1 : i32
    %swap3A_482 = arith.index_cast %swap3A_481 : i32 to index
    %swap3A_483 = arith.constant 16 : index
    %swap3A_484 = tpu.vector_load %arg11[%swap3A_482, %swap3A_483] {strides = array<i32>} : memref<20x128xi32, #tpu.memory_space<vmem>>, vector<1x16xi32>,
    %swap3A_485 = vector.shape_cast %swap3A_484 : vector<1x16xi32> to vector<16xi32>
    %swap3A_486 = vector.shape_cast %add3A_480 : vector<16xi32> to vector<1x16xi32>
    tpu.vector_store %arg11[%swap3A_482, %swap3A_483], %swap3A_486 {strides = array<i32>} : memref<20x128xi32, #tpu.memory_space<vmem>>, vector<1x16xi32>,
    %add3A_487 = arith.constant 1048576 : i32
    %add3A_488 = vector.broadcast %add3A_487 : i32 to vector<16xi32>
    %add3A_489 = arith.addi %get3A_468, %add3A_488 : vector<16xi32>
    %swap3A_490 = arith.constant 6 : i32
    %swap3A_491 = arith.index_cast %swap3A_490 : i32 to index
    %swap3A_492 = arith.constant 16 : index
    %swap3A_493 = tpu.vector_load %arg11[%swap3A_491, %swap3A_492] {strides = array<i32>} : memref<20x128xi32, #tpu.memory_space<vmem>>, vector<1x16xi32>,
    %swap3A_494 = vector.shape_cast %swap3A_493 : vector<1x16xi32> to vector<16xi32>
    %swap3A_495 = vector.shape_cast %add3A_489 : vector<16xi32> to vector<1x16xi32>
    tpu.vector_store %arg11[%swap3A_491, %swap3A_492], %swap3A_495 {strides = array<i32>} : memref<20x128xi32, #tpu.memory_space<vmem>>, vector<1x16xi32>,
    %add3A_496 = arith.constant 2097152 : i32
    %add3A_497 = vector.broadcast %add3A_496 : i32 to vector<16xi32>
    %add3A_498 = arith.addi %get3A_468, %add3A_497 : vector<16xi32>
    %swap3A_499 = arith.constant 11 : i32
    %swap3A_500 = arith.index_cast %swap3A_499 : i32 to index
    %swap3A_501 = arith.constant 16 : index
    %swap3A_502 = tpu.vector_load %arg11[%swap3A_500, %swap3A_501] {strides = array<i32>} : memref<20x128xi32, #tpu.memory_space<vmem>>, vector<1x16xi32>,
    %swap3A_503 = vector.shape_cast %swap3A_502 : vector<1x16xi32> to vector<16xi32>
    %swap3A_504 = vector.shape_cast %add3A_498 : vector<16xi32> to vector<1x16xi32>
    tpu.vector_store %arg11[%swap3A_500, %swap3A_501], %swap3A_504 {strides = array<i32>} : memref<20x128xi32, #tpu.memory_space<vmem>>, vector<1x16xi32>,
    %add3A_505 = arith.constant 3145728 : i32
    %add3A_506 = vector.broadcast %add3A_505 : i32 to vector<16xi32>
    %add3A_507 = arith.addi %get3A_468, %add3A_506 : vector<16xi32>
    %swap3A_508 = arith.constant 16 : i32
    %swap3A_509 = arith.index_cast %swap3A_508 : i32 to index
    %swap3A_510 = arith.constant 16 : index
    %swap3A_511 = tpu.vector_load %arg11[%swap3A_509, %swap3A_510] {strides = array<i32>} : memref<20x128xi32, #tpu.memory_space<vmem>>, vector<1x16xi32>,
    %swap3A_512 = vector.shape_cast %swap3A_511 : vector<1x16xi32> to vector<16xi32>
    %swap3A_513 = vector.shape_cast %add3A_507 : vector<16xi32> to vector<1x16xi32>
    tpu.vector_store %arg11[%swap3A_509, %swap3A_510], %swap3A_513 {strides = array<i32>} : memref<20x128xi32, #tpu.memory_space<vmem>>, vector<1x16xi32>,
    %get3A_514 = arith.constant 1 : i32
    %get3A_515 = arith.index_cast %get3A_514 : i32 to index
    %get3A_516 = arith.constant 32 : index
    %get3A_517 = tpu.vector_load %arg9[%get3A_515, %get3A_516] {strides = array<i32>} : memref<5x128xi32, #tpu.memory_space<vmem>>, vector<1x16xi32>,
    %get3A_518 = vector.shape_cast %get3A_517 : vector<1x16xi32> to vector<16xi32>
    %and3A_519 = arith.constant 1023 : i32
    %and3A_520 = vector.broadcast %and3A_519 : i32 to vector<16xi32>
    %and3A_521 = arith.andi %get3A_518, %and3A_520 : vector<16xi32>
    %swap3A_522 = arith.constant 1 : i32
    %swap3A_523 = arith.index_cast %swap3A_522 : i32 to index
    %swap3A_524 = arith.constant 32 : index
    %swap3A_525 = tpu.vector_load %arg10[%swap3A_523, %swap3A_524] {strides = array<i32>} : memref<5x128xi32, #tpu.memory_space<vmem>>, vector<1x16xi32>,
    %swap3A_526 = vector.shape_cast %swap3A_525 : vector<1x16xi32> to vector<16xi32>
    %swap3A_527 = vector.shape_cast %and3A_521 : vector<16xi32> to vector<1x16xi32>
    tpu.vector_store %arg10[%swap3A_523, %swap3A_524], %swap3A_527 {strides = array<i32>} : memref<5x128xi32, #tpu.memory_space<vmem>>, vector<1x16xi32>,
    %add3A_528 = arith.constant 0 : i32
    %add3A_529 = vector.broadcast %add3A_528 : i32 to vector<16xi32>
    %add3A_530 = arith.addi %get3A_518, %add3A_529 : vector<16xi32>
    %swap3A_531 = arith.constant 1 : i32
    %swap3A_532 = arith.index_cast %swap3A_531 : i32 to index
    %swap3A_533 = arith.constant 32 : index
    %swap3A_534 = tpu.vector_load %arg11[%swap3A_532, %swap3A_533] {strides = array<i32>} : memref<20x128xi32, #tpu.memory_space<vmem>>, vector<1x16xi32>,
    %swap3A_535 = vector.shape_cast %swap3A_534 : vector<1x16xi32> to vector<16xi32>
    %swap3A_536 = vector.shape_cast %add3A_530 : vector<16xi32> to vector<1x16xi32>
    tpu.vector_store %arg11[%swap3A_532, %swap3A_533], %swap3A_536 {strides = array<i32>} : memref<20x128xi32, #tpu.memory_space<vmem>>, vector<1x16xi32>,
    %add3A_537 = arith.constant 1048576 : i32
    %add3A_538 = vector.broadcast %add3A_537 : i32 to vector<16xi32>
    %add3A_539 = arith.addi %get3A_518, %add3A_538 : vector<16xi32>
    %swap3A_540 = arith.constant 6 : i32
    %swap3A_541 = arith.index_cast %swap3A_540 : i32 to index
    %swap3A_542 = arith.constant 32 : index
    %swap3A_543 = tpu.vector_load %arg11[%swap3A_541, %swap3A_542] {strides = array<i32>} : memref<20x128xi32, #tpu.memory_space<vmem>>, vector<1x16xi32>,
    %swap3A_544 = vector.shape_cast %swap3A_543 : vector<1x16xi32> to vector<16xi32>
    %swap3A_545 = vector.shape_cast %add3A_539 : vector<16xi32> to vector<1x16xi32>
    tpu.vector_store %arg11[%swap3A_541, %swap3A_542], %swap3A_545 {strides = array<i32>} : memref<20x128xi32, #tpu.memory_space<vmem>>, vector<1x16xi32>,
    %add3A_546 = arith.constant 2097152 : i32
    %add3A_547 = vector.broadcast %add3A_546 : i32 to vector<16xi32>
    %add3A_548 = arith.addi %get3A_518, %add3A_547 : vector<16xi32>
    %swap3A_549 = arith.constant 11 : i32
    %swap3A_550 = arith.index_cast %swap3A_549 : i32 to index
    %swap3A_551 = arith.constant 32 : index
    %swap3A_552 = tpu.vector_load %arg11[%swap3A_550, %swap3A_551] {strides = array<i32>} : memref<20x128xi32, #tpu.memory_space<vmem>>, vector<1x16xi32>,
    %swap3A_553 = vector.shape_cast %swap3A_552 : vector<1x16xi32> to vector<16xi32>
    %swap3A_554 = vector.shape_cast %add3A_548 : vector<16xi32> to vector<1x16xi32>
    tpu.vector_store %arg11[%swap3A_550, %swap3A_551], %swap3A_554 {strides = array<i32>} : memref<20x128xi32, #tpu.memory_space<vmem>>, vector<1x16xi32>,
    %add3A_555 = arith.constant 3145728 : i32
    %add3A_556 = vector.broadcast %add3A_555 : i32 to vector<16xi32>
    %add3A_557 = arith.addi %get3A_518, %add3A_556 : vector<16xi32>
    %swap3A_558 = arith.constant 16 : i32
    %swap3A_559 = arith.index_cast %swap3A_558 : i32 to index
    %swap3A_560 = arith.constant 32 : index
    %swap3A_561 = tpu.vector_load %arg11[%swap3A_559, %swap3A_560] {strides = array<i32>} : memref<20x128xi32, #tpu.memory_space<vmem>>, vector<1x16xi32>,
    %swap3A_562 = vector.shape_cast %swap3A_561 : vector<1x16xi32> to vector<16xi32>
    %swap3A_563 = vector.shape_cast %add3A_557 : vector<16xi32> to vector<1x16xi32>
    tpu.vector_store %arg11[%swap3A_559, %swap3A_560], %swap3A_563 {strides = array<i32>} : memref<20x128xi32, #tpu.memory_space<vmem>>, vector<1x16xi32>,
    %get3A_564 = arith.constant 1 : i32
    %get3A_565 = arith.index_cast %get3A_564 : i32 to index
    %get3A_566 = arith.constant 48 : index
    %get3A_567 = tpu.vector_load %arg9[%get3A_565, %get3A_566] {strides = array<i32>} : memref<5x128xi32, #tpu.memory_space<vmem>>, vector<1x16xi32>,
    %get3A_568 = vector.shape_cast %get3A_567 : vector<1x16xi32> to vector<16xi32>
    %and3A_569 = arith.constant 1023 : i32
    %and3A_570 = vector.broadcast %and3A_569 : i32 to vector<16xi32>
    %and3A_571 = arith.andi %get3A_568, %and3A_570 : vector<16xi32>
    %swap3A_572 = arith.constant 1 : i32
    %swap3A_573 = arith.index_cast %swap3A_572 : i32 to index
    %swap3A_574 = arith.constant 48 : index
    %swap3A_575 = tpu.vector_load %arg10[%swap3A_573, %swap3A_574] {strides = array<i32>} : memref<5x128xi32, #tpu.memory_space<vmem>>, vector<1x16xi32>,
    %swap3A_576 = vector.shape_cast %swap3A_575 : vector<1x16xi32> to vector<16xi32>
    %swap3A_577 = vector.shape_cast %and3A_571 : vector<16xi32> to vector<1x16xi32>
    tpu.vector_store %arg10[%swap3A_573, %swap3A_574], %swap3A_577 {strides = array<i32>} : memref<5x128xi32, #tpu.memory_space<vmem>>, vector<1x16xi32>,
    %add3A_578 = arith.constant 0 : i32
    %add3A_579 = vector.broadcast %add3A_578 : i32 to vector<16xi32>
    %add3A_580 = arith.addi %get3A_568, %add3A_579 : vector<16xi32>
    %swap3A_581 = arith.constant 1 : i32
    %swap3A_582 = arith.index_cast %swap3A_581 : i32 to index
    %swap3A_583 = arith.constant 48 : index
    %swap3A_584 = tpu.vector_load %arg11[%swap3A_582, %swap3A_583] {strides = array<i32>} : memref<20x128xi32, #tpu.memory_space<vmem>>, vector<1x16xi32>,
    %swap3A_585 = vector.shape_cast %swap3A_584 : vector<1x16xi32> to vector<16xi32>
    %swap3A_586 = vector.shape_cast %add3A_580 : vector<16xi32> to vector<1x16xi32>
    tpu.vector_store %arg11[%swap3A_582, %swap3A_583], %swap3A_586 {strides = array<i32>} : memref<20x128xi32, #tpu.memory_space<vmem>>, vector<1x16xi32>,
    %add3A_587 = arith.constant 1048576 : i32
    %add3A_588 = vector.broadcast %add3A_587 : i32 to vector<16xi32>
    %add3A_589 = arith.addi %get3A_568, %add3A_588 : vector<16xi32>
    %swap3A_590 = arith.constant 6 : i32
    %swap3A_591 = arith.index_cast %swap3A_590 : i32 to index
    %swap3A_592 = arith.constant 48 : index
    %swap3A_593 = tpu.vector_load %arg11[%swap3A_591, %swap3A_592] {strides = array<i32>} : memref<20x128xi32, #tpu.memory_space<vmem>>, vector<1x16xi32>,
    %swap3A_594 = vector.shape_cast %swap3A_593 : vector<1x16xi32> to vector<16xi32>
    %swap3A_595 = vector.shape_cast %add3A_589 : vector<16xi32> to vector<1x16xi32>
    tpu.vector_store %arg11[%swap3A_591, %swap3A_592], %swap3A_595 {strides = array<i32>} : memref<20x128xi32, #tpu.memory_space<vmem>>, vector<1x16xi32>,
    %add3A_596 = arith.constant 2097152 : i32
    %add3A_597 = vector.broadcast %add3A_596 : i32 to vector<16xi32>
    %add3A_598 = arith.addi %get3A_568, %add3A_597 : vector<16xi32>
    %swap3A_599 = arith.constant 11 : i32
    %swap3A_600 = arith.index_cast %swap3A_599 : i32 to index
    %swap3A_601 = arith.constant 48 : index
    %swap3A_602 = tpu.vector_load %arg11[%swap3A_600, %swap3A_601] {strides = array<i32>} : memref<20x128xi32, #tpu.memory_space<vmem>>, vector<1x16xi32>,
    %swap3A_603 = vector.shape_cast %swap3A_602 : vector<1x16xi32> to vector<16xi32>
    %swap3A_604 = vector.shape_cast %add3A_598 : vector<16xi32> to vector<1x16xi32>
    tpu.vector_store %arg11[%swap3A_600, %swap3A_601], %swap3A_604 {strides = array<i32>} : memref<20x128xi32, #tpu.memory_space<vmem>>, vector<1x16xi32>,
    %add3A_605 = arith.constant 3145728 : i32
    %add3A_606 = vector.broadcast %add3A_605 : i32 to vector<16xi32>
    %add3A_607 = arith.addi %get3A_568, %add3A_606 : vector<16xi32>
    %swap3A_608 = arith.constant 16 : i32
    %swap3A_609 = arith.index_cast %swap3A_608 : i32 to index
    %swap3A_610 = arith.constant 48 : index
    %swap3A_611 = tpu.vector_load %arg11[%swap3A_609, %swap3A_610] {strides = array<i32>} : memref<20x128xi32, #tpu.memory_space<vmem>>, vector<1x16xi32>,
    %swap3A_612 = vector.shape_cast %swap3A_611 : vector<1x16xi32> to vector<16xi32>
    %swap3A_613 = vector.shape_cast %add3A_607 : vector<16xi32> to vector<1x16xi32>
    tpu.vector_store %arg11[%swap3A_609, %swap3A_610], %swap3A_613 {strides = array<i32>} : memref<20x128xi32, #tpu.memory_space<vmem>>, vector<1x16xi32>,
    %get3A_614 = arith.constant 1 : i32
    %get3A_615 = arith.index_cast %get3A_614 : i32 to index
    %get3A_616 = arith.constant 64 : index
    %get3A_617 = tpu.vector_load %arg9[%get3A_615, %get3A_616] {strides = array<i32>} : memref<5x128xi32, #tpu.memory_space<vmem>>, vector<1x16xi32>,
    %get3A_618 = vector.shape_cast %get3A_617 : vector<1x16xi32> to vector<16xi32>
    %and3A_619 = arith.constant 1023 : i32
    %and3A_620 = vector.broadcast %and3A_619 : i32 to vector<16xi32>
    %and3A_621 = arith.andi %get3A_618, %and3A_620 : vector<16xi32>
    %swap3A_622 = arith.constant 1 : i32
    %swap3A_623 = arith.index_cast %swap3A_622 : i32 to index
    %swap3A_624 = arith.constant 64 : index
    %swap3A_625 = tpu.vector_load %arg10[%swap3A_623, %swap3A_624] {strides = array<i32>} : memref<5x128xi32, #tpu.memory_space<vmem>>, vector<1x16xi32>,
    %swap3A_626 = vector.shape_cast %swap3A_625 : vector<1x16xi32> to vector<16xi32>
    %swap3A_627 = vector.shape_cast %and3A_621 : vector<16xi32> to vector<1x16xi32>
    tpu.vector_store %arg10[%swap3A_623, %swap3A_624], %swap3A_627 {strides = array<i32>} : memref<5x128xi32, #tpu.memory_space<vmem>>, vector<1x16xi32>,
    %add3A_628 = arith.constant 0 : i32
    %add3A_629 = vector.broadcast %add3A_628 : i32 to vector<16xi32>
    %add3A_630 = arith.addi %get3A_618, %add3A_629 : vector<16xi32>
    %swap3A_631 = arith.constant 1 : i32
    %swap3A_632 = arith.index_cast %swap3A_631 : i32 to index
    %swap3A_633 = arith.constant 64 : index
    %swap3A_634 = tpu.vector_load %arg11[%swap3A_632, %swap3A_633] {strides = array<i32>} : memref<20x128xi32, #tpu.memory_space<vmem>>, vector<1x16xi32>,
    %swap3A_635 = vector.shape_cast %swap3A_634 : vector<1x16xi32> to vector<16xi32>
    %swap3A_636 = vector.shape_cast %add3A_630 : vector<16xi32> to vector<1x16xi32>
    tpu.vector_store %arg11[%swap3A_632, %swap3A_633], %swap3A_636 {strides = array<i32>} : memref<20x128xi32, #tpu.memory_space<vmem>>, vector<1x16xi32>,
    %add3A_637 = arith.constant 1048576 : i32
    %add3A_638 = vector.broadcast %add3A_637 : i32 to vector<16xi32>
    %add3A_639 = arith.addi %get3A_618, %add3A_638 : vector<16xi32>
    %swap3A_640 = arith.constant 6 : i32
    %swap3A_641 = arith.index_cast %swap3A_640 : i32 to index
    %swap3A_642 = arith.constant 64 : index
    %swap3A_643 = tpu.vector_load %arg11[%swap3A_641, %swap3A_642] {strides = array<i32>} : memref<20x128xi32, #tpu.memory_space<vmem>>, vector<1x16xi32>,
    %swap3A_644 = vector.shape_cast %swap3A_643 : vector<1x16xi32> to vector<16xi32>
    %swap3A_645 = vector.shape_cast %add3A_639 : vector<16xi32> to vector<1x16xi32>
    tpu.vector_store %arg11[%swap3A_641, %swap3A_642], %swap3A_645 {strides = array<i32>} : memref<20x128xi32, #tpu.memory_space<vmem>>, vector<1x16xi32>,
    %add3A_646 = arith.constant 2097152 : i32
    %add3A_647 = vector.broadcast %add3A_646 : i32 to vector<16xi32>
    %add3A_648 = arith.addi %get3A_618, %add3A_647 : vector<16xi32>
    %swap3A_649 = arith.constant 11 : i32
    %swap3A_650 = arith.index_cast %swap3A_649 : i32 to index
    %swap3A_651 = arith.constant 64 : index
    %swap3A_652 = tpu.vector_load %arg11[%swap3A_650, %swap3A_651] {strides = array<i32>} : memref<20x128xi32, #tpu.memory_space<vmem>>, vector<1x16xi32>,
    %swap3A_653 = vector.shape_cast %swap3A_652 : vector<1x16xi32> to vector<16xi32>
    %swap3A_654 = vector.shape_cast %add3A_648 : vector<16xi32> to vector<1x16xi32>
    tpu.vector_store %arg11[%swap3A_650, %swap3A_651], %swap3A_654 {strides = array<i32>} : memref<20x128xi32, #tpu.memory_space<vmem>>, vector<1x16xi32>,
    %add3A_655 = arith.constant 3145728 : i32
    %add3A_656 = vector.broadcast %add3A_655 : i32 to vector<16xi32>
    %add3A_657 = arith.addi %get3A_618, %add3A_656 : vector<16xi32>
    %swap3A_658 = arith.constant 16 : i32
    %swap3A_659 = arith.index_cast %swap3A_658 : i32 to index
    %swap3A_660 = arith.constant 64 : index
    %swap3A_661 = tpu.vector_load %arg11[%swap3A_659, %swap3A_660] {strides = array<i32>} : memref<20x128xi32, #tpu.memory_space<vmem>>, vector<1x16xi32>,
    %swap3A_662 = vector.shape_cast %swap3A_661 : vector<1x16xi32> to vector<16xi32>
    %swap3A_663 = vector.shape_cast %add3A_657 : vector<16xi32> to vector<1x16xi32>
    tpu.vector_store %arg11[%swap3A_659, %swap3A_660], %swap3A_663 {strides = array<i32>} : memref<20x128xi32, #tpu.memory_space<vmem>>, vector<1x16xi32>,
    %get3A_664 = arith.constant 1 : i32
    %get3A_665 = arith.index_cast %get3A_664 : i32 to index
    %get3A_666 = arith.constant 80 : index
    %get3A_667 = tpu.vector_load %arg9[%get3A_665, %get3A_666] {strides = array<i32>} : memref<5x128xi32, #tpu.memory_space<vmem>>, vector<1x16xi32>,
    %get3A_668 = vector.shape_cast %get3A_667 : vector<1x16xi32> to vector<16xi32>
    %and3A_669 = arith.constant 1023 : i32
    %and3A_670 = vector.broadcast %and3A_669 : i32 to vector<16xi32>
    %and3A_671 = arith.andi %get3A_668, %and3A_670 : vector<16xi32>
    %swap3A_672 = arith.constant 1 : i32
    %swap3A_673 = arith.index_cast %swap3A_672 : i32 to index
    %swap3A_674 = arith.constant 80 : index
    %swap3A_675 = tpu.vector_load %arg10[%swap3A_673, %swap3A_674] {strides = array<i32>} : memref<5x128xi32, #tpu.memory_space<vmem>>, vector<1x16xi32>,
    %swap3A_676 = vector.shape_cast %swap3A_675 : vector<1x16xi32> to vector<16xi32>
    %swap3A_677 = vector.shape_cast %and3A_671 : vector<16xi32> to vector<1x16xi32>
    tpu.vector_store %arg10[%swap3A_673, %swap3A_674], %swap3A_677 {strides = array<i32>} : memref<5x128xi32, #tpu.memory_space<vmem>>, vector<1x16xi32>,
    %add3A_678 = arith.constant 0 : i32
    %add3A_679 = vector.broadcast %add3A_678 : i32 to vector<16xi32>
    %add3A_680 = arith.addi %get3A_668, %add3A_679 : vector<16xi32>
    %swap3A_681 = arith.constant 1 : i32
    %swap3A_682 = arith.index_cast %swap3A_681 : i32 to index
    %swap3A_683 = arith.constant 80 : index
    %swap3A_684 = tpu.vector_load %arg11[%swap3A_682, %swap3A_683] {strides = array<i32>} : memref<20x128xi32, #tpu.memory_space<vmem>>, vector<1x16xi32>,
    %swap3A_685 = vector.shape_cast %swap3A_684 : vector<1x16xi32> to vector<16xi32>
    %swap3A_686 = vector.shape_cast %add3A_680 : vector<16xi32> to vector<1x16xi32>
    tpu.vector_store %arg11[%swap3A_682, %swap3A_683], %swap3A_686 {strides = array<i32>} : memref<20x128xi32, #tpu.memory_space<vmem>>, vector<1x16xi32>,
    %add3A_687 = arith.constant 1048576 : i32
    %add3A_688 = vector.broadcast %add3A_687 : i32 to vector<16xi32>
    %add3A_689 = arith.addi %get3A_668, %add3A_688 : vector<16xi32>
    %swap3A_690 = arith.constant 6 : i32
    %swap3A_691 = arith.index_cast %swap3A_690 : i32 to index
    %swap3A_692 = arith.constant 80 : index
    %swap3A_693 = tpu.vector_load %arg11[%swap3A_691, %swap3A_692] {strides = array<i32>} : memref<20x128xi32, #tpu.memory_space<vmem>>, vector<1x16xi32>,
    %swap3A_694 = vector.shape_cast %swap3A_693 : vector<1x16xi32> to vector<16xi32>
    %swap3A_695 = vector.shape_cast %add3A_689 : vector<16xi32> to vector<1x16xi32>
    tpu.vector_store %arg11[%swap3A_691, %swap3A_692], %swap3A_695 {strides = array<i32>} : memref<20x128xi32, #tpu.memory_space<vmem>>, vector<1x16xi32>,
    %add3A_696 = arith.constant 2097152 : i32
    %add3A_697 = vector.broadcast %add3A_696 : i32 to vector<16xi32>
    %add3A_698 = arith.addi %get3A_668, %add3A_697 : vector<16xi32>
    %swap3A_699 = arith.constant 11 : i32
    %swap3A_700 = arith.index_cast %swap3A_699 : i32 to index
    %swap3A_701 = arith.constant 80 : index
    %swap3A_702 = tpu.vector_load %arg11[%swap3A_700, %swap3A_701] {strides = array<i32>} : memref<20x128xi32, #tpu.memory_space<vmem>>, vector<1x16xi32>,
    %swap3A_703 = vector.shape_cast %swap3A_702 : vector<1x16xi32> to vector<16xi32>
    %swap3A_704 = vector.shape_cast %add3A_698 : vector<16xi32> to vector<1x16xi32>
    tpu.vector_store %arg11[%swap3A_700, %swap3A_701], %swap3A_704 {strides = array<i32>} : memref<20x128xi32, #tpu.memory_space<vmem>>, vector<1x16xi32>,
    %add3A_705 = arith.constant 3145728 : i32
    %add3A_706 = vector.broadcast %add3A_705 : i32 to vector<16xi32>
    %add3A_707 = arith.addi %get3A_668, %add3A_706 : vector<16xi32>
    %swap3A_708 = arith.constant 16 : i32
    %swap3A_709 = arith.index_cast %swap3A_708 : i32 to index
    %swap3A_710 = arith.constant 80 : index
    %swap3A_711 = tpu.vector_load %arg11[%swap3A_709, %swap3A_710] {strides = array<i32>} : memref<20x128xi32, #tpu.memory_space<vmem>>, vector<1x16xi32>,
    %swap3A_712 = vector.shape_cast %swap3A_711 : vector<1x16xi32> to vector<16xi32>
    %swap3A_713 = vector.shape_cast %add3A_707 : vector<16xi32> to vector<1x16xi32>
    tpu.vector_store %arg11[%swap3A_709, %swap3A_710], %swap3A_713 {strides = array<i32>} : memref<20x128xi32, #tpu.memory_space<vmem>>, vector<1x16xi32>,
    %get3A_714 = arith.constant 1 : i32
    %get3A_715 = arith.index_cast %get3A_714 : i32 to index
    %get3A_716 = arith.constant 96 : index
    %get3A_717 = tpu.vector_load %arg9[%get3A_715, %get3A_716] {strides = array<i32>} : memref<5x128xi32, #tpu.memory_space<vmem>>, vector<1x16xi32>,
    %get3A_718 = vector.shape_cast %get3A_717 : vector<1x16xi32> to vector<16xi32>
    %and3A_719 = arith.constant 1023 : i32
    %and3A_720 = vector.broadcast %and3A_719 : i32 to vector<16xi32>
    %and3A_721 = arith.andi %get3A_718, %and3A_720 : vector<16xi32>
    %swap3A_722 = arith.constant 1 : i32
    %swap3A_723 = arith.index_cast %swap3A_722 : i32 to index
    %swap3A_724 = arith.constant 96 : index
    %swap3A_725 = tpu.vector_load %arg10[%swap3A_723, %swap3A_724] {strides = array<i32>} : memref<5x128xi32, #tpu.memory_space<vmem>>, vector<1x16xi32>,
    %swap3A_726 = vector.shape_cast %swap3A_725 : vector<1x16xi32> to vector<16xi32>
    %swap3A_727 = vector.shape_cast %and3A_721 : vector<16xi32> to vector<1x16xi32>
    tpu.vector_store %arg10[%swap3A_723, %swap3A_724], %swap3A_727 {strides = array<i32>} : memref<5x128xi32, #tpu.memory_space<vmem>>, vector<1x16xi32>,
    %add3A_728 = arith.constant 0 : i32
    %add3A_729 = vector.broadcast %add3A_728 : i32 to vector<16xi32>
    %add3A_730 = arith.addi %get3A_718, %add3A_729 : vector<16xi32>
    %swap3A_731 = arith.constant 1 : i32
    %swap3A_732 = arith.index_cast %swap3A_731 : i32 to index
    %swap3A_733 = arith.constant 96 : index
    %swap3A_734 = tpu.vector_load %arg11[%swap3A_732, %swap3A_733] {strides = array<i32>} : memref<20x128xi32, #tpu.memory_space<vmem>>, vector<1x16xi32>,
    %swap3A_735 = vector.shape_cast %swap3A_734 : vector<1x16xi32> to vector<16xi32>
    %swap3A_736 = vector.shape_cast %add3A_730 : vector<16xi32> to vector<1x16xi32>
    tpu.vector_store %arg11[%swap3A_732, %swap3A_733], %swap3A_736 {strides = array<i32>} : memref<20x128xi32, #tpu.memory_space<vmem>>, vector<1x16xi32>,
    %add3A_737 = arith.constant 1048576 : i32
    %add3A_738 = vector.broadcast %add3A_737 : i32 to vector<16xi32>
    %add3A_739 = arith.addi %get3A_718, %add3A_738 : vector<16xi32>
    %swap3A_740 = arith.constant 6 : i32
    %swap3A_741 = arith.index_cast %swap3A_740 : i32 to index
    %swap3A_742 = arith.constant 96 : index
    %swap3A_743 = tpu.vector_load %arg11[%swap3A_741, %swap3A_742] {strides = array<i32>} : memref<20x128xi32, #tpu.memory_space<vmem>>, vector<1x16xi32>,
    %swap3A_744 = vector.shape_cast %swap3A_743 : vector<1x16xi32> to vector<16xi32>
    %swap3A_745 = vector.shape_cast %add3A_739 : vector<16xi32> to vector<1x16xi32>
    tpu.vector_store %arg11[%swap3A_741, %swap3A_742], %swap3A_745 {strides = array<i32>} : memref<20x128xi32, #tpu.memory_space<vmem>>, vector<1x16xi32>,
    %add3A_746 = arith.constant 2097152 : i32
    %add3A_747 = vector.broadcast %add3A_746 : i32 to vector<16xi32>
    %add3A_748 = arith.addi %get3A_718, %add3A_747 : vector<16xi32>
    %swap3A_749 = arith.constant 11 : i32
    %swap3A_750 = arith.index_cast %swap3A_749 : i32 to index
    %swap3A_751 = arith.constant 96 : index
    %swap3A_752 = tpu.vector_load %arg11[%swap3A_750, %swap3A_751] {strides = array<i32>} : memref<20x128xi32, #tpu.memory_space<vmem>>, vector<1x16xi32>,
    %swap3A_753 = vector.shape_cast %swap3A_752 : vector<1x16xi32> to vector<16xi32>
    %swap3A_754 = vector.shape_cast %add3A_748 : vector<16xi32> to vector<1x16xi32>
    tpu.vector_store %arg11[%swap3A_750, %swap3A_751], %swap3A_754 {strides = array<i32>} : memref<20x128xi32, #tpu.memory_space<vmem>>, vector<1x16xi32>,
    %add3A_755 = arith.constant 3145728 : i32
    %add3A_756 = vector.broadcast %add3A_755 : i32 to vector<16xi32>
    %add3A_757 = arith.addi %get3A_718, %add3A_756 : vector<16xi32>
    %swap3A_758 = arith.constant 16 : i32
    %swap3A_759 = arith.index_cast %swap3A_758 : i32 to index
    %swap3A_760 = arith.constant 96 : index
    %swap3A_761 = tpu.vector_load %arg11[%swap3A_759, %swap3A_760] {strides = array<i32>} : memref<20x128xi32, #tpu.memory_space<vmem>>, vector<1x16xi32>,
    %swap3A_762 = vector.shape_cast %swap3A_761 : vector<1x16xi32> to vector<16xi32>
    %swap3A_763 = vector.shape_cast %add3A_757 : vector<16xi32> to vector<1x16xi32>
    tpu.vector_store %arg11[%swap3A_759, %swap3A_760], %swap3A_763 {strides = array<i32>} : memref<20x128xi32, #tpu.memory_space<vmem>>, vector<1x16xi32>,
    %get3A_764 = arith.constant 1 : i32
    %get3A_765 = arith.index_cast %get3A_764 : i32 to index
    %get3A_766 = arith.constant 112 : index
    %get3A_767 = tpu.vector_load %arg9[%get3A_765, %get3A_766] {strides = array<i32>} : memref<5x128xi32, #tpu.memory_space<vmem>>, vector<1x16xi32>,
    %get3A_768 = vector.shape_cast %get3A_767 : vector<1x16xi32> to vector<16xi32>
    %and3A_769 = arith.constant 1023 : i32
    %and3A_770 = vector.broadcast %and3A_769 : i32 to vector<16xi32>
    %and3A_771 = arith.andi %get3A_768, %and3A_770 : vector<16xi32>
    %swap3A_772 = arith.constant 1 : i32
    %swap3A_773 = arith.index_cast %swap3A_772 : i32 to index
    %swap3A_774 = arith.constant 112 : index
    %swap3A_775 = tpu.vector_load %arg10[%swap3A_773, %swap3A_774] {strides = array<i32>} : memref<5x128xi32, #tpu.memory_space<vmem>>, vector<1x16xi32>,
    %swap3A_776 = vector.shape_cast %swap3A_775 : vector<1x16xi32> to vector<16xi32>
    %swap3A_777 = vector.shape_cast %and3A_771 : vector<16xi32> to vector<1x16xi32>
    tpu.vector_store %arg10[%swap3A_773, %swap3A_774], %swap3A_777 {strides = array<i32>} : memref<5x128xi32, #tpu.memory_space<vmem>>, vector<1x16xi32>,
    %add3A_778 = arith.constant 0 : i32
    %add3A_779 = vector.broadcast %add3A_778 : i32 to vector<16xi32>
    %add3A_780 = arith.addi %get3A_768, %add3A_779 : vector<16xi32>
    %swap3A_781 = arith.constant 1 : i32
    %swap3A_782 = arith.index_cast %swap3A_781 : i32 to index
    %swap3A_783 = arith.constant 112 : index
    %swap3A_784 = tpu.vector_load %arg11[%swap3A_782, %swap3A_783] {strides = array<i32>} : memref<20x128xi32, #tpu.memory_space<vmem>>, vector<1x16xi32>,
    %swap3A_785 = vector.shape_cast %swap3A_784 : vector<1x16xi32> to vector<16xi32>
    %swap3A_786 = vector.shape_cast %add3A_780 : vector<16xi32> to vector<1x16xi32>
    tpu.vector_store %arg11[%swap3A_782, %swap3A_783], %swap3A_786 {strides = array<i32>} : memref<20x128xi32, #tpu.memory_space<vmem>>, vector<1x16xi32>,
    %add3A_787 = arith.constant 1048576 : i32
    %add3A_788 = vector.broadcast %add3A_787 : i32 to vector<16xi32>
    %add3A_789 = arith.addi %get3A_768, %add3A_788 : vector<16xi32>
    %swap3A_790 = arith.constant 6 : i32
    %swap3A_791 = arith.index_cast %swap3A_790 : i32 to index
    %swap3A_792 = arith.constant 112 : index
    %swap3A_793 = tpu.vector_load %arg11[%swap3A_791, %swap3A_792] {strides = array<i32>} : memref<20x128xi32, #tpu.memory_space<vmem>>, vector<1x16xi32>,
    %swap3A_794 = vector.shape_cast %swap3A_793 : vector<1x16xi32> to vector<16xi32>
    %swap3A_795 = vector.shape_cast %add3A_789 : vector<16xi32> to vector<1x16xi32>
    tpu.vector_store %arg11[%swap3A_791, %swap3A_792], %swap3A_795 {strides = array<i32>} : memref<20x128xi32, #tpu.memory_space<vmem>>, vector<1x16xi32>,
    %add3A_796 = arith.constant 2097152 : i32
    %add3A_797 = vector.broadcast %add3A_796 : i32 to vector<16xi32>
    %add3A_798 = arith.addi %get3A_768, %add3A_797 : vector<16xi32>
    %swap3A_799 = arith.constant 11 : i32
    %swap3A_800 = arith.index_cast %swap3A_799 : i32 to index
    %swap3A_801 = arith.constant 112 : index
    %swap3A_802 = tpu.vector_load %arg11[%swap3A_800, %swap3A_801] {strides = array<i32>} : memref<20x128xi32, #tpu.memory_space<vmem>>, vector<1x16xi32>,
    %swap3A_803 = vector.shape_cast %swap3A_802 : vector<1x16xi32> to vector<16xi32>
    %swap3A_804 = vector.shape_cast %add3A_798 : vector<16xi32> to vector<1x16xi32>
    tpu.vector_store %arg11[%swap3A_800, %swap3A_801], %swap3A_804 {strides = array<i32>} : memref<20x128xi32, #tpu.memory_space<vmem>>, vector<1x16xi32>,
    %add3A_805 = arith.constant 3145728 : i32
    %add3A_806 = vector.broadcast %add3A_805 : i32 to vector<16xi32>
    %add3A_807 = arith.addi %get3A_768, %add3A_806 : vector<16xi32>
    %swap3A_808 = arith.constant 16 : i32
    %swap3A_809 = arith.index_cast %swap3A_808 : i32 to index
    %swap3A_810 = arith.constant 112 : index
    %swap3A_811 = tpu.vector_load %arg11[%swap3A_809, %swap3A_810] {strides = array<i32>} : memref<20x128xi32, #tpu.memory_space<vmem>>, vector<1x16xi32>,
    %swap3A_812 = vector.shape_cast %swap3A_811 : vector<1x16xi32> to vector<16xi32>
    %swap3A_813 = vector.shape_cast %add3A_807 : vector<16xi32> to vector<1x16xi32>
    tpu.vector_store %arg11[%swap3A_809, %swap3A_810], %swap3A_813 {strides = array<i32>} : memref<20x128xi32, #tpu.memory_space<vmem>>, vector<1x16xi32>,
    %get3A_814 = arith.constant 2 : i32
    %get3A_815 = arith.index_cast %get3A_814 : i32 to index
    %get3A_816 = arith.constant 0 : index
    %get3A_817 = tpu.vector_load %arg9[%get3A_815, %get3A_816] {strides = array<i32>} : memref<5x128xi32, #tpu.memory_space<vmem>>, vector<1x16xi32>,
    %get3A_818 = vector.shape_cast %get3A_817 : vector<1x16xi32> to vector<16xi32>
    %and3A_819 = arith.constant 1023 : i32
    %and3A_820 = vector.broadcast %and3A_819 : i32 to vector<16xi32>
    %and3A_821 = arith.andi %get3A_818, %and3A_820 : vector<16xi32>
    %swap3A_822 = arith.constant 2 : i32
    %swap3A_823 = arith.index_cast %swap3A_822 : i32 to index
    %swap3A_824 = arith.constant 0 : index
    %swap3A_825 = tpu.vector_load %arg10[%swap3A_823, %swap3A_824] {strides = array<i32>} : memref<5x128xi32, #tpu.memory_space<vmem>>, vector<1x16xi32>,
    %swap3A_826 = vector.shape_cast %swap3A_825 : vector<1x16xi32> to vector<16xi32>
    %swap3A_827 = vector.shape_cast %and3A_821 : vector<16xi32> to vector<1x16xi32>
    tpu.vector_store %arg10[%swap3A_823, %swap3A_824], %swap3A_827 {strides = array<i32>} : memref<5x128xi32, #tpu.memory_space<vmem>>, vector<1x16xi32>,
    %add3A_828 = arith.constant 0 : i32
    %add3A_829 = vector.broadcast %add3A_828 : i32 to vector<16xi32>
    %add3A_830 = arith.addi %get3A_818, %add3A_829 : vector<16xi32>
    %swap3A_831 = arith.constant 2 : i32
    %swap3A_832 = arith.index_cast %swap3A_831 : i32 to index
    %swap3A_833 = arith.constant 0 : index
    %swap3A_834 = tpu.vector_load %arg11[%swap3A_832, %swap3A_833] {strides = array<i32>} : memref<20x128xi32, #tpu.memory_space<vmem>>, vector<1x16xi32>,
    %swap3A_835 = vector.shape_cast %swap3A_834 : vector<1x16xi32> to vector<16xi32>
    %swap3A_836 = vector.shape_cast %add3A_830 : vector<16xi32> to vector<1x16xi32>
    tpu.vector_store %arg11[%swap3A_832, %swap3A_833], %swap3A_836 {strides = array<i32>} : memref<20x128xi32, #tpu.memory_space<vmem>>, vector<1x16xi32>,
    %add3A_837 = arith.constant 1048576 : i32
    %add3A_838 = vector.broadcast %add3A_837 : i32 to vector<16xi32>
    %add3A_839 = arith.addi %get3A_818, %add3A_838 : vector<16xi32>
    %swap3A_840 = arith.constant 7 : i32
    %swap3A_841 = arith.index_cast %swap3A_840 : i32 to index
    %swap3A_842 = arith.constant 0 : index
    %swap3A_843 = tpu.vector_load %arg11[%swap3A_841, %swap3A_842] {strides = array<i32>} : memref<20x128xi32, #tpu.memory_space<vmem>>, vector<1x16xi32>,
    %swap3A_844 = vector.shape_cast %swap3A_843 : vector<1x16xi32> to vector<16xi32>
    %swap3A_845 = vector.shape_cast %add3A_839 : vector<16xi32> to vector<1x16xi32>
    tpu.vector_store %arg11[%swap3A_841, %swap3A_842], %swap3A_845 {strides = array<i32>} : memref<20x128xi32, #tpu.memory_space<vmem>>, vector<1x16xi32>,
    %add3A_846 = arith.constant 2097152 : i32
    %add3A_847 = vector.broadcast %add3A_846 : i32 to vector<16xi32>
    %add3A_848 = arith.addi %get3A_818, %add3A_847 : vector<16xi32>
    %swap3A_849 = arith.constant 12 : i32
    %swap3A_850 = arith.index_cast %swap3A_849 : i32 to index
    %swap3A_851 = arith.constant 0 : index
    %swap3A_852 = tpu.vector_load %arg11[%swap3A_850, %swap3A_851] {strides = array<i32>} : memref<20x128xi32, #tpu.memory_space<vmem>>, vector<1x16xi32>,
    %swap3A_853 = vector.shape_cast %swap3A_852 : vector<1x16xi32> to vector<16xi32>
    %swap3A_854 = vector.shape_cast %add3A_848 : vector<16xi32> to vector<1x16xi32>
    tpu.vector_store %arg11[%swap3A_850, %swap3A_851], %swap3A_854 {strides = array<i32>} : memref<20x128xi32, #tpu.memory_space<vmem>>, vector<1x16xi32>,
    %add3A_855 = arith.constant 3145728 : i32
    %add3A_856 = vector.broadcast %add3A_855 : i32 to vector<16xi32>
    %add3A_857 = arith.addi %get3A_818, %add3A_856 : vector<16xi32>
    %swap3A_858 = arith.constant 17 : i32
    %swap3A_859 = arith.index_cast %swap3A_858 : i32 to index
    %swap3A_860 = arith.constant 0 : index
    %swap3A_861 = tpu.vector_load %arg11[%swap3A_859, %swap3A_860] {strides = array<i32>} : memref<20x128xi32, #tpu.memory_space<vmem>>, vector<1x16xi32>,
    %swap3A_862 = vector.shape_cast %swap3A_861 : vector<1x16xi32> to vector<16xi32>
    %swap3A_863 = vector.shape_cast %add3A_857 : vector<16xi32> to vector<1x16xi32>
    tpu.vector_store %arg11[%swap3A_859, %swap3A_860], %swap3A_863 {strides = array<i32>} : memref<20x128xi32, #tpu.memory_space<vmem>>, vector<1x16xi32>,
    %get3A_864 = arith.constant 2 : i32
    %get3A_865 = arith.index_cast %get3A_864 : i32 to index
    %get3A_866 = arith.constant 16 : index
    %get3A_867 = tpu.vector_load %arg9[%get3A_865, %get3A_866] {strides = array<i32>} : memref<5x128xi32, #tpu.memory_space<vmem>>, vector<1x16xi32>,
    %get3A_868 = vector.shape_cast %get3A_867 : vector<1x16xi32> to vector<16xi32>
    %and3A_869 = arith.constant 1023 : i32
    %and3A_870 = vector.broadcast %and3A_869 : i32 to vector<16xi32>
    %and3A_871 = arith.andi %get3A_868, %and3A_870 : vector<16xi32>
    %swap3A_872 = arith.constant 2 : i32
    %swap3A_873 = arith.index_cast %swap3A_872 : i32 to index
    %swap3A_874 = arith.constant 16 : index
    %swap3A_875 = tpu.vector_load %arg10[%swap3A_873, %swap3A_874] {strides = array<i32>} : memref<5x128xi32, #tpu.memory_space<vmem>>, vector<1x16xi32>,
    %swap3A_876 = vector.shape_cast %swap3A_875 : vector<1x16xi32> to vector<16xi32>
    %swap3A_877 = vector.shape_cast %and3A_871 : vector<16xi32> to vector<1x16xi32>
    tpu.vector_store %arg10[%swap3A_873, %swap3A_874], %swap3A_877 {strides = array<i32>} : memref<5x128xi32, #tpu.memory_space<vmem>>, vector<1x16xi32>,
    %add3A_878 = arith.constant 0 : i32
    %add3A_879 = vector.broadcast %add3A_878 : i32 to vector<16xi32>
    %add3A_880 = arith.addi %get3A_868, %add3A_879 : vector<16xi32>
    %swap3A_881 = arith.constant 2 : i32
    %swap3A_882 = arith.index_cast %swap3A_881 : i32 to index
    %swap3A_883 = arith.constant 16 : index
    %swap3A_884 = tpu.vector_load %arg11[%swap3A_882, %swap3A_883] {strides = array<i32>} : memref<20x128xi32, #tpu.memory_space<vmem>>, vector<1x16xi32>,
    %swap3A_885 = vector.shape_cast %swap3A_884 : vector<1x16xi32> to vector<16xi32>
    %swap3A_886 = vector.shape_cast %add3A_880 : vector<16xi32> to vector<1x16xi32>
    tpu.vector_store %arg11[%swap3A_882, %swap3A_883], %swap3A_886 {strides = array<i32>} : memref<20x128xi32, #tpu.memory_space<vmem>>, vector<1x16xi32>,
    %add3A_887 = arith.constant 1048576 : i32
    %add3A_888 = vector.broadcast %add3A_887 : i32 to vector<16xi32>
    %add3A_889 = arith.addi %get3A_868, %add3A_888 : vector<16xi32>
    %swap3A_890 = arith.constant 7 : i32
    %swap3A_891 = arith.index_cast %swap3A_890 : i32 to index
    %swap3A_892 = arith.constant 16 : index
    %swap3A_893 = tpu.vector_load %arg11[%swap3A_891, %swap3A_892] {strides = array<i32>} : memref<20x128xi32, #tpu.memory_space<vmem>>, vector<1x16xi32>,
    %swap3A_894 = vector.shape_cast %swap3A_893 : vector<1x16xi32> to vector<16xi32>
    %swap3A_895 = vector.shape_cast %add3A_889 : vector<16xi32> to vector<1x16xi32>
    tpu.vector_store %arg11[%swap3A_891, %swap3A_892], %swap3A_895 {strides = array<i32>} : memref<20x128xi32, #tpu.memory_space<vmem>>, vector<1x16xi32>,
    %add3A_896 = arith.constant 2097152 : i32
    %add3A_897 = vector.broadcast %add3A_896 : i32 to vector<16xi32>
    %add3A_898 = arith.addi %get3A_868, %add3A_897 : vector<16xi32>
    %swap3A_899 = arith.constant 12 : i32
    %swap3A_900 = arith.index_cast %swap3A_899 : i32 to index
    %swap3A_901 = arith.constant 16 : index
    %swap3A_902 = tpu.vector_load %arg11[%swap3A_900, %swap3A_901] {strides = array<i32>} : memref<20x128xi32, #tpu.memory_space<vmem>>, vector<1x16xi32>,
    %swap3A_903 = vector.shape_cast %swap3A_902 : vector<1x16xi32> to vector<16xi32>
    %swap3A_904 = vector.shape_cast %add3A_898 : vector<16xi32> to vector<1x16xi32>
    tpu.vector_store %arg11[%swap3A_900, %swap3A_901], %swap3A_904 {strides = array<i32>} : memref<20x128xi32, #tpu.memory_space<vmem>>, vector<1x16xi32>,
    %add3A_905 = arith.constant 3145728 : i32
    %add3A_906 = vector.broadcast %add3A_905 : i32 to vector<16xi32>
    %add3A_907 = arith.addi %get3A_868, %add3A_906 : vector<16xi32>
    %swap3A_908 = arith.constant 17 : i32
    %swap3A_909 = arith.index_cast %swap3A_908 : i32 to index
    %swap3A_910 = arith.constant 16 : index
    %swap3A_911 = tpu.vector_load %arg11[%swap3A_909, %swap3A_910] {strides = array<i32>} : memref<20x128xi32, #tpu.memory_space<vmem>>, vector<1x16xi32>,
    %swap3A_912 = vector.shape_cast %swap3A_911 : vector<1x16xi32> to vector<16xi32>
    %swap3A_913 = vector.shape_cast %add3A_907 : vector<16xi32> to vector<1x16xi32>
    tpu.vector_store %arg11[%swap3A_909, %swap3A_910], %swap3A_913 {strides = array<i32>} : memref<20x128xi32, #tpu.memory_space<vmem>>, vector<1x16xi32>,
    %get3A_914 = arith.constant 2 : i32
    %get3A_915 = arith.index_cast %get3A_914 : i32 to index
    %get3A_916 = arith.constant 32 : index
    %get3A_917 = tpu.vector_load %arg9[%get3A_915, %get3A_916] {strides = array<i32>} : memref<5x128xi32, #tpu.memory_space<vmem>>, vector<1x16xi32>,
    %get3A_918 = vector.shape_cast %get3A_917 : vector<1x16xi32> to vector<16xi32>
    %and3A_919 = arith.constant 1023 : i32
    %and3A_920 = vector.broadcast %and3A_919 : i32 to vector<16xi32>
    %and3A_921 = arith.andi %get3A_918, %and3A_920 : vector<16xi32>
    %swap3A_922 = arith.constant 2 : i32
    %swap3A_923 = arith.index_cast %swap3A_922 : i32 to index
    %swap3A_924 = arith.constant 32 : index
    %swap3A_925 = tpu.vector_load %arg10[%swap3A_923, %swap3A_924] {strides = array<i32>} : memref<5x128xi32, #tpu.memory_space<vmem>>, vector<1x16xi32>,
    %swap3A_926 = vector.shape_cast %swap3A_925 : vector<1x16xi32> to vector<16xi32>
    %swap3A_927 = vector.shape_cast %and3A_921 : vector<16xi32> to vector<1x16xi32>
    tpu.vector_store %arg10[%swap3A_923, %swap3A_924], %swap3A_927 {strides = array<i32>} : memref<5x128xi32, #tpu.memory_space<vmem>>, vector<1x16xi32>,
    %add3A_928 = arith.constant 0 : i32
    %add3A_929 = vector.broadcast %add3A_928 : i32 to vector<16xi32>
    %add3A_930 = arith.addi %get3A_918, %add3A_929 : vector<16xi32>
    %swap3A_931 = arith.constant 2 : i32
    %swap3A_932 = arith.index_cast %swap3A_931 : i32 to index
    %swap3A_933 = arith.constant 32 : index
    %swap3A_934 = tpu.vector_load %arg11[%swap3A_932, %swap3A_933] {strides = array<i32>} : memref<20x128xi32, #tpu.memory_space<vmem>>, vector<1x16xi32>,
    %swap3A_935 = vector.shape_cast %swap3A_934 : vector<1x16xi32> to vector<16xi32>
    %swap3A_936 = vector.shape_cast %add3A_930 : vector<16xi32> to vector<1x16xi32>
    tpu.vector_store %arg11[%swap3A_932, %swap3A_933], %swap3A_936 {strides = array<i32>} : memref<20x128xi32, #tpu.memory_space<vmem>>, vector<1x16xi32>,
    %add3A_937 = arith.constant 1048576 : i32
    %add3A_938 = vector.broadcast %add3A_937 : i32 to vector<16xi32>
    %add3A_939 = arith.addi %get3A_918, %add3A_938 : vector<16xi32>
    %swap3A_940 = arith.constant 7 : i32
    %swap3A_941 = arith.index_cast %swap3A_940 : i32 to index
    %swap3A_942 = arith.constant 32 : index
    %swap3A_943 = tpu.vector_load %arg11[%swap3A_941, %swap3A_942] {strides = array<i32>} : memref<20x128xi32, #tpu.memory_space<vmem>>, vector<1x16xi32>,
    %swap3A_944 = vector.shape_cast %swap3A_943 : vector<1x16xi32> to vector<16xi32>
    %swap3A_945 = vector.shape_cast %add3A_939 : vector<16xi32> to vector<1x16xi32>
    tpu.vector_store %arg11[%swap3A_941, %swap3A_942], %swap3A_945 {strides = array<i32>} : memref<20x128xi32, #tpu.memory_space<vmem>>, vector<1x16xi32>,
    %add3A_946 = arith.constant 2097152 : i32
    %add3A_947 = vector.broadcast %add3A_946 : i32 to vector<16xi32>
    %add3A_948 = arith.addi %get3A_918, %add3A_947 : vector<16xi32>
    %swap3A_949 = arith.constant 12 : i32
    %swap3A_950 = arith.index_cast %swap3A_949 : i32 to index
    %swap3A_951 = arith.constant 32 : index
    %swap3A_952 = tpu.vector_load %arg11[%swap3A_950, %swap3A_951] {strides = array<i32>} : memref<20x128xi32, #tpu.memory_space<vmem>>, vector<1x16xi32>,
    %swap3A_953 = vector.shape_cast %swap3A_952 : vector<1x16xi32> to vector<16xi32>
    %swap3A_954 = vector.shape_cast %add3A_948 : vector<16xi32> to vector<1x16xi32>
    tpu.vector_store %arg11[%swap3A_950, %swap3A_951], %swap3A_954 {strides = array<i32>} : memref<20x128xi32, #tpu.memory_space<vmem>>, vector<1x16xi32>,
    %add3A_955 = arith.constant 3145728 : i32
    %add3A_956 = vector.broadcast %add3A_955 : i32 to vector<16xi32>
    %add3A_957 = arith.addi %get3A_918, %add3A_956 : vector<16xi32>
    %swap3A_958 = arith.constant 17 : i32
    %swap3A_959 = arith.index_cast %swap3A_958 : i32 to index
    %swap3A_960 = arith.constant 32 : index
    %swap3A_961 = tpu.vector_load %arg11[%swap3A_959, %swap3A_960] {strides = array<i32>} : memref<20x128xi32, #tpu.memory_space<vmem>>, vector<1x16xi32>,
    %swap3A_962 = vector.shape_cast %swap3A_961 : vector<1x16xi32> to vector<16xi32>
    %swap3A_963 = vector.shape_cast %add3A_957 : vector<16xi32> to vector<1x16xi32>
    tpu.vector_store %arg11[%swap3A_959, %swap3A_960], %swap3A_963 {strides = array<i32>} : memref<20x128xi32, #tpu.memory_space<vmem>>, vector<1x16xi32>,
    %get3A_964 = arith.constant 2 : i32
    %get3A_965 = arith.index_cast %get3A_964 : i32 to index
    %get3A_966 = arith.constant 48 : index
    %get3A_967 = tpu.vector_load %arg9[%get3A_965, %get3A_966] {strides = array<i32>} : memref<5x128xi32, #tpu.memory_space<vmem>>, vector<1x16xi32>,
    %get3A_968 = vector.shape_cast %get3A_967 : vector<1x16xi32> to vector<16xi32>
    %and3A_969 = arith.constant 1023 : i32
    %and3A_970 = vector.broadcast %and3A_969 : i32 to vector<16xi32>
    %and3A_971 = arith.andi %get3A_968, %and3A_970 : vector<16xi32>
    %swap3A_972 = arith.constant 2 : i32
    %swap3A_973 = arith.index_cast %swap3A_972 : i32 to index
    %swap3A_974 = arith.constant 48 : index
    %swap3A_975 = tpu.vector_load %arg10[%swap3A_973, %swap3A_974] {strides = array<i32>} : memref<5x128xi32, #tpu.memory_space<vmem>>, vector<1x16xi32>,
    %swap3A_976 = vector.shape_cast %swap3A_975 : vector<1x16xi32> to vector<16xi32>
    %swap3A_977 = vector.shape_cast %and3A_971 : vector<16xi32> to vector<1x16xi32>
    tpu.vector_store %arg10[%swap3A_973, %swap3A_974], %swap3A_977 {strides = array<i32>} : memref<5x128xi32, #tpu.memory_space<vmem>>, vector<1x16xi32>,
    %add3A_978 = arith.constant 0 : i32
    %add3A_979 = vector.broadcast %add3A_978 : i32 to vector<16xi32>
    %add3A_980 = arith.addi %get3A_968, %add3A_979 : vector<16xi32>
    %swap3A_981 = arith.constant 2 : i32
    %swap3A_982 = arith.index_cast %swap3A_981 : i32 to index
    %swap3A_983 = arith.constant 48 : index
    %swap3A_984 = tpu.vector_load %arg11[%swap3A_982, %swap3A_983] {strides = array<i32>} : memref<20x128xi32, #tpu.memory_space<vmem>>, vector<1x16xi32>,
    %swap3A_985 = vector.shape_cast %swap3A_984 : vector<1x16xi32> to vector<16xi32>
    %swap3A_986 = vector.shape_cast %add3A_980 : vector<16xi32> to vector<1x16xi32>
    tpu.vector_store %arg11[%swap3A_982, %swap3A_983], %swap3A_986 {strides = array<i32>} : memref<20x128xi32, #tpu.memory_space<vmem>>, vector<1x16xi32>,
    %add3A_987 = arith.constant 1048576 : i32
    %add3A_988 = vector.broadcast %add3A_987 : i32 to vector<16xi32>
    %add3A_989 = arith.addi %get3A_968, %add3A_988 : vector<16xi32>
    %swap3A_990 = arith.constant 7 : i32
    %swap3A_991 = arith.index_cast %swap3A_990 : i32 to index
    %swap3A_992 = arith.constant 48 : index
    %swap3A_993 = tpu.vector_load %arg11[%swap3A_991, %swap3A_992] {strides = array<i32>} : memref<20x128xi32, #tpu.memory_space<vmem>>, vector<1x16xi32>,
    %swap3A_994 = vector.shape_cast %swap3A_993 : vector<1x16xi32> to vector<16xi32>
    %swap3A_995 = vector.shape_cast %add3A_989 : vector<16xi32> to vector<1x16xi32>
    tpu.vector_store %arg11[%swap3A_991, %swap3A_992], %swap3A_995 {strides = array<i32>} : memref<20x128xi32, #tpu.memory_space<vmem>>, vector<1x16xi32>,
    %add3A_996 = arith.constant 2097152 : i32
    %add3A_997 = vector.broadcast %add3A_996 : i32 to vector<16xi32>
    %add3A_998 = arith.addi %get3A_968, %add3A_997 : vector<16xi32>
    %swap3A_999 = arith.constant 12 : i32
    %swap3A_1000 = arith.index_cast %swap3A_999 : i32 to index
    %swap3A_1001 = arith.constant 48 : index
    %swap3A_1002 = tpu.vector_load %arg11[%swap3A_1000, %swap3A_1001] {strides = array<i32>} : memref<20x128xi32, #tpu.memory_space<vmem>>, vector<1x16xi32>,
    %swap3A_1003 = vector.shape_cast %swap3A_1002 : vector<1x16xi32> to vector<16xi32>
    %swap3A_1004 = vector.shape_cast %add3A_998 : vector<16xi32> to vector<1x16xi32>
    tpu.vector_store %arg11[%swap3A_1000, %swap3A_1001], %swap3A_1004 {strides = array<i32>} : memref<20x128xi32, #tpu.memory_space<vmem>>, vector<1x16xi32>,
    %add3A_1005 = arith.constant 3145728 : i32
    %add3A_1006 = vector.broadcast %add3A_1005 : i32 to vector<16xi32>
    %add3A_1007 = arith.addi %get3A_968, %add3A_1006 : vector<16xi32>
    %swap3A_1008 = arith.constant 17 : i32
    %swap3A_1009 = arith.index_cast %swap3A_1008 : i32 to index
    %swap3A_1010 = arith.constant 48 : index
    %swap3A_1011 = tpu.vector_load %arg11[%swap3A_1009, %swap3A_1010] {strides = array<i32>} : memref<20x128xi32, #tpu.memory_space<vmem>>, vector<1x16xi32>,
    %swap3A_1012 = vector.shape_cast %swap3A_1011 : vector<1x16xi32> to vector<16xi32>
    %swap3A_1013 = vector.shape_cast %add3A_1007 : vector<16xi32> to vector<1x16xi32>
    tpu.vector_store %arg11[%swap3A_1009, %swap3A_1010], %swap3A_1013 {strides = array<i32>} : memref<20x128xi32, #tpu.memory_space<vmem>>, vector<1x16xi32>,
    %get3A_1014 = arith.constant 2 : i32
    %get3A_1015 = arith.index_cast %get3A_1014 : i32 to index
    %get3A_1016 = arith.constant 64 : index
    %get3A_1017 = tpu.vector_load %arg9[%get3A_1015, %get3A_1016] {strides = array<i32>} : memref<5x128xi32, #tpu.memory_space<vmem>>, vector<1x16xi32>,
    %get3A_1018 = vector.shape_cast %get3A_1017 : vector<1x16xi32> to vector<16xi32>
    %and3A_1019 = arith.constant 1023 : i32
    %and3A_1020 = vector.broadcast %and3A_1019 : i32 to vector<16xi32>
    %and3A_1021 = arith.andi %get3A_1018, %and3A_1020 : vector<16xi32>
    %swap3A_1022 = arith.constant 2 : i32
    %swap3A_1023 = arith.index_cast %swap3A_1022 : i32 to index
    %swap3A_1024 = arith.constant 64 : index
    %swap3A_1025 = tpu.vector_load %arg10[%swap3A_1023, %swap3A_1024] {strides = array<i32>} : memref<5x128xi32, #tpu.memory_space<vmem>>, vector<1x16xi32>,
    %swap3A_1026 = vector.shape_cast %swap3A_1025 : vector<1x16xi32> to vector<16xi32>
    %swap3A_1027 = vector.shape_cast %and3A_1021 : vector<16xi32> to vector<1x16xi32>
    tpu.vector_store %arg10[%swap3A_1023, %swap3A_1024], %swap3A_1027 {strides = array<i32>} : memref<5x128xi32, #tpu.memory_space<vmem>>, vector<1x16xi32>,
    %add3A_1028 = arith.constant 0 : i32
    %add3A_1029 = vector.broadcast %add3A_1028 : i32 to vector<16xi32>
    %add3A_1030 = arith.addi %get3A_1018, %add3A_1029 : vector<16xi32>
    %swap3A_1031 = arith.constant 2 : i32
    %swap3A_1032 = arith.index_cast %swap3A_1031 : i32 to index
    %swap3A_1033 = arith.constant 64 : index
    %swap3A_1034 = tpu.vector_load %arg11[%swap3A_1032, %swap3A_1033] {strides = array<i32>} : memref<20x128xi32, #tpu.memory_space<vmem>>, vector<1x16xi32>,
    %swap3A_1035 = vector.shape_cast %swap3A_1034 : vector<1x16xi32> to vector<16xi32>
    %swap3A_1036 = vector.shape_cast %add3A_1030 : vector<16xi32> to vector<1x16xi32>
    tpu.vector_store %arg11[%swap3A_1032, %swap3A_1033], %swap3A_1036 {strides = array<i32>} : memref<20x128xi32, #tpu.memory_space<vmem>>, vector<1x16xi32>,
    %add3A_1037 = arith.constant 1048576 : i32
    %add3A_1038 = vector.broadcast %add3A_1037 : i32 to vector<16xi32>
    %add3A_1039 = arith.addi %get3A_1018, %add3A_1038 : vector<16xi32>
    %swap3A_1040 = arith.constant 7 : i32
    %swap3A_1041 = arith.index_cast %swap3A_1040 : i32 to index
    %swap3A_1042 = arith.constant 64 : index
    %swap3A_1043 = tpu.vector_load %arg11[%swap3A_1041, %swap3A_1042] {strides = array<i32>} : memref<20x128xi32, #tpu.memory_space<vmem>>, vector<1x16xi32>,
    %swap3A_1044 = vector.shape_cast %swap3A_1043 : vector<1x16xi32> to vector<16xi32>
    %swap3A_1045 = vector.shape_cast %add3A_1039 : vector<16xi32> to vector<1x16xi32>
    tpu.vector_store %arg11[%swap3A_1041, %swap3A_1042], %swap3A_1045 {strides = array<i32>} : memref<20x128xi32, #tpu.memory_space<vmem>>, vector<1x16xi32>,
    %add3A_1046 = arith.constant 2097152 : i32
    %add3A_1047 = vector.broadcast %add3A_1046 : i32 to vector<16xi32>
    %add3A_1048 = arith.addi %get3A_1018, %add3A_1047 : vector<16xi32>
    %swap3A_1049 = arith.constant 12 : i32
    %swap3A_1050 = arith.index_cast %swap3A_1049 : i32 to index
    %swap3A_1051 = arith.constant 64 : index
    %swap3A_1052 = tpu.vector_load %arg11[%swap3A_1050, %swap3A_1051] {strides = array<i32>} : memref<20x128xi32, #tpu.memory_space<vmem>>, vector<1x16xi32>,
    %swap3A_1053 = vector.shape_cast %swap3A_1052 : vector<1x16xi32> to vector<16xi32>
    %swap3A_1054 = vector.shape_cast %add3A_1048 : vector<16xi32> to vector<1x16xi32>
    tpu.vector_store %arg11[%swap3A_1050, %swap3A_1051], %swap3A_1054 {strides = array<i32>} : memref<20x128xi32, #tpu.memory_space<vmem>>, vector<1x16xi32>,
    %add3A_1055 = arith.constant 3145728 : i32
    %add3A_1056 = vector.broadcast %add3A_1055 : i32 to vector<16xi32>
    %add3A_1057 = arith.addi %get3A_1018, %add3A_1056 : vector<16xi32>
    %swap3A_1058 = arith.constant 17 : i32
    %swap3A_1059 = arith.index_cast %swap3A_1058 : i32 to index
    %swap3A_1060 = arith.constant 64 : index
    %swap3A_1061 = tpu.vector_load %arg11[%swap3A_1059, %swap3A_1060] {strides = array<i32>} : memref<20x128xi32, #tpu.memory_space<vmem>>, vector<1x16xi32>,
    %swap3A_1062 = vector.shape_cast %swap3A_1061 : vector<1x16xi32> to vector<16xi32>
    %swap3A_1063 = vector.shape_cast %add3A_1057 : vector<16xi32> to vector<1x16xi32>
    tpu.vector_store %arg11[%swap3A_1059, %swap3A_1060], %swap3A_1063 {strides = array<i32>} : memref<20x128xi32, #tpu.memory_space<vmem>>, vector<1x16xi32>,
    %get3A_1064 = arith.constant 2 : i32
    %get3A_1065 = arith.index_cast %get3A_1064 : i32 to index
    %get3A_1066 = arith.constant 80 : index
    %get3A_1067 = tpu.vector_load %arg9[%get3A_1065, %get3A_1066] {strides = array<i32>} : memref<5x128xi32, #tpu.memory_space<vmem>>, vector<1x16xi32>,
    %get3A_1068 = vector.shape_cast %get3A_1067 : vector<1x16xi32> to vector<16xi32>
    %and3A_1069 = arith.constant 1023 : i32
    %and3A_1070 = vector.broadcast %and3A_1069 : i32 to vector<16xi32>
    %and3A_1071 = arith.andi %get3A_1068, %and3A_1070 : vector<16xi32>
    %swap3A_1072 = arith.constant 2 : i32
    %swap3A_1073 = arith.index_cast %swap3A_1072 : i32 to index
    %swap3A_1074 = arith.constant 80 : index
    %swap3A_1075 = tpu.vector_load %arg10[%swap3A_1073, %swap3A_1074] {strides = array<i32>} : memref<5x128xi32, #tpu.memory_space<vmem>>, vector<1x16xi32>,
    %swap3A_1076 = vector.shape_cast %swap3A_1075 : vector<1x16xi32> to vector<16xi32>
    %swap3A_1077 = vector.shape_cast %and3A_1071 : vector<16xi32> to vector<1x16xi32>
    tpu.vector_store %arg10[%swap3A_1073, %swap3A_1074], %swap3A_1077 {strides = array<i32>} : memref<5x128xi32, #tpu.memory_space<vmem>>, vector<1x16xi32>,
    %add3A_1078 = arith.constant 0 : i32
    %add3A_1079 = vector.broadcast %add3A_1078 : i32 to vector<16xi32>
    %add3A_1080 = arith.addi %get3A_1068, %add3A_1079 : vector<16xi32>
    %swap3A_1081 = arith.constant 2 : i32
    %swap3A_1082 = arith.index_cast %swap3A_1081 : i32 to index
    %swap3A_1083 = arith.constant 80 : index
    %swap3A_1084 = tpu.vector_load %arg11[%swap3A_1082, %swap3A_1083] {strides = array<i32>} : memref<20x128xi32, #tpu.memory_space<vmem>>, vector<1x16xi32>,
    %swap3A_1085 = vector.shape_cast %swap3A_1084 : vector<1x16xi32> to vector<16xi32>
    %swap3A_1086 = vector.shape_cast %add3A_1080 : vector<16xi32> to vector<1x16xi32>
    tpu.vector_store %arg11[%swap3A_1082, %swap3A_1083], %swap3A_1086 {strides = array<i32>} : memref<20x128xi32, #tpu.memory_space<vmem>>, vector<1x16xi32>,
    %add3A_1087 = arith.constant 1048576 : i32
    %add3A_1088 = vector.broadcast %add3A_1087 : i32 to vector<16xi32>
    %add3A_1089 = arith.addi %get3A_1068, %add3A_1088 : vector<16xi32>
    %swap3A_1090 = arith.constant 7 : i32
    %swap3A_1091 = arith.index_cast %swap3A_1090 : i32 to index
    %swap3A_1092 = arith.constant 80 : index
    %swap3A_1093 = tpu.vector_load %arg11[%swap3A_1091, %swap3A_1092] {strides = array<i32>} : memref<20x128xi32, #tpu.memory_space<vmem>>, vector<1x16xi32>,
    %swap3A_1094 = vector.shape_cast %swap3A_1093 : vector<1x16xi32> to vector<16xi32>
    %swap3A_1095 = vector.shape_cast %add3A_1089 : vector<16xi32> to vector<1x16xi32>
    tpu.vector_store %arg11[%swap3A_1091, %swap3A_1092], %swap3A_1095 {strides = array<i32>} : memref<20x128xi32, #tpu.memory_space<vmem>>, vector<1x16xi32>,
    %add3A_1096 = arith.constant 2097152 : i32
    %add3A_1097 = vector.broadcast %add3A_1096 : i32 to vector<16xi32>
    %add3A_1098 = arith.addi %get3A_1068, %add3A_1097 : vector<16xi32>
    %swap3A_1099 = arith.constant 12 : i32
    %swap3A_1100 = arith.index_cast %swap3A_1099 : i32 to index
    %swap3A_1101 = arith.constant 80 : index
    %swap3A_1102 = tpu.vector_load %arg11[%swap3A_1100, %swap3A_1101] {strides = array<i32>} : memref<20x128xi32, #tpu.memory_space<vmem>>, vector<1x16xi32>,
    %swap3A_1103 = vector.shape_cast %swap3A_1102 : vector<1x16xi32> to vector<16xi32>
    %swap3A_1104 = vector.shape_cast %add3A_1098 : vector<16xi32> to vector<1x16xi32>
    tpu.vector_store %arg11[%swap3A_1100, %swap3A_1101], %swap3A_1104 {strides = array<i32>} : memref<20x128xi32, #tpu.memory_space<vmem>>, vector<1x16xi32>,
    %add3A_1105 = arith.constant 3145728 : i32
    %add3A_1106 = vector.broadcast %add3A_1105 : i32 to vector<16xi32>
    %add3A_1107 = arith.addi %get3A_1068, %add3A_1106 : vector<16xi32>
    %swap3A_1108 = arith.constant 17 : i32
    %swap3A_1109 = arith.index_cast %swap3A_1108 : i32 to index
    %swap3A_1110 = arith.constant 80 : index
    %swap3A_1111 = tpu.vector_load %arg11[%swap3A_1109, %swap3A_1110] {strides = array<i32>} : memref<20x128xi32, #tpu.memory_space<vmem>>, vector<1x16xi32>,
    %swap3A_1112 = vector.shape_cast %swap3A_1111 : vector<1x16xi32> to vector<16xi32>
    %swap3A_1113 = vector.shape_cast %add3A_1107 : vector<16xi32> to vector<1x16xi32>
    tpu.vector_store %arg11[%swap3A_1109, %swap3A_1110], %swap3A_1113 {strides = array<i32>} : memref<20x128xi32, #tpu.memory_space<vmem>>, vector<1x16xi32>,
    %get3A_1114 = arith.constant 2 : i32
    %get3A_1115 = arith.index_cast %get3A_1114 : i32 to index
    %get3A_1116 = arith.constant 96 : index
    %get3A_1117 = tpu.vector_load %arg9[%get3A_1115, %get3A_1116] {strides = array<i32>} : memref<5x128xi32, #tpu.memory_space<vmem>>, vector<1x16xi32>,
    %get3A_1118 = vector.shape_cast %get3A_1117 : vector<1x16xi32> to vector<16xi32>
    %and3A_1119 = arith.constant 1023 : i32
    %and3A_1120 = vector.broadcast %and3A_1119 : i32 to vector<16xi32>
    %and3A_1121 = arith.andi %get3A_1118, %and3A_1120 : vector<16xi32>
    %swap3A_1122 = arith.constant 2 : i32
    %swap3A_1123 = arith.index_cast %swap3A_1122 : i32 to index
    %swap3A_1124 = arith.constant 96 : index
    %swap3A_1125 = tpu.vector_load %arg10[%swap3A_1123, %swap3A_1124] {strides = array<i32>} : memref<5x128xi32, #tpu.memory_space<vmem>>, vector<1x16xi32>,
    %swap3A_1126 = vector.shape_cast %swap3A_1125 : vector<1x16xi32> to vector<16xi32>
    %swap3A_1127 = vector.shape_cast %and3A_1121 : vector<16xi32> to vector<1x16xi32>
    tpu.vector_store %arg10[%swap3A_1123, %swap3A_1124], %swap3A_1127 {strides = array<i32>} : memref<5x128xi32, #tpu.memory_space<vmem>>, vector<1x16xi32>,
    %add3A_1128 = arith.constant 0 : i32
    %add3A_1129 = vector.broadcast %add3A_1128 : i32 to vector<16xi32>
    %add3A_1130 = arith.addi %get3A_1118, %add3A_1129 : vector<16xi32>
    %swap3A_1131 = arith.constant 2 : i32
    %swap3A_1132 = arith.index_cast %swap3A_1131 : i32 to index
    %swap3A_1133 = arith.constant 96 : index
    %swap3A_1134 = tpu.vector_load %arg11[%swap3A_1132, %swap3A_1133] {strides = array<i32>} : memref<20x128xi32, #tpu.memory_space<vmem>>, vector<1x16xi32>,
    %swap3A_1135 = vector.shape_cast %swap3A_1134 : vector<1x16xi32> to vector<16xi32>
    %swap3A_1136 = vector.shape_cast %add3A_1130 : vector<16xi32> to vector<1x16xi32>
    tpu.vector_store %arg11[%swap3A_1132, %swap3A_1133], %swap3A_1136 {strides = array<i32>} : memref<20x128xi32, #tpu.memory_space<vmem>>, vector<1x16xi32>,
    %add3A_1137 = arith.constant 1048576 : i32
    %add3A_1138 = vector.broadcast %add3A_1137 : i32 to vector<16xi32>
    %add3A_1139 = arith.addi %get3A_1118, %add3A_1138 : vector<16xi32>
    %swap3A_1140 = arith.constant 7 : i32
    %swap3A_1141 = arith.index_cast %swap3A_1140 : i32 to index
    %swap3A_1142 = arith.constant 96 : index
    %swap3A_1143 = tpu.vector_load %arg11[%swap3A_1141, %swap3A_1142] {strides = array<i32>} : memref<20x128xi32, #tpu.memory_space<vmem>>, vector<1x16xi32>,
    %swap3A_1144 = vector.shape_cast %swap3A_1143 : vector<1x16xi32> to vector<16xi32>
    %swap3A_1145 = vector.shape_cast %add3A_1139 : vector<16xi32> to vector<1x16xi32>
    tpu.vector_store %arg11[%swap3A_1141, %swap3A_1142], %swap3A_1145 {strides = array<i32>} : memref<20x128xi32, #tpu.memory_space<vmem>>, vector<1x16xi32>,
    %add3A_1146 = arith.constant 2097152 : i32
    %add3A_1147 = vector.broadcast %add3A_1146 : i32 to vector<16xi32>
    %add3A_1148 = arith.addi %get3A_1118, %add3A_1147 : vector<16xi32>
    %swap3A_1149 = arith.constant 12 : i32
    %swap3A_1150 = arith.index_cast %swap3A_1149 : i32 to index
    %swap3A_1151 = arith.constant 96 : index
    %swap3A_1152 = tpu.vector_load %arg11[%swap3A_1150, %swap3A_1151] {strides = array<i32>} : memref<20x128xi32, #tpu.memory_space<vmem>>, vector<1x16xi32>,
    %swap3A_1153 = vector.shape_cast %swap3A_1152 : vector<1x16xi32> to vector<16xi32>
    %swap3A_1154 = vector.shape_cast %add3A_1148 : vector<16xi32> to vector<1x16xi32>
    tpu.vector_store %arg11[%swap3A_1150, %swap3A_1151], %swap3A_1154 {strides = array<i32>} : memref<20x128xi32, #tpu.memory_space<vmem>>, vector<1x16xi32>,
    %add3A_1155 = arith.constant 3145728 : i32
    %add3A_1156 = vector.broadcast %add3A_1155 : i32 to vector<16xi32>
    %add3A_1157 = arith.addi %get3A_1118, %add3A_1156 : vector<16xi32>
    %swap3A_1158 = arith.constant 17 : i32
    %swap3A_1159 = arith.index_cast %swap3A_1158 : i32 to index
    %swap3A_1160 = arith.constant 96 : index
    %swap3A_1161 = tpu.vector_load %arg11[%swap3A_1159, %swap3A_1160] {strides = array<i32>} : memref<20x128xi32, #tpu.memory_space<vmem>>, vector<1x16xi32>,
    %swap3A_1162 = vector.shape_cast %swap3A_1161 : vector<1x16xi32> to vector<16xi32>
    %swap3A_1163 = vector.shape_cast %add3A_1157 : vector<16xi32> to vector<1x16xi32>
    tpu.vector_store %arg11[%swap3A_1159, %swap3A_1160], %swap3A_1163 {strides = array<i32>} : memref<20x128xi32, #tpu.memory_space<vmem>>, vector<1x16xi32>,
    %get3A_1164 = arith.constant 2 : i32
    %get3A_1165 = arith.index_cast %get3A_1164 : i32 to index
    %get3A_1166 = arith.constant 112 : index
    %get3A_1167 = tpu.vector_load %arg9[%get3A_1165, %get3A_1166] {strides = array<i32>} : memref<5x128xi32, #tpu.memory_space<vmem>>, vector<1x16xi32>,
    %get3A_1168 = vector.shape_cast %get3A_1167 : vector<1x16xi32> to vector<16xi32>
    %and3A_1169 = arith.constant 1023 : i32
    %and3A_1170 = vector.broadcast %and3A_1169 : i32 to vector<16xi32>
    %and3A_1171 = arith.andi %get3A_1168, %and3A_1170 : vector<16xi32>
    %swap3A_1172 = arith.constant 2 : i32
    %swap3A_1173 = arith.index_cast %swap3A_1172 : i32 to index
    %swap3A_1174 = arith.constant 112 : index
    %swap3A_1175 = tpu.vector_load %arg10[%swap3A_1173, %swap3A_1174] {strides = array<i32>} : memref<5x128xi32, #tpu.memory_space<vmem>>, vector<1x16xi32>,
    %swap3A_1176 = vector.shape_cast %swap3A_1175 : vector<1x16xi32> to vector<16xi32>
    %swap3A_1177 = vector.shape_cast %and3A_1171 : vector<16xi32> to vector<1x16xi32>
    tpu.vector_store %arg10[%swap3A_1173, %swap3A_1174], %swap3A_1177 {strides = array<i32>} : memref<5x128xi32, #tpu.memory_space<vmem>>, vector<1x16xi32>,
    %add3A_1178 = arith.constant 0 : i32
    %add3A_1179 = vector.broadcast %add3A_1178 : i32 to vector<16xi32>
    %add3A_1180 = arith.addi %get3A_1168, %add3A_1179 : vector<16xi32>
    %swap3A_1181 = arith.constant 2 : i32
    %swap3A_1182 = arith.index_cast %swap3A_1181 : i32 to index
    %swap3A_1183 = arith.constant 112 : index
    %swap3A_1184 = tpu.vector_load %arg11[%swap3A_1182, %swap3A_1183] {strides = array<i32>} : memref<20x128xi32, #tpu.memory_space<vmem>>, vector<1x16xi32>,
    %swap3A_1185 = vector.shape_cast %swap3A_1184 : vector<1x16xi32> to vector<16xi32>
    %swap3A_1186 = vector.shape_cast %add3A_1180 : vector<16xi32> to vector<1x16xi32>
    tpu.vector_store %arg11[%swap3A_1182, %swap3A_1183], %swap3A_1186 {strides = array<i32>} : memref<20x128xi32, #tpu.memory_space<vmem>>, vector<1x16xi32>,
    %add3A_1187 = arith.constant 1048576 : i32
    %add3A_1188 = vector.broadcast %add3A_1187 : i32 to vector<16xi32>
    %add3A_1189 = arith.addi %get3A_1168, %add3A_1188 : vector<16xi32>
    %swap3A_1190 = arith.constant 7 : i32
    %swap3A_1191 = arith.index_cast %swap3A_1190 : i32 to index
    %swap3A_1192 = arith.constant 112 : index
    %swap3A_1193 = tpu.vector_load %arg11[%swap3A_1191, %swap3A_1192] {strides = array<i32>} : memref<20x128xi32, #tpu.memory_space<vmem>>, vector<1x16xi32>,
    %swap3A_1194 = vector.shape_cast %swap3A_1193 : vector<1x16xi32> to vector<16xi32>
    %swap3A_1195 = vector.shape_cast %add3A_1189 : vector<16xi32> to vector<1x16xi32>
    tpu.vector_store %arg11[%swap3A_1191, %swap3A_1192], %swap3A_1195 {strides = array<i32>} : memref<20x128xi32, #tpu.memory_space<vmem>>, vector<1x16xi32>,
    %add3A_1196 = arith.constant 2097152 : i32
    %add3A_1197 = vector.broadcast %add3A_1196 : i32 to vector<16xi32>
    %add3A_1198 = arith.addi %get3A_1168, %add3A_1197 : vector<16xi32>
    %swap3A_1199 = arith.constant 12 : i32
    %swap3A_1200 = arith.index_cast %swap3A_1199 : i32 to index
    %swap3A_1201 = arith.constant 112 : index
    %swap3A_1202 = tpu.vector_load %arg11[%swap3A_1200, %swap3A_1201] {strides = array<i32>} : memref<20x128xi32, #tpu.memory_space<vmem>>, vector<1x16xi32>,
    %swap3A_1203 = vector.shape_cast %swap3A_1202 : vector<1x16xi32> to vector<16xi32>
    %swap3A_1204 = vector.shape_cast %add3A_1198 : vector<16xi32> to vector<1x16xi32>
    tpu.vector_store %arg11[%swap3A_1200, %swap3A_1201], %swap3A_1204 {strides = array<i32>} : memref<20x128xi32, #tpu.memory_space<vmem>>, vector<1x16xi32>,
    %add3A_1205 = arith.constant 3145728 : i32
    %add3A_1206 = vector.broadcast %add3A_1205 : i32 to vector<16xi32>
    %add3A_1207 = arith.addi %get3A_1168, %add3A_1206 : vector<16xi32>
    %swap3A_1208 = arith.constant 17 : i32
    %swap3A_1209 = arith.index_cast %swap3A_1208 : i32 to index
    %swap3A_1210 = arith.constant 112 : index
    %swap3A_1211 = tpu.vector_load %arg11[%swap3A_1209, %swap3A_1210] {strides = array<i32>} : memref<20x128xi32, #tpu.memory_space<vmem>>, vector<1x16xi32>,
    %swap3A_1212 = vector.shape_cast %swap3A_1211 : vector<1x16xi32> to vector<16xi32>
    %swap3A_1213 = vector.shape_cast %add3A_1207 : vector<16xi32> to vector<1x16xi32>
    tpu.vector_store %arg11[%swap3A_1209, %swap3A_1210], %swap3A_1213 {strides = array<i32>} : memref<20x128xi32, #tpu.memory_space<vmem>>, vector<1x16xi32>,
    %get3A_1214 = arith.constant 3 : i32
    %get3A_1215 = arith.index_cast %get3A_1214 : i32 to index
    %get3A_1216 = arith.constant 0 : index
    %get3A_1217 = tpu.vector_load %arg9[%get3A_1215, %get3A_1216] {strides = array<i32>} : memref<5x128xi32, #tpu.memory_space<vmem>>, vector<1x16xi32>,
    %get3A_1218 = vector.shape_cast %get3A_1217 : vector<1x16xi32> to vector<16xi32>
    %and3A_1219 = arith.constant 1023 : i32
    %and3A_1220 = vector.broadcast %and3A_1219 : i32 to vector<16xi32>
    %and3A_1221 = arith.andi %get3A_1218, %and3A_1220 : vector<16xi32>
    %swap3A_1222 = arith.constant 3 : i32
    %swap3A_1223 = arith.index_cast %swap3A_1222 : i32 to index
    %swap3A_1224 = arith.constant 0 : index
    %swap3A_1225 = tpu.vector_load %arg10[%swap3A_1223, %swap3A_1224] {strides = array<i32>} : memref<5x128xi32, #tpu.memory_space<vmem>>, vector<1x16xi32>,
    %swap3A_1226 = vector.shape_cast %swap3A_1225 : vector<1x16xi32> to vector<16xi32>
    %swap3A_1227 = vector.shape_cast %and3A_1221 : vector<16xi32> to vector<1x16xi32>
    tpu.vector_store %arg10[%swap3A_1223, %swap3A_1224], %swap3A_1227 {strides = array<i32>} : memref<5x128xi32, #tpu.memory_space<vmem>>, vector<1x16xi32>,
    %add3A_1228 = arith.constant 0 : i32
    %add3A_1229 = vector.broadcast %add3A_1228 : i32 to vector<16xi32>
    %add3A_1230 = arith.addi %get3A_1218, %add3A_1229 : vector<16xi32>
    %swap3A_1231 = arith.constant 3 : i32
    %swap3A_1232 = arith.index_cast %swap3A_1231 : i32 to index
    %swap3A_1233 = arith.constant 0 : index
    %swap3A_1234 = tpu.vector_load %arg11[%swap3A_1232, %swap3A_1233] {strides = array<i32>} : memref<20x128xi32, #tpu.memory_space<vmem>>, vector<1x16xi32>,
    %swap3A_1235 = vector.shape_cast %swap3A_1234 : vector<1x16xi32> to vector<16xi32>
    %swap3A_1236 = vector.shape_cast %add3A_1230 : vector<16xi32> to vector<1x16xi32>
    tpu.vector_store %arg11[%swap3A_1232, %swap3A_1233], %swap3A_1236 {strides = array<i32>} : memref<20x128xi32, #tpu.memory_space<vmem>>, vector<1x16xi32>,
    %add3A_1237 = arith.constant 1048576 : i32
    %add3A_1238 = vector.broadcast %add3A_1237 : i32 to vector<16xi32>
    %add3A_1239 = arith.addi %get3A_1218, %add3A_1238 : vector<16xi32>
    %swap3A_1240 = arith.constant 8 : i32
    %swap3A_1241 = arith.index_cast %swap3A_1240 : i32 to index
    %swap3A_1242 = arith.constant 0 : index
    %swap3A_1243 = tpu.vector_load %arg11[%swap3A_1241, %swap3A_1242] {strides = array<i32>} : memref<20x128xi32, #tpu.memory_space<vmem>>, vector<1x16xi32>,
    %swap3A_1244 = vector.shape_cast %swap3A_1243 : vector<1x16xi32> to vector<16xi32>
    %swap3A_1245 = vector.shape_cast %add3A_1239 : vector<16xi32> to vector<1x16xi32>
    tpu.vector_store %arg11[%swap3A_1241, %swap3A_1242], %swap3A_1245 {strides = array<i32>} : memref<20x128xi32, #tpu.memory_space<vmem>>, vector<1x16xi32>,
    %add3A_1246 = arith.constant 2097152 : i32
    %add3A_1247 = vector.broadcast %add3A_1246 : i32 to vector<16xi32>
    %add3A_1248 = arith.addi %get3A_1218, %add3A_1247 : vector<16xi32>
    %swap3A_1249 = arith.constant 13 : i32
    %swap3A_1250 = arith.index_cast %swap3A_1249 : i32 to index
    %swap3A_1251 = arith.constant 0 : index
    %swap3A_1252 = tpu.vector_load %arg11[%swap3A_1250, %swap3A_1251] {strides = array<i32>} : memref<20x128xi32, #tpu.memory_space<vmem>>, vector<1x16xi32>,
    %swap3A_1253 = vector.shape_cast %swap3A_1252 : vector<1x16xi32> to vector<16xi32>
    %swap3A_1254 = vector.shape_cast %add3A_1248 : vector<16xi32> to vector<1x16xi32>
    tpu.vector_store %arg11[%swap3A_1250, %swap3A_1251], %swap3A_1254 {strides = array<i32>} : memref<20x128xi32, #tpu.memory_space<vmem>>, vector<1x16xi32>,
    %add3A_1255 = arith.constant 3145728 : i32
    %add3A_1256 = vector.broadcast %add3A_1255 : i32 to vector<16xi32>
    %add3A_1257 = arith.addi %get3A_1218, %add3A_1256 : vector<16xi32>
    %swap3A_1258 = arith.constant 18 : i32
    %swap3A_1259 = arith.index_cast %swap3A_1258 : i32 to index
    %swap3A_1260 = arith.constant 0 : index
    %swap3A_1261 = tpu.vector_load %arg11[%swap3A_1259, %swap3A_1260] {strides = array<i32>} : memref<20x128xi32, #tpu.memory_space<vmem>>, vector<1x16xi32>,
    %swap3A_1262 = vector.shape_cast %swap3A_1261 : vector<1x16xi32> to vector<16xi32>
    %swap3A_1263 = vector.shape_cast %add3A_1257 : vector<16xi32> to vector<1x16xi32>
    tpu.vector_store %arg11[%swap3A_1259, %swap3A_1260], %swap3A_1263 {strides = array<i32>} : memref<20x128xi32, #tpu.memory_space<vmem>>, vector<1x16xi32>,
    %get3A_1264 = arith.constant 3 : i32
    %get3A_1265 = arith.index_cast %get3A_1264 : i32 to index
    %get3A_1266 = arith.constant 16 : index
    %get3A_1267 = tpu.vector_load %arg9[%get3A_1265, %get3A_1266] {strides = array<i32>} : memref<5x128xi32, #tpu.memory_space<vmem>>, vector<1x16xi32>,
    %get3A_1268 = vector.shape_cast %get3A_1267 : vector<1x16xi32> to vector<16xi32>
    %and3A_1269 = arith.constant 1023 : i32
    %and3A_1270 = vector.broadcast %and3A_1269 : i32 to vector<16xi32>
    %and3A_1271 = arith.andi %get3A_1268, %and3A_1270 : vector<16xi32>
    %swap3A_1272 = arith.constant 3 : i32
    %swap3A_1273 = arith.index_cast %swap3A_1272 : i32 to index
    %swap3A_1274 = arith.constant 16 : index
    %swap3A_1275 = tpu.vector_load %arg10[%swap3A_1273, %swap3A_1274] {strides = array<i32>} : memref<5x128xi32, #tpu.memory_space<vmem>>, vector<1x16xi32>,
    %swap3A_1276 = vector.shape_cast %swap3A_1275 : vector<1x16xi32> to vector<16xi32>
    %swap3A_1277 = vector.shape_cast %and3A_1271 : vector<16xi32> to vector<1x16xi32>
    tpu.vector_store %arg10[%swap3A_1273, %swap3A_1274], %swap3A_1277 {strides = array<i32>} : memref<5x128xi32, #tpu.memory_space<vmem>>, vector<1x16xi32>,
    %add3A_1278 = arith.constant 0 : i32
    %add3A_1279 = vector.broadcast %add3A_1278 : i32 to vector<16xi32>
    %add3A_1280 = arith.addi %get3A_1268, %add3A_1279 : vector<16xi32>
    %swap3A_1281 = arith.constant 3 : i32
    %swap3A_1282 = arith.index_cast %swap3A_1281 : i32 to index
    %swap3A_1283 = arith.constant 16 : index
    %swap3A_1284 = tpu.vector_load %arg11[%swap3A_1282, %swap3A_1283] {strides = array<i32>} : memref<20x128xi32, #tpu.memory_space<vmem>>, vector<1x16xi32>,
    %swap3A_1285 = vector.shape_cast %swap3A_1284 : vector<1x16xi32> to vector<16xi32>
    %swap3A_1286 = vector.shape_cast %add3A_1280 : vector<16xi32> to vector<1x16xi32>
    tpu.vector_store %arg11[%swap3A_1282, %swap3A_1283], %swap3A_1286 {strides = array<i32>} : memref<20x128xi32, #tpu.memory_space<vmem>>, vector<1x16xi32>,
    %add3A_1287 = arith.constant 1048576 : i32
    %add3A_1288 = vector.broadcast %add3A_1287 : i32 to vector<16xi32>
    %add3A_1289 = arith.addi %get3A_1268, %add3A_1288 : vector<16xi32>
    %swap3A_1290 = arith.constant 8 : i32
    %swap3A_1291 = arith.index_cast %swap3A_1290 : i32 to index
    %swap3A_1292 = arith.constant 16 : index
    %swap3A_1293 = tpu.vector_load %arg11[%swap3A_1291, %swap3A_1292] {strides = array<i32>} : memref<20x128xi32, #tpu.memory_space<vmem>>, vector<1x16xi32>,
    %swap3A_1294 = vector.shape_cast %swap3A_1293 : vector<1x16xi32> to vector<16xi32>
    %swap3A_1295 = vector.shape_cast %add3A_1289 : vector<16xi32> to vector<1x16xi32>
    tpu.vector_store %arg11[%swap3A_1291, %swap3A_1292], %swap3A_1295 {strides = array<i32>} : memref<20x128xi32, #tpu.memory_space<vmem>>, vector<1x16xi32>,
    %add3A_1296 = arith.constant 2097152 : i32
    %add3A_1297 = vector.broadcast %add3A_1296 : i32 to vector<16xi32>
    %add3A_1298 = arith.addi %get3A_1268, %add3A_1297 : vector<16xi32>
    %swap3A_1299 = arith.constant 13 : i32
    %swap3A_1300 = arith.index_cast %swap3A_1299 : i32 to index
    %swap3A_1301 = arith.constant 16 : index
    %swap3A_1302 = tpu.vector_load %arg11[%swap3A_1300, %swap3A_1301] {strides = array<i32>} : memref<20x128xi32, #tpu.memory_space<vmem>>, vector<1x16xi32>,
    %swap3A_1303 = vector.shape_cast %swap3A_1302 : vector<1x16xi32> to vector<16xi32>
    %swap3A_1304 = vector.shape_cast %add3A_1298 : vector<16xi32> to vector<1x16xi32>
    tpu.vector_store %arg11[%swap3A_1300, %swap3A_1301], %swap3A_1304 {strides = array<i32>} : memref<20x128xi32, #tpu.memory_space<vmem>>, vector<1x16xi32>,
    %add3A_1305 = arith.constant 3145728 : i32
    %add3A_1306 = vector.broadcast %add3A_1305 : i32 to vector<16xi32>
    %add3A_1307 = arith.addi %get3A_1268, %add3A_1306 : vector<16xi32>
    %swap3A_1308 = arith.constant 18 : i32
    %swap3A_1309 = arith.index_cast %swap3A_1308 : i32 to index
    %swap3A_1310 = arith.constant 16 : index
    %swap3A_1311 = tpu.vector_load %arg11[%swap3A_1309, %swap3A_1310] {strides = array<i32>} : memref<20x128xi32, #tpu.memory_space<vmem>>, vector<1x16xi32>,
    %swap3A_1312 = vector.shape_cast %swap3A_1311 : vector<1x16xi32> to vector<16xi32>
    %swap3A_1313 = vector.shape_cast %add3A_1307 : vector<16xi32> to vector<1x16xi32>
    tpu.vector_store %arg11[%swap3A_1309, %swap3A_1310], %swap3A_1313 {strides = array<i32>} : memref<20x128xi32, #tpu.memory_space<vmem>>, vector<1x16xi32>,
    %get3A_1314 = arith.constant 3 : i32
    %get3A_1315 = arith.index_cast %get3A_1314 : i32 to index
    %get3A_1316 = arith.constant 32 : index
    %get3A_1317 = tpu.vector_load %arg9[%get3A_1315, %get3A_1316] {strides = array<i32>} : memref<5x128xi32, #tpu.memory_space<vmem>>, vector<1x16xi32>,
    %get3A_1318 = vector.shape_cast %get3A_1317 : vector<1x16xi32> to vector<16xi32>
    %and3A_1319 = arith.constant 1023 : i32
    %and3A_1320 = vector.broadcast %and3A_1319 : i32 to vector<16xi32>
    %and3A_1321 = arith.andi %get3A_1318, %and3A_1320 : vector<16xi32>
    %swap3A_1322 = arith.constant 3 : i32
    %swap3A_1323 = arith.index_cast %swap3A_1322 : i32 to index
    %swap3A_1324 = arith.constant 32 : index
    %swap3A_1325 = tpu.vector_load %arg10[%swap3A_1323, %swap3A_1324] {strides = array<i32>} : memref<5x128xi32, #tpu.memory_space<vmem>>, vector<1x16xi32>,
    %swap3A_1326 = vector.shape_cast %swap3A_1325 : vector<1x16xi32> to vector<16xi32>
    %swap3A_1327 = vector.shape_cast %and3A_1321 : vector<16xi32> to vector<1x16xi32>
    tpu.vector_store %arg10[%swap3A_1323, %swap3A_1324], %swap3A_1327 {strides = array<i32>} : memref<5x128xi32, #tpu.memory_space<vmem>>, vector<1x16xi32>,
    %add3A_1328 = arith.constant 0 : i32
    %add3A_1329 = vector.broadcast %add3A_1328 : i32 to vector<16xi32>
    %add3A_1330 = arith.addi %get3A_1318, %add3A_1329 : vector<16xi32>
    %swap3A_1331 = arith.constant 3 : i32
    %swap3A_1332 = arith.index_cast %swap3A_1331 : i32 to index
    %swap3A_1333 = arith.constant 32 : index
    %swap3A_1334 = tpu.vector_load %arg11[%swap3A_1332, %swap3A_1333] {strides = array<i32>} : memref<20x128xi32, #tpu.memory_space<vmem>>, vector<1x16xi32>,
    %swap3A_1335 = vector.shape_cast %swap3A_1334 : vector<1x16xi32> to vector<16xi32>
    %swap3A_1336 = vector.shape_cast %add3A_1330 : vector<16xi32> to vector<1x16xi32>
    tpu.vector_store %arg11[%swap3A_1332, %swap3A_1333], %swap3A_1336 {strides = array<i32>} : memref<20x128xi32, #tpu.memory_space<vmem>>, vector<1x16xi32>,
    %add3A_1337 = arith.constant 1048576 : i32
    %add3A_1338 = vector.broadcast %add3A_1337 : i32 to vector<16xi32>
    %add3A_1339 = arith.addi %get3A_1318, %add3A_1338 : vector<16xi32>
    %swap3A_1340 = arith.constant 8 : i32
    %swap3A_1341 = arith.index_cast %swap3A_1340 : i32 to index
    %swap3A_1342 = arith.constant 32 : index
    %swap3A_1343 = tpu.vector_load %arg11[%swap3A_1341, %swap3A_1342] {strides = array<i32>} : memref<20x128xi32, #tpu.memory_space<vmem>>, vector<1x16xi32>,
    %swap3A_1344 = vector.shape_cast %swap3A_1343 : vector<1x16xi32> to vector<16xi32>
    %swap3A_1345 = vector.shape_cast %add3A_1339 : vector<16xi32> to vector<1x16xi32>
    tpu.vector_store %arg11[%swap3A_1341, %swap3A_1342], %swap3A_1345 {strides = array<i32>} : memref<20x128xi32, #tpu.memory_space<vmem>>, vector<1x16xi32>,
    %add3A_1346 = arith.constant 2097152 : i32
    %add3A_1347 = vector.broadcast %add3A_1346 : i32 to vector<16xi32>
    %add3A_1348 = arith.addi %get3A_1318, %add3A_1347 : vector<16xi32>
    %swap3A_1349 = arith.constant 13 : i32
    %swap3A_1350 = arith.index_cast %swap3A_1349 : i32 to index
    %swap3A_1351 = arith.constant 32 : index
    %swap3A_1352 = tpu.vector_load %arg11[%swap3A_1350, %swap3A_1351] {strides = array<i32>} : memref<20x128xi32, #tpu.memory_space<vmem>>, vector<1x16xi32>,
    %swap3A_1353 = vector.shape_cast %swap3A_1352 : vector<1x16xi32> to vector<16xi32>
    %swap3A_1354 = vector.shape_cast %add3A_1348 : vector<16xi32> to vector<1x16xi32>
    tpu.vector_store %arg11[%swap3A_1350, %swap3A_1351], %swap3A_1354 {strides = array<i32>} : memref<20x128xi32, #tpu.memory_space<vmem>>, vector<1x16xi32>,
    %add3A_1355 = arith.constant 3145728 : i32
    %add3A_1356 = vector.broadcast %add3A_1355 : i32 to vector<16xi32>
    %add3A_1357 = arith.addi %get3A_1318, %add3A_1356 : vector<16xi32>
    %swap3A_1358 = arith.constant 18 : i32
    %swap3A_1359 = arith.index_cast %swap3A_1358 : i32 to index
    %swap3A_1360 = arith.constant 32 : index
    %swap3A_1361 = tpu.vector_load %arg11[%swap3A_1359, %swap3A_1360] {strides = array<i32>} : memref<20x128xi32, #tpu.memory_space<vmem>>, vector<1x16xi32>,
    %swap3A_1362 = vector.shape_cast %swap3A_1361 : vector<1x16xi32> to vector<16xi32>
    %swap3A_1363 = vector.shape_cast %add3A_1357 : vector<16xi32> to vector<1x16xi32>
    tpu.vector_store %arg11[%swap3A_1359, %swap3A_1360], %swap3A_1363 {strides = array<i32>} : memref<20x128xi32, #tpu.memory_space<vmem>>, vector<1x16xi32>,
    %get3A_1364 = arith.constant 3 : i32
    %get3A_1365 = arith.index_cast %get3A_1364 : i32 to index
    %get3A_1366 = arith.constant 48 : index
    %get3A_1367 = tpu.vector_load %arg9[%get3A_1365, %get3A_1366] {strides = array<i32>} : memref<5x128xi32, #tpu.memory_space<vmem>>, vector<1x16xi32>,
    %get3A_1368 = vector.shape_cast %get3A_1367 : vector<1x16xi32> to vector<16xi32>
    %and3A_1369 = arith.constant 1023 : i32
    %and3A_1370 = vector.broadcast %and3A_1369 : i32 to vector<16xi32>
    %and3A_1371 = arith.andi %get3A_1368, %and3A_1370 : vector<16xi32>
    %swap3A_1372 = arith.constant 3 : i32
    %swap3A_1373 = arith.index_cast %swap3A_1372 : i32 to index
    %swap3A_1374 = arith.constant 48 : index
    %swap3A_1375 = tpu.vector_load %arg10[%swap3A_1373, %swap3A_1374] {strides = array<i32>} : memref<5x128xi32, #tpu.memory_space<vmem>>, vector<1x16xi32>,
    %swap3A_1376 = vector.shape_cast %swap3A_1375 : vector<1x16xi32> to vector<16xi32>
    %swap3A_1377 = vector.shape_cast %and3A_1371 : vector<16xi32> to vector<1x16xi32>
    tpu.vector_store %arg10[%swap3A_1373, %swap3A_1374], %swap3A_1377 {strides = array<i32>} : memref<5x128xi32, #tpu.memory_space<vmem>>, vector<1x16xi32>,
    %add3A_1378 = arith.constant 0 : i32
    %add3A_1379 = vector.broadcast %add3A_1378 : i32 to vector<16xi32>
    %add3A_1380 = arith.addi %get3A_1368, %add3A_1379 : vector<16xi32>
    %swap3A_1381 = arith.constant 3 : i32
    %swap3A_1382 = arith.index_cast %swap3A_1381 : i32 to index
    %swap3A_1383 = arith.constant 48 : index
    %swap3A_1384 = tpu.vector_load %arg11[%swap3A_1382, %swap3A_1383] {strides = array<i32>} : memref<20x128xi32, #tpu.memory_space<vmem>>, vector<1x16xi32>,
    %swap3A_1385 = vector.shape_cast %swap3A_1384 : vector<1x16xi32> to vector<16xi32>
    %swap3A_1386 = vector.shape_cast %add3A_1380 : vector<16xi32> to vector<1x16xi32>
    tpu.vector_store %arg11[%swap3A_1382, %swap3A_1383], %swap3A_1386 {strides = array<i32>} : memref<20x128xi32, #tpu.memory_space<vmem>>, vector<1x16xi32>,
    %add3A_1387 = arith.constant 1048576 : i32
    %add3A_1388 = vector.broadcast %add3A_1387 : i32 to vector<16xi32>
    %add3A_1389 = arith.addi %get3A_1368, %add3A_1388 : vector<16xi32>
    %swap3A_1390 = arith.constant 8 : i32
    %swap3A_1391 = arith.index_cast %swap3A_1390 : i32 to index
    %swap3A_1392 = arith.constant 48 : index
    %swap3A_1393 = tpu.vector_load %arg11[%swap3A_1391, %swap3A_1392] {strides = array<i32>} : memref<20x128xi32, #tpu.memory_space<vmem>>, vector<1x16xi32>,
    %swap3A_1394 = vector.shape_cast %swap3A_1393 : vector<1x16xi32> to vector<16xi32>
    %swap3A_1395 = vector.shape_cast %add3A_1389 : vector<16xi32> to vector<1x16xi32>
    tpu.vector_store %arg11[%swap3A_1391, %swap3A_1392], %swap3A_1395 {strides = array<i32>} : memref<20x128xi32, #tpu.memory_space<vmem>>, vector<1x16xi32>,
    %add3A_1396 = arith.constant 2097152 : i32
    %add3A_1397 = vector.broadcast %add3A_1396 : i32 to vector<16xi32>
    %add3A_1398 = arith.addi %get3A_1368, %add3A_1397 : vector<16xi32>
    %swap3A_1399 = arith.constant 13 : i32
    %swap3A_1400 = arith.index_cast %swap3A_1399 : i32 to index
    %swap3A_1401 = arith.constant 48 : index
    %swap3A_1402 = tpu.vector_load %arg11[%swap3A_1400, %swap3A_1401] {strides = array<i32>} : memref<20x128xi32, #tpu.memory_space<vmem>>, vector<1x16xi32>,
    %swap3A_1403 = vector.shape_cast %swap3A_1402 : vector<1x16xi32> to vector<16xi32>
    %swap3A_1404 = vector.shape_cast %add3A_1398 : vector<16xi32> to vector<1x16xi32>
    tpu.vector_store %arg11[%swap3A_1400, %swap3A_1401], %swap3A_1404 {strides = array<i32>} : memref<20x128xi32, #tpu.memory_space<vmem>>, vector<1x16xi32>,
    %add3A_1405 = arith.constant 3145728 : i32
    %add3A_1406 = vector.broadcast %add3A_1405 : i32 to vector<16xi32>
    %add3A_1407 = arith.addi %get3A_1368, %add3A_1406 : vector<16xi32>
    %swap3A_1408 = arith.constant 18 : i32
    %swap3A_1409 = arith.index_cast %swap3A_1408 : i32 to index
    %swap3A_1410 = arith.constant 48 : index
    %swap3A_1411 = tpu.vector_load %arg11[%swap3A_1409, %swap3A_1410] {strides = array<i32>} : memref<20x128xi32, #tpu.memory_space<vmem>>, vector<1x16xi32>,
    %swap3A_1412 = vector.shape_cast %swap3A_1411 : vector<1x16xi32> to vector<16xi32>
    %swap3A_1413 = vector.shape_cast %add3A_1407 : vector<16xi32> to vector<1x16xi32>
    tpu.vector_store %arg11[%swap3A_1409, %swap3A_1410], %swap3A_1413 {strides = array<i32>} : memref<20x128xi32, #tpu.memory_space<vmem>>, vector<1x16xi32>,
    %get3A_1414 = arith.constant 3 : i32
    %get3A_1415 = arith.index_cast %get3A_1414 : i32 to index
    %get3A_1416 = arith.constant 64 : index
    %get3A_1417 = tpu.vector_load %arg9[%get3A_1415, %get3A_1416] {strides = array<i32>} : memref<5x128xi32, #tpu.memory_space<vmem>>, vector<1x16xi32>,
    %get3A_1418 = vector.shape_cast %get3A_1417 : vector<1x16xi32> to vector<16xi32>
    %and3A_1419 = arith.constant 1023 : i32
    %and3A_1420 = vector.broadcast %and3A_1419 : i32 to vector<16xi32>
    %and3A_1421 = arith.andi %get3A_1418, %and3A_1420 : vector<16xi32>
    %swap3A_1422 = arith.constant 3 : i32
    %swap3A_1423 = arith.index_cast %swap3A_1422 : i32 to index
    %swap3A_1424 = arith.constant 64 : index
    %swap3A_1425 = tpu.vector_load %arg10[%swap3A_1423, %swap3A_1424] {strides = array<i32>} : memref<5x128xi32, #tpu.memory_space<vmem>>, vector<1x16xi32>,
    %swap3A_1426 = vector.shape_cast %swap3A_1425 : vector<1x16xi32> to vector<16xi32>
    %swap3A_1427 = vector.shape_cast %and3A_1421 : vector<16xi32> to vector<1x16xi32>
    tpu.vector_store %arg10[%swap3A_1423, %swap3A_1424], %swap3A_1427 {strides = array<i32>} : memref<5x128xi32, #tpu.memory_space<vmem>>, vector<1x16xi32>,
    %add3A_1428 = arith.constant 0 : i32
    %add3A_1429 = vector.broadcast %add3A_1428 : i32 to vector<16xi32>
    %add3A_1430 = arith.addi %get3A_1418, %add3A_1429 : vector<16xi32>
    %swap3A_1431 = arith.constant 3 : i32
    %swap3A_1432 = arith.index_cast %swap3A_1431 : i32 to index
    %swap3A_1433 = arith.constant 64 : index
    %swap3A_1434 = tpu.vector_load %arg11[%swap3A_1432, %swap3A_1433] {strides = array<i32>} : memref<20x128xi32, #tpu.memory_space<vmem>>, vector<1x16xi32>,
    %swap3A_1435 = vector.shape_cast %swap3A_1434 : vector<1x16xi32> to vector<16xi32>
    %swap3A_1436 = vector.shape_cast %add3A_1430 : vector<16xi32> to vector<1x16xi32>
    tpu.vector_store %arg11[%swap3A_1432, %swap3A_1433], %swap3A_1436 {strides = array<i32>} : memref<20x128xi32, #tpu.memory_space<vmem>>, vector<1x16xi32>,
    %add3A_1437 = arith.constant 1048576 : i32
    %add3A_1438 = vector.broadcast %add3A_1437 : i32 to vector<16xi32>
    %add3A_1439 = arith.addi %get3A_1418, %add3A_1438 : vector<16xi32>
    %swap3A_1440 = arith.constant 8 : i32
    %swap3A_1441 = arith.index_cast %swap3A_1440 : i32 to index
    %swap3A_1442 = arith.constant 64 : index
    %swap3A_1443 = tpu.vector_load %arg11[%swap3A_1441, %swap3A_1442] {strides = array<i32>} : memref<20x128xi32, #tpu.memory_space<vmem>>, vector<1x16xi32>,
    %swap3A_1444 = vector.shape_cast %swap3A_1443 : vector<1x16xi32> to vector<16xi32>
    %swap3A_1445 = vector.shape_cast %add3A_1439 : vector<16xi32> to vector<1x16xi32>
    tpu.vector_store %arg11[%swap3A_1441, %swap3A_1442], %swap3A_1445 {strides = array<i32>} : memref<20x128xi32, #tpu.memory_space<vmem>>, vector<1x16xi32>,
    %add3A_1446 = arith.constant 2097152 : i32
    %add3A_1447 = vector.broadcast %add3A_1446 : i32 to vector<16xi32>
    %add3A_1448 = arith.addi %get3A_1418, %add3A_1447 : vector<16xi32>
    %swap3A_1449 = arith.constant 13 : i32
    %swap3A_1450 = arith.index_cast %swap3A_1449 : i32 to index
    %swap3A_1451 = arith.constant 64 : index
    %swap3A_1452 = tpu.vector_load %arg11[%swap3A_1450, %swap3A_1451] {strides = array<i32>} : memref<20x128xi32, #tpu.memory_space<vmem>>, vector<1x16xi32>,
    %swap3A_1453 = vector.shape_cast %swap3A_1452 : vector<1x16xi32> to vector<16xi32>
    %swap3A_1454 = vector.shape_cast %add3A_1448 : vector<16xi32> to vector<1x16xi32>
    tpu.vector_store %arg11[%swap3A_1450, %swap3A_1451], %swap3A_1454 {strides = array<i32>} : memref<20x128xi32, #tpu.memory_space<vmem>>, vector<1x16xi32>,
    %add3A_1455 = arith.constant 3145728 : i32
    %add3A_1456 = vector.broadcast %add3A_1455 : i32 to vector<16xi32>
    %add3A_1457 = arith.addi %get3A_1418, %add3A_1456 : vector<16xi32>
    %swap3A_1458 = arith.constant 18 : i32
    %swap3A_1459 = arith.index_cast %swap3A_1458 : i32 to index
    %swap3A_1460 = arith.constant 64 : index
    %swap3A_1461 = tpu.vector_load %arg11[%swap3A_1459, %swap3A_1460] {strides = array<i32>} : memref<20x128xi32, #tpu.memory_space<vmem>>, vector<1x16xi32>,
    %swap3A_1462 = vector.shape_cast %swap3A_1461 : vector<1x16xi32> to vector<16xi32>
    %swap3A_1463 = vector.shape_cast %add3A_1457 : vector<16xi32> to vector<1x16xi32>
    tpu.vector_store %arg11[%swap3A_1459, %swap3A_1460], %swap3A_1463 {strides = array<i32>} : memref<20x128xi32, #tpu.memory_space<vmem>>, vector<1x16xi32>,
    %get3A_1464 = arith.constant 3 : i32
    %get3A_1465 = arith.index_cast %get3A_1464 : i32 to index
    %get3A_1466 = arith.constant 80 : index
    %get3A_1467 = tpu.vector_load %arg9[%get3A_1465, %get3A_1466] {strides = array<i32>} : memref<5x128xi32, #tpu.memory_space<vmem>>, vector<1x16xi32>,
    %get3A_1468 = vector.shape_cast %get3A_1467 : vector<1x16xi32> to vector<16xi32>
    %and3A_1469 = arith.constant 1023 : i32
    %and3A_1470 = vector.broadcast %and3A_1469 : i32 to vector<16xi32>
    %and3A_1471 = arith.andi %get3A_1468, %and3A_1470 : vector<16xi32>
    %swap3A_1472 = arith.constant 3 : i32
    %swap3A_1473 = arith.index_cast %swap3A_1472 : i32 to index
    %swap3A_1474 = arith.constant 80 : index
    %swap3A_1475 = tpu.vector_load %arg10[%swap3A_1473, %swap3A_1474] {strides = array<i32>} : memref<5x128xi32, #tpu.memory_space<vmem>>, vector<1x16xi32>,
    %swap3A_1476 = vector.shape_cast %swap3A_1475 : vector<1x16xi32> to vector<16xi32>
    %swap3A_1477 = vector.shape_cast %and3A_1471 : vector<16xi32> to vector<1x16xi32>
    tpu.vector_store %arg10[%swap3A_1473, %swap3A_1474], %swap3A_1477 {strides = array<i32>} : memref<5x128xi32, #tpu.memory_space<vmem>>, vector<1x16xi32>,
    %add3A_1478 = arith.constant 0 : i32
    %add3A_1479 = vector.broadcast %add3A_1478 : i32 to vector<16xi32>
    %add3A_1480 = arith.addi %get3A_1468, %add3A_1479 : vector<16xi32>
    %swap3A_1481 = arith.constant 3 : i32
    %swap3A_1482 = arith.index_cast %swap3A_1481 : i32 to index
    %swap3A_1483 = arith.constant 80 : index
    %swap3A_1484 = tpu.vector_load %arg11[%swap3A_1482, %swap3A_1483] {strides = array<i32>} : memref<20x128xi32, #tpu.memory_space<vmem>>, vector<1x16xi32>,
    %swap3A_1485 = vector.shape_cast %swap3A_1484 : vector<1x16xi32> to vector<16xi32>
    %swap3A_1486 = vector.shape_cast %add3A_1480 : vector<16xi32> to vector<1x16xi32>
    tpu.vector_store %arg11[%swap3A_1482, %swap3A_1483], %swap3A_1486 {strides = array<i32>} : memref<20x128xi32, #tpu.memory_space<vmem>>, vector<1x16xi32>,
    %add3A_1487 = arith.constant 1048576 : i32
    %add3A_1488 = vector.broadcast %add3A_1487 : i32 to vector<16xi32>
    %add3A_1489 = arith.addi %get3A_1468, %add3A_1488 : vector<16xi32>
    %swap3A_1490 = arith.constant 8 : i32
    %swap3A_1491 = arith.index_cast %swap3A_1490 : i32 to index
    %swap3A_1492 = arith.constant 80 : index
    %swap3A_1493 = tpu.vector_load %arg11[%swap3A_1491, %swap3A_1492] {strides = array<i32>} : memref<20x128xi32, #tpu.memory_space<vmem>>, vector<1x16xi32>,
    %swap3A_1494 = vector.shape_cast %swap3A_1493 : vector<1x16xi32> to vector<16xi32>
    %swap3A_1495 = vector.shape_cast %add3A_1489 : vector<16xi32> to vector<1x16xi32>
    tpu.vector_store %arg11[%swap3A_1491, %swap3A_1492], %swap3A_1495 {strides = array<i32>} : memref<20x128xi32, #tpu.memory_space<vmem>>, vector<1x16xi32>,
    %add3A_1496 = arith.constant 2097152 : i32
    %add3A_1497 = vector.broadcast %add3A_1496 : i32 to vector<16xi32>
    %add3A_1498 = arith.addi %get3A_1468, %add3A_1497 : vector<16xi32>
    %swap3A_1499 = arith.constant 13 : i32
    %swap3A_1500 = arith.index_cast %swap3A_1499 : i32 to index
    %swap3A_1501 = arith.constant 80 : index
    %swap3A_1502 = tpu.vector_load %arg11[%swap3A_1500, %swap3A_1501] {strides = array<i32>} : memref<20x128xi32, #tpu.memory_space<vmem>>, vector<1x16xi32>,
    %swap3A_1503 = vector.shape_cast %swap3A_1502 : vector<1x16xi32> to vector<16xi32>
    %swap3A_1504 = vector.shape_cast %add3A_1498 : vector<16xi32> to vector<1x16xi32>
    tpu.vector_store %arg11[%swap3A_1500, %swap3A_1501], %swap3A_1504 {strides = array<i32>} : memref<20x128xi32, #tpu.memory_space<vmem>>, vector<1x16xi32>,
    %add3A_1505 = arith.constant 3145728 : i32
    %add3A_1506 = vector.broadcast %add3A_1505 : i32 to vector<16xi32>
    %add3A_1507 = arith.addi %get3A_1468, %add3A_1506 : vector<16xi32>
    %swap3A_1508 = arith.constant 18 : i32
    %swap3A_1509 = arith.index_cast %swap3A_1508 : i32 to index
    %swap3A_1510 = arith.constant 80 : index
    %swap3A_1511 = tpu.vector_load %arg11[%swap3A_1509, %swap3A_1510] {strides = array<i32>} : memref<20x128xi32, #tpu.memory_space<vmem>>, vector<1x16xi32>,
    %swap3A_1512 = vector.shape_cast %swap3A_1511 : vector<1x16xi32> to vector<16xi32>
    %swap3A_1513 = vector.shape_cast %add3A_1507 : vector<16xi32> to vector<1x16xi32>
    tpu.vector_store %arg11[%swap3A_1509, %swap3A_1510], %swap3A_1513 {strides = array<i32>} : memref<20x128xi32, #tpu.memory_space<vmem>>, vector<1x16xi32>,
    %get3A_1514 = arith.constant 3 : i32
    %get3A_1515 = arith.index_cast %get3A_1514 : i32 to index
    %get3A_1516 = arith.constant 96 : index
    %get3A_1517 = tpu.vector_load %arg9[%get3A_1515, %get3A_1516] {strides = array<i32>} : memref<5x128xi32, #tpu.memory_space<vmem>>, vector<1x16xi32>,
    %get3A_1518 = vector.shape_cast %get3A_1517 : vector<1x16xi32> to vector<16xi32>
    %and3A_1519 = arith.constant 1023 : i32
    %and3A_1520 = vector.broadcast %and3A_1519 : i32 to vector<16xi32>
    %and3A_1521 = arith.andi %get3A_1518, %and3A_1520 : vector<16xi32>
    %swap3A_1522 = arith.constant 3 : i32
    %swap3A_1523 = arith.index_cast %swap3A_1522 : i32 to index
    %swap3A_1524 = arith.constant 96 : index
    %swap3A_1525 = tpu.vector_load %arg10[%swap3A_1523, %swap3A_1524] {strides = array<i32>} : memref<5x128xi32, #tpu.memory_space<vmem>>, vector<1x16xi32>,
    %swap3A_1526 = vector.shape_cast %swap3A_1525 : vector<1x16xi32> to vector<16xi32>
    %swap3A_1527 = vector.shape_cast %and3A_1521 : vector<16xi32> to vector<1x16xi32>
    tpu.vector_store %arg10[%swap3A_1523, %swap3A_1524], %swap3A_1527 {strides = array<i32>} : memref<5x128xi32, #tpu.memory_space<vmem>>, vector<1x16xi32>,
    %add3A_1528 = arith.constant 0 : i32
    %add3A_1529 = vector.broadcast %add3A_1528 : i32 to vector<16xi32>
    %add3A_1530 = arith.addi %get3A_1518, %add3A_1529 : vector<16xi32>
    %swap3A_1531 = arith.constant 3 : i32
    %swap3A_1532 = arith.index_cast %swap3A_1531 : i32 to index
    %swap3A_1533 = arith.constant 96 : index
    %swap3A_1534 = tpu.vector_load %arg11[%swap3A_1532, %swap3A_1533] {strides = array<i32>} : memref<20x128xi32, #tpu.memory_space<vmem>>, vector<1x16xi32>,
    %swap3A_1535 = vector.shape_cast %swap3A_1534 : vector<1x16xi32> to vector<16xi32>
    %swap3A_1536 = vector.shape_cast %add3A_1530 : vector<16xi32> to vector<1x16xi32>
    tpu.vector_store %arg11[%swap3A_1532, %swap3A_1533], %swap3A_1536 {strides = array<i32>} : memref<20x128xi32, #tpu.memory_space<vmem>>, vector<1x16xi32>,
    %add3A_1537 = arith.constant 1048576 : i32
    %add3A_1538 = vector.broadcast %add3A_1537 : i32 to vector<16xi32>
    %add3A_1539 = arith.addi %get3A_1518, %add3A_1538 : vector<16xi32>
    %swap3A_1540 = arith.constant 8 : i32
    %swap3A_1541 = arith.index_cast %swap3A_1540 : i32 to index
    %swap3A_1542 = arith.constant 96 : index
    %swap3A_1543 = tpu.vector_load %arg11[%swap3A_1541, %swap3A_1542] {strides = array<i32>} : memref<20x128xi32, #tpu.memory_space<vmem>>, vector<1x16xi32>,
    %swap3A_1544 = vector.shape_cast %swap3A_1543 : vector<1x16xi32> to vector<16xi32>
    %swap3A_1545 = vector.shape_cast %add3A_1539 : vector<16xi32> to vector<1x16xi32>
    tpu.vector_store %arg11[%swap3A_1541, %swap3A_1542], %swap3A_1545 {strides = array<i32>} : memref<20x128xi32, #tpu.memory_space<vmem>>, vector<1x16xi32>,
    %add3A_1546 = arith.constant 2097152 : i32
    %add3A_1547 = vector.broadcast %add3A_1546 : i32 to vector<16xi32>
    %add3A_1548 = arith.addi %get3A_1518, %add3A_1547 : vector<16xi32>
    %swap3A_1549 = arith.constant 13 : i32
    %swap3A_1550 = arith.index_cast %swap3A_1549 : i32 to index
    %swap3A_1551 = arith.constant 96 : index
    %swap3A_1552 = tpu.vector_load %arg11[%swap3A_1550, %swap3A_1551] {strides = array<i32>} : memref<20x128xi32, #tpu.memory_space<vmem>>, vector<1x16xi32>,
    %swap3A_1553 = vector.shape_cast %swap3A_1552 : vector<1x16xi32> to vector<16xi32>
    %swap3A_1554 = vector.shape_cast %add3A_1548 : vector<16xi32> to vector<1x16xi32>
    tpu.vector_store %arg11[%swap3A_1550, %swap3A_1551], %swap3A_1554 {strides = array<i32>} : memref<20x128xi32, #tpu.memory_space<vmem>>, vector<1x16xi32>,
    %add3A_1555 = arith.constant 3145728 : i32
    %add3A_1556 = vector.broadcast %add3A_1555 : i32 to vector<16xi32>
    %add3A_1557 = arith.addi %get3A_1518, %add3A_1556 : vector<16xi32>
    %swap3A_1558 = arith.constant 18 : i32
    %swap3A_1559 = arith.index_cast %swap3A_1558 : i32 to index
    %swap3A_1560 = arith.constant 96 : index
    %swap3A_1561 = tpu.vector_load %arg11[%swap3A_1559, %swap3A_1560] {strides = array<i32>} : memref<20x128xi32, #tpu.memory_space<vmem>>, vector<1x16xi32>,
    %swap3A_1562 = vector.shape_cast %swap3A_1561 : vector<1x16xi32> to vector<16xi32>
    %swap3A_1563 = vector.shape_cast %add3A_1557 : vector<16xi32> to vector<1x16xi32>
    tpu.vector_store %arg11[%swap3A_1559, %swap3A_1560], %swap3A_1563 {strides = array<i32>} : memref<20x128xi32, #tpu.memory_space<vmem>>, vector<1x16xi32>,
    %get3A_1564 = arith.constant 3 : i32
    %get3A_1565 = arith.index_cast %get3A_1564 : i32 to index
    %get3A_1566 = arith.constant 112 : index
    %get3A_1567 = tpu.vector_load %arg9[%get3A_1565, %get3A_1566] {strides = array<i32>} : memref<5x128xi32, #tpu.memory_space<vmem>>, vector<1x16xi32>,
    %get3A_1568 = vector.shape_cast %get3A_1567 : vector<1x16xi32> to vector<16xi32>
    %and3A_1569 = arith.constant 1023 : i32
    %and3A_1570 = vector.broadcast %and3A_1569 : i32 to vector<16xi32>
    %and3A_1571 = arith.andi %get3A_1568, %and3A_1570 : vector<16xi32>
    %swap3A_1572 = arith.constant 3 : i32
    %swap3A_1573 = arith.index_cast %swap3A_1572 : i32 to index
    %swap3A_1574 = arith.constant 112 : index
    %swap3A_1575 = tpu.vector_load %arg10[%swap3A_1573, %swap3A_1574] {strides = array<i32>} : memref<5x128xi32, #tpu.memory_space<vmem>>, vector<1x16xi32>,
    %swap3A_1576 = vector.shape_cast %swap3A_1575 : vector<1x16xi32> to vector<16xi32>
    %swap3A_1577 = vector.shape_cast %and3A_1571 : vector<16xi32> to vector<1x16xi32>
    tpu.vector_store %arg10[%swap3A_1573, %swap3A_1574], %swap3A_1577 {strides = array<i32>} : memref<5x128xi32, #tpu.memory_space<vmem>>, vector<1x16xi32>,
    %add3A_1578 = arith.constant 0 : i32
    %add3A_1579 = vector.broadcast %add3A_1578 : i32 to vector<16xi32>
    %add3A_1580 = arith.addi %get3A_1568, %add3A_1579 : vector<16xi32>
    %swap3A_1581 = arith.constant 3 : i32
    %swap3A_1582 = arith.index_cast %swap3A_1581 : i32 to index
    %swap3A_1583 = arith.constant 112 : index
    %swap3A_1584 = tpu.vector_load %arg11[%swap3A_1582, %swap3A_1583] {strides = array<i32>} : memref<20x128xi32, #tpu.memory_space<vmem>>, vector<1x16xi32>,
    %swap3A_1585 = vector.shape_cast %swap3A_1584 : vector<1x16xi32> to vector<16xi32>
    %swap3A_1586 = vector.shape_cast %add3A_1580 : vector<16xi32> to vector<1x16xi32>
    tpu.vector_store %arg11[%swap3A_1582, %swap3A_1583], %swap3A_1586 {strides = array<i32>} : memref<20x128xi32, #tpu.memory_space<vmem>>, vector<1x16xi32>,
    %add3A_1587 = arith.constant 1048576 : i32
    %add3A_1588 = vector.broadcast %add3A_1587 : i32 to vector<16xi32>
    %add3A_1589 = arith.addi %get3A_1568, %add3A_1588 : vector<16xi32>
    %swap3A_1590 = arith.constant 8 : i32
    %swap3A_1591 = arith.index_cast %swap3A_1590 : i32 to index
    %swap3A_1592 = arith.constant 112 : index
    %swap3A_1593 = tpu.vector_load %arg11[%swap3A_1591, %swap3A_1592] {strides = array<i32>} : memref<20x128xi32, #tpu.memory_space<vmem>>, vector<1x16xi32>,
    %swap3A_1594 = vector.shape_cast %swap3A_1593 : vector<1x16xi32> to vector<16xi32>
    %swap3A_1595 = vector.shape_cast %add3A_1589 : vector<16xi32> to vector<1x16xi32>
    tpu.vector_store %arg11[%swap3A_1591, %swap3A_1592], %swap3A_1595 {strides = array<i32>} : memref<20x128xi32, #tpu.memory_space<vmem>>, vector<1x16xi32>,
    %add3A_1596 = arith.constant 2097152 : i32
    %add3A_1597 = vector.broadcast %add3A_1596 : i32 to vector<16xi32>
    %add3A_1598 = arith.addi %get3A_1568, %add3A_1597 : vector<16xi32>
    %swap3A_1599 = arith.constant 13 : i32
    %swap3A_1600 = arith.index_cast %swap3A_1599 : i32 to index
    %swap3A_1601 = arith.constant 112 : index
    %swap3A_1602 = tpu.vector_load %arg11[%swap3A_1600, %swap3A_1601] {strides = array<i32>} : memref<20x128xi32, #tpu.memory_space<vmem>>, vector<1x16xi32>,
    %swap3A_1603 = vector.shape_cast %swap3A_1602 : vector<1x16xi32> to vector<16xi32>
    %swap3A_1604 = vector.shape_cast %add3A_1598 : vector<16xi32> to vector<1x16xi32>
    tpu.vector_store %arg11[%swap3A_1600, %swap3A_1601], %swap3A_1604 {strides = array<i32>} : memref<20x128xi32, #tpu.memory_space<vmem>>, vector<1x16xi32>,
    %add3A_1605 = arith.constant 3145728 : i32
    %add3A_1606 = vector.broadcast %add3A_1605 : i32 to vector<16xi32>
    %add3A_1607 = arith.addi %get3A_1568, %add3A_1606 : vector<16xi32>
    %swap3A_1608 = arith.constant 18 : i32
    %swap3A_1609 = arith.index_cast %swap3A_1608 : i32 to index
    %swap3A_1610 = arith.constant 112 : index
    %swap3A_1611 = tpu.vector_load %arg11[%swap3A_1609, %swap3A_1610] {strides = array<i32>} : memref<20x128xi32, #tpu.memory_space<vmem>>, vector<1x16xi32>,
    %swap3A_1612 = vector.shape_cast %swap3A_1611 : vector<1x16xi32> to vector<16xi32>
    %swap3A_1613 = vector.shape_cast %add3A_1607 : vector<16xi32> to vector<1x16xi32>
    tpu.vector_store %arg11[%swap3A_1609, %swap3A_1610], %swap3A_1613 {strides = array<i32>} : memref<20x128xi32, #tpu.memory_space<vmem>>, vector<1x16xi32>,
    %get3A_1614 = arith.constant 4 : i32
    %get3A_1615 = arith.index_cast %get3A_1614 : i32 to index
    %get3A_1616 = arith.constant 0 : index
    %get3A_1617 = tpu.vector_load %arg9[%get3A_1615, %get3A_1616] {strides = array<i32>} : memref<5x128xi32, #tpu.memory_space<vmem>>, vector<1x16xi32>,
    %get3A_1618 = vector.shape_cast %get3A_1617 : vector<1x16xi32> to vector<16xi32>
    %and3A_1619 = arith.constant 1023 : i32
    %and3A_1620 = vector.broadcast %and3A_1619 : i32 to vector<16xi32>
    %and3A_1621 = arith.andi %get3A_1618, %and3A_1620 : vector<16xi32>
    %swap3A_1622 = arith.constant 4 : i32
    %swap3A_1623 = arith.index_cast %swap3A_1622 : i32 to index
    %swap3A_1624 = arith.constant 0 : index
    %swap3A_1625 = tpu.vector_load %arg10[%swap3A_1623, %swap3A_1624] {strides = array<i32>} : memref<5x128xi32, #tpu.memory_space<vmem>>, vector<1x16xi32>,
    %swap3A_1626 = vector.shape_cast %swap3A_1625 : vector<1x16xi32> to vector<16xi32>
    %swap3A_1627 = vector.shape_cast %and3A_1621 : vector<16xi32> to vector<1x16xi32>
    tpu.vector_store %arg10[%swap3A_1623, %swap3A_1624], %swap3A_1627 {strides = array<i32>} : memref<5x128xi32, #tpu.memory_space<vmem>>, vector<1x16xi32>,
    %add3A_1628 = arith.constant 0 : i32
    %add3A_1629 = vector.broadcast %add3A_1628 : i32 to vector<16xi32>
    %add3A_1630 = arith.addi %get3A_1618, %add3A_1629 : vector<16xi32>
    %swap3A_1631 = arith.constant 4 : i32
    %swap3A_1632 = arith.index_cast %swap3A_1631 : i32 to index
    %swap3A_1633 = arith.constant 0 : index
    %swap3A_1634 = tpu.vector_load %arg11[%swap3A_1632, %swap3A_1633] {strides = array<i32>} : memref<20x128xi32, #tpu.memory_space<vmem>>, vector<1x16xi32>,
    %swap3A_1635 = vector.shape_cast %swap3A_1634 : vector<1x16xi32> to vector<16xi32>
    %swap3A_1636 = vector.shape_cast %add3A_1630 : vector<16xi32> to vector<1x16xi32>
    tpu.vector_store %arg11[%swap3A_1632, %swap3A_1633], %swap3A_1636 {strides = array<i32>} : memref<20x128xi32, #tpu.memory_space<vmem>>, vector<1x16xi32>,
    %add3A_1637 = arith.constant 1048576 : i32
    %add3A_1638 = vector.broadcast %add3A_1637 : i32 to vector<16xi32>
    %add3A_1639 = arith.addi %get3A_1618, %add3A_1638 : vector<16xi32>
    %swap3A_1640 = arith.constant 9 : i32
    %swap3A_1641 = arith.index_cast %swap3A_1640 : i32 to index
    %swap3A_1642 = arith.constant 0 : index
    %swap3A_1643 = tpu.vector_load %arg11[%swap3A_1641, %swap3A_1642] {strides = array<i32>} : memref<20x128xi32, #tpu.memory_space<vmem>>, vector<1x16xi32>,
    %swap3A_1644 = vector.shape_cast %swap3A_1643 : vector<1x16xi32> to vector<16xi32>
    %swap3A_1645 = vector.shape_cast %add3A_1639 : vector<16xi32> to vector<1x16xi32>
    tpu.vector_store %arg11[%swap3A_1641, %swap3A_1642], %swap3A_1645 {strides = array<i32>} : memref<20x128xi32, #tpu.memory_space<vmem>>, vector<1x16xi32>,
    %add3A_1646 = arith.constant 2097152 : i32
    %add3A_1647 = vector.broadcast %add3A_1646 : i32 to vector<16xi32>
    %add3A_1648 = arith.addi %get3A_1618, %add3A_1647 : vector<16xi32>
    %swap3A_1649 = arith.constant 14 : i32
    %swap3A_1650 = arith.index_cast %swap3A_1649 : i32 to index
    %swap3A_1651 = arith.constant 0 : index
    %swap3A_1652 = tpu.vector_load %arg11[%swap3A_1650, %swap3A_1651] {strides = array<i32>} : memref<20x128xi32, #tpu.memory_space<vmem>>, vector<1x16xi32>,
    %swap3A_1653 = vector.shape_cast %swap3A_1652 : vector<1x16xi32> to vector<16xi32>
    %swap3A_1654 = vector.shape_cast %add3A_1648 : vector<16xi32> to vector<1x16xi32>
    tpu.vector_store %arg11[%swap3A_1650, %swap3A_1651], %swap3A_1654 {strides = array<i32>} : memref<20x128xi32, #tpu.memory_space<vmem>>, vector<1x16xi32>,
    %add3A_1655 = arith.constant 3145728 : i32
    %add3A_1656 = vector.broadcast %add3A_1655 : i32 to vector<16xi32>
    %add3A_1657 = arith.addi %get3A_1618, %add3A_1656 : vector<16xi32>
    %swap3A_1658 = arith.constant 19 : i32
    %swap3A_1659 = arith.index_cast %swap3A_1658 : i32 to index
    %swap3A_1660 = arith.constant 0 : index
    %swap3A_1661 = tpu.vector_load %arg11[%swap3A_1659, %swap3A_1660] {strides = array<i32>} : memref<20x128xi32, #tpu.memory_space<vmem>>, vector<1x16xi32>,
    %swap3A_1662 = vector.shape_cast %swap3A_1661 : vector<1x16xi32> to vector<16xi32>
    %swap3A_1663 = vector.shape_cast %add3A_1657 : vector<16xi32> to vector<1x16xi32>
    tpu.vector_store %arg11[%swap3A_1659, %swap3A_1660], %swap3A_1663 {strides = array<i32>} : memref<20x128xi32, #tpu.memory_space<vmem>>, vector<1x16xi32>,
    %get3A_1664 = arith.constant 4 : i32
    %get3A_1665 = arith.index_cast %get3A_1664 : i32 to index
    %get3A_1666 = arith.constant 16 : index
    %get3A_1667 = tpu.vector_load %arg9[%get3A_1665, %get3A_1666] {strides = array<i32>} : memref<5x128xi32, #tpu.memory_space<vmem>>, vector<1x16xi32>,
    %get3A_1668 = vector.shape_cast %get3A_1667 : vector<1x16xi32> to vector<16xi32>
    %and3A_1669 = arith.constant 1023 : i32
    %and3A_1670 = vector.broadcast %and3A_1669 : i32 to vector<16xi32>
    %and3A_1671 = arith.andi %get3A_1668, %and3A_1670 : vector<16xi32>
    %swap3A_1672 = arith.constant 4 : i32
    %swap3A_1673 = arith.index_cast %swap3A_1672 : i32 to index
    %swap3A_1674 = arith.constant 16 : index
    %swap3A_1675 = tpu.vector_load %arg10[%swap3A_1673, %swap3A_1674] {strides = array<i32>} : memref<5x128xi32, #tpu.memory_space<vmem>>, vector<1x16xi32>,
    %swap3A_1676 = vector.shape_cast %swap3A_1675 : vector<1x16xi32> to vector<16xi32>
    %swap3A_1677 = vector.shape_cast %and3A_1671 : vector<16xi32> to vector<1x16xi32>
    tpu.vector_store %arg10[%swap3A_1673, %swap3A_1674], %swap3A_1677 {strides = array<i32>} : memref<5x128xi32, #tpu.memory_space<vmem>>, vector<1x16xi32>,
    %add3A_1678 = arith.constant 0 : i32
    %add3A_1679 = vector.broadcast %add3A_1678 : i32 to vector<16xi32>
    %add3A_1680 = arith.addi %get3A_1668, %add3A_1679 : vector<16xi32>
    %swap3A_1681 = arith.constant 4 : i32
    %swap3A_1682 = arith.index_cast %swap3A_1681 : i32 to index
    %swap3A_1683 = arith.constant 16 : index
    %swap3A_1684 = tpu.vector_load %arg11[%swap3A_1682, %swap3A_1683] {strides = array<i32>} : memref<20x128xi32, #tpu.memory_space<vmem>>, vector<1x16xi32>,
    %swap3A_1685 = vector.shape_cast %swap3A_1684 : vector<1x16xi32> to vector<16xi32>
    %swap3A_1686 = vector.shape_cast %add3A_1680 : vector<16xi32> to vector<1x16xi32>
    tpu.vector_store %arg11[%swap3A_1682, %swap3A_1683], %swap3A_1686 {strides = array<i32>} : memref<20x128xi32, #tpu.memory_space<vmem>>, vector<1x16xi32>,
    %add3A_1687 = arith.constant 1048576 : i32
    %add3A_1688 = vector.broadcast %add3A_1687 : i32 to vector<16xi32>
    %add3A_1689 = arith.addi %get3A_1668, %add3A_1688 : vector<16xi32>
    %swap3A_1690 = arith.constant 9 : i32
    %swap3A_1691 = arith.index_cast %swap3A_1690 : i32 to index
    %swap3A_1692 = arith.constant 16 : index
    %swap3A_1693 = tpu.vector_load %arg11[%swap3A_1691, %swap3A_1692] {strides = array<i32>} : memref<20x128xi32, #tpu.memory_space<vmem>>, vector<1x16xi32>,
    %swap3A_1694 = vector.shape_cast %swap3A_1693 : vector<1x16xi32> to vector<16xi32>
    %swap3A_1695 = vector.shape_cast %add3A_1689 : vector<16xi32> to vector<1x16xi32>
    tpu.vector_store %arg11[%swap3A_1691, %swap3A_1692], %swap3A_1695 {strides = array<i32>} : memref<20x128xi32, #tpu.memory_space<vmem>>, vector<1x16xi32>,
    %add3A_1696 = arith.constant 2097152 : i32
    %add3A_1697 = vector.broadcast %add3A_1696 : i32 to vector<16xi32>
    %add3A_1698 = arith.addi %get3A_1668, %add3A_1697 : vector<16xi32>
    %swap3A_1699 = arith.constant 14 : i32
    %swap3A_1700 = arith.index_cast %swap3A_1699 : i32 to index
    %swap3A_1701 = arith.constant 16 : index
    %swap3A_1702 = tpu.vector_load %arg11[%swap3A_1700, %swap3A_1701] {strides = array<i32>} : memref<20x128xi32, #tpu.memory_space<vmem>>, vector<1x16xi32>,
    %swap3A_1703 = vector.shape_cast %swap3A_1702 : vector<1x16xi32> to vector<16xi32>
    %swap3A_1704 = vector.shape_cast %add3A_1698 : vector<16xi32> to vector<1x16xi32>
    tpu.vector_store %arg11[%swap3A_1700, %swap3A_1701], %swap3A_1704 {strides = array<i32>} : memref<20x128xi32, #tpu.memory_space<vmem>>, vector<1x16xi32>,
    %add3A_1705 = arith.constant 3145728 : i32
    %add3A_1706 = vector.broadcast %add3A_1705 : i32 to vector<16xi32>
    %add3A_1707 = arith.addi %get3A_1668, %add3A_1706 : vector<16xi32>
    %swap3A_1708 = arith.constant 19 : i32
    %swap3A_1709 = arith.index_cast %swap3A_1708 : i32 to index
    %swap3A_1710 = arith.constant 16 : index
    %swap3A_1711 = tpu.vector_load %arg11[%swap3A_1709, %swap3A_1710] {strides = array<i32>} : memref<20x128xi32, #tpu.memory_space<vmem>>, vector<1x16xi32>,
    %swap3A_1712 = vector.shape_cast %swap3A_1711 : vector<1x16xi32> to vector<16xi32>
    %swap3A_1713 = vector.shape_cast %add3A_1707 : vector<16xi32> to vector<1x16xi32>
    tpu.vector_store %arg11[%swap3A_1709, %swap3A_1710], %swap3A_1713 {strides = array<i32>} : memref<20x128xi32, #tpu.memory_space<vmem>>, vector<1x16xi32>,
    %get3A_1714 = arith.constant 4 : i32
    %get3A_1715 = arith.index_cast %get3A_1714 : i32 to index
    %get3A_1716 = arith.constant 32 : index
    %get3A_1717 = tpu.vector_load %arg9[%get3A_1715, %get3A_1716] {strides = array<i32>} : memref<5x128xi32, #tpu.memory_space<vmem>>, vector<1x16xi32>,
    %get3A_1718 = vector.shape_cast %get3A_1717 : vector<1x16xi32> to vector<16xi32>
    %and3A_1719 = arith.constant 1023 : i32
    %and3A_1720 = vector.broadcast %and3A_1719 : i32 to vector<16xi32>
    %and3A_1721 = arith.andi %get3A_1718, %and3A_1720 : vector<16xi32>
    %swap3A_1722 = arith.constant 4 : i32
    %swap3A_1723 = arith.index_cast %swap3A_1722 : i32 to index
    %swap3A_1724 = arith.constant 32 : index
    %swap3A_1725 = tpu.vector_load %arg10[%swap3A_1723, %swap3A_1724] {strides = array<i32>} : memref<5x128xi32, #tpu.memory_space<vmem>>, vector<1x16xi32>,
    %swap3A_1726 = vector.shape_cast %swap3A_1725 : vector<1x16xi32> to vector<16xi32>
    %swap3A_1727 = vector.shape_cast %and3A_1721 : vector<16xi32> to vector<1x16xi32>
    tpu.vector_store %arg10[%swap3A_1723, %swap3A_1724], %swap3A_1727 {strides = array<i32>} : memref<5x128xi32, #tpu.memory_space<vmem>>, vector<1x16xi32>,
    %add3A_1728 = arith.constant 0 : i32
    %add3A_1729 = vector.broadcast %add3A_1728 : i32 to vector<16xi32>
    %add3A_1730 = arith.addi %get3A_1718, %add3A_1729 : vector<16xi32>
    %swap3A_1731 = arith.constant 4 : i32
    %swap3A_1732 = arith.index_cast %swap3A_1731 : i32 to index
    %swap3A_1733 = arith.constant 32 : index
    %swap3A_1734 = tpu.vector_load %arg11[%swap3A_1732, %swap3A_1733] {strides = array<i32>} : memref<20x128xi32, #tpu.memory_space<vmem>>, vector<1x16xi32>,
    %swap3A_1735 = vector.shape_cast %swap3A_1734 : vector<1x16xi32> to vector<16xi32>
    %swap3A_1736 = vector.shape_cast %add3A_1730 : vector<16xi32> to vector<1x16xi32>
    tpu.vector_store %arg11[%swap3A_1732, %swap3A_1733], %swap3A_1736 {strides = array<i32>} : memref<20x128xi32, #tpu.memory_space<vmem>>, vector<1x16xi32>,
    %add3A_1737 = arith.constant 1048576 : i32
    %add3A_1738 = vector.broadcast %add3A_1737 : i32 to vector<16xi32>
    %add3A_1739 = arith.addi %get3A_1718, %add3A_1738 : vector<16xi32>
    %swap3A_1740 = arith.constant 9 : i32
    %swap3A_1741 = arith.index_cast %swap3A_1740 : i32 to index
    %swap3A_1742 = arith.constant 32 : index
    %swap3A_1743 = tpu.vector_load %arg11[%swap3A_1741, %swap3A_1742] {strides = array<i32>} : memref<20x128xi32, #tpu.memory_space<vmem>>, vector<1x16xi32>,
    %swap3A_1744 = vector.shape_cast %swap3A_1743 : vector<1x16xi32> to vector<16xi32>
    %swap3A_1745 = vector.shape_cast %add3A_1739 : vector<16xi32> to vector<1x16xi32>
    tpu.vector_store %arg11[%swap3A_1741, %swap3A_1742], %swap3A_1745 {strides = array<i32>} : memref<20x128xi32, #tpu.memory_space<vmem>>, vector<1x16xi32>,
    %add3A_1746 = arith.constant 2097152 : i32
    %add3A_1747 = vector.broadcast %add3A_1746 : i32 to vector<16xi32>
    %add3A_1748 = arith.addi %get3A_1718, %add3A_1747 : vector<16xi32>
    %swap3A_1749 = arith.constant 14 : i32
    %swap3A_1750 = arith.index_cast %swap3A_1749 : i32 to index
    %swap3A_1751 = arith.constant 32 : index
    %swap3A_1752 = tpu.vector_load %arg11[%swap3A_1750, %swap3A_1751] {strides = array<i32>} : memref<20x128xi32, #tpu.memory_space<vmem>>, vector<1x16xi32>,
    %swap3A_1753 = vector.shape_cast %swap3A_1752 : vector<1x16xi32> to vector<16xi32>
    %swap3A_1754 = vector.shape_cast %add3A_1748 : vector<16xi32> to vector<1x16xi32>
    tpu.vector_store %arg11[%swap3A_1750, %swap3A_1751], %swap3A_1754 {strides = array<i32>} : memref<20x128xi32, #tpu.memory_space<vmem>>, vector<1x16xi32>,
    %add3A_1755 = arith.constant 3145728 : i32
    %add3A_1756 = vector.broadcast %add3A_1755 : i32 to vector<16xi32>
    %add3A_1757 = arith.addi %get3A_1718, %add3A_1756 : vector<16xi32>
    %swap3A_1758 = arith.constant 19 : i32
    %swap3A_1759 = arith.index_cast %swap3A_1758 : i32 to index
    %swap3A_1760 = arith.constant 32 : index
    %swap3A_1761 = tpu.vector_load %arg11[%swap3A_1759, %swap3A_1760] {strides = array<i32>} : memref<20x128xi32, #tpu.memory_space<vmem>>, vector<1x16xi32>,
    %swap3A_1762 = vector.shape_cast %swap3A_1761 : vector<1x16xi32> to vector<16xi32>
    %swap3A_1763 = vector.shape_cast %add3A_1757 : vector<16xi32> to vector<1x16xi32>
    tpu.vector_store %arg11[%swap3A_1759, %swap3A_1760], %swap3A_1763 {strides = array<i32>} : memref<20x128xi32, #tpu.memory_space<vmem>>, vector<1x16xi32>,
    %get3A_1764 = arith.constant 4 : i32
    %get3A_1765 = arith.index_cast %get3A_1764 : i32 to index
    %get3A_1766 = arith.constant 48 : index
    %get3A_1767 = tpu.vector_load %arg9[%get3A_1765, %get3A_1766] {strides = array<i32>} : memref<5x128xi32, #tpu.memory_space<vmem>>, vector<1x16xi32>,
    %get3A_1768 = vector.shape_cast %get3A_1767 : vector<1x16xi32> to vector<16xi32>
    %and3A_1769 = arith.constant 1023 : i32
    %and3A_1770 = vector.broadcast %and3A_1769 : i32 to vector<16xi32>
    %and3A_1771 = arith.andi %get3A_1768, %and3A_1770 : vector<16xi32>
    %swap3A_1772 = arith.constant 4 : i32
    %swap3A_1773 = arith.index_cast %swap3A_1772 : i32 to index
    %swap3A_1774 = arith.constant 48 : index
    %swap3A_1775 = tpu.vector_load %arg10[%swap3A_1773, %swap3A_1774] {strides = array<i32>} : memref<5x128xi32, #tpu.memory_space<vmem>>, vector<1x16xi32>,
    %swap3A_1776 = vector.shape_cast %swap3A_1775 : vector<1x16xi32> to vector<16xi32>
    %swap3A_1777 = vector.shape_cast %and3A_1771 : vector<16xi32> to vector<1x16xi32>
    tpu.vector_store %arg10[%swap3A_1773, %swap3A_1774], %swap3A_1777 {strides = array<i32>} : memref<5x128xi32, #tpu.memory_space<vmem>>, vector<1x16xi32>,
    %add3A_1778 = arith.constant 0 : i32
    %add3A_1779 = vector.broadcast %add3A_1778 : i32 to vector<16xi32>
    %add3A_1780 = arith.addi %get3A_1768, %add3A_1779 : vector<16xi32>
    %swap3A_1781 = arith.constant 4 : i32
    %swap3A_1782 = arith.index_cast %swap3A_1781 : i32 to index
    %swap3A_1783 = arith.constant 48 : index
    %swap3A_1784 = tpu.vector_load %arg11[%swap3A_1782, %swap3A_1783] {strides = array<i32>} : memref<20x128xi32, #tpu.memory_space<vmem>>, vector<1x16xi32>,
    %swap3A_1785 = vector.shape_cast %swap3A_1784 : vector<1x16xi32> to vector<16xi32>
    %swap3A_1786 = vector.shape_cast %add3A_1780 : vector<16xi32> to vector<1x16xi32>
    tpu.vector_store %arg11[%swap3A_1782, %swap3A_1783], %swap3A_1786 {strides = array<i32>} : memref<20x128xi32, #tpu.memory_space<vmem>>, vector<1x16xi32>,
    %add3A_1787 = arith.constant 1048576 : i32
    %add3A_1788 = vector.broadcast %add3A_1787 : i32 to vector<16xi32>
    %add3A_1789 = arith.addi %get3A_1768, %add3A_1788 : vector<16xi32>
    %swap3A_1790 = arith.constant 9 : i32
    %swap3A_1791 = arith.index_cast %swap3A_1790 : i32 to index
    %swap3A_1792 = arith.constant 48 : index
    %swap3A_1793 = tpu.vector_load %arg11[%swap3A_1791, %swap3A_1792] {strides = array<i32>} : memref<20x128xi32, #tpu.memory_space<vmem>>, vector<1x16xi32>,
    %swap3A_1794 = vector.shape_cast %swap3A_1793 : vector<1x16xi32> to vector<16xi32>
    %swap3A_1795 = vector.shape_cast %add3A_1789 : vector<16xi32> to vector<1x16xi32>
    tpu.vector_store %arg11[%swap3A_1791, %swap3A_1792], %swap3A_1795 {strides = array<i32>} : memref<20x128xi32, #tpu.memory_space<vmem>>, vector<1x16xi32>,
    %add3A_1796 = arith.constant 2097152 : i32
    %add3A_1797 = vector.broadcast %add3A_1796 : i32 to vector<16xi32>
    %add3A_1798 = arith.addi %get3A_1768, %add3A_1797 : vector<16xi32>
    %swap3A_1799 = arith.constant 14 : i32
    %swap3A_1800 = arith.index_cast %swap3A_1799 : i32 to index
    %swap3A_1801 = arith.constant 48 : index
    %swap3A_1802 = tpu.vector_load %arg11[%swap3A_1800, %swap3A_1801] {strides = array<i32>} : memref<20x128xi32, #tpu.memory_space<vmem>>, vector<1x16xi32>,
    %swap3A_1803 = vector.shape_cast %swap3A_1802 : vector<1x16xi32> to vector<16xi32>
    %swap3A_1804 = vector.shape_cast %add3A_1798 : vector<16xi32> to vector<1x16xi32>
    tpu.vector_store %arg11[%swap3A_1800, %swap3A_1801], %swap3A_1804 {strides = array<i32>} : memref<20x128xi32, #tpu.memory_space<vmem>>, vector<1x16xi32>,
    %add3A_1805 = arith.constant 3145728 : i32
    %add3A_1806 = vector.broadcast %add3A_1805 : i32 to vector<16xi32>
    %add3A_1807 = arith.addi %get3A_1768, %add3A_1806 : vector<16xi32>
    %swap3A_1808 = arith.constant 19 : i32
    %swap3A_1809 = arith.index_cast %swap3A_1808 : i32 to index
    %swap3A_1810 = arith.constant 48 : index
    %swap3A_1811 = tpu.vector_load %arg11[%swap3A_1809, %swap3A_1810] {strides = array<i32>} : memref<20x128xi32, #tpu.memory_space<vmem>>, vector<1x16xi32>,
    %swap3A_1812 = vector.shape_cast %swap3A_1811 : vector<1x16xi32> to vector<16xi32>
    %swap3A_1813 = vector.shape_cast %add3A_1807 : vector<16xi32> to vector<1x16xi32>
    tpu.vector_store %arg11[%swap3A_1809, %swap3A_1810], %swap3A_1813 {strides = array<i32>} : memref<20x128xi32, #tpu.memory_space<vmem>>, vector<1x16xi32>,
    %get3A_1814 = arith.constant 4 : i32
    %get3A_1815 = arith.index_cast %get3A_1814 : i32 to index
    %get3A_1816 = arith.constant 64 : index
    %get3A_1817 = tpu.vector_load %arg9[%get3A_1815, %get3A_1816] {strides = array<i32>} : memref<5x128xi32, #tpu.memory_space<vmem>>, vector<1x16xi32>,
    %get3A_1818 = vector.shape_cast %get3A_1817 : vector<1x16xi32> to vector<16xi32>
    %and3A_1819 = arith.constant 1023 : i32
    %and3A_1820 = vector.broadcast %and3A_1819 : i32 to vector<16xi32>
    %and3A_1821 = arith.andi %get3A_1818, %and3A_1820 : vector<16xi32>
    %swap3A_1822 = arith.constant 4 : i32
    %swap3A_1823 = arith.index_cast %swap3A_1822 : i32 to index
    %swap3A_1824 = arith.constant 64 : index
    %swap3A_1825 = tpu.vector_load %arg10[%swap3A_1823, %swap3A_1824] {strides = array<i32>} : memref<5x128xi32, #tpu.memory_space<vmem>>, vector<1x16xi32>,
    %swap3A_1826 = vector.shape_cast %swap3A_1825 : vector<1x16xi32> to vector<16xi32>
    %swap3A_1827 = vector.shape_cast %and3A_1821 : vector<16xi32> to vector<1x16xi32>
    tpu.vector_store %arg10[%swap3A_1823, %swap3A_1824], %swap3A_1827 {strides = array<i32>} : memref<5x128xi32, #tpu.memory_space<vmem>>, vector<1x16xi32>,
    %add3A_1828 = arith.constant 0 : i32
    %add3A_1829 = vector.broadcast %add3A_1828 : i32 to vector<16xi32>
    %add3A_1830 = arith.addi %get3A_1818, %add3A_1829 : vector<16xi32>
    %swap3A_1831 = arith.constant 4 : i32
    %swap3A_1832 = arith.index_cast %swap3A_1831 : i32 to index
    %swap3A_1833 = arith.constant 64 : index
    %swap3A_1834 = tpu.vector_load %arg11[%swap3A_1832, %swap3A_1833] {strides = array<i32>} : memref<20x128xi32, #tpu.memory_space<vmem>>, vector<1x16xi32>,
    %swap3A_1835 = vector.shape_cast %swap3A_1834 : vector<1x16xi32> to vector<16xi32>
    %swap3A_1836 = vector.shape_cast %add3A_1830 : vector<16xi32> to vector<1x16xi32>
    tpu.vector_store %arg11[%swap3A_1832, %swap3A_1833], %swap3A_1836 {strides = array<i32>} : memref<20x128xi32, #tpu.memory_space<vmem>>, vector<1x16xi32>,
    %add3A_1837 = arith.constant 1048576 : i32
    %add3A_1838 = vector.broadcast %add3A_1837 : i32 to vector<16xi32>
    %add3A_1839 = arith.addi %get3A_1818, %add3A_1838 : vector<16xi32>
    %swap3A_1840 = arith.constant 9 : i32
    %swap3A_1841 = arith.index_cast %swap3A_1840 : i32 to index
    %swap3A_1842 = arith.constant 64 : index
    %swap3A_1843 = tpu.vector_load %arg11[%swap3A_1841, %swap3A_1842] {strides = array<i32>} : memref<20x128xi32, #tpu.memory_space<vmem>>, vector<1x16xi32>,
    %swap3A_1844 = vector.shape_cast %swap3A_1843 : vector<1x16xi32> to vector<16xi32>
    %swap3A_1845 = vector.shape_cast %add3A_1839 : vector<16xi32> to vector<1x16xi32>
    tpu.vector_store %arg11[%swap3A_1841, %swap3A_1842], %swap3A_1845 {strides = array<i32>} : memref<20x128xi32, #tpu.memory_space<vmem>>, vector<1x16xi32>,
    %add3A_1846 = arith.constant 2097152 : i32
    %add3A_1847 = vector.broadcast %add3A_1846 : i32 to vector<16xi32>
    %add3A_1848 = arith.addi %get3A_1818, %add3A_1847 : vector<16xi32>
    %swap3A_1849 = arith.constant 14 : i32
    %swap3A_1850 = arith.index_cast %swap3A_1849 : i32 to index
    %swap3A_1851 = arith.constant 64 : index
    %swap3A_1852 = tpu.vector_load %arg11[%swap3A_1850, %swap3A_1851] {strides = array<i32>} : memref<20x128xi32, #tpu.memory_space<vmem>>, vector<1x16xi32>,
    %swap3A_1853 = vector.shape_cast %swap3A_1852 : vector<1x16xi32> to vector<16xi32>
    %swap3A_1854 = vector.shape_cast %add3A_1848 : vector<16xi32> to vector<1x16xi32>
    tpu.vector_store %arg11[%swap3A_1850, %swap3A_1851], %swap3A_1854 {strides = array<i32>} : memref<20x128xi32, #tpu.memory_space<vmem>>, vector<1x16xi32>,
    %add3A_1855 = arith.constant 3145728 : i32
    %add3A_1856 = vector.broadcast %add3A_1855 : i32 to vector<16xi32>
    %add3A_1857 = arith.addi %get3A_1818, %add3A_1856 : vector<16xi32>
    %swap3A_1858 = arith.constant 19 : i32
    %swap3A_1859 = arith.index_cast %swap3A_1858 : i32 to index
    %swap3A_1860 = arith.constant 64 : index
    %swap3A_1861 = tpu.vector_load %arg11[%swap3A_1859, %swap3A_1860] {strides = array<i32>} : memref<20x128xi32, #tpu.memory_space<vmem>>, vector<1x16xi32>,
    %swap3A_1862 = vector.shape_cast %swap3A_1861 : vector<1x16xi32> to vector<16xi32>
    %swap3A_1863 = vector.shape_cast %add3A_1857 : vector<16xi32> to vector<1x16xi32>
    tpu.vector_store %arg11[%swap3A_1859, %swap3A_1860], %swap3A_1863 {strides = array<i32>} : memref<20x128xi32, #tpu.memory_space<vmem>>, vector<1x16xi32>,
    %get3A_1864 = arith.constant 4 : i32
    %get3A_1865 = arith.index_cast %get3A_1864 : i32 to index
    %get3A_1866 = arith.constant 80 : index
    %get3A_1867 = tpu.vector_load %arg9[%get3A_1865, %get3A_1866] {strides = array<i32>} : memref<5x128xi32, #tpu.memory_space<vmem>>, vector<1x16xi32>,
    %get3A_1868 = vector.shape_cast %get3A_1867 : vector<1x16xi32> to vector<16xi32>
    %and3A_1869 = arith.constant 1023 : i32
    %and3A_1870 = vector.broadcast %and3A_1869 : i32 to vector<16xi32>
    %and3A_1871 = arith.andi %get3A_1868, %and3A_1870 : vector<16xi32>
    %swap3A_1872 = arith.constant 4 : i32
    %swap3A_1873 = arith.index_cast %swap3A_1872 : i32 to index
    %swap3A_1874 = arith.constant 80 : index
    %swap3A_1875 = tpu.vector_load %arg10[%swap3A_1873, %swap3A_1874] {strides = array<i32>} : memref<5x128xi32, #tpu.memory_space<vmem>>, vector<1x16xi32>,
    %swap3A_1876 = vector.shape_cast %swap3A_1875 : vector<1x16xi32> to vector<16xi32>
    %swap3A_1877 = vector.shape_cast %and3A_1871 : vector<16xi32> to vector<1x16xi32>
    tpu.vector_store %arg10[%swap3A_1873, %swap3A_1874], %swap3A_1877 {strides = array<i32>} : memref<5x128xi32, #tpu.memory_space<vmem>>, vector<1x16xi32>,
    %add3A_1878 = arith.constant 0 : i32
    %add3A_1879 = vector.broadcast %add3A_1878 : i32 to vector<16xi32>
    %add3A_1880 = arith.addi %get3A_1868, %add3A_1879 : vector<16xi32>
    %swap3A_1881 = arith.constant 4 : i32
    %swap3A_1882 = arith.index_cast %swap3A_1881 : i32 to index
    %swap3A_1883 = arith.constant 80 : index
    %swap3A_1884 = tpu.vector_load %arg11[%swap3A_1882, %swap3A_1883] {strides = array<i32>} : memref<20x128xi32, #tpu.memory_space<vmem>>, vector<1x16xi32>,
    %swap3A_1885 = vector.shape_cast %swap3A_1884 : vector<1x16xi32> to vector<16xi32>
    %swap3A_1886 = vector.shape_cast %add3A_1880 : vector<16xi32> to vector<1x16xi32>
    tpu.vector_store %arg11[%swap3A_1882, %swap3A_1883], %swap3A_1886 {strides = array<i32>} : memref<20x128xi32, #tpu.memory_space<vmem>>, vector<1x16xi32>,
    %add3A_1887 = arith.constant 1048576 : i32
    %add3A_1888 = vector.broadcast %add3A_1887 : i32 to vector<16xi32>
    %add3A_1889 = arith.addi %get3A_1868, %add3A_1888 : vector<16xi32>
    %swap3A_1890 = arith.constant 9 : i32
    %swap3A_1891 = arith.index_cast %swap3A_1890 : i32 to index
    %swap3A_1892 = arith.constant 80 : index
    %swap3A_1893 = tpu.vector_load %arg11[%swap3A_1891, %swap3A_1892] {strides = array<i32>} : memref<20x128xi32, #tpu.memory_space<vmem>>, vector<1x16xi32>,
    %swap3A_1894 = vector.shape_cast %swap3A_1893 : vector<1x16xi32> to vector<16xi32>
    %swap3A_1895 = vector.shape_cast %add3A_1889 : vector<16xi32> to vector<1x16xi32>
    tpu.vector_store %arg11[%swap3A_1891, %swap3A_1892], %swap3A_1895 {strides = array<i32>} : memref<20x128xi32, #tpu.memory_space<vmem>>, vector<1x16xi32>,
    %add3A_1896 = arith.constant 2097152 : i32
    %add3A_1897 = vector.broadcast %add3A_1896 : i32 to vector<16xi32>
    %add3A_1898 = arith.addi %get3A_1868, %add3A_1897 : vector<16xi32>
    %swap3A_1899 = arith.constant 14 : i32
    %swap3A_1900 = arith.index_cast %swap3A_1899 : i32 to index
    %swap3A_1901 = arith.constant 80 : index
    %swap3A_1902 = tpu.vector_load %arg11[%swap3A_1900, %swap3A_1901] {strides = array<i32>} : memref<20x128xi32, #tpu.memory_space<vmem>>, vector<1x16xi32>,
    %swap3A_1903 = vector.shape_cast %swap3A_1902 : vector<1x16xi32> to vector<16xi32>
    %swap3A_1904 = vector.shape_cast %add3A_1898 : vector<16xi32> to vector<1x16xi32>
    tpu.vector_store %arg11[%swap3A_1900, %swap3A_1901], %swap3A_1904 {strides = array<i32>} : memref<20x128xi32, #tpu.memory_space<vmem>>, vector<1x16xi32>,
    %add3A_1905 = arith.constant 3145728 : i32
    %add3A_1906 = vector.broadcast %add3A_1905 : i32 to vector<16xi32>
    %add3A_1907 = arith.addi %get3A_1868, %add3A_1906 : vector<16xi32>
    %swap3A_1908 = arith.constant 19 : i32
    %swap3A_1909 = arith.index_cast %swap3A_1908 : i32 to index
    %swap3A_1910 = arith.constant 80 : index
    %swap3A_1911 = tpu.vector_load %arg11[%swap3A_1909, %swap3A_1910] {strides = array<i32>} : memref<20x128xi32, #tpu.memory_space<vmem>>, vector<1x16xi32>,
    %swap3A_1912 = vector.shape_cast %swap3A_1911 : vector<1x16xi32> to vector<16xi32>
    %swap3A_1913 = vector.shape_cast %add3A_1907 : vector<16xi32> to vector<1x16xi32>
    tpu.vector_store %arg11[%swap3A_1909, %swap3A_1910], %swap3A_1913 {strides = array<i32>} : memref<20x128xi32, #tpu.memory_space<vmem>>, vector<1x16xi32>,
    %get3A_1914 = arith.constant 4 : i32
    %get3A_1915 = arith.index_cast %get3A_1914 : i32 to index
    %get3A_1916 = arith.constant 96 : index
    %get3A_1917 = tpu.vector_load %arg9[%get3A_1915, %get3A_1916] {strides = array<i32>} : memref<5x128xi32, #tpu.memory_space<vmem>>, vector<1x16xi32>,
    %get3A_1918 = vector.shape_cast %get3A_1917 : vector<1x16xi32> to vector<16xi32>
    %and3A_1919 = arith.constant 1023 : i32
    %and3A_1920 = vector.broadcast %and3A_1919 : i32 to vector<16xi32>
    %and3A_1921 = arith.andi %get3A_1918, %and3A_1920 : vector<16xi32>
    %swap3A_1922 = arith.constant 4 : i32
    %swap3A_1923 = arith.index_cast %swap3A_1922 : i32 to index
    %swap3A_1924 = arith.constant 96 : index
    %swap3A_1925 = tpu.vector_load %arg10[%swap3A_1923, %swap3A_1924] {strides = array<i32>} : memref<5x128xi32, #tpu.memory_space<vmem>>, vector<1x16xi32>,
    %swap3A_1926 = vector.shape_cast %swap3A_1925 : vector<1x16xi32> to vector<16xi32>
    %swap3A_1927 = vector.shape_cast %and3A_1921 : vector<16xi32> to vector<1x16xi32>
    tpu.vector_store %arg10[%swap3A_1923, %swap3A_1924], %swap3A_1927 {strides = array<i32>} : memref<5x128xi32, #tpu.memory_space<vmem>>, vector<1x16xi32>,
    %add3A_1928 = arith.constant 0 : i32
    %add3A_1929 = vector.broadcast %add3A_1928 : i32 to vector<16xi32>
    %add3A_1930 = arith.addi %get3A_1918, %add3A_1929 : vector<16xi32>
    %swap3A_1931 = arith.constant 4 : i32
    %swap3A_1932 = arith.index_cast %swap3A_1931 : i32 to index
    %swap3A_1933 = arith.constant 96 : index
    %swap3A_1934 = tpu.vector_load %arg11[%swap3A_1932, %swap3A_1933] {strides = array<i32>} : memref<20x128xi32, #tpu.memory_space<vmem>>, vector<1x16xi32>,
    %swap3A_1935 = vector.shape_cast %swap3A_1934 : vector<1x16xi32> to vector<16xi32>
    %swap3A_1936 = vector.shape_cast %add3A_1930 : vector<16xi32> to vector<1x16xi32>
    tpu.vector_store %arg11[%swap3A_1932, %swap3A_1933], %swap3A_1936 {strides = array<i32>} : memref<20x128xi32, #tpu.memory_space<vmem>>, vector<1x16xi32>,
    %add3A_1937 = arith.constant 1048576 : i32
    %add3A_1938 = vector.broadcast %add3A_1937 : i32 to vector<16xi32>
    %add3A_1939 = arith.addi %get3A_1918, %add3A_1938 : vector<16xi32>
    %swap3A_1940 = arith.constant 9 : i32
    %swap3A_1941 = arith.index_cast %swap3A_1940 : i32 to index
    %swap3A_1942 = arith.constant 96 : index
    %swap3A_1943 = tpu.vector_load %arg11[%swap3A_1941, %swap3A_1942] {strides = array<i32>} : memref<20x128xi32, #tpu.memory_space<vmem>>, vector<1x16xi32>,
    %swap3A_1944 = vector.shape_cast %swap3A_1943 : vector<1x16xi32> to vector<16xi32>
    %swap3A_1945 = vector.shape_cast %add3A_1939 : vector<16xi32> to vector<1x16xi32>
    tpu.vector_store %arg11[%swap3A_1941, %swap3A_1942], %swap3A_1945 {strides = array<i32>} : memref<20x128xi32, #tpu.memory_space<vmem>>, vector<1x16xi32>,
    %add3A_1946 = arith.constant 2097152 : i32
    %add3A_1947 = vector.broadcast %add3A_1946 : i32 to vector<16xi32>
    %add3A_1948 = arith.addi %get3A_1918, %add3A_1947 : vector<16xi32>
    %swap3A_1949 = arith.constant 14 : i32
    %swap3A_1950 = arith.index_cast %swap3A_1949 : i32 to index
    %swap3A_1951 = arith.constant 96 : index
    %swap3A_1952 = tpu.vector_load %arg11[%swap3A_1950, %swap3A_1951] {strides = array<i32>} : memref<20x128xi32, #tpu.memory_space<vmem>>, vector<1x16xi32>,
    %swap3A_1953 = vector.shape_cast %swap3A_1952 : vector<1x16xi32> to vector<16xi32>
    %swap3A_1954 = vector.shape_cast %add3A_1948 : vector<16xi32> to vector<1x16xi32>
    tpu.vector_store %arg11[%swap3A_1950, %swap3A_1951], %swap3A_1954 {strides = array<i32>} : memref<20x128xi32, #tpu.memory_space<vmem>>, vector<1x16xi32>,
    %add3A_1955 = arith.constant 3145728 : i32
    %add3A_1956 = vector.broadcast %add3A_1955 : i32 to vector<16xi32>
    %add3A_1957 = arith.addi %get3A_1918, %add3A_1956 : vector<16xi32>
    %swap3A_1958 = arith.constant 19 : i32
    %swap3A_1959 = arith.index_cast %swap3A_1958 : i32 to index
    %swap3A_1960 = arith.constant 96 : index
    %swap3A_1961 = tpu.vector_load %arg11[%swap3A_1959, %swap3A_1960] {strides = array<i32>} : memref<20x128xi32, #tpu.memory_space<vmem>>, vector<1x16xi32>,
    %swap3A_1962 = vector.shape_cast %swap3A_1961 : vector<1x16xi32> to vector<16xi32>
    %swap3A_1963 = vector.shape_cast %add3A_1957 : vector<16xi32> to vector<1x16xi32>
    tpu.vector_store %arg11[%swap3A_1959, %swap3A_1960], %swap3A_1963 {strides = array<i32>} : memref<20x128xi32, #tpu.memory_space<vmem>>, vector<1x16xi32>,
    %get3A_1964 = arith.constant 4 : i32
    %get3A_1965 = arith.index_cast %get3A_1964 : i32 to index
    %get3A_1966 = arith.constant 112 : index
    %get3A_1967 = tpu.vector_load %arg9[%get3A_1965, %get3A_1966] {strides = array<i32>} : memref<5x128xi32, #tpu.memory_space<vmem>>, vector<1x16xi32>,
    %get3A_1968 = vector.shape_cast %get3A_1967 : vector<1x16xi32> to vector<16xi32>
    %and3A_1969 = arith.constant 1023 : i32
    %and3A_1970 = vector.broadcast %and3A_1969 : i32 to vector<16xi32>
    %and3A_1971 = arith.andi %get3A_1968, %and3A_1970 : vector<16xi32>
    %swap3A_1972 = arith.constant 4 : i32
    %swap3A_1973 = arith.index_cast %swap3A_1972 : i32 to index
    %swap3A_1974 = arith.constant 112 : index
    %swap3A_1975 = tpu.vector_load %arg10[%swap3A_1973, %swap3A_1974] {strides = array<i32>} : memref<5x128xi32, #tpu.memory_space<vmem>>, vector<1x16xi32>,
    %swap3A_1976 = vector.shape_cast %swap3A_1975 : vector<1x16xi32> to vector<16xi32>
    %swap3A_1977 = vector.shape_cast %and3A_1971 : vector<16xi32> to vector<1x16xi32>
    tpu.vector_store %arg10[%swap3A_1973, %swap3A_1974], %swap3A_1977 {strides = array<i32>} : memref<5x128xi32, #tpu.memory_space<vmem>>, vector<1x16xi32>,
    %add3A_1978 = arith.constant 0 : i32
    %add3A_1979 = vector.broadcast %add3A_1978 : i32 to vector<16xi32>
    %add3A_1980 = arith.addi %get3A_1968, %add3A_1979 : vector<16xi32>
    %swap3A_1981 = arith.constant 4 : i32
    %swap3A_1982 = arith.index_cast %swap3A_1981 : i32 to index
    %swap3A_1983 = arith.constant 112 : index
    %swap3A_1984 = tpu.vector_load %arg11[%swap3A_1982, %swap3A_1983] {strides = array<i32>} : memref<20x128xi32, #tpu.memory_space<vmem>>, vector<1x16xi32>,
    %swap3A_1985 = vector.shape_cast %swap3A_1984 : vector<1x16xi32> to vector<16xi32>
    %swap3A_1986 = vector.shape_cast %add3A_1980 : vector<16xi32> to vector<1x16xi32>
    tpu.vector_store %arg11[%swap3A_1982, %swap3A_1983], %swap3A_1986 {strides = array<i32>} : memref<20x128xi32, #tpu.memory_space<vmem>>, vector<1x16xi32>,
    %add3A_1987 = arith.constant 1048576 : i32
    %add3A_1988 = vector.broadcast %add3A_1987 : i32 to vector<16xi32>
    %add3A_1989 = arith.addi %get3A_1968, %add3A_1988 : vector<16xi32>
    %swap3A_1990 = arith.constant 9 : i32
    %swap3A_1991 = arith.index_cast %swap3A_1990 : i32 to index
    %swap3A_1992 = arith.constant 112 : index
    %swap3A_1993 = tpu.vector_load %arg11[%swap3A_1991, %swap3A_1992] {strides = array<i32>} : memref<20x128xi32, #tpu.memory_space<vmem>>, vector<1x16xi32>,
    %swap3A_1994 = vector.shape_cast %swap3A_1993 : vector<1x16xi32> to vector<16xi32>
    %swap3A_1995 = vector.shape_cast %add3A_1989 : vector<16xi32> to vector<1x16xi32>
    tpu.vector_store %arg11[%swap3A_1991, %swap3A_1992], %swap3A_1995 {strides = array<i32>} : memref<20x128xi32, #tpu.memory_space<vmem>>, vector<1x16xi32>,
    %add3A_1996 = arith.constant 2097152 : i32
    %add3A_1997 = vector.broadcast %add3A_1996 : i32 to vector<16xi32>
    %add3A_1998 = arith.addi %get3A_1968, %add3A_1997 : vector<16xi32>
    %swap3A_1999 = arith.constant 14 : i32
    %swap3A_2000 = arith.index_cast %swap3A_1999 : i32 to index
    %swap3A_2001 = arith.constant 112 : index
    %swap3A_2002 = tpu.vector_load %arg11[%swap3A_2000, %swap3A_2001] {strides = array<i32>} : memref<20x128xi32, #tpu.memory_space<vmem>>, vector<1x16xi32>,
    %swap3A_2003 = vector.shape_cast %swap3A_2002 : vector<1x16xi32> to vector<16xi32>
    %swap3A_2004 = vector.shape_cast %add3A_1998 : vector<16xi32> to vector<1x16xi32>
    tpu.vector_store %arg11[%swap3A_2000, %swap3A_2001], %swap3A_2004 {strides = array<i32>} : memref<20x128xi32, #tpu.memory_space<vmem>>, vector<1x16xi32>,
    %add3A_2005 = arith.constant 3145728 : i32
    %add3A_2006 = vector.broadcast %add3A_2005 : i32 to vector<16xi32>
    %add3A_2007 = arith.addi %get3A_1968, %add3A_2006 : vector<16xi32>
    %swap3A_2008 = arith.constant 19 : i32
    %swap3A_2009 = arith.index_cast %swap3A_2008 : i32 to index
    %swap3A_2010 = arith.constant 112 : index
    %swap3A_2011 = tpu.vector_load %arg11[%swap3A_2009, %swap3A_2010] {strides = array<i32>} : memref<20x128xi32, #tpu.memory_space<vmem>>, vector<1x16xi32>,
    %swap3A_2012 = vector.shape_cast %swap3A_2011 : vector<1x16xi32> to vector<16xi32>
    %swap3A_2013 = vector.shape_cast %add3A_2007 : vector<16xi32> to vector<1x16xi32>
    tpu.vector_store %arg11[%swap3A_2009, %swap3A_2010], %swap3A_2013 {strides = array<i32>} : memref<20x128xi32, #tpu.memory_space<vmem>>, vector<1x16xi32>,
    %dma_start3A = arith.constant 0 : i32
    %dma_start3A_2014 = arith.constant 0 : i32
    %dma_start3A_2015 = arith.constant 0 : i32
    %dma_start3A_2016 = tpu.memref_slice %arg14[%dma_start3A_2014, %dma_start3A_2015] : memref<640x128xf32, #tpu.memory_space<vmem>> -> memref<128x128xf32, #tpu.memory_space<vmem>>
    %dma_start3A_2017 = arith.constant 0 : i32
    %dma_start3A_2018 = tpu.memref_slice %arg10[%dma_start3A, %dma_start3A_2017] : memref<5x128xi32, #tpu.memory_space<vmem>> -> memref<1x128xi32, #tpu.memory_space<vmem>>
    %dma_start3A_2019 = tpu.memref_squeeze %dma_start3A_2018 : memref<1x128xi32, #tpu.memory_space<vmem>> -> memref<128xi32, #tpu.memory_space<vmem>>
    %dma_start3A_2020 = arith.constant 0 : i32
    %dma_start3A_2021 = arith.constant 0 : i32
    %dma_start3A_2022 = tpu.memref_slice %arg5[%dma_start3A_2020, %dma_start3A_2021] : memref<1024x128xf32, #tpu.memory_space<hbm>> -> memref<1024x128xf32, #tpu.memory_space<hbm>>
    tpu.enqueue_indirect_dma source(%dma_start3A_2022 : memref<1024x128xf32, #tpu.memory_space<hbm>>) target(%dma_start3A_2016 : memref<128x128xf32, #tpu.memory_space<vmem>>) offsets(%dma_start3A_2019 : memref<128xi32, #tpu.memory_space<vmem>>) semaphore(%arg15 : memref<!tpu.dma_semaphore, #tpu.memory_space<semaphore_mem>>)
    %dma_start3A_2023 = arith.constant 0 : i32
    %dma_start3A_2024 = arith.constant 0 : i32
    %dma_start3A_2025 = tpu.memref_slice %arg12[%dma_start3A_2024] : memref<640xf32, #tpu.memory_space<vmem>> -> memref<128xf32, #tpu.memory_space<vmem>>
    %dma_start3A_2026 = arith.constant 0 : i32
    %dma_start3A_2027 = tpu.memref_slice %arg9[%dma_start3A_2023, %dma_start3A_2026] : memref<5x128xi32, #tpu.memory_space<vmem>> -> memref<1x128xi32, #tpu.memory_space<vmem>>
    %dma_start3A_2028 = tpu.memref_squeeze %dma_start3A_2027 : memref<1x128xi32, #tpu.memory_space<vmem>> -> memref<128xi32, #tpu.memory_space<vmem>>
    %dma_start3A_2029 = arith.constant 0 : i32
    %dma_start3A_2030 = tpu.memref_slice %arg3[%dma_start3A_2029] : memref<1048576xf32, #tpu.memory_space<hbm>> -> memref<1048576xf32, #tpu.memory_space<hbm>>
    tpu.enqueue_indirect_dma source(%dma_start3A_2030 : memref<1048576xf32, #tpu.memory_space<hbm>>) target(%dma_start3A_2025 : memref<128xf32, #tpu.memory_space<vmem>>) offsets(%dma_start3A_2028 : memref<128xi32, #tpu.memory_space<vmem>>) semaphore(%arg15 : memref<!tpu.dma_semaphore, #tpu.memory_space<semaphore_mem>>)
    %dma_start3A_2031 = arith.constant 0 : i32
    %dma_start3A_2032 = arith.constant 0 : i32
    %dma_start3A_2033 = arith.constant 0 : i32
    %dma_start3A_2034 = tpu.memref_slice %arg13[%dma_start3A_2032, %dma_start3A_2033] : memref<4x640xf32, #tpu.memory_space<vmem>> -> memref<1x128xf32, #tpu.memory_space<vmem>>
    %dma_start3A_2035 = tpu.memref_squeeze %dma_start3A_2034 : memref<1x128xf32, #tpu.memory_space<vmem>> -> memref<128xf32, #tpu.memory_space<vmem>>
    %dma_start3A_2036 = arith.constant 0 : i32
    %dma_start3A_2037 = tpu.memref_slice %arg11[%dma_start3A_2031, %dma_start3A_2036] : memref<20x128xi32, #tpu.memory_space<vmem>> -> memref<1x128xi32, #tpu.memory_space<vmem>>
    %dma_start3A_2038 = tpu.memref_squeeze %dma_start3A_2037 : memref<1x128xi32, #tpu.memory_space<vmem>> -> memref<128xi32, #tpu.memory_space<vmem>>
    %dma_start3A_2039 = arith.constant 0 : i32
    %dma_start3A_2040 = tpu.memref_slice %arg4[%dma_start3A_2039] : memref<4194304xf32, #tpu.memory_space<hbm>> -> memref<4194304xf32, #tpu.memory_space<hbm>>
    tpu.enqueue_indirect_dma source(%dma_start3A_2040 : memref<4194304xf32, #tpu.memory_space<hbm>>) target(%dma_start3A_2035 : memref<128xf32, #tpu.memory_space<vmem>>) offsets(%dma_start3A_2038 : memref<128xi32, #tpu.memory_space<vmem>>) semaphore(%arg15 : memref<!tpu.dma_semaphore, #tpu.memory_space<semaphore_mem>>)
    %dma_start3A_2041 = arith.constant 5 : i32
    %dma_start3A_2042 = arith.constant 1 : i32
    %dma_start3A_2043 = arith.constant 0 : i32
    %dma_start3A_2044 = tpu.memref_slice %arg13[%dma_start3A_2042, %dma_start3A_2043] : memref<4x640xf32, #tpu.memory_space<vmem>> -> memref<1x128xf32, #tpu.memory_space<vmem>>
    %dma_start3A_2045 = tpu.memref_squeeze %dma_start3A_2044 : memref<1x128xf32, #tpu.memory_space<vmem>> -> memref<128xf32, #tpu.memory_space<vmem>>
    %dma_start3A_2046 = arith.constant 0 : i32
    %dma_start3A_2047 = tpu.memref_slice %arg11[%dma_start3A_2041, %dma_start3A_2046] : memref<20x128xi32, #tpu.memory_space<vmem>> -> memref<1x128xi32, #tpu.memory_space<vmem>>
    %dma_start3A_2048 = tpu.memref_squeeze %dma_start3A_2047 : memref<1x128xi32, #tpu.memory_space<vmem>> -> memref<128xi32, #tpu.memory_space<vmem>>
    %dma_start3A_2049 = arith.constant 0 : i32
    %dma_start3A_2050 = tpu.memref_slice %arg4[%dma_start3A_2049] : memref<4194304xf32, #tpu.memory_space<hbm>> -> memref<4194304xf32, #tpu.memory_space<hbm>>
    tpu.enqueue_indirect_dma source(%dma_start3A_2050 : memref<4194304xf32, #tpu.memory_space<hbm>>) target(%dma_start3A_2045 : memref<128xf32, #tpu.memory_space<vmem>>) offsets(%dma_start3A_2048 : memref<128xi32, #tpu.memory_space<vmem>>) semaphore(%arg15 : memref<!tpu.dma_semaphore, #tpu.memory_space<semaphore_mem>>)
    %dma_start3A_2051 = arith.constant 10 : i32
    %dma_start3A_2052 = arith.constant 2 : i32
    %dma_start3A_2053 = arith.constant 0 : i32
    %dma_start3A_2054 = tpu.memref_slice %arg13[%dma_start3A_2052, %dma_start3A_2053] : memref<4x640xf32, #tpu.memory_space<vmem>> -> memref<1x128xf32, #tpu.memory_space<vmem>>
    %dma_start3A_2055 = tpu.memref_squeeze %dma_start3A_2054 : memref<1x128xf32, #tpu.memory_space<vmem>> -> memref<128xf32, #tpu.memory_space<vmem>>
    %dma_start3A_2056 = arith.constant 0 : i32
    %dma_start3A_2057 = tpu.memref_slice %arg11[%dma_start3A_2051, %dma_start3A_2056] : memref<20x128xi32, #tpu.memory_space<vmem>> -> memref<1x128xi32, #tpu.memory_space<vmem>>
    %dma_start3A_2058 = tpu.memref_squeeze %dma_start3A_2057 : memref<1x128xi32, #tpu.memory_space<vmem>> -> memref<128xi32, #tpu.memory_space<vmem>>
    %dma_start3A_2059 = arith.constant 0 : i32
    %dma_start3A_2060 = tpu.memref_slice %arg4[%dma_start3A_2059] : memref<4194304xf32, #tpu.memory_space<hbm>> -> memref<4194304xf32, #tpu.memory_space<hbm>>
    tpu.enqueue_indirect_dma source(%dma_start3A_2060 : memref<4194304xf32, #tpu.memory_space<hbm>>) target(%dma_start3A_2055 : memref<128xf32, #tpu.memory_space<vmem>>) offsets(%dma_start3A_2058 : memref<128xi32, #tpu.memory_space<vmem>>) semaphore(%arg15 : memref<!tpu.dma_semaphore, #tpu.memory_space<semaphore_mem>>)
    %dma_start3A_2061 = arith.constant 15 : i32
    %dma_start3A_2062 = arith.constant 3 : i32
    %dma_start3A_2063 = arith.constant 0 : i32
    %dma_start3A_2064 = tpu.memref_slice %arg13[%dma_start3A_2062, %dma_start3A_2063] : memref<4x640xf32, #tpu.memory_space<vmem>> -> memref<1x128xf32, #tpu.memory_space<vmem>>
    %dma_start3A_2065 = tpu.memref_squeeze %dma_start3A_2064 : memref<1x128xf32, #tpu.memory_space<vmem>> -> memref<128xf32, #tpu.memory_space<vmem>>
    %dma_start3A_2066 = arith.constant 0 : i32
    %dma_start3A_2067 = tpu.memref_slice %arg11[%dma_start3A_2061, %dma_start3A_2066] : memref<20x128xi32, #tpu.memory_space<vmem>> -> memref<1x128xi32, #tpu.memory_space<vmem>>
    %dma_start3A_2068 = tpu.memref_squeeze %dma_start3A_2067 : memref<1x128xi32, #tpu.memory_space<vmem>> -> memref<128xi32, #tpu.memory_space<vmem>>
    %dma_start3A_2069 = arith.constant 0 : i32
    %dma_start3A_2070 = tpu.memref_slice %arg4[%dma_start3A_2069] : memref<4194304xf32, #tpu.memory_space<hbm>> -> memref<4194304xf32, #tpu.memory_space<hbm>>
    tpu.enqueue_indirect_dma source(%dma_start3A_2070 : memref<4194304xf32, #tpu.memory_space<hbm>>) target(%dma_start3A_2065 : memref<128xf32, #tpu.memory_space<vmem>>) offsets(%dma_start3A_2068 : memref<128xi32, #tpu.memory_space<vmem>>) semaphore(%arg15 : memref<!tpu.dma_semaphore, #tpu.memory_space<semaphore_mem>>)
    %dma_start3A_2071 = arith.constant 1 : i32
    %dma_start3A_2072 = arith.constant 128 : i32
    %dma_start3A_2073 = arith.constant 0 : i32
    %dma_start3A_2074 = tpu.memref_slice %arg14[%dma_start3A_2072, %dma_start3A_2073] : memref<640x128xf32, #tpu.memory_space<vmem>> -> memref<128x128xf32, #tpu.memory_space<vmem>>
    %dma_start3A_2075 = arith.constant 0 : i32
    %dma_start3A_2076 = tpu.memref_slice %arg10[%dma_start3A_2071, %dma_start3A_2075] : memref<5x128xi32, #tpu.memory_space<vmem>> -> memref<1x128xi32, #tpu.memory_space<vmem>>
    %dma_start3A_2077 = tpu.memref_squeeze %dma_start3A_2076 : memref<1x128xi32, #tpu.memory_space<vmem>> -> memref<128xi32, #tpu.memory_space<vmem>>
    %dma_start3A_2078 = arith.constant 0 : i32
    %dma_start3A_2079 = arith.constant 0 : i32
    %dma_start3A_2080 = tpu.memref_slice %arg5[%dma_start3A_2078, %dma_start3A_2079] : memref<1024x128xf32, #tpu.memory_space<hbm>> -> memref<1024x128xf32, #tpu.memory_space<hbm>>
    tpu.enqueue_indirect_dma source(%dma_start3A_2080 : memref<1024x128xf32, #tpu.memory_space<hbm>>) target(%dma_start3A_2074 : memref<128x128xf32, #tpu.memory_space<vmem>>) offsets(%dma_start3A_2077 : memref<128xi32, #tpu.memory_space<vmem>>) semaphore(%arg15 : memref<!tpu.dma_semaphore, #tpu.memory_space<semaphore_mem>>)
    %dma_start3A_2081 = arith.constant 1 : i32
    %dma_start3A_2082 = arith.constant 128 : i32
    %dma_start3A_2083 = tpu.memref_slice %arg12[%dma_start3A_2082] : memref<640xf32, #tpu.memory_space<vmem>> -> memref<128xf32, #tpu.memory_space<vmem>>
    %dma_start3A_2084 = arith.constant 0 : i32
    %dma_start3A_2085 = tpu.memref_slice %arg9[%dma_start3A_2081, %dma_start3A_2084] : memref<5x128xi32, #tpu.memory_space<vmem>> -> memref<1x128xi32, #tpu.memory_space<vmem>>
    %dma_start3A_2086 = tpu.memref_squeeze %dma_start3A_2085 : memref<1x128xi32, #tpu.memory_space<vmem>> -> memref<128xi32, #tpu.memory_space<vmem>>
    %dma_start3A_2087 = arith.constant 0 : i32
    %dma_start3A_2088 = tpu.memref_slice %arg3[%dma_start3A_2087] : memref<1048576xf32, #tpu.memory_space<hbm>> -> memref<1048576xf32, #tpu.memory_space<hbm>>
    tpu.enqueue_indirect_dma source(%dma_start3A_2088 : memref<1048576xf32, #tpu.memory_space<hbm>>) target(%dma_start3A_2083 : memref<128xf32, #tpu.memory_space<vmem>>) offsets(%dma_start3A_2086 : memref<128xi32, #tpu.memory_space<vmem>>) semaphore(%arg15 : memref<!tpu.dma_semaphore, #tpu.memory_space<semaphore_mem>>)
    %dma_start3A_2089 = arith.constant 1 : i32
    %dma_start3A_2090 = arith.constant 0 : i32
    %dma_start3A_2091 = arith.constant 128 : i32
    %dma_start3A_2092 = tpu.memref_slice %arg13[%dma_start3A_2090, %dma_start3A_2091] : memref<4x640xf32, #tpu.memory_space<vmem>> -> memref<1x128xf32, #tpu.memory_space<vmem>>
    %dma_start3A_2093 = tpu.memref_squeeze %dma_start3A_2092 : memref<1x128xf32, #tpu.memory_space<vmem>> -> memref<128xf32, #tpu.memory_space<vmem>>
    %dma_start3A_2094 = arith.constant 0 : i32
    %dma_start3A_2095 = tpu.memref_slice %arg11[%dma_start3A_2089, %dma_start3A_2094] : memref<20x128xi32, #tpu.memory_space<vmem>> -> memref<1x128xi32, #tpu.memory_space<vmem>>
    %dma_start3A_2096 = tpu.memref_squeeze %dma_start3A_2095 : memref<1x128xi32, #tpu.memory_space<vmem>> -> memref<128xi32, #tpu.memory_space<vmem>>
    %dma_start3A_2097 = arith.constant 0 : i32
    %dma_start3A_2098 = tpu.memref_slice %arg4[%dma_start3A_2097] : memref<4194304xf32, #tpu.memory_space<hbm>> -> memref<4194304xf32, #tpu.memory_space<hbm>>
    tpu.enqueue_indirect_dma source(%dma_start3A_2098 : memref<4194304xf32, #tpu.memory_space<hbm>>) target(%dma_start3A_2093 : memref<128xf32, #tpu.memory_space<vmem>>) offsets(%dma_start3A_2096 : memref<128xi32, #tpu.memory_space<vmem>>) semaphore(%arg15 : memref<!tpu.dma_semaphore, #tpu.memory_space<semaphore_mem>>)
    %dma_start3A_2099 = arith.constant 6 : i32
    %dma_start3A_2100 = arith.constant 1 : i32
    %dma_start3A_2101 = arith.constant 128 : i32
    %dma_start3A_2102 = tpu.memref_slice %arg13[%dma_start3A_2100, %dma_start3A_2101] : memref<4x640xf32, #tpu.memory_space<vmem>> -> memref<1x128xf32, #tpu.memory_space<vmem>>
    %dma_start3A_2103 = tpu.memref_squeeze %dma_start3A_2102 : memref<1x128xf32, #tpu.memory_space<vmem>> -> memref<128xf32, #tpu.memory_space<vmem>>
    %dma_start3A_2104 = arith.constant 0 : i32
    %dma_start3A_2105 = tpu.memref_slice %arg11[%dma_start3A_2099, %dma_start3A_2104] : memref<20x128xi32, #tpu.memory_space<vmem>> -> memref<1x128xi32, #tpu.memory_space<vmem>>
    %dma_start3A_2106 = tpu.memref_squeeze %dma_start3A_2105 : memref<1x128xi32, #tpu.memory_space<vmem>> -> memref<128xi32, #tpu.memory_space<vmem>>
    %dma_start3A_2107 = arith.constant 0 : i32
    %dma_start3A_2108 = tpu.memref_slice %arg4[%dma_start3A_2107] : memref<4194304xf32, #tpu.memory_space<hbm>> -> memref<4194304xf32, #tpu.memory_space<hbm>>
    tpu.enqueue_indirect_dma source(%dma_start3A_2108 : memref<4194304xf32, #tpu.memory_space<hbm>>) target(%dma_start3A_2103 : memref<128xf32, #tpu.memory_space<vmem>>) offsets(%dma_start3A_2106 : memref<128xi32, #tpu.memory_space<vmem>>) semaphore(%arg15 : memref<!tpu.dma_semaphore, #tpu.memory_space<semaphore_mem>>)
    %dma_start3A_2109 = arith.constant 11 : i32
    %dma_start3A_2110 = arith.constant 2 : i32
    %dma_start3A_2111 = arith.constant 128 : i32
    %dma_start3A_2112 = tpu.memref_slice %arg13[%dma_start3A_2110, %dma_start3A_2111] : memref<4x640xf32, #tpu.memory_space<vmem>> -> memref<1x128xf32, #tpu.memory_space<vmem>>
    %dma_start3A_2113 = tpu.memref_squeeze %dma_start3A_2112 : memref<1x128xf32, #tpu.memory_space<vmem>> -> memref<128xf32, #tpu.memory_space<vmem>>
    %dma_start3A_2114 = arith.constant 0 : i32
    %dma_start3A_2115 = tpu.memref_slice %arg11[%dma_start3A_2109, %dma_start3A_2114] : memref<20x128xi32, #tpu.memory_space<vmem>> -> memref<1x128xi32, #tpu.memory_space<vmem>>
    %dma_start3A_2116 = tpu.memref_squeeze %dma_start3A_2115 : memref<1x128xi32, #tpu.memory_space<vmem>> -> memref<128xi32, #tpu.memory_space<vmem>>
    %dma_start3A_2117 = arith.constant 0 : i32
    %dma_start3A_2118 = tpu.memref_slice %arg4[%dma_start3A_2117] : memref<4194304xf32, #tpu.memory_space<hbm>> -> memref<4194304xf32, #tpu.memory_space<hbm>>
    tpu.enqueue_indirect_dma source(%dma_start3A_2118 : memref<4194304xf32, #tpu.memory_space<hbm>>) target(%dma_start3A_2113 : memref<128xf32, #tpu.memory_space<vmem>>) offsets(%dma_start3A_2116 : memref<128xi32, #tpu.memory_space<vmem>>) semaphore(%arg15 : memref<!tpu.dma_semaphore, #tpu.memory_space<semaphore_mem>>)
    %dma_start3A_2119 = arith.constant 16 : i32
    %dma_start3A_2120 = arith.constant 3 : i32
    %dma_start3A_2121 = arith.constant 128 : i32
    %dma_start3A_2122 = tpu.memref_slice %arg13[%dma_start3A_2120, %dma_start3A_2121] : memref<4x640xf32, #tpu.memory_space<vmem>> -> memref<1x128xf32, #tpu.memory_space<vmem>>
    %dma_start3A_2123 = tpu.memref_squeeze %dma_start3A_2122 : memref<1x128xf32, #tpu.memory_space<vmem>> -> memref<128xf32, #tpu.memory_space<vmem>>
    %dma_start3A_2124 = arith.constant 0 : i32
    %dma_start3A_2125 = tpu.memref_slice %arg11[%dma_start3A_2119, %dma_start3A_2124] : memref<20x128xi32, #tpu.memory_space<vmem>> -> memref<1x128xi32, #tpu.memory_space<vmem>>
    %dma_start3A_2126 = tpu.memref_squeeze %dma_start3A_2125 : memref<1x128xi32, #tpu.memory_space<vmem>> -> memref<128xi32, #tpu.memory_space<vmem>>
    %dma_start3A_2127 = arith.constant 0 : i32
    %dma_start3A_2128 = tpu.memref_slice %arg4[%dma_start3A_2127] : memref<4194304xf32, #tpu.memory_space<hbm>> -> memref<4194304xf32, #tpu.memory_space<hbm>>
    tpu.enqueue_indirect_dma source(%dma_start3A_2128 : memref<4194304xf32, #tpu.memory_space<hbm>>) target(%dma_start3A_2123 : memref<128xf32, #tpu.memory_space<vmem>>) offsets(%dma_start3A_2126 : memref<128xi32, #tpu.memory_space<vmem>>) semaphore(%arg15 : memref<!tpu.dma_semaphore, #tpu.memory_space<semaphore_mem>>)
    %dma_start3A_2129 = arith.constant 2 : i32
    %dma_start3A_2130 = arith.constant 256 : i32
    %dma_start3A_2131 = arith.constant 0 : i32
    %dma_start3A_2132 = tpu.memref_slice %arg14[%dma_start3A_2130, %dma_start3A_2131] : memref<640x128xf32, #tpu.memory_space<vmem>> -> memref<128x128xf32, #tpu.memory_space<vmem>>
    %dma_start3A_2133 = arith.constant 0 : i32
    %dma_start3A_2134 = tpu.memref_slice %arg10[%dma_start3A_2129, %dma_start3A_2133] : memref<5x128xi32, #tpu.memory_space<vmem>> -> memref<1x128xi32, #tpu.memory_space<vmem>>
    %dma_start3A_2135 = tpu.memref_squeeze %dma_start3A_2134 : memref<1x128xi32, #tpu.memory_space<vmem>> -> memref<128xi32, #tpu.memory_space<vmem>>
    %dma_start3A_2136 = arith.constant 0 : i32
    %dma_start3A_2137 = arith.constant 0 : i32
    %dma_start3A_2138 = tpu.memref_slice %arg5[%dma_start3A_2136, %dma_start3A_2137] : memref<1024x128xf32, #tpu.memory_space<hbm>> -> memref<1024x128xf32, #tpu.memory_space<hbm>>
    tpu.enqueue_indirect_dma source(%dma_start3A_2138 : memref<1024x128xf32, #tpu.memory_space<hbm>>) target(%dma_start3A_2132 : memref<128x128xf32, #tpu.memory_space<vmem>>) offsets(%dma_start3A_2135 : memref<128xi32, #tpu.memory_space<vmem>>) semaphore(%arg15 : memref<!tpu.dma_semaphore, #tpu.memory_space<semaphore_mem>>)
    %dma_start3A_2139 = arith.constant 2 : i32
    %dma_start3A_2140 = arith.constant 256 : i32
    %dma_start3A_2141 = tpu.memref_slice %arg12[%dma_start3A_2140] : memref<640xf32, #tpu.memory_space<vmem>> -> memref<128xf32, #tpu.memory_space<vmem>>
    %dma_start3A_2142 = arith.constant 0 : i32
    %dma_start3A_2143 = tpu.memref_slice %arg9[%dma_start3A_2139, %dma_start3A_2142] : memref<5x128xi32, #tpu.memory_space<vmem>> -> memref<1x128xi32, #tpu.memory_space<vmem>>
    %dma_start3A_2144 = tpu.memref_squeeze %dma_start3A_2143 : memref<1x128xi32, #tpu.memory_space<vmem>> -> memref<128xi32, #tpu.memory_space<vmem>>
    %dma_start3A_2145 = arith.constant 0 : i32
    %dma_start3A_2146 = tpu.memref_slice %arg3[%dma_start3A_2145] : memref<1048576xf32, #tpu.memory_space<hbm>> -> memref<1048576xf32, #tpu.memory_space<hbm>>
    tpu.enqueue_indirect_dma source(%dma_start3A_2146 : memref<1048576xf32, #tpu.memory_space<hbm>>) target(%dma_start3A_2141 : memref<128xf32, #tpu.memory_space<vmem>>) offsets(%dma_start3A_2144 : memref<128xi32, #tpu.memory_space<vmem>>) semaphore(%arg15 : memref<!tpu.dma_semaphore, #tpu.memory_space<semaphore_mem>>)
    %dma_start3A_2147 = arith.constant 2 : i32
    %dma_start3A_2148 = arith.constant 0 : i32
    %dma_start3A_2149 = arith.constant 256 : i32
    %dma_start3A_2150 = tpu.memref_slice %arg13[%dma_start3A_2148, %dma_start3A_2149] : memref<4x640xf32, #tpu.memory_space<vmem>> -> memref<1x128xf32, #tpu.memory_space<vmem>>
    %dma_start3A_2151 = tpu.memref_squeeze %dma_start3A_2150 : memref<1x128xf32, #tpu.memory_space<vmem>> -> memref<128xf32, #tpu.memory_space<vmem>>
    %dma_start3A_2152 = arith.constant 0 : i32
    %dma_start3A_2153 = tpu.memref_slice %arg11[%dma_start3A_2147, %dma_start3A_2152] : memref<20x128xi32, #tpu.memory_space<vmem>> -> memref<1x128xi32, #tpu.memory_space<vmem>>
    %dma_start3A_2154 = tpu.memref_squeeze %dma_start3A_2153 : memref<1x128xi32, #tpu.memory_space<vmem>> -> memref<128xi32, #tpu.memory_space<vmem>>
    %dma_start3A_2155 = arith.constant 0 : i32
    %dma_start3A_2156 = tpu.memref_slice %arg4[%dma_start3A_2155] : memref<4194304xf32, #tpu.memory_space<hbm>> -> memref<4194304xf32, #tpu.memory_space<hbm>>
    tpu.enqueue_indirect_dma source(%dma_start3A_2156 : memref<4194304xf32, #tpu.memory_space<hbm>>) target(%dma_start3A_2151 : memref<128xf32, #tpu.memory_space<vmem>>) offsets(%dma_start3A_2154 : memref<128xi32, #tpu.memory_space<vmem>>) semaphore(%arg15 : memref<!tpu.dma_semaphore, #tpu.memory_space<semaphore_mem>>)
    %dma_start3A_2157 = arith.constant 7 : i32
    %dma_start3A_2158 = arith.constant 1 : i32
    %dma_start3A_2159 = arith.constant 256 : i32
    %dma_start3A_2160 = tpu.memref_slice %arg13[%dma_start3A_2158, %dma_start3A_2159] : memref<4x640xf32, #tpu.memory_space<vmem>> -> memref<1x128xf32, #tpu.memory_space<vmem>>
    %dma_start3A_2161 = tpu.memref_squeeze %dma_start3A_2160 : memref<1x128xf32, #tpu.memory_space<vmem>> -> memref<128xf32, #tpu.memory_space<vmem>>
    %dma_start3A_2162 = arith.constant 0 : i32
    %dma_start3A_2163 = tpu.memref_slice %arg11[%dma_start3A_2157, %dma_start3A_2162] : memref<20x128xi32, #tpu.memory_space<vmem>> -> memref<1x128xi32, #tpu.memory_space<vmem>>
    %dma_start3A_2164 = tpu.memref_squeeze %dma_start3A_2163 : memref<1x128xi32, #tpu.memory_space<vmem>> -> memref<128xi32, #tpu.memory_space<vmem>>
    %dma_start3A_2165 = arith.constant 0 : i32
    %dma_start3A_2166 = tpu.memref_slice %arg4[%dma_start3A_2165] : memref<4194304xf32, #tpu.memory_space<hbm>> -> memref<4194304xf32, #tpu.memory_space<hbm>>
    tpu.enqueue_indirect_dma source(%dma_start3A_2166 : memref<4194304xf32, #tpu.memory_space<hbm>>) target(%dma_start3A_2161 : memref<128xf32, #tpu.memory_space<vmem>>) offsets(%dma_start3A_2164 : memref<128xi32, #tpu.memory_space<vmem>>) semaphore(%arg15 : memref<!tpu.dma_semaphore, #tpu.memory_space<semaphore_mem>>)
    %dma_start3A_2167 = arith.constant 12 : i32
    %dma_start3A_2168 = arith.constant 2 : i32
    %dma_start3A_2169 = arith.constant 256 : i32
    %dma_start3A_2170 = tpu.memref_slice %arg13[%dma_start3A_2168, %dma_start3A_2169] : memref<4x640xf32, #tpu.memory_space<vmem>> -> memref<1x128xf32, #tpu.memory_space<vmem>>
    %dma_start3A_2171 = tpu.memref_squeeze %dma_start3A_2170 : memref<1x128xf32, #tpu.memory_space<vmem>> -> memref<128xf32, #tpu.memory_space<vmem>>
    %dma_start3A_2172 = arith.constant 0 : i32
    %dma_start3A_2173 = tpu.memref_slice %arg11[%dma_start3A_2167, %dma_start3A_2172] : memref<20x128xi32, #tpu.memory_space<vmem>> -> memref<1x128xi32, #tpu.memory_space<vmem>>
    %dma_start3A_2174 = tpu.memref_squeeze %dma_start3A_2173 : memref<1x128xi32, #tpu.memory_space<vmem>> -> memref<128xi32, #tpu.memory_space<vmem>>
    %dma_start3A_2175 = arith.constant 0 : i32
    %dma_start3A_2176 = tpu.memref_slice %arg4[%dma_start3A_2175] : memref<4194304xf32, #tpu.memory_space<hbm>> -> memref<4194304xf32, #tpu.memory_space<hbm>>
    tpu.enqueue_indirect_dma source(%dma_start3A_2176 : memref<4194304xf32, #tpu.memory_space<hbm>>) target(%dma_start3A_2171 : memref<128xf32, #tpu.memory_space<vmem>>) offsets(%dma_start3A_2174 : memref<128xi32, #tpu.memory_space<vmem>>) semaphore(%arg15 : memref<!tpu.dma_semaphore, #tpu.memory_space<semaphore_mem>>)
    %dma_start3A_2177 = arith.constant 17 : i32
    %dma_start3A_2178 = arith.constant 3 : i32
    %dma_start3A_2179 = arith.constant 256 : i32
    %dma_start3A_2180 = tpu.memref_slice %arg13[%dma_start3A_2178, %dma_start3A_2179] : memref<4x640xf32, #tpu.memory_space<vmem>> -> memref<1x128xf32, #tpu.memory_space<vmem>>
    %dma_start3A_2181 = tpu.memref_squeeze %dma_start3A_2180 : memref<1x128xf32, #tpu.memory_space<vmem>> -> memref<128xf32, #tpu.memory_space<vmem>>
    %dma_start3A_2182 = arith.constant 0 : i32
    %dma_start3A_2183 = tpu.memref_slice %arg11[%dma_start3A_2177, %dma_start3A_2182] : memref<20x128xi32, #tpu.memory_space<vmem>> -> memref<1x128xi32, #tpu.memory_space<vmem>>
    %dma_start3A_2184 = tpu.memref_squeeze %dma_start3A_2183 : memref<1x128xi32, #tpu.memory_space<vmem>> -> memref<128xi32, #tpu.memory_space<vmem>>
    %dma_start3A_2185 = arith.constant 0 : i32
    %dma_start3A_2186 = tpu.memref_slice %arg4[%dma_start3A_2185] : memref<4194304xf32, #tpu.memory_space<hbm>> -> memref<4194304xf32, #tpu.memory_space<hbm>>
    tpu.enqueue_indirect_dma source(%dma_start3A_2186 : memref<4194304xf32, #tpu.memory_space<hbm>>) target(%dma_start3A_2181 : memref<128xf32, #tpu.memory_space<vmem>>) offsets(%dma_start3A_2184 : memref<128xi32, #tpu.memory_space<vmem>>) semaphore(%arg15 : memref<!tpu.dma_semaphore, #tpu.memory_space<semaphore_mem>>)
    %dma_start3A_2187 = arith.constant 3 : i32
    %dma_start3A_2188 = arith.constant 384 : i32
    %dma_start3A_2189 = arith.constant 0 : i32
    %dma_start3A_2190 = tpu.memref_slice %arg14[%dma_start3A_2188, %dma_start3A_2189] : memref<640x128xf32, #tpu.memory_space<vmem>> -> memref<128x128xf32, #tpu.memory_space<vmem>>
    %dma_start3A_2191 = arith.constant 0 : i32
    %dma_start3A_2192 = tpu.memref_slice %arg10[%dma_start3A_2187, %dma_start3A_2191] : memref<5x128xi32, #tpu.memory_space<vmem>> -> memref<1x128xi32, #tpu.memory_space<vmem>>
    %dma_start3A_2193 = tpu.memref_squeeze %dma_start3A_2192 : memref<1x128xi32, #tpu.memory_space<vmem>> -> memref<128xi32, #tpu.memory_space<vmem>>
    %dma_start3A_2194 = arith.constant 0 : i32
    %dma_start3A_2195 = arith.constant 0 : i32
    %dma_start3A_2196 = tpu.memref_slice %arg5[%dma_start3A_2194, %dma_start3A_2195] : memref<1024x128xf32, #tpu.memory_space<hbm>> -> memref<1024x128xf32, #tpu.memory_space<hbm>>
    tpu.enqueue_indirect_dma source(%dma_start3A_2196 : memref<1024x128xf32, #tpu.memory_space<hbm>>) target(%dma_start3A_2190 : memref<128x128xf32, #tpu.memory_space<vmem>>) offsets(%dma_start3A_2193 : memref<128xi32, #tpu.memory_space<vmem>>) semaphore(%arg15 : memref<!tpu.dma_semaphore, #tpu.memory_space<semaphore_mem>>)
    %dma_start3A_2197 = arith.constant 3 : i32
    %dma_start3A_2198 = arith.constant 384 : i32
    %dma_start3A_2199 = tpu.memref_slice %arg12[%dma_start3A_2198] : memref<640xf32, #tpu.memory_space<vmem>> -> memref<128xf32, #tpu.memory_space<vmem>>
    %dma_start3A_2200 = arith.constant 0 : i32
    %dma_start3A_2201 = tpu.memref_slice %arg9[%dma_start3A_2197, %dma_start3A_2200] : memref<5x128xi32, #tpu.memory_space<vmem>> -> memref<1x128xi32, #tpu.memory_space<vmem>>
    %dma_start3A_2202 = tpu.memref_squeeze %dma_start3A_2201 : memref<1x128xi32, #tpu.memory_space<vmem>> -> memref<128xi32, #tpu.memory_space<vmem>>
    %dma_start3A_2203 = arith.constant 0 : i32
    %dma_start3A_2204 = tpu.memref_slice %arg3[%dma_start3A_2203] : memref<1048576xf32, #tpu.memory_space<hbm>> -> memref<1048576xf32, #tpu.memory_space<hbm>>
    tpu.enqueue_indirect_dma source(%dma_start3A_2204 : memref<1048576xf32, #tpu.memory_space<hbm>>) target(%dma_start3A_2199 : memref<128xf32, #tpu.memory_space<vmem>>) offsets(%dma_start3A_2202 : memref<128xi32, #tpu.memory_space<vmem>>) semaphore(%arg15 : memref<!tpu.dma_semaphore, #tpu.memory_space<semaphore_mem>>)
    %dma_start3A_2205 = arith.constant 3 : i32
    %dma_start3A_2206 = arith.constant 0 : i32
    %dma_start3A_2207 = arith.constant 384 : i32
    %dma_start3A_2208 = tpu.memref_slice %arg13[%dma_start3A_2206, %dma_start3A_2207] : memref<4x640xf32, #tpu.memory_space<vmem>> -> memref<1x128xf32, #tpu.memory_space<vmem>>
    %dma_start3A_2209 = tpu.memref_squeeze %dma_start3A_2208 : memref<1x128xf32, #tpu.memory_space<vmem>> -> memref<128xf32, #tpu.memory_space<vmem>>
    %dma_start3A_2210 = arith.constant 0 : i32
    %dma_start3A_2211 = tpu.memref_slice %arg11[%dma_start3A_2205, %dma_start3A_2210] : memref<20x128xi32, #tpu.memory_space<vmem>> -> memref<1x128xi32, #tpu.memory_space<vmem>>
    %dma_start3A_2212 = tpu.memref_squeeze %dma_start3A_2211 : memref<1x128xi32, #tpu.memory_space<vmem>> -> memref<128xi32, #tpu.memory_space<vmem>>
    %dma_start3A_2213 = arith.constant 0 : i32
    %dma_start3A_2214 = tpu.memref_slice %arg4[%dma_start3A_2213] : memref<4194304xf32, #tpu.memory_space<hbm>> -> memref<4194304xf32, #tpu.memory_space<hbm>>
    tpu.enqueue_indirect_dma source(%dma_start3A_2214 : memref<4194304xf32, #tpu.memory_space<hbm>>) target(%dma_start3A_2209 : memref<128xf32, #tpu.memory_space<vmem>>) offsets(%dma_start3A_2212 : memref<128xi32, #tpu.memory_space<vmem>>) semaphore(%arg15 : memref<!tpu.dma_semaphore, #tpu.memory_space<semaphore_mem>>)
    %dma_start3A_2215 = arith.constant 8 : i32
    %dma_start3A_2216 = arith.constant 1 : i32
    %dma_start3A_2217 = arith.constant 384 : i32
    %dma_start3A_2218 = tpu.memref_slice %arg13[%dma_start3A_2216, %dma_start3A_2217] : memref<4x640xf32, #tpu.memory_space<vmem>> -> memref<1x128xf32, #tpu.memory_space<vmem>>
    %dma_start3A_2219 = tpu.memref_squeeze %dma_start3A_2218 : memref<1x128xf32, #tpu.memory_space<vmem>> -> memref<128xf32, #tpu.memory_space<vmem>>
    %dma_start3A_2220 = arith.constant 0 : i32
    %dma_start3A_2221 = tpu.memref_slice %arg11[%dma_start3A_2215, %dma_start3A_2220] : memref<20x128xi32, #tpu.memory_space<vmem>> -> memref<1x128xi32, #tpu.memory_space<vmem>>
    %dma_start3A_2222 = tpu.memref_squeeze %dma_start3A_2221 : memref<1x128xi32, #tpu.memory_space<vmem>> -> memref<128xi32, #tpu.memory_space<vmem>>
    %dma_start3A_2223 = arith.constant 0 : i32
    %dma_start3A_2224 = tpu.memref_slice %arg4[%dma_start3A_2223] : memref<4194304xf32, #tpu.memory_space<hbm>> -> memref<4194304xf32, #tpu.memory_space<hbm>>
    tpu.enqueue_indirect_dma source(%dma_start3A_2224 : memref<4194304xf32, #tpu.memory_space<hbm>>) target(%dma_start3A_2219 : memref<128xf32, #tpu.memory_space<vmem>>) offsets(%dma_start3A_2222 : memref<128xi32, #tpu.memory_space<vmem>>) semaphore(%arg15 : memref<!tpu.dma_semaphore, #tpu.memory_space<semaphore_mem>>)
    %dma_start3A_2225 = arith.constant 13 : i32
    %dma_start3A_2226 = arith.constant 2 : i32
    %dma_start3A_2227 = arith.constant 384 : i32
    %dma_start3A_2228 = tpu.memref_slice %arg13[%dma_start3A_2226, %dma_start3A_2227] : memref<4x640xf32, #tpu.memory_space<vmem>> -> memref<1x128xf32, #tpu.memory_space<vmem>>
    %dma_start3A_2229 = tpu.memref_squeeze %dma_start3A_2228 : memref<1x128xf32, #tpu.memory_space<vmem>> -> memref<128xf32, #tpu.memory_space<vmem>>
    %dma_start3A_2230 = arith.constant 0 : i32
    %dma_start3A_2231 = tpu.memref_slice %arg11[%dma_start3A_2225, %dma_start3A_2230] : memref<20x128xi32, #tpu.memory_space<vmem>> -> memref<1x128xi32, #tpu.memory_space<vmem>>
    %dma_start3A_2232 = tpu.memref_squeeze %dma_start3A_2231 : memref<1x128xi32, #tpu.memory_space<vmem>> -> memref<128xi32, #tpu.memory_space<vmem>>
    %dma_start3A_2233 = arith.constant 0 : i32
    %dma_start3A_2234 = tpu.memref_slice %arg4[%dma_start3A_2233] : memref<4194304xf32, #tpu.memory_space<hbm>> -> memref<4194304xf32, #tpu.memory_space<hbm>>
    tpu.enqueue_indirect_dma source(%dma_start3A_2234 : memref<4194304xf32, #tpu.memory_space<hbm>>) target(%dma_start3A_2229 : memref<128xf32, #tpu.memory_space<vmem>>) offsets(%dma_start3A_2232 : memref<128xi32, #tpu.memory_space<vmem>>) semaphore(%arg15 : memref<!tpu.dma_semaphore, #tpu.memory_space<semaphore_mem>>)
    %dma_start3A_2235 = arith.constant 18 : i32
    %dma_start3A_2236 = arith.constant 3 : i32
    %dma_start3A_2237 = arith.constant 384 : i32
    %dma_start3A_2238 = tpu.memref_slice %arg13[%dma_start3A_2236, %dma_start3A_2237] : memref<4x640xf32, #tpu.memory_space<vmem>> -> memref<1x128xf32, #tpu.memory_space<vmem>>
    %dma_start3A_2239 = tpu.memref_squeeze %dma_start3A_2238 : memref<1x128xf32, #tpu.memory_space<vmem>> -> memref<128xf32, #tpu.memory_space<vmem>>
    %dma_start3A_2240 = arith.constant 0 : i32
    %dma_start3A_2241 = tpu.memref_slice %arg11[%dma_start3A_2235, %dma_start3A_2240] : memref<20x128xi32, #tpu.memory_space<vmem>> -> memref<1x128xi32, #tpu.memory_space<vmem>>
    %dma_start3A_2242 = tpu.memref_squeeze %dma_start3A_2241 : memref<1x128xi32, #tpu.memory_space<vmem>> -> memref<128xi32, #tpu.memory_space<vmem>>
    %dma_start3A_2243 = arith.constant 0 : i32
    %dma_start3A_2244 = tpu.memref_slice %arg4[%dma_start3A_2243] : memref<4194304xf32, #tpu.memory_space<hbm>> -> memref<4194304xf32, #tpu.memory_space<hbm>>
    tpu.enqueue_indirect_dma source(%dma_start3A_2244 : memref<4194304xf32, #tpu.memory_space<hbm>>) target(%dma_start3A_2239 : memref<128xf32, #tpu.memory_space<vmem>>) offsets(%dma_start3A_2242 : memref<128xi32, #tpu.memory_space<vmem>>) semaphore(%arg15 : memref<!tpu.dma_semaphore, #tpu.memory_space<semaphore_mem>>)
    %dma_start3A_2245 = arith.constant 4 : i32
    %dma_start3A_2246 = arith.constant 512 : i32
    %dma_start3A_2247 = arith.constant 0 : i32
    %dma_start3A_2248 = tpu.memref_slice %arg14[%dma_start3A_2246, %dma_start3A_2247] : memref<640x128xf32, #tpu.memory_space<vmem>> -> memref<128x128xf32, #tpu.memory_space<vmem>>
    %dma_start3A_2249 = arith.constant 0 : i32
    %dma_start3A_2250 = tpu.memref_slice %arg10[%dma_start3A_2245, %dma_start3A_2249] : memref<5x128xi32, #tpu.memory_space<vmem>> -> memref<1x128xi32, #tpu.memory_space<vmem>>
    %dma_start3A_2251 = tpu.memref_squeeze %dma_start3A_2250 : memref<1x128xi32, #tpu.memory_space<vmem>> -> memref<128xi32, #tpu.memory_space<vmem>>
    %dma_start3A_2252 = arith.constant 0 : i32
    %dma_start3A_2253 = arith.constant 0 : i32
    %dma_start3A_2254 = tpu.memref_slice %arg5[%dma_start3A_2252, %dma_start3A_2253] : memref<1024x128xf32, #tpu.memory_space<hbm>> -> memref<1024x128xf32, #tpu.memory_space<hbm>>
    tpu.enqueue_indirect_dma source(%dma_start3A_2254 : memref<1024x128xf32, #tpu.memory_space<hbm>>) target(%dma_start3A_2248 : memref<128x128xf32, #tpu.memory_space<vmem>>) offsets(%dma_start3A_2251 : memref<128xi32, #tpu.memory_space<vmem>>) semaphore(%arg15 : memref<!tpu.dma_semaphore, #tpu.memory_space<semaphore_mem>>)
    %dma_start3A_2255 = arith.constant 4 : i32
    %dma_start3A_2256 = arith.constant 512 : i32
    %dma_start3A_2257 = tpu.memref_slice %arg12[%dma_start3A_2256] : memref<640xf32, #tpu.memory_space<vmem>> -> memref<128xf32, #tpu.memory_space<vmem>>
    %dma_start3A_2258 = arith.constant 0 : i32
    %dma_start3A_2259 = tpu.memref_slice %arg9[%dma_start3A_2255, %dma_start3A_2258] : memref<5x128xi32, #tpu.memory_space<vmem>> -> memref<1x128xi32, #tpu.memory_space<vmem>>
    %dma_start3A_2260 = tpu.memref_squeeze %dma_start3A_2259 : memref<1x128xi32, #tpu.memory_space<vmem>> -> memref<128xi32, #tpu.memory_space<vmem>>
    %dma_start3A_2261 = arith.constant 0 : i32
    %dma_start3A_2262 = tpu.memref_slice %arg3[%dma_start3A_2261] : memref<1048576xf32, #tpu.memory_space<hbm>> -> memref<1048576xf32, #tpu.memory_space<hbm>>
    tpu.enqueue_indirect_dma source(%dma_start3A_2262 : memref<1048576xf32, #tpu.memory_space<hbm>>) target(%dma_start3A_2257 : memref<128xf32, #tpu.memory_space<vmem>>) offsets(%dma_start3A_2260 : memref<128xi32, #tpu.memory_space<vmem>>) semaphore(%arg15 : memref<!tpu.dma_semaphore, #tpu.memory_space<semaphore_mem>>)
    %dma_start3A_2263 = arith.constant 4 : i32
    %dma_start3A_2264 = arith.constant 0 : i32
    %dma_start3A_2265 = arith.constant 512 : i32
    %dma_start3A_2266 = tpu.memref_slice %arg13[%dma_start3A_2264, %dma_start3A_2265] : memref<4x640xf32, #tpu.memory_space<vmem>> -> memref<1x128xf32, #tpu.memory_space<vmem>>
    %dma_start3A_2267 = tpu.memref_squeeze %dma_start3A_2266 : memref<1x128xf32, #tpu.memory_space<vmem>> -> memref<128xf32, #tpu.memory_space<vmem>>
    %dma_start3A_2268 = arith.constant 0 : i32
    %dma_start3A_2269 = tpu.memref_slice %arg11[%dma_start3A_2263, %dma_start3A_2268] : memref<20x128xi32, #tpu.memory_space<vmem>> -> memref<1x128xi32, #tpu.memory_space<vmem>>
    %dma_start3A_2270 = tpu.memref_squeeze %dma_start3A_2269 : memref<1x128xi32, #tpu.memory_space<vmem>> -> memref<128xi32, #tpu.memory_space<vmem>>
    %dma_start3A_2271 = arith.constant 0 : i32
    %dma_start3A_2272 = tpu.memref_slice %arg4[%dma_start3A_2271] : memref<4194304xf32, #tpu.memory_space<hbm>> -> memref<4194304xf32, #tpu.memory_space<hbm>>
    tpu.enqueue_indirect_dma source(%dma_start3A_2272 : memref<4194304xf32, #tpu.memory_space<hbm>>) target(%dma_start3A_2267 : memref<128xf32, #tpu.memory_space<vmem>>) offsets(%dma_start3A_2270 : memref<128xi32, #tpu.memory_space<vmem>>) semaphore(%arg15 : memref<!tpu.dma_semaphore, #tpu.memory_space<semaphore_mem>>)
    %dma_start3A_2273 = arith.constant 9 : i32
    %dma_start3A_2274 = arith.constant 1 : i32
    %dma_start3A_2275 = arith.constant 512 : i32
    %dma_start3A_2276 = tpu.memref_slice %arg13[%dma_start3A_2274, %dma_start3A_2275] : memref<4x640xf32, #tpu.memory_space<vmem>> -> memref<1x128xf32, #tpu.memory_space<vmem>>
    %dma_start3A_2277 = tpu.memref_squeeze %dma_start3A_2276 : memref<1x128xf32, #tpu.memory_space<vmem>> -> memref<128xf32, #tpu.memory_space<vmem>>
    %dma_start3A_2278 = arith.constant 0 : i32
    %dma_start3A_2279 = tpu.memref_slice %arg11[%dma_start3A_2273, %dma_start3A_2278] : memref<20x128xi32, #tpu.memory_space<vmem>> -> memref<1x128xi32, #tpu.memory_space<vmem>>
    %dma_start3A_2280 = tpu.memref_squeeze %dma_start3A_2279 : memref<1x128xi32, #tpu.memory_space<vmem>> -> memref<128xi32, #tpu.memory_space<vmem>>
    %dma_start3A_2281 = arith.constant 0 : i32
    %dma_start3A_2282 = tpu.memref_slice %arg4[%dma_start3A_2281] : memref<4194304xf32, #tpu.memory_space<hbm>> -> memref<4194304xf32, #tpu.memory_space<hbm>>
    tpu.enqueue_indirect_dma source(%dma_start3A_2282 : memref<4194304xf32, #tpu.memory_space<hbm>>) target(%dma_start3A_2277 : memref<128xf32, #tpu.memory_space<vmem>>) offsets(%dma_start3A_2280 : memref<128xi32, #tpu.memory_space<vmem>>) semaphore(%arg15 : memref<!tpu.dma_semaphore, #tpu.memory_space<semaphore_mem>>)
    %dma_start3A_2283 = arith.constant 14 : i32
    %dma_start3A_2284 = arith.constant 2 : i32
    %dma_start3A_2285 = arith.constant 512 : i32
    %dma_start3A_2286 = tpu.memref_slice %arg13[%dma_start3A_2284, %dma_start3A_2285] : memref<4x640xf32, #tpu.memory_space<vmem>> -> memref<1x128xf32, #tpu.memory_space<vmem>>
    %dma_start3A_2287 = tpu.memref_squeeze %dma_start3A_2286 : memref<1x128xf32, #tpu.memory_space<vmem>> -> memref<128xf32, #tpu.memory_space<vmem>>
    %dma_start3A_2288 = arith.constant 0 : i32
    %dma_start3A_2289 = tpu.memref_slice %arg11[%dma_start3A_2283, %dma_start3A_2288] : memref<20x128xi32, #tpu.memory_space<vmem>> -> memref<1x128xi32, #tpu.memory_space<vmem>>
    %dma_start3A_2290 = tpu.memref_squeeze %dma_start3A_2289 : memref<1x128xi32, #tpu.memory_space<vmem>> -> memref<128xi32, #tpu.memory_space<vmem>>
    %dma_start3A_2291 = arith.constant 0 : i32
    %dma_start3A_2292 = tpu.memref_slice %arg4[%dma_start3A_2291] : memref<4194304xf32, #tpu.memory_space<hbm>> -> memref<4194304xf32, #tpu.memory_space<hbm>>
    tpu.enqueue_indirect_dma source(%dma_start3A_2292 : memref<4194304xf32, #tpu.memory_space<hbm>>) target(%dma_start3A_2287 : memref<128xf32, #tpu.memory_space<vmem>>) offsets(%dma_start3A_2290 : memref<128xi32, #tpu.memory_space<vmem>>) semaphore(%arg15 : memref<!tpu.dma_semaphore, #tpu.memory_space<semaphore_mem>>)
    %dma_start3A_2293 = arith.constant 19 : i32
    %dma_start3A_2294 = arith.constant 3 : i32
    %dma_start3A_2295 = arith.constant 512 : i32
    %dma_start3A_2296 = tpu.memref_slice %arg13[%dma_start3A_2294, %dma_start3A_2295] : memref<4x640xf32, #tpu.memory_space<vmem>> -> memref<1x128xf32, #tpu.memory_space<vmem>>
    %dma_start3A_2297 = tpu.memref_squeeze %dma_start3A_2296 : memref<1x128xf32, #tpu.memory_space<vmem>> -> memref<128xf32, #tpu.memory_space<vmem>>
    %dma_start3A_2298 = arith.constant 0 : i32
    %dma_start3A_2299 = tpu.memref_slice %arg11[%dma_start3A_2293, %dma_start3A_2298] : memref<20x128xi32, #tpu.memory_space<vmem>> -> memref<1x128xi32, #tpu.memory_space<vmem>>
    %dma_start3A_2300 = tpu.memref_squeeze %dma_start3A_2299 : memref<1x128xi32, #tpu.memory_space<vmem>> -> memref<128xi32, #tpu.memory_space<vmem>>
    %dma_start3A_2301 = arith.constant 0 : i32
    %dma_start3A_2302 = tpu.memref_slice %arg4[%dma_start3A_2301] : memref<4194304xf32, #tpu.memory_space<hbm>> -> memref<4194304xf32, #tpu.memory_space<hbm>>
    tpu.enqueue_indirect_dma source(%dma_start3A_2302 : memref<4194304xf32, #tpu.memory_space<hbm>>) target(%dma_start3A_2297 : memref<128xf32, #tpu.memory_space<vmem>>) offsets(%dma_start3A_2300 : memref<128xi32, #tpu.memory_space<vmem>>) semaphore(%arg15 : memref<!tpu.dma_semaphore, #tpu.memory_space<semaphore_mem>>)
    %dma_wait3A = arith.constant 0 : i32
    %dma_wait3A_2303 = arith.constant 0 : i32
    %dma_wait3A_2304 = arith.constant 0 : i32
    %dma_wait3A_2305 = tpu.memref_slice %arg14[%dma_wait3A_2303, %dma_wait3A_2304] : memref<640x128xf32, #tpu.memory_space<vmem>> -> memref<128x128xf32, #tpu.memory_space<vmem>>
    %dma_wait3A_2306 = arith.constant 0 : i32
    %dma_wait3A_2307 = tpu.memref_slice %arg10[%dma_wait3A, %dma_wait3A_2306] : memref<5x128xi32, #tpu.memory_space<vmem>> -> memref<1x128xi32, #tpu.memory_space<vmem>>
    %dma_wait3A_2308 = tpu.memref_squeeze %dma_wait3A_2307 : memref<1x128xi32, #tpu.memory_space<vmem>> -> memref<128xi32, #tpu.memory_space<vmem>>
    %dma_wait3A_2309 = arith.constant 0 : i32
    %dma_wait3A_2310 = arith.constant 0 : i32
    %dma_wait3A_2311 = tpu.memref_slice %arg5[%dma_wait3A_2309, %dma_wait3A_2310] : memref<1024x128xf32, #tpu.memory_space<hbm>> -> memref<1024x128xf32, #tpu.memory_space<hbm>>
    tpu.wait_indirect_dma semaphore(%arg15 : memref<!tpu.dma_semaphore, #tpu.memory_space<semaphore_mem>>) src(%dma_wait3A_2311 : memref<1024x128xf32, #tpu.memory_space<hbm>>) dst(%dma_wait3A_2305 : memref<128x128xf32, #tpu.memory_space<vmem>>)
    %dma_wait3A_2312 = arith.constant 0 : i32
    %dma_wait3A_2313 = arith.constant 0 : i32
    %dma_wait3A_2314 = tpu.memref_slice %arg12[%dma_wait3A_2313] : memref<640xf32, #tpu.memory_space<vmem>> -> memref<128xf32, #tpu.memory_space<vmem>>
    %dma_wait3A_2315 = arith.constant 0 : i32
    %dma_wait3A_2316 = tpu.memref_slice %arg9[%dma_wait3A_2312, %dma_wait3A_2315] : memref<5x128xi32, #tpu.memory_space<vmem>> -> memref<1x128xi32, #tpu.memory_space<vmem>>
    %dma_wait3A_2317 = tpu.memref_squeeze %dma_wait3A_2316 : memref<1x128xi32, #tpu.memory_space<vmem>> -> memref<128xi32, #tpu.memory_space<vmem>>
    %dma_wait3A_2318 = arith.constant 0 : i32
    %dma_wait3A_2319 = tpu.memref_slice %arg3[%dma_wait3A_2318] : memref<1048576xf32, #tpu.memory_space<hbm>> -> memref<1048576xf32, #tpu.memory_space<hbm>>
    tpu.wait_indirect_dma semaphore(%arg15 : memref<!tpu.dma_semaphore, #tpu.memory_space<semaphore_mem>>) src(%dma_wait3A_2319 : memref<1048576xf32, #tpu.memory_space<hbm>>) dst(%dma_wait3A_2314 : memref<128xf32, #tpu.memory_space<vmem>>)
    %dma_wait3A_2320 = arith.constant 0 : i32
    %dma_wait3A_2321 = arith.constant 0 : i32
    %dma_wait3A_2322 = arith.constant 0 : i32
    %dma_wait3A_2323 = tpu.memref_slice %arg13[%dma_wait3A_2321, %dma_wait3A_2322] : memref<4x640xf32, #tpu.memory_space<vmem>> -> memref<1x128xf32, #tpu.memory_space<vmem>>
    %dma_wait3A_2324 = tpu.memref_squeeze %dma_wait3A_2323 : memref<1x128xf32, #tpu.memory_space<vmem>> -> memref<128xf32, #tpu.memory_space<vmem>>
    %dma_wait3A_2325 = arith.constant 0 : i32
    %dma_wait3A_2326 = tpu.memref_slice %arg11[%dma_wait3A_2320, %dma_wait3A_2325] : memref<20x128xi32, #tpu.memory_space<vmem>> -> memref<1x128xi32, #tpu.memory_space<vmem>>
    %dma_wait3A_2327 = tpu.memref_squeeze %dma_wait3A_2326 : memref<1x128xi32, #tpu.memory_space<vmem>> -> memref<128xi32, #tpu.memory_space<vmem>>
    %dma_wait3A_2328 = arith.constant 0 : i32
    %dma_wait3A_2329 = tpu.memref_slice %arg4[%dma_wait3A_2328] : memref<4194304xf32, #tpu.memory_space<hbm>> -> memref<4194304xf32, #tpu.memory_space<hbm>>
    tpu.wait_indirect_dma semaphore(%arg15 : memref<!tpu.dma_semaphore, #tpu.memory_space<semaphore_mem>>) src(%dma_wait3A_2329 : memref<4194304xf32, #tpu.memory_space<hbm>>) dst(%dma_wait3A_2324 : memref<128xf32, #tpu.memory_space<vmem>>)
    %dma_wait3A_2330 = arith.constant 5 : i32
    %dma_wait3A_2331 = arith.constant 1 : i32
    %dma_wait3A_2332 = arith.constant 0 : i32
    %dma_wait3A_2333 = tpu.memref_slice %arg13[%dma_wait3A_2331, %dma_wait3A_2332] : memref<4x640xf32, #tpu.memory_space<vmem>> -> memref<1x128xf32, #tpu.memory_space<vmem>>
    %dma_wait3A_2334 = tpu.memref_squeeze %dma_wait3A_2333 : memref<1x128xf32, #tpu.memory_space<vmem>> -> memref<128xf32, #tpu.memory_space<vmem>>
    %dma_wait3A_2335 = arith.constant 0 : i32
    %dma_wait3A_2336 = tpu.memref_slice %arg11[%dma_wait3A_2330, %dma_wait3A_2335] : memref<20x128xi32, #tpu.memory_space<vmem>> -> memref<1x128xi32, #tpu.memory_space<vmem>>
    %dma_wait3A_2337 = tpu.memref_squeeze %dma_wait3A_2336 : memref<1x128xi32, #tpu.memory_space<vmem>> -> memref<128xi32, #tpu.memory_space<vmem>>
    %dma_wait3A_2338 = arith.constant 0 : i32
    %dma_wait3A_2339 = tpu.memref_slice %arg4[%dma_wait3A_2338] : memref<4194304xf32, #tpu.memory_space<hbm>> -> memref<4194304xf32, #tpu.memory_space<hbm>>
    tpu.wait_indirect_dma semaphore(%arg15 : memref<!tpu.dma_semaphore, #tpu.memory_space<semaphore_mem>>) src(%dma_wait3A_2339 : memref<4194304xf32, #tpu.memory_space<hbm>>) dst(%dma_wait3A_2334 : memref<128xf32, #tpu.memory_space<vmem>>)
    %dma_wait3A_2340 = arith.constant 10 : i32
    %dma_wait3A_2341 = arith.constant 2 : i32
    %dma_wait3A_2342 = arith.constant 0 : i32
    %dma_wait3A_2343 = tpu.memref_slice %arg13[%dma_wait3A_2341, %dma_wait3A_2342] : memref<4x640xf32, #tpu.memory_space<vmem>> -> memref<1x128xf32, #tpu.memory_space<vmem>>
    %dma_wait3A_2344 = tpu.memref_squeeze %dma_wait3A_2343 : memref<1x128xf32, #tpu.memory_space<vmem>> -> memref<128xf32, #tpu.memory_space<vmem>>
    %dma_wait3A_2345 = arith.constant 0 : i32
    %dma_wait3A_2346 = tpu.memref_slice %arg11[%dma_wait3A_2340, %dma_wait3A_2345] : memref<20x128xi32, #tpu.memory_space<vmem>> -> memref<1x128xi32, #tpu.memory_space<vmem>>
    %dma_wait3A_2347 = tpu.memref_squeeze %dma_wait3A_2346 : memref<1x128xi32, #tpu.memory_space<vmem>> -> memref<128xi32, #tpu.memory_space<vmem>>
    %dma_wait3A_2348 = arith.constant 0 : i32
    %dma_wait3A_2349 = tpu.memref_slice %arg4[%dma_wait3A_2348] : memref<4194304xf32, #tpu.memory_space<hbm>> -> memref<4194304xf32, #tpu.memory_space<hbm>>
    tpu.wait_indirect_dma semaphore(%arg15 : memref<!tpu.dma_semaphore, #tpu.memory_space<semaphore_mem>>) src(%dma_wait3A_2349 : memref<4194304xf32, #tpu.memory_space<hbm>>) dst(%dma_wait3A_2344 : memref<128xf32, #tpu.memory_space<vmem>>)
    %dma_wait3A_2350 = arith.constant 15 : i32
    %dma_wait3A_2351 = arith.constant 3 : i32
    %dma_wait3A_2352 = arith.constant 0 : i32
    %dma_wait3A_2353 = tpu.memref_slice %arg13[%dma_wait3A_2351, %dma_wait3A_2352] : memref<4x640xf32, #tpu.memory_space<vmem>> -> memref<1x128xf32, #tpu.memory_space<vmem>>
    %dma_wait3A_2354 = tpu.memref_squeeze %dma_wait3A_2353 : memref<1x128xf32, #tpu.memory_space<vmem>> -> memref<128xf32, #tpu.memory_space<vmem>>
    %dma_wait3A_2355 = arith.constant 0 : i32
    %dma_wait3A_2356 = tpu.memref_slice %arg11[%dma_wait3A_2350, %dma_wait3A_2355] : memref<20x128xi32, #tpu.memory_space<vmem>> -> memref<1x128xi32, #tpu.memory_space<vmem>>
    %dma_wait3A_2357 = tpu.memref_squeeze %dma_wait3A_2356 : memref<1x128xi32, #tpu.memory_space<vmem>> -> memref<128xi32, #tpu.memory_space<vmem>>
    %dma_wait3A_2358 = arith.constant 0 : i32
    %dma_wait3A_2359 = tpu.memref_slice %arg4[%dma_wait3A_2358] : memref<4194304xf32, #tpu.memory_space<hbm>> -> memref<4194304xf32, #tpu.memory_space<hbm>>
    tpu.wait_indirect_dma semaphore(%arg15 : memref<!tpu.dma_semaphore, #tpu.memory_space<semaphore_mem>>) src(%dma_wait3A_2359 : memref<4194304xf32, #tpu.memory_space<hbm>>) dst(%dma_wait3A_2354 : memref<128xf32, #tpu.memory_space<vmem>>)
    %dma_wait3A_2360 = arith.constant 1 : i32
    %dma_wait3A_2361 = arith.constant 128 : i32
    %dma_wait3A_2362 = arith.constant 0 : i32
    %dma_wait3A_2363 = tpu.memref_slice %arg14[%dma_wait3A_2361, %dma_wait3A_2362] : memref<640x128xf32, #tpu.memory_space<vmem>> -> memref<128x128xf32, #tpu.memory_space<vmem>>
    %dma_wait3A_2364 = arith.constant 0 : i32
    %dma_wait3A_2365 = tpu.memref_slice %arg10[%dma_wait3A_2360, %dma_wait3A_2364] : memref<5x128xi32, #tpu.memory_space<vmem>> -> memref<1x128xi32, #tpu.memory_space<vmem>>
    %dma_wait3A_2366 = tpu.memref_squeeze %dma_wait3A_2365 : memref<1x128xi32, #tpu.memory_space<vmem>> -> memref<128xi32, #tpu.memory_space<vmem>>
    %dma_wait3A_2367 = arith.constant 0 : i32
    %dma_wait3A_2368 = arith.constant 0 : i32
    %dma_wait3A_2369 = tpu.memref_slice %arg5[%dma_wait3A_2367, %dma_wait3A_2368] : memref<1024x128xf32, #tpu.memory_space<hbm>> -> memref<1024x128xf32, #tpu.memory_space<hbm>>
    tpu.wait_indirect_dma semaphore(%arg15 : memref<!tpu.dma_semaphore, #tpu.memory_space<semaphore_mem>>) src(%dma_wait3A_2369 : memref<1024x128xf32, #tpu.memory_space<hbm>>) dst(%dma_wait3A_2363 : memref<128x128xf32, #tpu.memory_space<vmem>>)
    %dma_wait3A_2370 = arith.constant 1 : i32
    %dma_wait3A_2371 = arith.constant 128 : i32
    %dma_wait3A_2372 = tpu.memref_slice %arg12[%dma_wait3A_2371] : memref<640xf32, #tpu.memory_space<vmem>> -> memref<128xf32, #tpu.memory_space<vmem>>
    %dma_wait3A_2373 = arith.constant 0 : i32
    %dma_wait3A_2374 = tpu.memref_slice %arg9[%dma_wait3A_2370, %dma_wait3A_2373] : memref<5x128xi32, #tpu.memory_space<vmem>> -> memref<1x128xi32, #tpu.memory_space<vmem>>
    %dma_wait3A_2375 = tpu.memref_squeeze %dma_wait3A_2374 : memref<1x128xi32, #tpu.memory_space<vmem>> -> memref<128xi32, #tpu.memory_space<vmem>>
    %dma_wait3A_2376 = arith.constant 0 : i32
    %dma_wait3A_2377 = tpu.memref_slice %arg3[%dma_wait3A_2376] : memref<1048576xf32, #tpu.memory_space<hbm>> -> memref<1048576xf32, #tpu.memory_space<hbm>>
    tpu.wait_indirect_dma semaphore(%arg15 : memref<!tpu.dma_semaphore, #tpu.memory_space<semaphore_mem>>) src(%dma_wait3A_2377 : memref<1048576xf32, #tpu.memory_space<hbm>>) dst(%dma_wait3A_2372 : memref<128xf32, #tpu.memory_space<vmem>>)
    %dma_wait3A_2378 = arith.constant 1 : i32
    %dma_wait3A_2379 = arith.constant 0 : i32
    %dma_wait3A_2380 = arith.constant 128 : i32
    %dma_wait3A_2381 = tpu.memref_slice %arg13[%dma_wait3A_2379, %dma_wait3A_2380] : memref<4x640xf32, #tpu.memory_space<vmem>> -> memref<1x128xf32, #tpu.memory_space<vmem>>
    %dma_wait3A_2382 = tpu.memref_squeeze %dma_wait3A_2381 : memref<1x128xf32, #tpu.memory_space<vmem>> -> memref<128xf32, #tpu.memory_space<vmem>>
    %dma_wait3A_2383 = arith.constant 0 : i32
    %dma_wait3A_2384 = tpu.memref_slice %arg11[%dma_wait3A_2378, %dma_wait3A_2383] : memref<20x128xi32, #tpu.memory_space<vmem>> -> memref<1x128xi32, #tpu.memory_space<vmem>>
    %dma_wait3A_2385 = tpu.memref_squeeze %dma_wait3A_2384 : memref<1x128xi32, #tpu.memory_space<vmem>> -> memref<128xi32, #tpu.memory_space<vmem>>
    %dma_wait3A_2386 = arith.constant 0 : i32
    %dma_wait3A_2387 = tpu.memref_slice %arg4[%dma_wait3A_2386] : memref<4194304xf32, #tpu.memory_space<hbm>> -> memref<4194304xf32, #tpu.memory_space<hbm>>
    tpu.wait_indirect_dma semaphore(%arg15 : memref<!tpu.dma_semaphore, #tpu.memory_space<semaphore_mem>>) src(%dma_wait3A_2387 : memref<4194304xf32, #tpu.memory_space<hbm>>) dst(%dma_wait3A_2382 : memref<128xf32, #tpu.memory_space<vmem>>)
    %dma_wait3A_2388 = arith.constant 6 : i32
    %dma_wait3A_2389 = arith.constant 1 : i32
    %dma_wait3A_2390 = arith.constant 128 : i32
    %dma_wait3A_2391 = tpu.memref_slice %arg13[%dma_wait3A_2389, %dma_wait3A_2390] : memref<4x640xf32, #tpu.memory_space<vmem>> -> memref<1x128xf32, #tpu.memory_space<vmem>>
    %dma_wait3A_2392 = tpu.memref_squeeze %dma_wait3A_2391 : memref<1x128xf32, #tpu.memory_space<vmem>> -> memref<128xf32, #tpu.memory_space<vmem>>
    %dma_wait3A_2393 = arith.constant 0 : i32
    %dma_wait3A_2394 = tpu.memref_slice %arg11[%dma_wait3A_2388, %dma_wait3A_2393] : memref<20x128xi32, #tpu.memory_space<vmem>> -> memref<1x128xi32, #tpu.memory_space<vmem>>
    %dma_wait3A_2395 = tpu.memref_squeeze %dma_wait3A_2394 : memref<1x128xi32, #tpu.memory_space<vmem>> -> memref<128xi32, #tpu.memory_space<vmem>>
    %dma_wait3A_2396 = arith.constant 0 : i32
    %dma_wait3A_2397 = tpu.memref_slice %arg4[%dma_wait3A_2396] : memref<4194304xf32, #tpu.memory_space<hbm>> -> memref<4194304xf32, #tpu.memory_space<hbm>>
    tpu.wait_indirect_dma semaphore(%arg15 : memref<!tpu.dma_semaphore, #tpu.memory_space<semaphore_mem>>) src(%dma_wait3A_2397 : memref<4194304xf32, #tpu.memory_space<hbm>>) dst(%dma_wait3A_2392 : memref<128xf32, #tpu.memory_space<vmem>>)
    %dma_wait3A_2398 = arith.constant 11 : i32
    %dma_wait3A_2399 = arith.constant 2 : i32
    %dma_wait3A_2400 = arith.constant 128 : i32
    %dma_wait3A_2401 = tpu.memref_slice %arg13[%dma_wait3A_2399, %dma_wait3A_2400] : memref<4x640xf32, #tpu.memory_space<vmem>> -> memref<1x128xf32, #tpu.memory_space<vmem>>
    %dma_wait3A_2402 = tpu.memref_squeeze %dma_wait3A_2401 : memref<1x128xf32, #tpu.memory_space<vmem>> -> memref<128xf32, #tpu.memory_space<vmem>>
    %dma_wait3A_2403 = arith.constant 0 : i32
    %dma_wait3A_2404 = tpu.memref_slice %arg11[%dma_wait3A_2398, %dma_wait3A_2403] : memref<20x128xi32, #tpu.memory_space<vmem>> -> memref<1x128xi32, #tpu.memory_space<vmem>>
    %dma_wait3A_2405 = tpu.memref_squeeze %dma_wait3A_2404 : memref<1x128xi32, #tpu.memory_space<vmem>> -> memref<128xi32, #tpu.memory_space<vmem>>
    %dma_wait3A_2406 = arith.constant 0 : i32
    %dma_wait3A_2407 = tpu.memref_slice %arg4[%dma_wait3A_2406] : memref<4194304xf32, #tpu.memory_space<hbm>> -> memref<4194304xf32, #tpu.memory_space<hbm>>
    tpu.wait_indirect_dma semaphore(%arg15 : memref<!tpu.dma_semaphore, #tpu.memory_space<semaphore_mem>>) src(%dma_wait3A_2407 : memref<4194304xf32, #tpu.memory_space<hbm>>) dst(%dma_wait3A_2402 : memref<128xf32, #tpu.memory_space<vmem>>)
    %dma_wait3A_2408 = arith.constant 16 : i32
    %dma_wait3A_2409 = arith.constant 3 : i32
    %dma_wait3A_2410 = arith.constant 128 : i32
    %dma_wait3A_2411 = tpu.memref_slice %arg13[%dma_wait3A_2409, %dma_wait3A_2410] : memref<4x640xf32, #tpu.memory_space<vmem>> -> memref<1x128xf32, #tpu.memory_space<vmem>>
    %dma_wait3A_2412 = tpu.memref_squeeze %dma_wait3A_2411 : memref<1x128xf32, #tpu.memory_space<vmem>> -> memref<128xf32, #tpu.memory_space<vmem>>
    %dma_wait3A_2413 = arith.constant 0 : i32
    %dma_wait3A_2414 = tpu.memref_slice %arg11[%dma_wait3A_2408, %dma_wait3A_2413] : memref<20x128xi32, #tpu.memory_space<vmem>> -> memref<1x128xi32, #tpu.memory_space<vmem>>
    %dma_wait3A_2415 = tpu.memref_squeeze %dma_wait3A_2414 : memref<1x128xi32, #tpu.memory_space<vmem>> -> memref<128xi32, #tpu.memory_space<vmem>>
    %dma_wait3A_2416 = arith.constant 0 : i32
    %dma_wait3A_2417 = tpu.memref_slice %arg4[%dma_wait3A_2416] : memref<4194304xf32, #tpu.memory_space<hbm>> -> memref<4194304xf32, #tpu.memory_space<hbm>>
    tpu.wait_indirect_dma semaphore(%arg15 : memref<!tpu.dma_semaphore, #tpu.memory_space<semaphore_mem>>) src(%dma_wait3A_2417 : memref<4194304xf32, #tpu.memory_space<hbm>>) dst(%dma_wait3A_2412 : memref<128xf32, #tpu.memory_space<vmem>>)
    %dma_wait3A_2418 = arith.constant 2 : i32
    %dma_wait3A_2419 = arith.constant 256 : i32
    %dma_wait3A_2420 = arith.constant 0 : i32
    %dma_wait3A_2421 = tpu.memref_slice %arg14[%dma_wait3A_2419, %dma_wait3A_2420] : memref<640x128xf32, #tpu.memory_space<vmem>> -> memref<128x128xf32, #tpu.memory_space<vmem>>
    %dma_wait3A_2422 = arith.constant 0 : i32
    %dma_wait3A_2423 = tpu.memref_slice %arg10[%dma_wait3A_2418, %dma_wait3A_2422] : memref<5x128xi32, #tpu.memory_space<vmem>> -> memref<1x128xi32, #tpu.memory_space<vmem>>
    %dma_wait3A_2424 = tpu.memref_squeeze %dma_wait3A_2423 : memref<1x128xi32, #tpu.memory_space<vmem>> -> memref<128xi32, #tpu.memory_space<vmem>>
    %dma_wait3A_2425 = arith.constant 0 : i32
    %dma_wait3A_2426 = arith.constant 0 : i32
    %dma_wait3A_2427 = tpu.memref_slice %arg5[%dma_wait3A_2425, %dma_wait3A_2426] : memref<1024x128xf32, #tpu.memory_space<hbm>> -> memref<1024x128xf32, #tpu.memory_space<hbm>>
    tpu.wait_indirect_dma semaphore(%arg15 : memref<!tpu.dma_semaphore, #tpu.memory_space<semaphore_mem>>) src(%dma_wait3A_2427 : memref<1024x128xf32, #tpu.memory_space<hbm>>) dst(%dma_wait3A_2421 : memref<128x128xf32, #tpu.memory_space<vmem>>)
    %dma_wait3A_2428 = arith.constant 2 : i32
    %dma_wait3A_2429 = arith.constant 256 : i32
    %dma_wait3A_2430 = tpu.memref_slice %arg12[%dma_wait3A_2429] : memref<640xf32, #tpu.memory_space<vmem>> -> memref<128xf32, #tpu.memory_space<vmem>>
    %dma_wait3A_2431 = arith.constant 0 : i32
    %dma_wait3A_2432 = tpu.memref_slice %arg9[%dma_wait3A_2428, %dma_wait3A_2431] : memref<5x128xi32, #tpu.memory_space<vmem>> -> memref<1x128xi32, #tpu.memory_space<vmem>>
    %dma_wait3A_2433 = tpu.memref_squeeze %dma_wait3A_2432 : memref<1x128xi32, #tpu.memory_space<vmem>> -> memref<128xi32, #tpu.memory_space<vmem>>
    %dma_wait3A_2434 = arith.constant 0 : i32
    %dma_wait3A_2435 = tpu.memref_slice %arg3[%dma_wait3A_2434] : memref<1048576xf32, #tpu.memory_space<hbm>> -> memref<1048576xf32, #tpu.memory_space<hbm>>
    tpu.wait_indirect_dma semaphore(%arg15 : memref<!tpu.dma_semaphore, #tpu.memory_space<semaphore_mem>>) src(%dma_wait3A_2435 : memref<1048576xf32, #tpu.memory_space<hbm>>) dst(%dma_wait3A_2430 : memref<128xf32, #tpu.memory_space<vmem>>)
    %dma_wait3A_2436 = arith.constant 2 : i32
    %dma_wait3A_2437 = arith.constant 0 : i32
    %dma_wait3A_2438 = arith.constant 256 : i32
    %dma_wait3A_2439 = tpu.memref_slice %arg13[%dma_wait3A_2437, %dma_wait3A_2438] : memref<4x640xf32, #tpu.memory_space<vmem>> -> memref<1x128xf32, #tpu.memory_space<vmem>>
    %dma_wait3A_2440 = tpu.memref_squeeze %dma_wait3A_2439 : memref<1x128xf32, #tpu.memory_space<vmem>> -> memref<128xf32, #tpu.memory_space<vmem>>
    %dma_wait3A_2441 = arith.constant 0 : i32
    %dma_wait3A_2442 = tpu.memref_slice %arg11[%dma_wait3A_2436, %dma_wait3A_2441] : memref<20x128xi32, #tpu.memory_space<vmem>> -> memref<1x128xi32, #tpu.memory_space<vmem>>
    %dma_wait3A_2443 = tpu.memref_squeeze %dma_wait3A_2442 : memref<1x128xi32, #tpu.memory_space<vmem>> -> memref<128xi32, #tpu.memory_space<vmem>>
    %dma_wait3A_2444 = arith.constant 0 : i32
    %dma_wait3A_2445 = tpu.memref_slice %arg4[%dma_wait3A_2444] : memref<4194304xf32, #tpu.memory_space<hbm>> -> memref<4194304xf32, #tpu.memory_space<hbm>>
    tpu.wait_indirect_dma semaphore(%arg15 : memref<!tpu.dma_semaphore, #tpu.memory_space<semaphore_mem>>) src(%dma_wait3A_2445 : memref<4194304xf32, #tpu.memory_space<hbm>>) dst(%dma_wait3A_2440 : memref<128xf32, #tpu.memory_space<vmem>>)
    %dma_wait3A_2446 = arith.constant 7 : i32
    %dma_wait3A_2447 = arith.constant 1 : i32
    %dma_wait3A_2448 = arith.constant 256 : i32
    %dma_wait3A_2449 = tpu.memref_slice %arg13[%dma_wait3A_2447, %dma_wait3A_2448] : memref<4x640xf32, #tpu.memory_space<vmem>> -> memref<1x128xf32, #tpu.memory_space<vmem>>
    %dma_wait3A_2450 = tpu.memref_squeeze %dma_wait3A_2449 : memref<1x128xf32, #tpu.memory_space<vmem>> -> memref<128xf32, #tpu.memory_space<vmem>>
    %dma_wait3A_2451 = arith.constant 0 : i32
    %dma_wait3A_2452 = tpu.memref_slice %arg11[%dma_wait3A_2446, %dma_wait3A_2451] : memref<20x128xi32, #tpu.memory_space<vmem>> -> memref<1x128xi32, #tpu.memory_space<vmem>>
    %dma_wait3A_2453 = tpu.memref_squeeze %dma_wait3A_2452 : memref<1x128xi32, #tpu.memory_space<vmem>> -> memref<128xi32, #tpu.memory_space<vmem>>
    %dma_wait3A_2454 = arith.constant 0 : i32
    %dma_wait3A_2455 = tpu.memref_slice %arg4[%dma_wait3A_2454] : memref<4194304xf32, #tpu.memory_space<hbm>> -> memref<4194304xf32, #tpu.memory_space<hbm>>
    tpu.wait_indirect_dma semaphore(%arg15 : memref<!tpu.dma_semaphore, #tpu.memory_space<semaphore_mem>>) src(%dma_wait3A_2455 : memref<4194304xf32, #tpu.memory_space<hbm>>) dst(%dma_wait3A_2450 : memref<128xf32, #tpu.memory_space<vmem>>)
    %dma_wait3A_2456 = arith.constant 12 : i32
    %dma_wait3A_2457 = arith.constant 2 : i32
    %dma_wait3A_2458 = arith.constant 256 : i32
    %dma_wait3A_2459 = tpu.memref_slice %arg13[%dma_wait3A_2457, %dma_wait3A_2458] : memref<4x640xf32, #tpu.memory_space<vmem>> -> memref<1x128xf32, #tpu.memory_space<vmem>>
    %dma_wait3A_2460 = tpu.memref_squeeze %dma_wait3A_2459 : memref<1x128xf32, #tpu.memory_space<vmem>> -> memref<128xf32, #tpu.memory_space<vmem>>
    %dma_wait3A_2461 = arith.constant 0 : i32
    %dma_wait3A_2462 = tpu.memref_slice %arg11[%dma_wait3A_2456, %dma_wait3A_2461] : memref<20x128xi32, #tpu.memory_space<vmem>> -> memref<1x128xi32, #tpu.memory_space<vmem>>
    %dma_wait3A_2463 = tpu.memref_squeeze %dma_wait3A_2462 : memref<1x128xi32, #tpu.memory_space<vmem>> -> memref<128xi32, #tpu.memory_space<vmem>>
    %dma_wait3A_2464 = arith.constant 0 : i32
    %dma_wait3A_2465 = tpu.memref_slice %arg4[%dma_wait3A_2464] : memref<4194304xf32, #tpu.memory_space<hbm>> -> memref<4194304xf32, #tpu.memory_space<hbm>>
    tpu.wait_indirect_dma semaphore(%arg15 : memref<!tpu.dma_semaphore, #tpu.memory_space<semaphore_mem>>) src(%dma_wait3A_2465 : memref<4194304xf32, #tpu.memory_space<hbm>>) dst(%dma_wait3A_2460 : memref<128xf32, #tpu.memory_space<vmem>>)
    %dma_wait3A_2466 = arith.constant 17 : i32
    %dma_wait3A_2467 = arith.constant 3 : i32
    %dma_wait3A_2468 = arith.constant 256 : i32
    %dma_wait3A_2469 = tpu.memref_slice %arg13[%dma_wait3A_2467, %dma_wait3A_2468] : memref<4x640xf32, #tpu.memory_space<vmem>> -> memref<1x128xf32, #tpu.memory_space<vmem>>
    %dma_wait3A_2470 = tpu.memref_squeeze %dma_wait3A_2469 : memref<1x128xf32, #tpu.memory_space<vmem>> -> memref<128xf32, #tpu.memory_space<vmem>>
    %dma_wait3A_2471 = arith.constant 0 : i32
    %dma_wait3A_2472 = tpu.memref_slice %arg11[%dma_wait3A_2466, %dma_wait3A_2471] : memref<20x128xi32, #tpu.memory_space<vmem>> -> memref<1x128xi32, #tpu.memory_space<vmem>>
    %dma_wait3A_2473 = tpu.memref_squeeze %dma_wait3A_2472 : memref<1x128xi32, #tpu.memory_space<vmem>> -> memref<128xi32, #tpu.memory_space<vmem>>
    %dma_wait3A_2474 = arith.constant 0 : i32
    %dma_wait3A_2475 = tpu.memref_slice %arg4[%dma_wait3A_2474] : memref<4194304xf32, #tpu.memory_space<hbm>> -> memref<4194304xf32, #tpu.memory_space<hbm>>
    tpu.wait_indirect_dma semaphore(%arg15 : memref<!tpu.dma_semaphore, #tpu.memory_space<semaphore_mem>>) src(%dma_wait3A_2475 : memref<4194304xf32, #tpu.memory_space<hbm>>) dst(%dma_wait3A_2470 : memref<128xf32, #tpu.memory_space<vmem>>)
    %dma_wait3A_2476 = arith.constant 3 : i32
    %dma_wait3A_2477 = arith.constant 384 : i32
    %dma_wait3A_2478 = arith.constant 0 : i32
    %dma_wait3A_2479 = tpu.memref_slice %arg14[%dma_wait3A_2477, %dma_wait3A_2478] : memref<640x128xf32, #tpu.memory_space<vmem>> -> memref<128x128xf32, #tpu.memory_space<vmem>>
    %dma_wait3A_2480 = arith.constant 0 : i32
    %dma_wait3A_2481 = tpu.memref_slice %arg10[%dma_wait3A_2476, %dma_wait3A_2480] : memref<5x128xi32, #tpu.memory_space<vmem>> -> memref<1x128xi32, #tpu.memory_space<vmem>>
    %dma_wait3A_2482 = tpu.memref_squeeze %dma_wait3A_2481 : memref<1x128xi32, #tpu.memory_space<vmem>> -> memref<128xi32, #tpu.memory_space<vmem>>
    %dma_wait3A_2483 = arith.constant 0 : i32
    %dma_wait3A_2484 = arith.constant 0 : i32
    %dma_wait3A_2485 = tpu.memref_slice %arg5[%dma_wait3A_2483, %dma_wait3A_2484] : memref<1024x128xf32, #tpu.memory_space<hbm>> -> memref<1024x128xf32, #tpu.memory_space<hbm>>
    tpu.wait_indirect_dma semaphore(%arg15 : memref<!tpu.dma_semaphore, #tpu.memory_space<semaphore_mem>>) src(%dma_wait3A_2485 : memref<1024x128xf32, #tpu.memory_space<hbm>>) dst(%dma_wait3A_2479 : memref<128x128xf32, #tpu.memory_space<vmem>>)
    %dma_wait3A_2486 = arith.constant 3 : i32
    %dma_wait3A_2487 = arith.constant 384 : i32
    %dma_wait3A_2488 = tpu.memref_slice %arg12[%dma_wait3A_2487] : memref<640xf32, #tpu.memory_space<vmem>> -> memref<128xf32, #tpu.memory_space<vmem>>
    %dma_wait3A_2489 = arith.constant 0 : i32
    %dma_wait3A_2490 = tpu.memref_slice %arg9[%dma_wait3A_2486, %dma_wait3A_2489] : memref<5x128xi32, #tpu.memory_space<vmem>> -> memref<1x128xi32, #tpu.memory_space<vmem>>
    %dma_wait3A_2491 = tpu.memref_squeeze %dma_wait3A_2490 : memref<1x128xi32, #tpu.memory_space<vmem>> -> memref<128xi32, #tpu.memory_space<vmem>>
    %dma_wait3A_2492 = arith.constant 0 : i32
    %dma_wait3A_2493 = tpu.memref_slice %arg3[%dma_wait3A_2492] : memref<1048576xf32, #tpu.memory_space<hbm>> -> memref<1048576xf32, #tpu.memory_space<hbm>>
    tpu.wait_indirect_dma semaphore(%arg15 : memref<!tpu.dma_semaphore, #tpu.memory_space<semaphore_mem>>) src(%dma_wait3A_2493 : memref<1048576xf32, #tpu.memory_space<hbm>>) dst(%dma_wait3A_2488 : memref<128xf32, #tpu.memory_space<vmem>>)
    %dma_wait3A_2494 = arith.constant 3 : i32
    %dma_wait3A_2495 = arith.constant 0 : i32
    %dma_wait3A_2496 = arith.constant 384 : i32
    %dma_wait3A_2497 = tpu.memref_slice %arg13[%dma_wait3A_2495, %dma_wait3A_2496] : memref<4x640xf32, #tpu.memory_space<vmem>> -> memref<1x128xf32, #tpu.memory_space<vmem>>
    %dma_wait3A_2498 = tpu.memref_squeeze %dma_wait3A_2497 : memref<1x128xf32, #tpu.memory_space<vmem>> -> memref<128xf32, #tpu.memory_space<vmem>>
    %dma_wait3A_2499 = arith.constant 0 : i32
    %dma_wait3A_2500 = tpu.memref_slice %arg11[%dma_wait3A_2494, %dma_wait3A_2499] : memref<20x128xi32, #tpu.memory_space<vmem>> -> memref<1x128xi32, #tpu.memory_space<vmem>>
    %dma_wait3A_2501 = tpu.memref_squeeze %dma_wait3A_2500 : memref<1x128xi32, #tpu.memory_space<vmem>> -> memref<128xi32, #tpu.memory_space<vmem>>
    %dma_wait3A_2502 = arith.constant 0 : i32
    %dma_wait3A_2503 = tpu.memref_slice %arg4[%dma_wait3A_2502] : memref<4194304xf32, #tpu.memory_space<hbm>> -> memref<4194304xf32, #tpu.memory_space<hbm>>
    tpu.wait_indirect_dma semaphore(%arg15 : memref<!tpu.dma_semaphore, #tpu.memory_space<semaphore_mem>>) src(%dma_wait3A_2503 : memref<4194304xf32, #tpu.memory_space<hbm>>) dst(%dma_wait3A_2498 : memref<128xf32, #tpu.memory_space<vmem>>)
    %dma_wait3A_2504 = arith.constant 8 : i32
    %dma_wait3A_2505 = arith.constant 1 : i32
    %dma_wait3A_2506 = arith.constant 384 : i32
    %dma_wait3A_2507 = tpu.memref_slice %arg13[%dma_wait3A_2505, %dma_wait3A_2506] : memref<4x640xf32, #tpu.memory_space<vmem>> -> memref<1x128xf32, #tpu.memory_space<vmem>>
    %dma_wait3A_2508 = tpu.memref_squeeze %dma_wait3A_2507 : memref<1x128xf32, #tpu.memory_space<vmem>> -> memref<128xf32, #tpu.memory_space<vmem>>
    %dma_wait3A_2509 = arith.constant 0 : i32
    %dma_wait3A_2510 = tpu.memref_slice %arg11[%dma_wait3A_2504, %dma_wait3A_2509] : memref<20x128xi32, #tpu.memory_space<vmem>> -> memref<1x128xi32, #tpu.memory_space<vmem>>
    %dma_wait3A_2511 = tpu.memref_squeeze %dma_wait3A_2510 : memref<1x128xi32, #tpu.memory_space<vmem>> -> memref<128xi32, #tpu.memory_space<vmem>>
    %dma_wait3A_2512 = arith.constant 0 : i32
    %dma_wait3A_2513 = tpu.memref_slice %arg4[%dma_wait3A_2512] : memref<4194304xf32, #tpu.memory_space<hbm>> -> memref<4194304xf32, #tpu.memory_space<hbm>>
    tpu.wait_indirect_dma semaphore(%arg15 : memref<!tpu.dma_semaphore, #tpu.memory_space<semaphore_mem>>) src(%dma_wait3A_2513 : memref<4194304xf32, #tpu.memory_space<hbm>>) dst(%dma_wait3A_2508 : memref<128xf32, #tpu.memory_space<vmem>>)
    %dma_wait3A_2514 = arith.constant 13 : i32
    %dma_wait3A_2515 = arith.constant 2 : i32
    %dma_wait3A_2516 = arith.constant 384 : i32
    %dma_wait3A_2517 = tpu.memref_slice %arg13[%dma_wait3A_2515, %dma_wait3A_2516] : memref<4x640xf32, #tpu.memory_space<vmem>> -> memref<1x128xf32, #tpu.memory_space<vmem>>
    %dma_wait3A_2518 = tpu.memref_squeeze %dma_wait3A_2517 : memref<1x128xf32, #tpu.memory_space<vmem>> -> memref<128xf32, #tpu.memory_space<vmem>>
    %dma_wait3A_2519 = arith.constant 0 : i32
    %dma_wait3A_2520 = tpu.memref_slice %arg11[%dma_wait3A_2514, %dma_wait3A_2519] : memref<20x128xi32, #tpu.memory_space<vmem>> -> memref<1x128xi32, #tpu.memory_space<vmem>>
    %dma_wait3A_2521 = tpu.memref_squeeze %dma_wait3A_2520 : memref<1x128xi32, #tpu.memory_space<vmem>> -> memref<128xi32, #tpu.memory_space<vmem>>
    %dma_wait3A_2522 = arith.constant 0 : i32
    %dma_wait3A_2523 = tpu.memref_slice %arg4[%dma_wait3A_2522] : memref<4194304xf32, #tpu.memory_space<hbm>> -> memref<4194304xf32, #tpu.memory_space<hbm>>
    tpu.wait_indirect_dma semaphore(%arg15 : memref<!tpu.dma_semaphore, #tpu.memory_space<semaphore_mem>>) src(%dma_wait3A_2523 : memref<4194304xf32, #tpu.memory_space<hbm>>) dst(%dma_wait3A_2518 : memref<128xf32, #tpu.memory_space<vmem>>)
    %dma_wait3A_2524 = arith.constant 18 : i32
    %dma_wait3A_2525 = arith.constant 3 : i32
    %dma_wait3A_2526 = arith.constant 384 : i32
    %dma_wait3A_2527 = tpu.memref_slice %arg13[%dma_wait3A_2525, %dma_wait3A_2526] : memref<4x640xf32, #tpu.memory_space<vmem>> -> memref<1x128xf32, #tpu.memory_space<vmem>>
    %dma_wait3A_2528 = tpu.memref_squeeze %dma_wait3A_2527 : memref<1x128xf32, #tpu.memory_space<vmem>> -> memref<128xf32, #tpu.memory_space<vmem>>
    %dma_wait3A_2529 = arith.constant 0 : i32
    %dma_wait3A_2530 = tpu.memref_slice %arg11[%dma_wait3A_2524, %dma_wait3A_2529] : memref<20x128xi32, #tpu.memory_space<vmem>> -> memref<1x128xi32, #tpu.memory_space<vmem>>
    %dma_wait3A_2531 = tpu.memref_squeeze %dma_wait3A_2530 : memref<1x128xi32, #tpu.memory_space<vmem>> -> memref<128xi32, #tpu.memory_space<vmem>>
    %dma_wait3A_2532 = arith.constant 0 : i32
    %dma_wait3A_2533 = tpu.memref_slice %arg4[%dma_wait3A_2532] : memref<4194304xf32, #tpu.memory_space<hbm>> -> memref<4194304xf32, #tpu.memory_space<hbm>>
    tpu.wait_indirect_dma semaphore(%arg15 : memref<!tpu.dma_semaphore, #tpu.memory_space<semaphore_mem>>) src(%dma_wait3A_2533 : memref<4194304xf32, #tpu.memory_space<hbm>>) dst(%dma_wait3A_2528 : memref<128xf32, #tpu.memory_space<vmem>>)
    %dma_wait3A_2534 = arith.constant 4 : i32
    %dma_wait3A_2535 = arith.constant 512 : i32
    %dma_wait3A_2536 = arith.constant 0 : i32
    %dma_wait3A_2537 = tpu.memref_slice %arg14[%dma_wait3A_2535, %dma_wait3A_2536] : memref<640x128xf32, #tpu.memory_space<vmem>> -> memref<128x128xf32, #tpu.memory_space<vmem>>
    %dma_wait3A_2538 = arith.constant 0 : i32
    %dma_wait3A_2539 = tpu.memref_slice %arg10[%dma_wait3A_2534, %dma_wait3A_2538] : memref<5x128xi32, #tpu.memory_space<vmem>> -> memref<1x128xi32, #tpu.memory_space<vmem>>
    %dma_wait3A_2540 = tpu.memref_squeeze %dma_wait3A_2539 : memref<1x128xi32, #tpu.memory_space<vmem>> -> memref<128xi32, #tpu.memory_space<vmem>>
    %dma_wait3A_2541 = arith.constant 0 : i32
    %dma_wait3A_2542 = arith.constant 0 : i32
    %dma_wait3A_2543 = tpu.memref_slice %arg5[%dma_wait3A_2541, %dma_wait3A_2542] : memref<1024x128xf32, #tpu.memory_space<hbm>> -> memref<1024x128xf32, #tpu.memory_space<hbm>>
    tpu.wait_indirect_dma semaphore(%arg15 : memref<!tpu.dma_semaphore, #tpu.memory_space<semaphore_mem>>) src(%dma_wait3A_2543 : memref<1024x128xf32, #tpu.memory_space<hbm>>) dst(%dma_wait3A_2537 : memref<128x128xf32, #tpu.memory_space<vmem>>)
    %dma_wait3A_2544 = arith.constant 4 : i32
    %dma_wait3A_2545 = arith.constant 512 : i32
    %dma_wait3A_2546 = tpu.memref_slice %arg12[%dma_wait3A_2545] : memref<640xf32, #tpu.memory_space<vmem>> -> memref<128xf32, #tpu.memory_space<vmem>>
    %dma_wait3A_2547 = arith.constant 0 : i32
    %dma_wait3A_2548 = tpu.memref_slice %arg9[%dma_wait3A_2544, %dma_wait3A_2547] : memref<5x128xi32, #tpu.memory_space<vmem>> -> memref<1x128xi32, #tpu.memory_space<vmem>>
    %dma_wait3A_2549 = tpu.memref_squeeze %dma_wait3A_2548 : memref<1x128xi32, #tpu.memory_space<vmem>> -> memref<128xi32, #tpu.memory_space<vmem>>
    %dma_wait3A_2550 = arith.constant 0 : i32
    %dma_wait3A_2551 = tpu.memref_slice %arg3[%dma_wait3A_2550] : memref<1048576xf32, #tpu.memory_space<hbm>> -> memref<1048576xf32, #tpu.memory_space<hbm>>
    tpu.wait_indirect_dma semaphore(%arg15 : memref<!tpu.dma_semaphore, #tpu.memory_space<semaphore_mem>>) src(%dma_wait3A_2551 : memref<1048576xf32, #tpu.memory_space<hbm>>) dst(%dma_wait3A_2546 : memref<128xf32, #tpu.memory_space<vmem>>)
    %dma_wait3A_2552 = arith.constant 4 : i32
    %dma_wait3A_2553 = arith.constant 0 : i32
    %dma_wait3A_2554 = arith.constant 512 : i32
    %dma_wait3A_2555 = tpu.memref_slice %arg13[%dma_wait3A_2553, %dma_wait3A_2554] : memref<4x640xf32, #tpu.memory_space<vmem>> -> memref<1x128xf32, #tpu.memory_space<vmem>>
    %dma_wait3A_2556 = tpu.memref_squeeze %dma_wait3A_2555 : memref<1x128xf32, #tpu.memory_space<vmem>> -> memref<128xf32, #tpu.memory_space<vmem>>
    %dma_wait3A_2557 = arith.constant 0 : i32
    %dma_wait3A_2558 = tpu.memref_slice %arg11[%dma_wait3A_2552, %dma_wait3A_2557] : memref<20x128xi32, #tpu.memory_space<vmem>> -> memref<1x128xi32, #tpu.memory_space<vmem>>
    %dma_wait3A_2559 = tpu.memref_squeeze %dma_wait3A_2558 : memref<1x128xi32, #tpu.memory_space<vmem>> -> memref<128xi32, #tpu.memory_space<vmem>>
    %dma_wait3A_2560 = arith.constant 0 : i32
    %dma_wait3A_2561 = tpu.memref_slice %arg4[%dma_wait3A_2560] : memref<4194304xf32, #tpu.memory_space<hbm>> -> memref<4194304xf32, #tpu.memory_space<hbm>>
    tpu.wait_indirect_dma semaphore(%arg15 : memref<!tpu.dma_semaphore, #tpu.memory_space<semaphore_mem>>) src(%dma_wait3A_2561 : memref<4194304xf32, #tpu.memory_space<hbm>>) dst(%dma_wait3A_2556 : memref<128xf32, #tpu.memory_space<vmem>>)
    %dma_wait3A_2562 = arith.constant 9 : i32
    %dma_wait3A_2563 = arith.constant 1 : i32
    %dma_wait3A_2564 = arith.constant 512 : i32
    %dma_wait3A_2565 = tpu.memref_slice %arg13[%dma_wait3A_2563, %dma_wait3A_2564] : memref<4x640xf32, #tpu.memory_space<vmem>> -> memref<1x128xf32, #tpu.memory_space<vmem>>
    %dma_wait3A_2566 = tpu.memref_squeeze %dma_wait3A_2565 : memref<1x128xf32, #tpu.memory_space<vmem>> -> memref<128xf32, #tpu.memory_space<vmem>>
    %dma_wait3A_2567 = arith.constant 0 : i32
    %dma_wait3A_2568 = tpu.memref_slice %arg11[%dma_wait3A_2562, %dma_wait3A_2567] : memref<20x128xi32, #tpu.memory_space<vmem>> -> memref<1x128xi32, #tpu.memory_space<vmem>>
    %dma_wait3A_2569 = tpu.memref_squeeze %dma_wait3A_2568 : memref<1x128xi32, #tpu.memory_space<vmem>> -> memref<128xi32, #tpu.memory_space<vmem>>
    %dma_wait3A_2570 = arith.constant 0 : i32
    %dma_wait3A_2571 = tpu.memref_slice %arg4[%dma_wait3A_2570] : memref<4194304xf32, #tpu.memory_space<hbm>> -> memref<4194304xf32, #tpu.memory_space<hbm>>
    tpu.wait_indirect_dma semaphore(%arg15 : memref<!tpu.dma_semaphore, #tpu.memory_space<semaphore_mem>>) src(%dma_wait3A_2571 : memref<4194304xf32, #tpu.memory_space<hbm>>) dst(%dma_wait3A_2566 : memref<128xf32, #tpu.memory_space<vmem>>)
    %dma_wait3A_2572 = arith.constant 14 : i32
    %dma_wait3A_2573 = arith.constant 2 : i32
    %dma_wait3A_2574 = arith.constant 512 : i32
    %dma_wait3A_2575 = tpu.memref_slice %arg13[%dma_wait3A_2573, %dma_wait3A_2574] : memref<4x640xf32, #tpu.memory_space<vmem>> -> memref<1x128xf32, #tpu.memory_space<vmem>>
    %dma_wait3A_2576 = tpu.memref_squeeze %dma_wait3A_2575 : memref<1x128xf32, #tpu.memory_space<vmem>> -> memref<128xf32, #tpu.memory_space<vmem>>
    %dma_wait3A_2577 = arith.constant 0 : i32
    %dma_wait3A_2578 = tpu.memref_slice %arg11[%dma_wait3A_2572, %dma_wait3A_2577] : memref<20x128xi32, #tpu.memory_space<vmem>> -> memref<1x128xi32, #tpu.memory_space<vmem>>
    %dma_wait3A_2579 = tpu.memref_squeeze %dma_wait3A_2578 : memref<1x128xi32, #tpu.memory_space<vmem>> -> memref<128xi32, #tpu.memory_space<vmem>>
    %dma_wait3A_2580 = arith.constant 0 : i32
    %dma_wait3A_2581 = tpu.memref_slice %arg4[%dma_wait3A_2580] : memref<4194304xf32, #tpu.memory_space<hbm>> -> memref<4194304xf32, #tpu.memory_space<hbm>>
    tpu.wait_indirect_dma semaphore(%arg15 : memref<!tpu.dma_semaphore, #tpu.memory_space<semaphore_mem>>) src(%dma_wait3A_2581 : memref<4194304xf32, #tpu.memory_space<hbm>>) dst(%dma_wait3A_2576 : memref<128xf32, #tpu.memory_space<vmem>>)
    %dma_wait3A_2582 = arith.constant 19 : i32
    %dma_wait3A_2583 = arith.constant 3 : i32
    %dma_wait3A_2584 = arith.constant 512 : i32
    %dma_wait3A_2585 = tpu.memref_slice %arg13[%dma_wait3A_2583, %dma_wait3A_2584] : memref<4x640xf32, #tpu.memory_space<vmem>> -> memref<1x128xf32, #tpu.memory_space<vmem>>
    %dma_wait3A_2586 = tpu.memref_squeeze %dma_wait3A_2585 : memref<1x128xf32, #tpu.memory_space<vmem>> -> memref<128xf32, #tpu.memory_space<vmem>>
    %dma_wait3A_2587 = arith.constant 0 : i32
    %dma_wait3A_2588 = tpu.memref_slice %arg11[%dma_wait3A_2582, %dma_wait3A_2587] : memref<20x128xi32, #tpu.memory_space<vmem>> -> memref<1x128xi32, #tpu.memory_space<vmem>>
    %dma_wait3A_2589 = tpu.memref_squeeze %dma_wait3A_2588 : memref<1x128xi32, #tpu.memory_space<vmem>> -> memref<128xi32, #tpu.memory_space<vmem>>
    %dma_wait3A_2590 = arith.constant 0 : i32
    %dma_wait3A_2591 = tpu.memref_slice %arg4[%dma_wait3A_2590] : memref<4194304xf32, #tpu.memory_space<hbm>> -> memref<4194304xf32, #tpu.memory_space<hbm>>
    tpu.wait_indirect_dma semaphore(%arg15 : memref<!tpu.dma_semaphore, #tpu.memory_space<semaphore_mem>>) src(%dma_wait3A_2591 : memref<4194304xf32, #tpu.memory_space<hbm>>) dst(%dma_wait3A_2586 : memref<128xf32, #tpu.memory_space<vmem>>)
    "tpu.region"() ({
      %run_scoped3A_2604 = tpu.sem_alloc : memref<!tpu.dma_semaphore, #tpu.memory_space<semaphore_mem>>
      %dma_start3A_2605 = arith.constant 0 : i32
      %dma_start3A_2606 = tpu.memref_slice %arg8[%mul3A_2, %dma_start3A_2605] : memref<20480x128xf32, #tpu.memory_space<hbm>> -> memref<640x128xf32, #tpu.memory_space<hbm>>
      %dma_start3A_2607 = arith.constant 0 : i32
      %dma_start3A_2608 = tpu.memref_slice %arg8[%mul3A_2, %dma_start3A_2607] : memref<20480x128xf32, #tpu.memory_space<hbm>> -> memref<640x128xf32, #tpu.memory_space<hbm>>
      tpu.enqueue_dma source(%arg14 : memref<640x128xf32, #tpu.memory_space<vmem>>) target(%dma_start3A_2608 : memref<640x128xf32, #tpu.memory_space<hbm>>) target_semaphore(%run_scoped3A_2604 : memref<!tpu.dma_semaphore, #tpu.memory_space<semaphore_mem>>)
      %dma_wait3A_2609 = arith.constant 0 : i32
      %dma_wait3A_2610 = tpu.memref_slice %arg8[%mul3A_2, %dma_wait3A_2609] : memref<20480x128xf32, #tpu.memory_space<hbm>> -> memref<640x128xf32, #tpu.memory_space<hbm>>
      %dma_wait3A_2611 = arith.constant 0 : i32
      %dma_wait3A_2612 = tpu.memref_slice %arg8[%mul3A_2, %dma_wait3A_2611] : memref<20480x128xf32, #tpu.memory_space<hbm>> -> memref<640x128xf32, #tpu.memory_space<hbm>>
      tpu.wait_dma2 semaphore(%run_scoped3A_2604 : memref<!tpu.dma_semaphore, #tpu.memory_space<semaphore_mem>>) src(%arg14 : memref<640x128xf32, #tpu.memory_space<vmem>>) dst(%dma_wait3A_2612 : memref<640x128xf32, #tpu.memory_space<hbm>>)
      tpu.yield
    }) : () -> ()
    "tpu.region"() ({
      %run_scoped3A_2604 = tpu.sem_alloc : memref<!tpu.dma_semaphore, #tpu.memory_space<semaphore_mem>>
      %dma_start3A_2605 = tpu.memref_slice %arg6[%mul3A_2] : memref<20480xf32, #tpu.memory_space<hbm>> -> memref<640xf32, #tpu.memory_space<hbm>>
      %dma_start3A_2606 = tpu.memref_slice %arg6[%mul3A_2] : memref<20480xf32, #tpu.memory_space<hbm>> -> memref<640xf32, #tpu.memory_space<hbm>>
      tpu.enqueue_dma source(%arg12 : memref<640xf32, #tpu.memory_space<vmem>>) target(%dma_start3A_2606 : memref<640xf32, #tpu.memory_space<hbm>>) target_semaphore(%run_scoped3A_2604 : memref<!tpu.dma_semaphore, #tpu.memory_space<semaphore_mem>>)
      %dma_wait3A_2607 = tpu.memref_slice %arg6[%mul3A_2] : memref<20480xf32, #tpu.memory_space<hbm>> -> memref<640xf32, #tpu.memory_space<hbm>>
      %dma_wait3A_2608 = tpu.memref_slice %arg6[%mul3A_2] : memref<20480xf32, #tpu.memory_space<hbm>> -> memref<640xf32, #tpu.memory_space<hbm>>
      tpu.wait_dma2 semaphore(%run_scoped3A_2604 : memref<!tpu.dma_semaphore, #tpu.memory_space<semaphore_mem>>) src(%arg12 : memref<640xf32, #tpu.memory_space<vmem>>) dst(%dma_wait3A_2608 : memref<640xf32, #tpu.memory_space<hbm>>)
      tpu.yield
    }) : () -> ()
    %add3A_2592 = arith.constant 0 : i32
    %add3A_2593 = arith.addi %add3A_2592, %mul3A_2 : i32
    %run_scoped3A_2594 = arith.constant 0 : i32
    "tpu.region"() ({
      %run_scoped3A_2604 = tpu.sem_alloc : memref<!tpu.dma_semaphore, #tpu.memory_space<semaphore_mem>>
      %dma_start3A_2605 = arith.constant 0 : i32
      %dma_start3A_2606 = tpu.memref_slice %arg13[%run_scoped3A_2594, %dma_start3A_2605] : memref<4x640xf32, #tpu.memory_space<vmem>> -> memref<1x640xf32, #tpu.memory_space<vmem>>
      %dma_start3A_2607 = tpu.memref_squeeze %dma_start3A_2606 : memref<1x640xf32, #tpu.memory_space<vmem>> -> memref<640xf32, #tpu.memory_space<vmem>>
      %dma_start3A_2608 = tpu.memref_slice %arg7[%add3A_2593] : memref<81920xf32, #tpu.memory_space<hbm>> -> memref<640xf32, #tpu.memory_space<hbm>>
      %dma_start3A_2609 = tpu.memref_slice %arg7[%add3A_2593] : memref<81920xf32, #tpu.memory_space<hbm>> -> memref<640xf32, #tpu.memory_space<hbm>>
      %dma_start3A_2610 = arith.constant 0 : i32
      %dma_start3A_2611 = tpu.memref_slice %arg13[%run_scoped3A_2594, %dma_start3A_2610] : memref<4x640xf32, #tpu.memory_space<vmem>> -> memref<1x640xf32, #tpu.memory_space<vmem>>
      %dma_start3A_2612 = tpu.memref_squeeze %dma_start3A_2611 : memref<1x640xf32, #tpu.memory_space<vmem>> -> memref<640xf32, #tpu.memory_space<vmem>>
      tpu.enqueue_dma source(%dma_start3A_2612 : memref<640xf32, #tpu.memory_space<vmem>>) target(%dma_start3A_2609 : memref<640xf32, #tpu.memory_space<hbm>>) target_semaphore(%run_scoped3A_2604 : memref<!tpu.dma_semaphore, #tpu.memory_space<semaphore_mem>>)
      %dma_wait3A_2613 = arith.constant 0 : i32
      %dma_wait3A_2614 = tpu.memref_slice %arg13[%run_scoped3A_2594, %dma_wait3A_2613] : memref<4x640xf32, #tpu.memory_space<vmem>> -> memref<1x640xf32, #tpu.memory_space<vmem>>
      %dma_wait3A_2615 = tpu.memref_squeeze %dma_wait3A_2614 : memref<1x640xf32, #tpu.memory_space<vmem>> -> memref<640xf32, #tpu.memory_space<vmem>>
      %dma_wait3A_2616 = tpu.memref_slice %arg7[%add3A_2593] : memref<81920xf32, #tpu.memory_space<hbm>> -> memref<640xf32, #tpu.memory_space<hbm>>
      %dma_wait3A_2617 = tpu.memref_slice %arg7[%add3A_2593] : memref<81920xf32, #tpu.memory_space<hbm>> -> memref<640xf32, #tpu.memory_space<hbm>>
      %dma_wait3A_2618 = arith.constant 0 : i32
      %dma_wait3A_2619 = tpu.memref_slice %arg13[%run_scoped3A_2594, %dma_wait3A_2618] : memref<4x640xf32, #tpu.memory_space<vmem>> -> memref<1x640xf32, #tpu.memory_space<vmem>>
      %dma_wait3A_2620 = tpu.memref_squeeze %dma_wait3A_2619 : memref<1x640xf32, #tpu.memory_space<vmem>> -> memref<640xf32, #tpu.memory_space<vmem>>
      tpu.wait_dma2 semaphore(%run_scoped3A_2604 : memref<!tpu.dma_semaphore, #tpu.memory_space<semaphore_mem>>) src(%dma_wait3A_2620 : memref<640xf32, #tpu.memory_space<vmem>>) dst(%dma_wait3A_2617 : memref<640xf32, #tpu.memory_space<hbm>>)
      tpu.yield
    }) : () -> ()
    %add3A_2595 = arith.constant 20480 : i32
    %add3A_2596 = arith.addi %add3A_2595, %mul3A_2 : i32
    %run_scoped3A_2597 = arith.constant 1 : i32
    "tpu.region"() ({
      %run_scoped3A_2604 = tpu.sem_alloc : memref<!tpu.dma_semaphore, #tpu.memory_space<semaphore_mem>>
      %dma_start3A_2605 = arith.constant 0 : i32
      %dma_start3A_2606 = tpu.memref_slice %arg13[%run_scoped3A_2597, %dma_start3A_2605] : memref<4x640xf32, #tpu.memory_space<vmem>> -> memref<1x640xf32, #tpu.memory_space<vmem>>
      %dma_start3A_2607 = tpu.memref_squeeze %dma_start3A_2606 : memref<1x640xf32, #tpu.memory_space<vmem>> -> memref<640xf32, #tpu.memory_space<vmem>>
      %dma_start3A_2608 = tpu.memref_slice %arg7[%add3A_2596] : memref<81920xf32, #tpu.memory_space<hbm>> -> memref<640xf32, #tpu.memory_space<hbm>>
      %dma_start3A_2609 = tpu.memref_slice %arg7[%add3A_2596] : memref<81920xf32, #tpu.memory_space<hbm>> -> memref<640xf32, #tpu.memory_space<hbm>>
      %dma_start3A_2610 = arith.constant 0 : i32
      %dma_start3A_2611 = tpu.memref_slice %arg13[%run_scoped3A_2597, %dma_start3A_2610] : memref<4x640xf32, #tpu.memory_space<vmem>> -> memref<1x640xf32, #tpu.memory_space<vmem>>
      %dma_start3A_2612 = tpu.memref_squeeze %dma_start3A_2611 : memref<1x640xf32, #tpu.memory_space<vmem>> -> memref<640xf32, #tpu.memory_space<vmem>>
      tpu.enqueue_dma source(%dma_start3A_2612 : memref<640xf32, #tpu.memory_space<vmem>>) target(%dma_start3A_2609 : memref<640xf32, #tpu.memory_space<hbm>>) target_semaphore(%run_scoped3A_2604 : memref<!tpu.dma_semaphore, #tpu.memory_space<semaphore_mem>>)
      %dma_wait3A_2613 = arith.constant 0 : i32
      %dma_wait3A_2614 = tpu.memref_slice %arg13[%run_scoped3A_2597, %dma_wait3A_2613] : memref<4x640xf32, #tpu.memory_space<vmem>> -> memref<1x640xf32, #tpu.memory_space<vmem>>
      %dma_wait3A_2615 = tpu.memref_squeeze %dma_wait3A_2614 : memref<1x640xf32, #tpu.memory_space<vmem>> -> memref<640xf32, #tpu.memory_space<vmem>>
      %dma_wait3A_2616 = tpu.memref_slice %arg7[%add3A_2596] : memref<81920xf32, #tpu.memory_space<hbm>> -> memref<640xf32, #tpu.memory_space<hbm>>
      %dma_wait3A_2617 = tpu.memref_slice %arg7[%add3A_2596] : memref<81920xf32, #tpu.memory_space<hbm>> -> memref<640xf32, #tpu.memory_space<hbm>>
      %dma_wait3A_2618 = arith.constant 0 : i32
      %dma_wait3A_2619 = tpu.memref_slice %arg13[%run_scoped3A_2597, %dma_wait3A_2618] : memref<4x640xf32, #tpu.memory_space<vmem>> -> memref<1x640xf32, #tpu.memory_space<vmem>>
      %dma_wait3A_2620 = tpu.memref_squeeze %dma_wait3A_2619 : memref<1x640xf32, #tpu.memory_space<vmem>> -> memref<640xf32, #tpu.memory_space<vmem>>
      tpu.wait_dma2 semaphore(%run_scoped3A_2604 : memref<!tpu.dma_semaphore, #tpu.memory_space<semaphore_mem>>) src(%dma_wait3A_2620 : memref<640xf32, #tpu.memory_space<vmem>>) dst(%dma_wait3A_2617 : memref<640xf32, #tpu.memory_space<hbm>>)
      tpu.yield
    }) : () -> ()
    %add3A_2598 = arith.constant 40960 : i32
    %add3A_2599 = arith.addi %add3A_2598, %mul3A_2 : i32
    %run_scoped3A_2600 = arith.constant 2 : i32
    "tpu.region"() ({
      %run_scoped3A_2604 = tpu.sem_alloc : memref<!tpu.dma_semaphore, #tpu.memory_space<semaphore_mem>>
      %dma_start3A_2605 = arith.constant 0 : i32
      %dma_start3A_2606 = tpu.memref_slice %arg13[%run_scoped3A_2600, %dma_start3A_2605] : memref<4x640xf32, #tpu.memory_space<vmem>> -> memref<1x640xf32, #tpu.memory_space<vmem>>
      %dma_start3A_2607 = tpu.memref_squeeze %dma_start3A_2606 : memref<1x640xf32, #tpu.memory_space<vmem>> -> memref<640xf32, #tpu.memory_space<vmem>>
      %dma_start3A_2608 = tpu.memref_slice %arg7[%add3A_2599] : memref<81920xf32, #tpu.memory_space<hbm>> -> memref<640xf32, #tpu.memory_space<hbm>>
      %dma_start3A_2609 = tpu.memref_slice %arg7[%add3A_2599] : memref<81920xf32, #tpu.memory_space<hbm>> -> memref<640xf32, #tpu.memory_space<hbm>>
      %dma_start3A_2610 = arith.constant 0 : i32
      %dma_start3A_2611 = tpu.memref_slice %arg13[%run_scoped3A_2600, %dma_start3A_2610] : memref<4x640xf32, #tpu.memory_space<vmem>> -> memref<1x640xf32, #tpu.memory_space<vmem>>
      %dma_start3A_2612 = tpu.memref_squeeze %dma_start3A_2611 : memref<1x640xf32, #tpu.memory_space<vmem>> -> memref<640xf32, #tpu.memory_space<vmem>>
      tpu.enqueue_dma source(%dma_start3A_2612 : memref<640xf32, #tpu.memory_space<vmem>>) target(%dma_start3A_2609 : memref<640xf32, #tpu.memory_space<hbm>>) target_semaphore(%run_scoped3A_2604 : memref<!tpu.dma_semaphore, #tpu.memory_space<semaphore_mem>>)
      %dma_wait3A_2613 = arith.constant 0 : i32
      %dma_wait3A_2614 = tpu.memref_slice %arg13[%run_scoped3A_2600, %dma_wait3A_2613] : memref<4x640xf32, #tpu.memory_space<vmem>> -> memref<1x640xf32, #tpu.memory_space<vmem>>
      %dma_wait3A_2615 = tpu.memref_squeeze %dma_wait3A_2614 : memref<1x640xf32, #tpu.memory_space<vmem>> -> memref<640xf32, #tpu.memory_space<vmem>>
      %dma_wait3A_2616 = tpu.memref_slice %arg7[%add3A_2599] : memref<81920xf32, #tpu.memory_space<hbm>> -> memref<640xf32, #tpu.memory_space<hbm>>
      %dma_wait3A_2617 = tpu.memref_slice %arg7[%add3A_2599] : memref<81920xf32, #tpu.memory_space<hbm>> -> memref<640xf32, #tpu.memory_space<hbm>>
      %dma_wait3A_2618 = arith.constant 0 : i32
      %dma_wait3A_2619 = tpu.memref_slice %arg13[%run_scoped3A_2600, %dma_wait3A_2618] : memref<4x640xf32, #tpu.memory_space<vmem>> -> memref<1x640xf32, #tpu.memory_space<vmem>>
      %dma_wait3A_2620 = tpu.memref_squeeze %dma_wait3A_2619 : memref<1x640xf32, #tpu.memory_space<vmem>> -> memref<640xf32, #tpu.memory_space<vmem>>
      tpu.wait_dma2 semaphore(%run_scoped3A_2604 : memref<!tpu.dma_semaphore, #tpu.memory_space<semaphore_mem>>) src(%dma_wait3A_2620 : memref<640xf32, #tpu.memory_space<vmem>>) dst(%dma_wait3A_2617 : memref<640xf32, #tpu.memory_space<hbm>>)
      tpu.yield
    }) : () -> ()
    %add3A_2601 = arith.constant 61440 : i32
    %add3A_2602 = arith.addi %add3A_2601, %mul3A_2 : i32
    %run_scoped3A_2603 = arith.constant 3 : i32
    "tpu.region"() ({
      %run_scoped3A_2604 = tpu.sem_alloc : memref<!tpu.dma_semaphore, #tpu.memory_space<semaphore_mem>>
      %dma_start3A_2605 = arith.constant 0 : i32
      %dma_start3A_2606 = tpu.memref_slice %arg13[%run_scoped3A_2603, %dma_start3A_2605] : memref<4x640xf32, #tpu.memory_space<vmem>> -> memref<1x640xf32, #tpu.memory_space<vmem>>
      %dma_start3A_2607 = tpu.memref_squeeze %dma_start3A_2606 : memref<1x640xf32, #tpu.memory_space<vmem>> -> memref<640xf32, #tpu.memory_space<vmem>>
      %dma_start3A_2608 = tpu.memref_slice %arg7[%add3A_2602] : memref<81920xf32, #tpu.memory_space<hbm>> -> memref<640xf32, #tpu.memory_space<hbm>>
      %dma_start3A_2609 = tpu.memref_slice %arg7[%add3A_2602] : memref<81920xf32, #tpu.memory_space<hbm>> -> memref<640xf32, #tpu.memory_space<hbm>>
      %dma_start3A_2610 = arith.constant 0 : i32
      %dma_start3A_2611 = tpu.memref_slice %arg13[%run_scoped3A_2603, %dma_start3A_2610] : memref<4x640xf32, #tpu.memory_space<vmem>> -> memref<1x640xf32, #tpu.memory_space<vmem>>
      %dma_start3A_2612 = tpu.memref_squeeze %dma_start3A_2611 : memref<1x640xf32, #tpu.memory_space<vmem>> -> memref<640xf32, #tpu.memory_space<vmem>>
      tpu.enqueue_dma source(%dma_start3A_2612 : memref<640xf32, #tpu.memory_space<vmem>>) target(%dma_start3A_2609 : memref<640xf32, #tpu.memory_space<hbm>>) target_semaphore(%run_scoped3A_2604 : memref<!tpu.dma_semaphore, #tpu.memory_space<semaphore_mem>>)
      %dma_wait3A_2613 = arith.constant 0 : i32
      %dma_wait3A_2614 = tpu.memref_slice %arg13[%run_scoped3A_2603, %dma_wait3A_2613] : memref<4x640xf32, #tpu.memory_space<vmem>> -> memref<1x640xf32, #tpu.memory_space<vmem>>
      %dma_wait3A_2615 = tpu.memref_squeeze %dma_wait3A_2614 : memref<1x640xf32, #tpu.memory_space<vmem>> -> memref<640xf32, #tpu.memory_space<vmem>>
      %dma_wait3A_2616 = tpu.memref_slice %arg7[%add3A_2602] : memref<81920xf32, #tpu.memory_space<hbm>> -> memref<640xf32, #tpu.memory_space<hbm>>
      %dma_wait3A_2617 = tpu.memref_slice %arg7[%add3A_2602] : memref<81920xf32, #tpu.memory_space<hbm>> -> memref<640xf32, #tpu.memory_space<hbm>>
      %dma_wait3A_2618 = arith.constant 0 : i32
      %dma_wait3A_2619 = tpu.memref_slice %arg13[%run_scoped3A_2603, %dma_wait3A_2618] : memref<4x640xf32, #tpu.memory_space<vmem>> -> memref<1x640xf32, #tpu.memory_space<vmem>>
      %dma_wait3A_2620 = tpu.memref_squeeze %dma_wait3A_2619 : memref<1x640xf32, #tpu.memory_space<vmem>> -> memref<640xf32, #tpu.memory_space<vmem>>
      tpu.wait_dma2 semaphore(%run_scoped3A_2604 : memref<!tpu.dma_semaphore, #tpu.memory_space<semaphore_mem>>) src(%dma_wait3A_2620 : memref<640xf32, #tpu.memory_space<vmem>>) dst(%dma_wait3A_2617 : memref<640xf32, #tpu.memory_space<hbm>>)
      tpu.yield
    }) : () -> ()
    return
  }
}

module attributes {stable_mosaic.version = 14 : i64} {
  func.func @_k1_body(%arg0: memref<8x1024x96xf32, #tpu.memory_space<vmem>>, %arg1: memref<1024x96xf32, #tpu.memory_space<vmem>>, %arg2: memref<1024x1024xf32, #tpu.memory_space<vmem>>) attributes {dimension_semantics = [], scalar_prefetch = 0 : i64, scratch_operands = 0 : i64, tpu.core_type = #tpu.core_type<tc>} {
    %get3A = arith.constant 0 : index
    %get3A_0 = arith.constant 0 : index
    %get3A_1 = arith.constant 0 : index
    %get3A_2 = vector.load %arg0[%get3A, %get3A_0, %get3A_1] : memref<8x1024x96xf32, #tpu.memory_space<vmem>>, vector<8x1024x96xf32>
    %reduce_sum3A = arith.constant dense<0.000000e+00> : vector<1024x96xf32>
    %reduce_sum3A_3 = vector.multi_reduction <add>, %get3A_2, %reduce_sum3A [0] : vector<8x1024x96xf32> to vector<1024x96xf32>
    %mul3A = arith.constant 1.250000e-01 : f32
    %mul3A_4 = vector.broadcast %mul3A : f32 to vector<1024x96xf32>
    %mul3A_5 = arith.mulf %reduce_sum3A_3, %mul3A_4 : vector<1024x96xf32>
    %reduce_sum3A_6 = arith.constant dense<0.000000e+00> : vector<1024xf32>
    %reduce_sum3A_7 = vector.multi_reduction <add>, %mul3A_5, %reduce_sum3A_6 [1] : vector<1024x96xf32> to vector<1024xf32>
    %broadcast_in_dim3A = vector.shape_cast %reduce_sum3A_7 : vector<1024xf32> to vector<1024x1xf32>
    %div3A = arith.constant 9.600000e+01 : f32
    %div3A_8 = vector.broadcast %div3A : f32 to vector<1024x1xf32>
    %div3A_9 = arith.divf %broadcast_in_dim3A, %div3A_8 : vector<1024x1xf32>
    %sub3A = vector.broadcast %div3A_9 : vector<1024x1xf32> to vector<1024x96xf32>
    %sub3A_10 = arith.subf %mul3A_5, %sub3A : vector<1024x96xf32>
    %integer_pow3A = arith.mulf %sub3A_10, %sub3A_10 : vector<1024x96xf32>
    %reduce_sum3A_11 = arith.constant dense<0.000000e+00> : vector<1024xf32>
    %reduce_sum3A_12 = vector.multi_reduction <add>, %integer_pow3A, %reduce_sum3A_11 [1] : vector<1024x96xf32> to vector<1024xf32>
    %broadcast_in_dim3A_13 = vector.shape_cast %reduce_sum3A_12 : vector<1024xf32> to vector<1024x1xf32>
    %div3A_14 = arith.constant 9.600000e+01 : f32
    %div3A_15 = vector.broadcast %div3A_14 : f32 to vector<1024x1xf32>
    %div3A_16 = arith.divf %broadcast_in_dim3A_13, %div3A_15 : vector<1024x1xf32>
    %sub3A_17 = vector.broadcast %div3A_9 : vector<1024x1xf32> to vector<1024x96xf32>
    %sub3A_18 = arith.subf %mul3A_5, %sub3A_17 : vector<1024x96xf32>
    %sqrt3A = math.sqrt %div3A_16 : vector<1024x1xf32>
    %add3A = arith.constant 9.99999993E-9 : f32
    %add3A_19 = vector.broadcast %add3A : f32 to vector<1024x1xf32>
    %add3A_20 = arith.addf %sqrt3A, %add3A_19 : vector<1024x1xf32>
    %div3A_21 = vector.broadcast %add3A_20 : vector<1024x1xf32> to vector<1024x96xf32>
    %div3A_22 = arith.divf %sub3A_18, %div3A_21 : vector<1024x96xf32>
    %swap3A = arith.constant 0 : index
    %swap3A_23 = arith.constant 0 : index
    %swap3A_24 = vector.load %arg1[%swap3A, %swap3A_23] : memref<1024x96xf32, #tpu.memory_space<vmem>>, vector<1024x96xf32>
    tpu.vector_store %arg1[%swap3A, %swap3A_23], %div3A_22 {strides = array<i32>} : memref<1024x96xf32, #tpu.memory_space<vmem>>, vector<1024x96xf32>,
    %convert_element_type3A = arith.truncf %div3A_22 : vector<1024x96xf32> to vector<1024x96xbf16>
    %dot_general3A = arith.constant dense<0.000000e+00> : vector<1024x1024xf32>
    %dot_general3A_25 = tpu.matmul %convert_element_type3A, %convert_element_type3A, %dot_general3A {dimension_numbers = #tpu.dot_dimension_numbers<[1], [1], [0], [0], [0, 0, 1, 0], [], []>, transpose_lhs_hint = false} : vector<1024x96xbf16>, vector<1024x96xbf16>, vector<1024x1024xf32> -> vector<1024x1024xf32>
    %div3A_26 = arith.constant 9.600000e+01 : f32
    %div3A_27 = vector.broadcast %div3A_26 : f32 to vector<1024x1024xf32>
    %div3A_28 = arith.divf %dot_general3A_25, %div3A_27 : vector<1024x1024xf32>
    %slice3A = vector.extract_strided_slice %convert_element_type3A {offsets = [0, 1], sizes = [1024, 95], strides = [1, 1]} : vector<1024x96xbf16> to vector<1024x95xbf16>
    %slice3A_29 = vector.extract_strided_slice %convert_element_type3A {offsets = [0, 0], sizes = [1024, 95], strides = [1, 1]} : vector<1024x96xbf16> to vector<1024x95xbf16>
    %dot_general3A_30 = arith.constant dense<0.000000e+00> : vector<1024x1024xf32>
    %dot_general3A_31 = tpu.matmul %slice3A, %slice3A_29, %dot_general3A_30 {dimension_numbers = #tpu.dot_dimension_numbers<[1], [1], [0], [0], [0, 0, 1, 0], [], []>, transpose_lhs_hint = false} : vector<1024x95xbf16>, vector<1024x95xbf16>, vector<1024x1024xf32> -> vector<1024x1024xf32>
    %div3A_32 = arith.constant 9.500000e+01 : f32
    %div3A_33 = vector.broadcast %div3A_32 : f32 to vector<1024x1024xf32>
    %div3A_34 = arith.divf %dot_general3A_31, %div3A_33 : vector<1024x1024xf32>
    %mul3A_35 = arith.constant 5.000000e-01 : f32
    %mul3A_36 = vector.broadcast %mul3A_35 : f32 to vector<1024x1024xf32>
    %mul3A_37 = arith.mulf %mul3A_36, %div3A_28 : vector<1024x1024xf32>
    %transpose3A = tpu.transpose %div3A_34, [1, 0] : vector<1024x1024xf32> -> vector<1024x1024xf32>
    %add3A_38 = arith.addf %div3A_34, %transpose3A : vector<1024x1024xf32>
    %mul3A_39 = arith.constant 2.500000e-01 : f32
    %mul3A_40 = vector.broadcast %mul3A_39 : f32 to vector<1024x1024xf32>
    %mul3A_41 = arith.mulf %mul3A_40, %add3A_38 : vector<1024x1024xf32>
    %add3A_42 = arith.addf %mul3A_37, %mul3A_41 : vector<1024x1024xf32>
    %abs3A = math.absf %add3A_42 : vector<1024x1024xf32>
    %swap3A_43 = arith.constant 0 : index
    %swap3A_44 = arith.constant 0 : index
    %swap3A_45 = vector.load %arg2[%swap3A_43, %swap3A_44] : memref<1024x1024xf32, #tpu.memory_space<vmem>>, vector<1024x1024xf32>
    tpu.vector_store %arg2[%swap3A_43, %swap3A_44], %abs3A {strides = array<i32>} : memref<1024x1024xf32, #tpu.memory_space<vmem>>, vector<1024x1024xf32>,
    return
  }
}

module attributes {stable_mosaic.version = 14 : i64} {
  func.func @_k5_body(%arg0: memref<1024x1024xf32, #tpu.memory_space<vmem>>, %arg1: memref<1024x8xf32, #tpu.memory_space<vmem>>, %arg2: memref<1024x16xf32, #tpu.memory_space<vmem>>) attributes {dimension_semantics = [], scalar_prefetch = 0 : i64, scratch_operands = 0 : i64, tpu.core_type = #tpu.core_type<tc>} {
    %get3A = arith.constant 0 : index
    %get3A_0 = arith.constant 0 : index
    %get3A_1 = vector.load %arg0[%get3A, %get3A_0] : memref<1024x1024xf32, #tpu.memory_space<vmem>>, vector<1024x1024xf32>
    %reduce_sum3A = vector.shape_cast %get3A_1 : vector<1024x1024xf32> to vector<1x1024x1024xf32>
    %reduce_sum3A_2 = arith.constant dense<0.000000e+00> : vector<1xf32>
    %reduce_sum3A_3 = vector.multi_reduction <add>, %reduce_sum3A, %reduce_sum3A_2 [1, 2] : vector<1x1024x1024xf32> to vector<1xf32>
    %reduce_sum3A_4 = vector.shape_cast %reduce_sum3A_3 : vector<1xf32> to vector<1x1x1xf32>
    %reduce_sum3A_5 = vector.extract %reduce_sum3A_4[0, 0, 0] : f32 from vector<1x1x1xf32>
    %div3A = arith.constant 0x49800000 : f32
    %div3A_6 = arith.divf %reduce_sum3A_5, %div3A : f32
    %div3A_7 = arith.constant 8.000000e+00 : f32
    %div3A_8 = arith.divf %div3A_6, %div3A_7 : f32
    %add3A = arith.constant 9.99999993E-9 : f32
    %add3A_9 = arith.addf %div3A_8, %add3A : f32
    %sqrt3A = math.sqrt %add3A_9 : f32
    %get3A_10 = arith.constant 0 : index
    %get3A_11 = arith.constant 0 : index
    %get3A_12 = vector.load %arg1[%get3A_10, %get3A_11] : memref<1024x8xf32, #tpu.memory_space<vmem>>, vector<1024x8xf32>
    %mul3A = vector.broadcast %sqrt3A : f32 to vector<1024x8xf32>
    %mul3A_13 = arith.mulf %get3A_12, %mul3A : vector<1024x8xf32>
    %scan3A = arith.constant 0 : i32
    %scan3A_14 = arith.constant 80 : i32
    %scan3A_15 = arith.addi %scan3A, %scan3A_14 : i32
    %scan3A_16 = arith.constant 1 : i32
    %scan3A_17 = scf.for %scan3A_31 = %scan3A to %scan3A_15 step %scan3A_16 iter_args(%scan3A_32 = %mul3A_13) -> (vector<1024x8xf32>)  : i32 {
      %dot_general3A = arith.constant dense<0.000000e+00> : vector<1024x8xf32>
      %dot_general3A_33 = tpu.matmul %get3A_1, %scan3A_32, %dot_general3A {dimension_numbers = #tpu.dot_dimension_numbers<[1], [0], [0], [1], [0, 0, 1, 1], [], []>, transpose_lhs_hint = false} : vector<1024x1024xf32>, vector<1024x8xf32>, vector<1024x8xf32> -> vector<1024x8xf32>
      %dot_general3A_34 = arith.constant dense<0.000000e+00> : vector<8x8xf32>
      %dot_general3A_35 = tpu.matmul %scan3A_32, %scan3A_32, %dot_general3A_34 {dimension_numbers = #tpu.dot_dimension_numbers<[0], [0], [1], [1], [0, 1, 1, 1], [], []>, transpose_lhs_hint = false} : vector<1024x8xf32>, vector<1024x8xf32>, vector<8x8xf32> -> vector<8x8xf32>
      %dot_general3A_36 = arith.constant dense<0.000000e+00> : vector<1024x8xf32>
      %dot_general3A_37 = tpu.matmul %scan3A_32, %dot_general3A_35, %dot_general3A_36 {dimension_numbers = #tpu.dot_dimension_numbers<[1], [0], [0], [1], [0, 0, 1, 1], [], []>, transpose_lhs_hint = false} : vector<1024x8xf32>, vector<8x8xf32>, vector<1024x8xf32> -> vector<1024x8xf32>
      %add3A_38 = arith.constant 9.99999993E-9 : f32
      %add3A_39 = vector.broadcast %add3A_38 : f32 to vector<1024x8xf32>
      %add3A_40 = arith.addf %dot_general3A_37, %add3A_39 : vector<1024x8xf32>
      %div3A_41 = arith.divf %dot_general3A_33, %add3A_40 : vector<1024x8xf32>
      %mul3A_42 = arith.mulf %scan3A_32, %div3A_41 : vector<1024x8xf32>
      %max3A = arith.constant 0.000000e+00 : f32
      %max3A_43 = vector.broadcast %max3A : f32 to vector<1024x8xf32>
      %max3A_44 = arith.maximumf %mul3A_42, %max3A_43 : vector<1024x8xf32>
      scf.yield %max3A_44 : vector<1024x8xf32>
    }
    %mul3A_18 = arith.mulf %scan3A_17, %scan3A_17 : vector<1024x8xf32>
    %reduce_sum3A_19 = arith.constant dense<0.000000e+00> : vector<1024xf32>
    %reduce_sum3A_20 = vector.multi_reduction <add>, %mul3A_18, %reduce_sum3A_19 [1] : vector<1024x8xf32> to vector<1024xf32>
    %broadcast_in_dim3A = vector.shape_cast %reduce_sum3A_20 : vector<1024xf32> to vector<1024x1xf32>
    %sqrt3A_21 = math.sqrt %broadcast_in_dim3A : vector<1024x1xf32>
    %add3A_22 = arith.constant 9.99999993E-9 : f32
    %add3A_23 = vector.broadcast %add3A_22 : f32 to vector<1024x1xf32>
    %add3A_24 = arith.addf %sqrt3A_21, %add3A_23 : vector<1024x1xf32>
    %div3A_25 = vector.broadcast %add3A_24 : vector<1024x1xf32> to vector<1024x8xf32>
    %div3A_26 = arith.divf %scan3A_17, %div3A_25 : vector<1024x8xf32>
    %broadcast_in_dim3A_27 = arith.constant 0.000000e+00 : f32
    %broadcast_in_dim3A_28 = vector.broadcast %broadcast_in_dim3A_27 : f32 to vector<1024x8xf32>
    %concatenate3A = tpu.concatenate %div3A_26, %broadcast_in_dim3A_28 in 1 : vector<1024x8xf32>, vector<1024x8xf32> -> vector<1024x16xf32>
    %swap3A = arith.constant 0 : index
    %swap3A_29 = arith.constant 0 : index
    %swap3A_30 = vector.load %arg2[%swap3A, %swap3A_29] : memref<1024x16xf32, #tpu.memory_space<vmem>>, vector<1024x16xf32>
    tpu.vector_store %arg2[%swap3A, %swap3A_29], %concatenate3A {strides = array<i32>} : memref<1024x16xf32, #tpu.memory_space<vmem>>, vector<1024x16xf32>,
    return
  }
}

module attributes {stable_mosaic.version = 14 : i64} {
  func.func @_k2_body(%arg0: memref<1024x1024xf32, #tpu.memory_space<vmem>>, %arg1: memref<1024x20xi32, #tpu.memory_space<vmem>>) attributes {dimension_semantics = [], scalar_prefetch = 0 : i64, scratch_operands = 0 : i64, tpu.core_type = #tpu.core_type<tc>} {
    %get3A = arith.constant 0 : index
    %get3A_0 = arith.constant 0 : index
    %get3A_1 = vector.load %arg0[%get3A, %get3A_0] : memref<1024x1024xf32, #tpu.memory_space<vmem>>, vector<1024x1024xf32>
    %iota3A = tpu.iota {dimensions = array<i32: 0>} : vector<1024x1024xi32>
    %iota3A_2 = tpu.iota {dimensions = array<i32: 1>} : vector<1024x1024xi32>
    %eq3A = arith.cmpi eq, %iota3A, %iota3A_2 : vector<1024x1024xi32>
    %jit3A = arith.constant -1.000000e+09 : f32
    %broadcast_in_dim3A = vector.broadcast %jit3A : f32 to vector<1024x1024xf32>
    %select_n3A = arith.select %eq3A, %broadcast_in_dim3A, %get3A_1 : vector<1024x1024xi1>, vector<1024x1024xf32>
    %iota3A_3 = tpu.iota {dimensions = array<i32: 0>} : vector<1024x1xi32>
    %mul3A = arith.constant 1024 : i32
    %mul3A_4 = vector.broadcast %mul3A : i32 to vector<1024x1xi32>
    %mul3A_5 = arith.muli %iota3A_3, %mul3A_4 : vector<1024x1xi32>
    %reduce_max3A = arith.constant dense<0xFF800000> : vector<1024xf32>
    %reduce_max3A_6 = vector.multi_reduction <maximumf>, %select_n3A, %reduce_max3A [1] : vector<1024x1024xf32> to vector<1024xf32>
    %broadcast_in_dim3A_7 = vector.shape_cast %reduce_max3A_6 : vector<1024xf32> to vector<1024x1xf32>
    %ge3A = vector.broadcast %broadcast_in_dim3A_7 : vector<1024x1xf32> to vector<1024x1024xf32>
    %ge3A_8 = arith.cmpf oge, %select_n3A, %ge3A : vector<1024x1024xf32>
    %jit3A_9 = arith.constant 1024 : i32
    %broadcast_in_dim3A_10 = vector.broadcast %jit3A_9 : i32 to vector<1024x1024xi32>
    %select_n3A_11 = arith.select %ge3A_8, %iota3A_2, %broadcast_in_dim3A_10 : vector<1024x1024xi1>, vector<1024x1024xi32>
    %reduce_min3A = arith.constant dense<2147483647> : vector<1024xi32>
    %reduce_min3A_12 = vector.multi_reduction <minsi>, %select_n3A_11, %reduce_min3A [1] : vector<1024x1024xi32> to vector<1024xi32>
    %broadcast_in_dim3A_13 = vector.shape_cast %reduce_min3A_12 : vector<1024xi32> to vector<1024x1xi32>
    %add3A = arith.addi %mul3A_5, %broadcast_in_dim3A_13 : vector<1024x1xi32>
    %eq3A_14 = vector.broadcast %broadcast_in_dim3A_13 : vector<1024x1xi32> to vector<1024x1024xi32>
    %eq3A_15 = arith.cmpi eq, %iota3A_2, %eq3A_14 : vector<1024x1024xi32>
    %jit3A_16 = arith.constant -3.000000e+09 : f32
    %broadcast_in_dim3A_17 = vector.broadcast %jit3A_16 : f32 to vector<1024x1024xf32>
    %select_n3A_18 = arith.select %eq3A_15, %broadcast_in_dim3A_17, %select_n3A : vector<1024x1024xi1>, vector<1024x1024xf32>
    %reduce_max3A_19 = arith.constant dense<0xFF800000> : vector<1024xf32>
    %reduce_max3A_20 = vector.multi_reduction <maximumf>, %select_n3A_18, %reduce_max3A_19 [1] : vector<1024x1024xf32> to vector<1024xf32>
    %broadcast_in_dim3A_21 = vector.shape_cast %reduce_max3A_20 : vector<1024xf32> to vector<1024x1xf32>
    %ge3A_22 = vector.broadcast %broadcast_in_dim3A_21 : vector<1024x1xf32> to vector<1024x1024xf32>
    %ge3A_23 = arith.cmpf oge, %select_n3A_18, %ge3A_22 : vector<1024x1024xf32>
    %jit3A_24 = arith.constant 1024 : i32
    %broadcast_in_dim3A_25 = vector.broadcast %jit3A_24 : i32 to vector<1024x1024xi32>
    %select_n3A_26 = arith.select %ge3A_23, %iota3A_2, %broadcast_in_dim3A_25 : vector<1024x1024xi1>, vector<1024x1024xi32>
    %reduce_min3A_27 = arith.constant dense<2147483647> : vector<1024xi32>
    %reduce_min3A_28 = vector.multi_reduction <minsi>, %select_n3A_26, %reduce_min3A_27 [1] : vector<1024x1024xi32> to vector<1024xi32>
    %broadcast_in_dim3A_29 = vector.shape_cast %reduce_min3A_28 : vector<1024xi32> to vector<1024x1xi32>
    %add3A_30 = arith.addi %mul3A_5, %broadcast_in_dim3A_29 : vector<1024x1xi32>
    %eq3A_31 = vector.broadcast %broadcast_in_dim3A_29 : vector<1024x1xi32> to vector<1024x1024xi32>
    %eq3A_32 = arith.cmpi eq, %iota3A_2, %eq3A_31 : vector<1024x1024xi32>
    %jit3A_33 = arith.constant -3.000000e+09 : f32
    %broadcast_in_dim3A_34 = vector.broadcast %jit3A_33 : f32 to vector<1024x1024xf32>
    %select_n3A_35 = arith.select %eq3A_32, %broadcast_in_dim3A_34, %select_n3A_18 : vector<1024x1024xi1>, vector<1024x1024xf32>
    %reduce_max3A_36 = arith.constant dense<0xFF800000> : vector<1024xf32>
    %reduce_max3A_37 = vector.multi_reduction <maximumf>, %select_n3A_35, %reduce_max3A_36 [1] : vector<1024x1024xf32> to vector<1024xf32>
    %broadcast_in_dim3A_38 = vector.shape_cast %reduce_max3A_37 : vector<1024xf32> to vector<1024x1xf32>
    %ge3A_39 = vector.broadcast %broadcast_in_dim3A_38 : vector<1024x1xf32> to vector<1024x1024xf32>
    %ge3A_40 = arith.cmpf oge, %select_n3A_35, %ge3A_39 : vector<1024x1024xf32>
    %jit3A_41 = arith.constant 1024 : i32
    %broadcast_in_dim3A_42 = vector.broadcast %jit3A_41 : i32 to vector<1024x1024xi32>
    %select_n3A_43 = arith.select %ge3A_40, %iota3A_2, %broadcast_in_dim3A_42 : vector<1024x1024xi1>, vector<1024x1024xi32>
    %reduce_min3A_44 = arith.constant dense<2147483647> : vector<1024xi32>
    %reduce_min3A_45 = vector.multi_reduction <minsi>, %select_n3A_43, %reduce_min3A_44 [1] : vector<1024x1024xi32> to vector<1024xi32>
    %broadcast_in_dim3A_46 = vector.shape_cast %reduce_min3A_45 : vector<1024xi32> to vector<1024x1xi32>
    %add3A_47 = arith.addi %mul3A_5, %broadcast_in_dim3A_46 : vector<1024x1xi32>
    %eq3A_48 = vector.broadcast %broadcast_in_dim3A_46 : vector<1024x1xi32> to vector<1024x1024xi32>
    %eq3A_49 = arith.cmpi eq, %iota3A_2, %eq3A_48 : vector<1024x1024xi32>
    %jit3A_50 = arith.constant -3.000000e+09 : f32
    %broadcast_in_dim3A_51 = vector.broadcast %jit3A_50 : f32 to vector<1024x1024xf32>
    %select_n3A_52 = arith.select %eq3A_49, %broadcast_in_dim3A_51, %select_n3A_35 : vector<1024x1024xi1>, vector<1024x1024xf32>
    %reduce_max3A_53 = arith.constant dense<0xFF800000> : vector<1024xf32>
    %reduce_max3A_54 = vector.multi_reduction <maximumf>, %select_n3A_52, %reduce_max3A_53 [1] : vector<1024x1024xf32> to vector<1024xf32>
    %broadcast_in_dim3A_55 = vector.shape_cast %reduce_max3A_54 : vector<1024xf32> to vector<1024x1xf32>
    %ge3A_56 = vector.broadcast %broadcast_in_dim3A_55 : vector<1024x1xf32> to vector<1024x1024xf32>
    %ge3A_57 = arith.cmpf oge, %select_n3A_52, %ge3A_56 : vector<1024x1024xf32>
    %jit3A_58 = arith.constant 1024 : i32
    %broadcast_in_dim3A_59 = vector.broadcast %jit3A_58 : i32 to vector<1024x1024xi32>
    %select_n3A_60 = arith.select %ge3A_57, %iota3A_2, %broadcast_in_dim3A_59 : vector<1024x1024xi1>, vector<1024x1024xi32>
    %reduce_min3A_61 = arith.constant dense<2147483647> : vector<1024xi32>
    %reduce_min3A_62 = vector.multi_reduction <minsi>, %select_n3A_60, %reduce_min3A_61 [1] : vector<1024x1024xi32> to vector<1024xi32>
    %broadcast_in_dim3A_63 = vector.shape_cast %reduce_min3A_62 : vector<1024xi32> to vector<1024x1xi32>
    %add3A_64 = arith.addi %mul3A_5, %broadcast_in_dim3A_63 : vector<1024x1xi32>
    %eq3A_65 = vector.broadcast %broadcast_in_dim3A_63 : vector<1024x1xi32> to vector<1024x1024xi32>
    %eq3A_66 = arith.cmpi eq, %iota3A_2, %eq3A_65 : vector<1024x1024xi32>
    %jit3A_67 = arith.constant -3.000000e+09 : f32
    %broadcast_in_dim3A_68 = vector.broadcast %jit3A_67 : f32 to vector<1024x1024xf32>
    %select_n3A_69 = arith.select %eq3A_66, %broadcast_in_dim3A_68, %select_n3A_52 : vector<1024x1024xi1>, vector<1024x1024xf32>
    %reduce_max3A_70 = arith.constant dense<0xFF800000> : vector<1024xf32>
    %reduce_max3A_71 = vector.multi_reduction <maximumf>, %select_n3A_69, %reduce_max3A_70 [1] : vector<1024x1024xf32> to vector<1024xf32>
    %broadcast_in_dim3A_72 = vector.shape_cast %reduce_max3A_71 : vector<1024xf32> to vector<1024x1xf32>
    %ge3A_73 = vector.broadcast %broadcast_in_dim3A_72 : vector<1024x1xf32> to vector<1024x1024xf32>
    %ge3A_74 = arith.cmpf oge, %select_n3A_69, %ge3A_73 : vector<1024x1024xf32>
    %jit3A_75 = arith.constant 1024 : i32
    %broadcast_in_dim3A_76 = vector.broadcast %jit3A_75 : i32 to vector<1024x1024xi32>
    %select_n3A_77 = arith.select %ge3A_74, %iota3A_2, %broadcast_in_dim3A_76 : vector<1024x1024xi1>, vector<1024x1024xi32>
    %reduce_min3A_78 = arith.constant dense<2147483647> : vector<1024xi32>
    %reduce_min3A_79 = vector.multi_reduction <minsi>, %select_n3A_77, %reduce_min3A_78 [1] : vector<1024x1024xi32> to vector<1024xi32>
    %broadcast_in_dim3A_80 = vector.shape_cast %reduce_min3A_79 : vector<1024xi32> to vector<1024x1xi32>
    %add3A_81 = arith.addi %mul3A_5, %broadcast_in_dim3A_80 : vector<1024x1xi32>
    %eq3A_82 = vector.broadcast %broadcast_in_dim3A_80 : vector<1024x1xi32> to vector<1024x1024xi32>
    %eq3A_83 = arith.cmpi eq, %iota3A_2, %eq3A_82 : vector<1024x1024xi32>
    %jit3A_84 = arith.constant -3.000000e+09 : f32
    %broadcast_in_dim3A_85 = vector.broadcast %jit3A_84 : f32 to vector<1024x1024xf32>
    %select_n3A_86 = arith.select %eq3A_83, %broadcast_in_dim3A_85, %select_n3A_69 : vector<1024x1024xi1>, vector<1024x1024xf32>
    %reduce_max3A_87 = arith.constant dense<0xFF800000> : vector<1024xf32>
    %reduce_max3A_88 = vector.multi_reduction <maximumf>, %select_n3A_86, %reduce_max3A_87 [1] : vector<1024x1024xf32> to vector<1024xf32>
    %broadcast_in_dim3A_89 = vector.shape_cast %reduce_max3A_88 : vector<1024xf32> to vector<1024x1xf32>
    %ge3A_90 = vector.broadcast %broadcast_in_dim3A_89 : vector<1024x1xf32> to vector<1024x1024xf32>
    %ge3A_91 = arith.cmpf oge, %select_n3A_86, %ge3A_90 : vector<1024x1024xf32>
    %jit3A_92 = arith.constant 1024 : i32
    %broadcast_in_dim3A_93 = vector.broadcast %jit3A_92 : i32 to vector<1024x1024xi32>
    %select_n3A_94 = arith.select %ge3A_91, %iota3A_2, %broadcast_in_dim3A_93 : vector<1024x1024xi1>, vector<1024x1024xi32>
    %reduce_min3A_95 = arith.constant dense<2147483647> : vector<1024xi32>
    %reduce_min3A_96 = vector.multi_reduction <minsi>, %select_n3A_94, %reduce_min3A_95 [1] : vector<1024x1024xi32> to vector<1024xi32>
    %broadcast_in_dim3A_97 = vector.shape_cast %reduce_min3A_96 : vector<1024xi32> to vector<1024x1xi32>
    %add3A_98 = arith.addi %mul3A_5, %broadcast_in_dim3A_97 : vector<1024x1xi32>
    %eq3A_99 = vector.broadcast %broadcast_in_dim3A_97 : vector<1024x1xi32> to vector<1024x1024xi32>
    %eq3A_100 = arith.cmpi eq, %iota3A_2, %eq3A_99 : vector<1024x1024xi32>
    %jit3A_101 = arith.constant -3.000000e+09 : f32
    %broadcast_in_dim3A_102 = vector.broadcast %jit3A_101 : f32 to vector<1024x1024xf32>
    %select_n3A_103 = arith.select %eq3A_100, %broadcast_in_dim3A_102, %select_n3A_86 : vector<1024x1024xi1>, vector<1024x1024xf32>
    %reduce_max3A_104 = arith.constant dense<0xFF800000> : vector<1024xf32>
    %reduce_max3A_105 = vector.multi_reduction <maximumf>, %select_n3A_103, %reduce_max3A_104 [1] : vector<1024x1024xf32> to vector<1024xf32>
    %broadcast_in_dim3A_106 = vector.shape_cast %reduce_max3A_105 : vector<1024xf32> to vector<1024x1xf32>
    %ge3A_107 = vector.broadcast %broadcast_in_dim3A_106 : vector<1024x1xf32> to vector<1024x1024xf32>
    %ge3A_108 = arith.cmpf oge, %select_n3A_103, %ge3A_107 : vector<1024x1024xf32>
    %jit3A_109 = arith.constant 1024 : i32
    %broadcast_in_dim3A_110 = vector.broadcast %jit3A_109 : i32 to vector<1024x1024xi32>
    %select_n3A_111 = arith.select %ge3A_108, %iota3A_2, %broadcast_in_dim3A_110 : vector<1024x1024xi1>, vector<1024x1024xi32>
    %reduce_min3A_112 = arith.constant dense<2147483647> : vector<1024xi32>
    %reduce_min3A_113 = vector.multi_reduction <minsi>, %select_n3A_111, %reduce_min3A_112 [1] : vector<1024x1024xi32> to vector<1024xi32>
    %broadcast_in_dim3A_114 = vector.shape_cast %reduce_min3A_113 : vector<1024xi32> to vector<1024x1xi32>
    %add3A_115 = arith.addi %mul3A_5, %broadcast_in_dim3A_114 : vector<1024x1xi32>
    %eq3A_116 = vector.broadcast %broadcast_in_dim3A_114 : vector<1024x1xi32> to vector<1024x1024xi32>
    %eq3A_117 = arith.cmpi eq, %iota3A_2, %eq3A_116 : vector<1024x1024xi32>
    %jit3A_118 = arith.constant -3.000000e+09 : f32
    %broadcast_in_dim3A_119 = vector.broadcast %jit3A_118 : f32 to vector<1024x1024xf32>
    %select_n3A_120 = arith.select %eq3A_117, %broadcast_in_dim3A_119, %select_n3A_103 : vector<1024x1024xi1>, vector<1024x1024xf32>
    %reduce_max3A_121 = arith.constant dense<0xFF800000> : vector<1024xf32>
    %reduce_max3A_122 = vector.multi_reduction <maximumf>, %select_n3A_120, %reduce_max3A_121 [1] : vector<1024x1024xf32> to vector<1024xf32>
    %broadcast_in_dim3A_123 = vector.shape_cast %reduce_max3A_122 : vector<1024xf32> to vector<1024x1xf32>
    %ge3A_124 = vector.broadcast %broadcast_in_dim3A_123 : vector<1024x1xf32> to vector<1024x1024xf32>
    %ge3A_125 = arith.cmpf oge, %select_n3A_120, %ge3A_124 : vector<1024x1024xf32>
    %jit3A_126 = arith.constant 1024 : i32
    %broadcast_in_dim3A_127 = vector.broadcast %jit3A_126 : i32 to vector<1024x1024xi32>
    %select_n3A_128 = arith.select %ge3A_125, %iota3A_2, %broadcast_in_dim3A_127 : vector<1024x1024xi1>, vector<1024x1024xi32>
    %reduce_min3A_129 = arith.constant dense<2147483647> : vector<1024xi32>
    %reduce_min3A_130 = vector.multi_reduction <minsi>, %select_n3A_128, %reduce_min3A_129 [1] : vector<1024x1024xi32> to vector<1024xi32>
    %broadcast_in_dim3A_131 = vector.shape_cast %reduce_min3A_130 : vector<1024xi32> to vector<1024x1xi32>
    %add3A_132 = arith.addi %mul3A_5, %broadcast_in_dim3A_131 : vector<1024x1xi32>
    %eq3A_133 = vector.broadcast %broadcast_in_dim3A_131 : vector<1024x1xi32> to vector<1024x1024xi32>
    %eq3A_134 = arith.cmpi eq, %iota3A_2, %eq3A_133 : vector<1024x1024xi32>
    %jit3A_135 = arith.constant -3.000000e+09 : f32
    %broadcast_in_dim3A_136 = vector.broadcast %jit3A_135 : f32 to vector<1024x1024xf32>
    %select_n3A_137 = arith.select %eq3A_134, %broadcast_in_dim3A_136, %select_n3A_120 : vector<1024x1024xi1>, vector<1024x1024xf32>
    %reduce_max3A_138 = arith.constant dense<0xFF800000> : vector<1024xf32>
    %reduce_max3A_139 = vector.multi_reduction <maximumf>, %select_n3A_137, %reduce_max3A_138 [1] : vector<1024x1024xf32> to vector<1024xf32>
    %broadcast_in_dim3A_140 = vector.shape_cast %reduce_max3A_139 : vector<1024xf32> to vector<1024x1xf32>
    %ge3A_141 = vector.broadcast %broadcast_in_dim3A_140 : vector<1024x1xf32> to vector<1024x1024xf32>
    %ge3A_142 = arith.cmpf oge, %select_n3A_137, %ge3A_141 : vector<1024x1024xf32>
    %jit3A_143 = arith.constant 1024 : i32
    %broadcast_in_dim3A_144 = vector.broadcast %jit3A_143 : i32 to vector<1024x1024xi32>
    %select_n3A_145 = arith.select %ge3A_142, %iota3A_2, %broadcast_in_dim3A_144 : vector<1024x1024xi1>, vector<1024x1024xi32>
    %reduce_min3A_146 = arith.constant dense<2147483647> : vector<1024xi32>
    %reduce_min3A_147 = vector.multi_reduction <minsi>, %select_n3A_145, %reduce_min3A_146 [1] : vector<1024x1024xi32> to vector<1024xi32>
    %broadcast_in_dim3A_148 = vector.shape_cast %reduce_min3A_147 : vector<1024xi32> to vector<1024x1xi32>
    %add3A_149 = arith.addi %mul3A_5, %broadcast_in_dim3A_148 : vector<1024x1xi32>
    %eq3A_150 = vector.broadcast %broadcast_in_dim3A_148 : vector<1024x1xi32> to vector<1024x1024xi32>
    %eq3A_151 = arith.cmpi eq, %iota3A_2, %eq3A_150 : vector<1024x1024xi32>
    %jit3A_152 = arith.constant -3.000000e+09 : f32
    %broadcast_in_dim3A_153 = vector.broadcast %jit3A_152 : f32 to vector<1024x1024xf32>
    %select_n3A_154 = arith.select %eq3A_151, %broadcast_in_dim3A_153, %select_n3A_137 : vector<1024x1024xi1>, vector<1024x1024xf32>
    %reduce_max3A_155 = arith.constant dense<0xFF800000> : vector<1024xf32>
    %reduce_max3A_156 = vector.multi_reduction <maximumf>, %select_n3A_154, %reduce_max3A_155 [1] : vector<1024x1024xf32> to vector<1024xf32>
    %broadcast_in_dim3A_157 = vector.shape_cast %reduce_max3A_156 : vector<1024xf32> to vector<1024x1xf32>
    %ge3A_158 = vector.broadcast %broadcast_in_dim3A_157 : vector<1024x1xf32> to vector<1024x1024xf32>
    %ge3A_159 = arith.cmpf oge, %select_n3A_154, %ge3A_158 : vector<1024x1024xf32>
    %jit3A_160 = arith.constant 1024 : i32
    %broadcast_in_dim3A_161 = vector.broadcast %jit3A_160 : i32 to vector<1024x1024xi32>
    %select_n3A_162 = arith.select %ge3A_159, %iota3A_2, %broadcast_in_dim3A_161 : vector<1024x1024xi1>, vector<1024x1024xi32>
    %reduce_min3A_163 = arith.constant dense<2147483647> : vector<1024xi32>
    %reduce_min3A_164 = vector.multi_reduction <minsi>, %select_n3A_162, %reduce_min3A_163 [1] : vector<1024x1024xi32> to vector<1024xi32>
    %broadcast_in_dim3A_165 = vector.shape_cast %reduce_min3A_164 : vector<1024xi32> to vector<1024x1xi32>
    %add3A_166 = arith.addi %mul3A_5, %broadcast_in_dim3A_165 : vector<1024x1xi32>
    %eq3A_167 = vector.broadcast %broadcast_in_dim3A_165 : vector<1024x1xi32> to vector<1024x1024xi32>
    %eq3A_168 = arith.cmpi eq, %iota3A_2, %eq3A_167 : vector<1024x1024xi32>
    %jit3A_169 = arith.constant -3.000000e+09 : f32
    %broadcast_in_dim3A_170 = vector.broadcast %jit3A_169 : f32 to vector<1024x1024xf32>
    %select_n3A_171 = arith.select %eq3A_168, %broadcast_in_dim3A_170, %select_n3A_154 : vector<1024x1024xi1>, vector<1024x1024xf32>
    %reduce_max3A_172 = arith.constant dense<0xFF800000> : vector<1024xf32>
    %reduce_max3A_173 = vector.multi_reduction <maximumf>, %select_n3A_171, %reduce_max3A_172 [1] : vector<1024x1024xf32> to vector<1024xf32>
    %broadcast_in_dim3A_174 = vector.shape_cast %reduce_max3A_173 : vector<1024xf32> to vector<1024x1xf32>
    %ge3A_175 = vector.broadcast %broadcast_in_dim3A_174 : vector<1024x1xf32> to vector<1024x1024xf32>
    %ge3A_176 = arith.cmpf oge, %select_n3A_171, %ge3A_175 : vector<1024x1024xf32>
    %jit3A_177 = arith.constant 1024 : i32
    %broadcast_in_dim3A_178 = vector.broadcast %jit3A_177 : i32 to vector<1024x1024xi32>
    %select_n3A_179 = arith.select %ge3A_176, %iota3A_2, %broadcast_in_dim3A_178 : vector<1024x1024xi1>, vector<1024x1024xi32>
    %reduce_min3A_180 = arith.constant dense<2147483647> : vector<1024xi32>
    %reduce_min3A_181 = vector.multi_reduction <minsi>, %select_n3A_179, %reduce_min3A_180 [1] : vector<1024x1024xi32> to vector<1024xi32>
    %broadcast_in_dim3A_182 = vector.shape_cast %reduce_min3A_181 : vector<1024xi32> to vector<1024x1xi32>
    %add3A_183 = arith.addi %mul3A_5, %broadcast_in_dim3A_182 : vector<1024x1xi32>
    %eq3A_184 = vector.broadcast %broadcast_in_dim3A_182 : vector<1024x1xi32> to vector<1024x1024xi32>
    %eq3A_185 = arith.cmpi eq, %iota3A_2, %eq3A_184 : vector<1024x1024xi32>
    %jit3A_186 = arith.constant -3.000000e+09 : f32
    %broadcast_in_dim3A_187 = vector.broadcast %jit3A_186 : f32 to vector<1024x1024xf32>
    %select_n3A_188 = arith.select %eq3A_185, %broadcast_in_dim3A_187, %select_n3A_171 : vector<1024x1024xi1>, vector<1024x1024xf32>
    %reduce_max3A_189 = arith.constant dense<0xFF800000> : vector<1024xf32>
    %reduce_max3A_190 = vector.multi_reduction <maximumf>, %select_n3A_188, %reduce_max3A_189 [1] : vector<1024x1024xf32> to vector<1024xf32>
    %broadcast_in_dim3A_191 = vector.shape_cast %reduce_max3A_190 : vector<1024xf32> to vector<1024x1xf32>
    %ge3A_192 = vector.broadcast %broadcast_in_dim3A_191 : vector<1024x1xf32> to vector<1024x1024xf32>
    %ge3A_193 = arith.cmpf oge, %select_n3A_188, %ge3A_192 : vector<1024x1024xf32>
    %jit3A_194 = arith.constant 1024 : i32
    %broadcast_in_dim3A_195 = vector.broadcast %jit3A_194 : i32 to vector<1024x1024xi32>
    %select_n3A_196 = arith.select %ge3A_193, %iota3A_2, %broadcast_in_dim3A_195 : vector<1024x1024xi1>, vector<1024x1024xi32>
    %reduce_min3A_197 = arith.constant dense<2147483647> : vector<1024xi32>
    %reduce_min3A_198 = vector.multi_reduction <minsi>, %select_n3A_196, %reduce_min3A_197 [1] : vector<1024x1024xi32> to vector<1024xi32>
    %broadcast_in_dim3A_199 = vector.shape_cast %reduce_min3A_198 : vector<1024xi32> to vector<1024x1xi32>
    %add3A_200 = arith.addi %mul3A_5, %broadcast_in_dim3A_199 : vector<1024x1xi32>
    %eq3A_201 = vector.broadcast %broadcast_in_dim3A_199 : vector<1024x1xi32> to vector<1024x1024xi32>
    %eq3A_202 = arith.cmpi eq, %iota3A_2, %eq3A_201 : vector<1024x1024xi32>
    %jit3A_203 = arith.constant -3.000000e+09 : f32
    %broadcast_in_dim3A_204 = vector.broadcast %jit3A_203 : f32 to vector<1024x1024xf32>
    %select_n3A_205 = arith.select %eq3A_202, %broadcast_in_dim3A_204, %select_n3A_188 : vector<1024x1024xi1>, vector<1024x1024xf32>
    %reduce_max3A_206 = arith.constant dense<0xFF800000> : vector<1024xf32>
    %reduce_max3A_207 = vector.multi_reduction <maximumf>, %select_n3A_205, %reduce_max3A_206 [1] : vector<1024x1024xf32> to vector<1024xf32>
    %broadcast_in_dim3A_208 = vector.shape_cast %reduce_max3A_207 : vector<1024xf32> to vector<1024x1xf32>
    %ge3A_209 = vector.broadcast %broadcast_in_dim3A_208 : vector<1024x1xf32> to vector<1024x1024xf32>
    %ge3A_210 = arith.cmpf oge, %select_n3A_205, %ge3A_209 : vector<1024x1024xf32>
    %jit3A_211 = arith.constant 1024 : i32
    %broadcast_in_dim3A_212 = vector.broadcast %jit3A_211 : i32 to vector<1024x1024xi32>
    %select_n3A_213 = arith.select %ge3A_210, %iota3A_2, %broadcast_in_dim3A_212 : vector<1024x1024xi1>, vector<1024x1024xi32>
    %reduce_min3A_214 = arith.constant dense<2147483647> : vector<1024xi32>
    %reduce_min3A_215 = vector.multi_reduction <minsi>, %select_n3A_213, %reduce_min3A_214 [1] : vector<1024x1024xi32> to vector<1024xi32>
    %broadcast_in_dim3A_216 = vector.shape_cast %reduce_min3A_215 : vector<1024xi32> to vector<1024x1xi32>
    %add3A_217 = arith.addi %mul3A_5, %broadcast_in_dim3A_216 : vector<1024x1xi32>
    %eq3A_218 = vector.broadcast %broadcast_in_dim3A_216 : vector<1024x1xi32> to vector<1024x1024xi32>
    %eq3A_219 = arith.cmpi eq, %iota3A_2, %eq3A_218 : vector<1024x1024xi32>
    %jit3A_220 = arith.constant -3.000000e+09 : f32
    %broadcast_in_dim3A_221 = vector.broadcast %jit3A_220 : f32 to vector<1024x1024xf32>
    %select_n3A_222 = arith.select %eq3A_219, %broadcast_in_dim3A_221, %select_n3A_205 : vector<1024x1024xi1>, vector<1024x1024xf32>
    %reduce_max3A_223 = arith.constant dense<0xFF800000> : vector<1024xf32>
    %reduce_max3A_224 = vector.multi_reduction <maximumf>, %select_n3A_222, %reduce_max3A_223 [1] : vector<1024x1024xf32> to vector<1024xf32>
    %broadcast_in_dim3A_225 = vector.shape_cast %reduce_max3A_224 : vector<1024xf32> to vector<1024x1xf32>
    %ge3A_226 = vector.broadcast %broadcast_in_dim3A_225 : vector<1024x1xf32> to vector<1024x1024xf32>
    %ge3A_227 = arith.cmpf oge, %select_n3A_222, %ge3A_226 : vector<1024x1024xf32>
    %jit3A_228 = arith.constant 1024 : i32
    %broadcast_in_dim3A_229 = vector.broadcast %jit3A_228 : i32 to vector<1024x1024xi32>
    %select_n3A_230 = arith.select %ge3A_227, %iota3A_2, %broadcast_in_dim3A_229 : vector<1024x1024xi1>, vector<1024x1024xi32>
    %reduce_min3A_231 = arith.constant dense<2147483647> : vector<1024xi32>
    %reduce_min3A_232 = vector.multi_reduction <minsi>, %select_n3A_230, %reduce_min3A_231 [1] : vector<1024x1024xi32> to vector<1024xi32>
    %broadcast_in_dim3A_233 = vector.shape_cast %reduce_min3A_232 : vector<1024xi32> to vector<1024x1xi32>
    %add3A_234 = arith.addi %mul3A_5, %broadcast_in_dim3A_233 : vector<1024x1xi32>
    %eq3A_235 = vector.broadcast %broadcast_in_dim3A_233 : vector<1024x1xi32> to vector<1024x1024xi32>
    %eq3A_236 = arith.cmpi eq, %iota3A_2, %eq3A_235 : vector<1024x1024xi32>
    %jit3A_237 = arith.constant -3.000000e+09 : f32
    %broadcast_in_dim3A_238 = vector.broadcast %jit3A_237 : f32 to vector<1024x1024xf32>
    %select_n3A_239 = arith.select %eq3A_236, %broadcast_in_dim3A_238, %select_n3A_222 : vector<1024x1024xi1>, vector<1024x1024xf32>
    %reduce_max3A_240 = arith.constant dense<0xFF800000> : vector<1024xf32>
    %reduce_max3A_241 = vector.multi_reduction <maximumf>, %select_n3A_239, %reduce_max3A_240 [1] : vector<1024x1024xf32> to vector<1024xf32>
    %broadcast_in_dim3A_242 = vector.shape_cast %reduce_max3A_241 : vector<1024xf32> to vector<1024x1xf32>
    %ge3A_243 = vector.broadcast %broadcast_in_dim3A_242 : vector<1024x1xf32> to vector<1024x1024xf32>
    %ge3A_244 = arith.cmpf oge, %select_n3A_239, %ge3A_243 : vector<1024x1024xf32>
    %jit3A_245 = arith.constant 1024 : i32
    %broadcast_in_dim3A_246 = vector.broadcast %jit3A_245 : i32 to vector<1024x1024xi32>
    %select_n3A_247 = arith.select %ge3A_244, %iota3A_2, %broadcast_in_dim3A_246 : vector<1024x1024xi1>, vector<1024x1024xi32>
    %reduce_min3A_248 = arith.constant dense<2147483647> : vector<1024xi32>
    %reduce_min3A_249 = vector.multi_reduction <minsi>, %select_n3A_247, %reduce_min3A_248 [1] : vector<1024x1024xi32> to vector<1024xi32>
    %broadcast_in_dim3A_250 = vector.shape_cast %reduce_min3A_249 : vector<1024xi32> to vector<1024x1xi32>
    %add3A_251 = arith.addi %mul3A_5, %broadcast_in_dim3A_250 : vector<1024x1xi32>
    %eq3A_252 = vector.broadcast %broadcast_in_dim3A_250 : vector<1024x1xi32> to vector<1024x1024xi32>
    %eq3A_253 = arith.cmpi eq, %iota3A_2, %eq3A_252 : vector<1024x1024xi32>
    %jit3A_254 = arith.constant -3.000000e+09 : f32
    %broadcast_in_dim3A_255 = vector.broadcast %jit3A_254 : f32 to vector<1024x1024xf32>
    %select_n3A_256 = arith.select %eq3A_253, %broadcast_in_dim3A_255, %select_n3A_239 : vector<1024x1024xi1>, vector<1024x1024xf32>
    %reduce_max3A_257 = arith.constant dense<0xFF800000> : vector<1024xf32>
    %reduce_max3A_258 = vector.multi_reduction <maximumf>, %select_n3A_256, %reduce_max3A_257 [1] : vector<1024x1024xf32> to vector<1024xf32>
    %broadcast_in_dim3A_259 = vector.shape_cast %reduce_max3A_258 : vector<1024xf32> to vector<1024x1xf32>
    %ge3A_260 = vector.broadcast %broadcast_in_dim3A_259 : vector<1024x1xf32> to vector<1024x1024xf32>
    %ge3A_261 = arith.cmpf oge, %select_n3A_256, %ge3A_260 : vector<1024x1024xf32>
    %jit3A_262 = arith.constant 1024 : i32
    %broadcast_in_dim3A_263 = vector.broadcast %jit3A_262 : i32 to vector<1024x1024xi32>
    %select_n3A_264 = arith.select %ge3A_261, %iota3A_2, %broadcast_in_dim3A_263 : vector<1024x1024xi1>, vector<1024x1024xi32>
    %reduce_min3A_265 = arith.constant dense<2147483647> : vector<1024xi32>
    %reduce_min3A_266 = vector.multi_reduction <minsi>, %select_n3A_264, %reduce_min3A_265 [1] : vector<1024x1024xi32> to vector<1024xi32>
    %broadcast_in_dim3A_267 = vector.shape_cast %reduce_min3A_266 : vector<1024xi32> to vector<1024x1xi32>
    %add3A_268 = arith.addi %mul3A_5, %broadcast_in_dim3A_267 : vector<1024x1xi32>
    %eq3A_269 = vector.broadcast %broadcast_in_dim3A_267 : vector<1024x1xi32> to vector<1024x1024xi32>
    %eq3A_270 = arith.cmpi eq, %iota3A_2, %eq3A_269 : vector<1024x1024xi32>
    %jit3A_271 = arith.constant -3.000000e+09 : f32
    %broadcast_in_dim3A_272 = vector.broadcast %jit3A_271 : f32 to vector<1024x1024xf32>
    %select_n3A_273 = arith.select %eq3A_270, %broadcast_in_dim3A_272, %select_n3A_256 : vector<1024x1024xi1>, vector<1024x1024xf32>
    %reduce_max3A_274 = arith.constant dense<0xFF800000> : vector<1024xf32>
    %reduce_max3A_275 = vector.multi_reduction <maximumf>, %select_n3A_273, %reduce_max3A_274 [1] : vector<1024x1024xf32> to vector<1024xf32>
    %broadcast_in_dim3A_276 = vector.shape_cast %reduce_max3A_275 : vector<1024xf32> to vector<1024x1xf32>
    %ge3A_277 = vector.broadcast %broadcast_in_dim3A_276 : vector<1024x1xf32> to vector<1024x1024xf32>
    %ge3A_278 = arith.cmpf oge, %select_n3A_273, %ge3A_277 : vector<1024x1024xf32>
    %jit3A_279 = arith.constant 1024 : i32
    %broadcast_in_dim3A_280 = vector.broadcast %jit3A_279 : i32 to vector<1024x1024xi32>
    %select_n3A_281 = arith.select %ge3A_278, %iota3A_2, %broadcast_in_dim3A_280 : vector<1024x1024xi1>, vector<1024x1024xi32>
    %reduce_min3A_282 = arith.constant dense<2147483647> : vector<1024xi32>
    %reduce_min3A_283 = vector.multi_reduction <minsi>, %select_n3A_281, %reduce_min3A_282 [1] : vector<1024x1024xi32> to vector<1024xi32>
    %broadcast_in_dim3A_284 = vector.shape_cast %reduce_min3A_283 : vector<1024xi32> to vector<1024x1xi32>
    %add3A_285 = arith.addi %mul3A_5, %broadcast_in_dim3A_284 : vector<1024x1xi32>
    %eq3A_286 = vector.broadcast %broadcast_in_dim3A_284 : vector<1024x1xi32> to vector<1024x1024xi32>
    %eq3A_287 = arith.cmpi eq, %iota3A_2, %eq3A_286 : vector<1024x1024xi32>
    %jit3A_288 = arith.constant -3.000000e+09 : f32
    %broadcast_in_dim3A_289 = vector.broadcast %jit3A_288 : f32 to vector<1024x1024xf32>
    %select_n3A_290 = arith.select %eq3A_287, %broadcast_in_dim3A_289, %select_n3A_273 : vector<1024x1024xi1>, vector<1024x1024xf32>
    %reduce_max3A_291 = arith.constant dense<0xFF800000> : vector<1024xf32>
    %reduce_max3A_292 = vector.multi_reduction <maximumf>, %select_n3A_290, %reduce_max3A_291 [1] : vector<1024x1024xf32> to vector<1024xf32>
    %broadcast_in_dim3A_293 = vector.shape_cast %reduce_max3A_292 : vector<1024xf32> to vector<1024x1xf32>
    %ge3A_294 = vector.broadcast %broadcast_in_dim3A_293 : vector<1024x1xf32> to vector<1024x1024xf32>
    %ge3A_295 = arith.cmpf oge, %select_n3A_290, %ge3A_294 : vector<1024x1024xf32>
    %jit3A_296 = arith.constant 1024 : i32
    %broadcast_in_dim3A_297 = vector.broadcast %jit3A_296 : i32 to vector<1024x1024xi32>
    %select_n3A_298 = arith.select %ge3A_295, %iota3A_2, %broadcast_in_dim3A_297 : vector<1024x1024xi1>, vector<1024x1024xi32>
    %reduce_min3A_299 = arith.constant dense<2147483647> : vector<1024xi32>
    %reduce_min3A_300 = vector.multi_reduction <minsi>, %select_n3A_298, %reduce_min3A_299 [1] : vector<1024x1024xi32> to vector<1024xi32>
    %broadcast_in_dim3A_301 = vector.shape_cast %reduce_min3A_300 : vector<1024xi32> to vector<1024x1xi32>
    %add3A_302 = arith.addi %mul3A_5, %broadcast_in_dim3A_301 : vector<1024x1xi32>
    %eq3A_303 = vector.broadcast %broadcast_in_dim3A_301 : vector<1024x1xi32> to vector<1024x1024xi32>
    %eq3A_304 = arith.cmpi eq, %iota3A_2, %eq3A_303 : vector<1024x1024xi32>
    %jit3A_305 = arith.constant -3.000000e+09 : f32
    %broadcast_in_dim3A_306 = vector.broadcast %jit3A_305 : f32 to vector<1024x1024xf32>
    %select_n3A_307 = arith.select %eq3A_304, %broadcast_in_dim3A_306, %select_n3A_290 : vector<1024x1024xi1>, vector<1024x1024xf32>
    %reduce_max3A_308 = arith.constant dense<0xFF800000> : vector<1024xf32>
    %reduce_max3A_309 = vector.multi_reduction <maximumf>, %select_n3A_307, %reduce_max3A_308 [1] : vector<1024x1024xf32> to vector<1024xf32>
    %broadcast_in_dim3A_310 = vector.shape_cast %reduce_max3A_309 : vector<1024xf32> to vector<1024x1xf32>
    %ge3A_311 = vector.broadcast %broadcast_in_dim3A_310 : vector<1024x1xf32> to vector<1024x1024xf32>
    %ge3A_312 = arith.cmpf oge, %select_n3A_307, %ge3A_311 : vector<1024x1024xf32>
    %jit3A_313 = arith.constant 1024 : i32
    %broadcast_in_dim3A_314 = vector.broadcast %jit3A_313 : i32 to vector<1024x1024xi32>
    %select_n3A_315 = arith.select %ge3A_312, %iota3A_2, %broadcast_in_dim3A_314 : vector<1024x1024xi1>, vector<1024x1024xi32>
    %reduce_min3A_316 = arith.constant dense<2147483647> : vector<1024xi32>
    %reduce_min3A_317 = vector.multi_reduction <minsi>, %select_n3A_315, %reduce_min3A_316 [1] : vector<1024x1024xi32> to vector<1024xi32>
    %broadcast_in_dim3A_318 = vector.shape_cast %reduce_min3A_317 : vector<1024xi32> to vector<1024x1xi32>
    %add3A_319 = arith.addi %mul3A_5, %broadcast_in_dim3A_318 : vector<1024x1xi32>
    %eq3A_320 = vector.broadcast %broadcast_in_dim3A_318 : vector<1024x1xi32> to vector<1024x1024xi32>
    %eq3A_321 = arith.cmpi eq, %iota3A_2, %eq3A_320 : vector<1024x1024xi32>
    %jit3A_322 = arith.constant -3.000000e+09 : f32
    %broadcast_in_dim3A_323 = vector.broadcast %jit3A_322 : f32 to vector<1024x1024xf32>
    %select_n3A_324 = arith.select %eq3A_321, %broadcast_in_dim3A_323, %select_n3A_307 : vector<1024x1024xi1>, vector<1024x1024xf32>
    %reduce_max3A_325 = arith.constant dense<0xFF800000> : vector<1024xf32>
    %reduce_max3A_326 = vector.multi_reduction <maximumf>, %select_n3A_324, %reduce_max3A_325 [1] : vector<1024x1024xf32> to vector<1024xf32>
    %broadcast_in_dim3A_327 = vector.shape_cast %reduce_max3A_326 : vector<1024xf32> to vector<1024x1xf32>
    %ge3A_328 = vector.broadcast %broadcast_in_dim3A_327 : vector<1024x1xf32> to vector<1024x1024xf32>
    %ge3A_329 = arith.cmpf oge, %select_n3A_324, %ge3A_328 : vector<1024x1024xf32>
    %jit3A_330 = arith.constant 1024 : i32
    %broadcast_in_dim3A_331 = vector.broadcast %jit3A_330 : i32 to vector<1024x1024xi32>
    %select_n3A_332 = arith.select %ge3A_329, %iota3A_2, %broadcast_in_dim3A_331 : vector<1024x1024xi1>, vector<1024x1024xi32>
    %reduce_min3A_333 = arith.constant dense<2147483647> : vector<1024xi32>
    %reduce_min3A_334 = vector.multi_reduction <minsi>, %select_n3A_332, %reduce_min3A_333 [1] : vector<1024x1024xi32> to vector<1024xi32>
    %broadcast_in_dim3A_335 = vector.shape_cast %reduce_min3A_334 : vector<1024xi32> to vector<1024x1xi32>
    %add3A_336 = arith.addi %mul3A_5, %broadcast_in_dim3A_335 : vector<1024x1xi32>
    %concatenate3A = tpu.concatenate %add3A, %add3A_30, %add3A_47, %add3A_64, %add3A_81, %add3A_98, %add3A_115, %add3A_132, %add3A_149, %add3A_166, %add3A_183, %add3A_200, %add3A_217, %add3A_234, %add3A_251, %add3A_268, %add3A_285, %add3A_302, %add3A_319, %add3A_336 in 1 : vector<1024x1xi32>, vector<1024x1xi32>, vector<1024x1xi32>, vector<1024x1xi32>, vector<1024x1xi32>, vector<1024x1xi32>, vector<1024x1xi32>, vector<1024x1xi32>, vector<1024x1xi32>, vector<1024x1xi32>, vector<1024x1xi32>, vector<1024x1xi32>, vector<1024x1xi32>, vector<1024x1xi32>, vector<1024x1xi32>, vector<1024x1xi32>, vector<1024x1xi32>, vector<1024x1xi32>, vector<1024x1xi32>, vector<1024x1xi32> -> vector<1024x20xi32>
    %swap3A = arith.constant 0 : index
    %swap3A_337 = arith.constant 0 : index
    %swap3A_338 = vector.load %arg1[%swap3A, %swap3A_337] : memref<1024x20xi32, #tpu.memory_space<vmem>>, vector<1024x20xi32>
    tpu.vector_store %arg1[%swap3A, %swap3A_337], %concatenate3A {strides = array<i32>} : memref<1024x20xi32, #tpu.memory_space<vmem>>, vector<1024x20xi32>,
    return
  }
}

module attributes {stable_mosaic.version = 14 : i64} {
  func.func @_k3_body(%arg0: memref<1024x1024xf32, #tpu.memory_space<vmem>>, %arg1: memref<1024x8xf32, #tpu.memory_space<vmem>>, %arg2: memref<1024x1024xf32, #tpu.memory_space<vmem>>) attributes {dimension_semantics = [], scalar_prefetch = 0 : i64, scratch_operands = 0 : i64, tpu.core_type = #tpu.core_type<tc>} {
    %get3A = arith.constant 0 : index
    %get3A_0 = arith.constant 0 : index
    %get3A_1 = vector.load %arg0[%get3A, %get3A_0] : memref<1024x1024xf32, #tpu.memory_space<vmem>>, vector<1024x1024xf32>
    %convert_element_type3A = arith.truncf %get3A_1 : vector<1024x1024xf32> to vector<1024x1024xbf16>
    %get3A_2 = arith.constant 0 : index
    %get3A_3 = arith.constant 0 : index
    %get3A_4 = vector.load %arg1[%get3A_2, %get3A_3] : memref<1024x8xf32, #tpu.memory_space<vmem>>, vector<1024x8xf32>
    %convert_element_type3A_5 = arith.truncf %get3A_4 : vector<1024x8xf32> to vector<1024x8xbf16>
    %dot_general3A = arith.constant dense<0.000000e+00> : vector<1024x8xf32>
    %dot_general3A_6 = tpu.matmul %convert_element_type3A, %convert_element_type3A_5, %dot_general3A {dimension_numbers = #tpu.dot_dimension_numbers<[1], [0], [0], [1], [0, 0, 1, 1], [], []>, transpose_lhs_hint = false} : vector<1024x1024xbf16>, vector<1024x8xbf16>, vector<1024x8xf32> -> vector<1024x8xf32>
    %slice3A = vector.extract_strided_slice %dot_general3A_6 {offsets = [0, 0], sizes = [1024, 1], strides = [1, 1]} : vector<1024x8xf32> to vector<1024x1xf32>
    %mul3A = arith.mulf %slice3A, %slice3A : vector<1024x1xf32>
    %reduce_sum3A = vector.shape_cast %mul3A : vector<1024x1xf32> to vector<1x1024x1xf32>
    %reduce_sum3A_7 = arith.constant dense<0.000000e+00> : vector<1xf32>
    %reduce_sum3A_8 = vector.multi_reduction <add>, %reduce_sum3A, %reduce_sum3A_7 [1, 2] : vector<1x1024x1xf32> to vector<1xf32>
    %reduce_sum3A_9 = vector.shape_cast %reduce_sum3A_8 : vector<1xf32> to vector<1x1x1xf32>
    %reduce_sum3A_10 = vector.extract %reduce_sum3A_9[0, 0, 0] : f32 from vector<1x1x1xf32>
    %sqrt3A = math.sqrt %reduce_sum3A_10 : f32
    %div3A = vector.broadcast %sqrt3A : f32 to vector<1024x1xf32>
    %div3A_11 = arith.divf %slice3A, %div3A : vector<1024x1xf32>
    %slice3A_12 = vector.extract_strided_slice %dot_general3A_6 {offsets = [0, 1], sizes = [1024, 1], strides = [1, 1]} : vector<1024x8xf32> to vector<1024x1xf32>
    %mul3A_13 = arith.mulf %div3A_11, %slice3A_12 : vector<1024x1xf32>
    %reduce_sum3A_14 = vector.shape_cast %mul3A_13 : vector<1024x1xf32> to vector<1x1024x1xf32>
    %reduce_sum3A_15 = arith.constant dense<0.000000e+00> : vector<1xf32>
    %reduce_sum3A_16 = vector.multi_reduction <add>, %reduce_sum3A_14, %reduce_sum3A_15 [1, 2] : vector<1x1024x1xf32> to vector<1xf32>
    %reduce_sum3A_17 = vector.shape_cast %reduce_sum3A_16 : vector<1xf32> to vector<1x1x1xf32>
    %reduce_sum3A_18 = vector.extract %reduce_sum3A_17[0, 0, 0] : f32 from vector<1x1x1xf32>
    %mul3A_19 = vector.broadcast %reduce_sum3A_18 : f32 to vector<1024x1xf32>
    %mul3A_20 = arith.mulf %div3A_11, %mul3A_19 : vector<1024x1xf32>
    %sub3A = arith.subf %slice3A_12, %mul3A_20 : vector<1024x1xf32>
    %mul3A_21 = arith.mulf %sub3A, %sub3A : vector<1024x1xf32>
    %reduce_sum3A_22 = vector.shape_cast %mul3A_21 : vector<1024x1xf32> to vector<1x1024x1xf32>
    %reduce_sum3A_23 = arith.constant dense<0.000000e+00> : vector<1xf32>
    %reduce_sum3A_24 = vector.multi_reduction <add>, %reduce_sum3A_22, %reduce_sum3A_23 [1, 2] : vector<1x1024x1xf32> to vector<1xf32>
    %reduce_sum3A_25 = vector.shape_cast %reduce_sum3A_24 : vector<1xf32> to vector<1x1x1xf32>
    %reduce_sum3A_26 = vector.extract %reduce_sum3A_25[0, 0, 0] : f32 from vector<1x1x1xf32>
    %sqrt3A_27 = math.sqrt %reduce_sum3A_26 : f32
    %div3A_28 = vector.broadcast %sqrt3A_27 : f32 to vector<1024x1xf32>
    %div3A_29 = arith.divf %sub3A, %div3A_28 : vector<1024x1xf32>
    %slice3A_30 = vector.extract_strided_slice %dot_general3A_6 {offsets = [0, 2], sizes = [1024, 1], strides = [1, 1]} : vector<1024x8xf32> to vector<1024x1xf32>
    %mul3A_31 = arith.mulf %div3A_11, %slice3A_30 : vector<1024x1xf32>
    %reduce_sum3A_32 = vector.shape_cast %mul3A_31 : vector<1024x1xf32> to vector<1x1024x1xf32>
    %reduce_sum3A_33 = arith.constant dense<0.000000e+00> : vector<1xf32>
    %reduce_sum3A_34 = vector.multi_reduction <add>, %reduce_sum3A_32, %reduce_sum3A_33 [1, 2] : vector<1x1024x1xf32> to vector<1xf32>
    %reduce_sum3A_35 = vector.shape_cast %reduce_sum3A_34 : vector<1xf32> to vector<1x1x1xf32>
    %reduce_sum3A_36 = vector.extract %reduce_sum3A_35[0, 0, 0] : f32 from vector<1x1x1xf32>
    %mul3A_37 = vector.broadcast %reduce_sum3A_36 : f32 to vector<1024x1xf32>
    %mul3A_38 = arith.mulf %div3A_11, %mul3A_37 : vector<1024x1xf32>
    %sub3A_39 = arith.subf %slice3A_30, %mul3A_38 : vector<1024x1xf32>
    %mul3A_40 = arith.mulf %div3A_29, %sub3A_39 : vector<1024x1xf32>
    %reduce_sum3A_41 = vector.shape_cast %mul3A_40 : vector<1024x1xf32> to vector<1x1024x1xf32>
    %reduce_sum3A_42 = arith.constant dense<0.000000e+00> : vector<1xf32>
    %reduce_sum3A_43 = vector.multi_reduction <add>, %reduce_sum3A_41, %reduce_sum3A_42 [1, 2] : vector<1x1024x1xf32> to vector<1xf32>
    %reduce_sum3A_44 = vector.shape_cast %reduce_sum3A_43 : vector<1xf32> to vector<1x1x1xf32>
    %reduce_sum3A_45 = vector.extract %reduce_sum3A_44[0, 0, 0] : f32 from vector<1x1x1xf32>
    %mul3A_46 = vector.broadcast %reduce_sum3A_45 : f32 to vector<1024x1xf32>
    %mul3A_47 = arith.mulf %div3A_29, %mul3A_46 : vector<1024x1xf32>
    %sub3A_48 = arith.subf %sub3A_39, %mul3A_47 : vector<1024x1xf32>
    %mul3A_49 = arith.mulf %sub3A_48, %sub3A_48 : vector<1024x1xf32>
    %reduce_sum3A_50 = vector.shape_cast %mul3A_49 : vector<1024x1xf32> to vector<1x1024x1xf32>
    %reduce_sum3A_51 = arith.constant dense<0.000000e+00> : vector<1xf32>
    %reduce_sum3A_52 = vector.multi_reduction <add>, %reduce_sum3A_50, %reduce_sum3A_51 [1, 2] : vector<1x1024x1xf32> to vector<1xf32>
    %reduce_sum3A_53 = vector.shape_cast %reduce_sum3A_52 : vector<1xf32> to vector<1x1x1xf32>
    %reduce_sum3A_54 = vector.extract %reduce_sum3A_53[0, 0, 0] : f32 from vector<1x1x1xf32>
    %sqrt3A_55 = math.sqrt %reduce_sum3A_54 : f32
    %div3A_56 = vector.broadcast %sqrt3A_55 : f32 to vector<1024x1xf32>
    %div3A_57 = arith.divf %sub3A_48, %div3A_56 : vector<1024x1xf32>
    %slice3A_58 = vector.extract_strided_slice %dot_general3A_6 {offsets = [0, 3], sizes = [1024, 1], strides = [1, 1]} : vector<1024x8xf32> to vector<1024x1xf32>
    %mul3A_59 = arith.mulf %div3A_11, %slice3A_58 : vector<1024x1xf32>
    %reduce_sum3A_60 = vector.shape_cast %mul3A_59 : vector<1024x1xf32> to vector<1x1024x1xf32>
    %reduce_sum3A_61 = arith.constant dense<0.000000e+00> : vector<1xf32>
    %reduce_sum3A_62 = vector.multi_reduction <add>, %reduce_sum3A_60, %reduce_sum3A_61 [1, 2] : vector<1x1024x1xf32> to vector<1xf32>
    %reduce_sum3A_63 = vector.shape_cast %reduce_sum3A_62 : vector<1xf32> to vector<1x1x1xf32>
    %reduce_sum3A_64 = vector.extract %reduce_sum3A_63[0, 0, 0] : f32 from vector<1x1x1xf32>
    %mul3A_65 = vector.broadcast %reduce_sum3A_64 : f32 to vector<1024x1xf32>
    %mul3A_66 = arith.mulf %div3A_11, %mul3A_65 : vector<1024x1xf32>
    %sub3A_67 = arith.subf %slice3A_58, %mul3A_66 : vector<1024x1xf32>
    %mul3A_68 = arith.mulf %div3A_29, %sub3A_67 : vector<1024x1xf32>
    %reduce_sum3A_69 = vector.shape_cast %mul3A_68 : vector<1024x1xf32> to vector<1x1024x1xf32>
    %reduce_sum3A_70 = arith.constant dense<0.000000e+00> : vector<1xf32>
    %reduce_sum3A_71 = vector.multi_reduction <add>, %reduce_sum3A_69, %reduce_sum3A_70 [1, 2] : vector<1x1024x1xf32> to vector<1xf32>
    %reduce_sum3A_72 = vector.shape_cast %reduce_sum3A_71 : vector<1xf32> to vector<1x1x1xf32>
    %reduce_sum3A_73 = vector.extract %reduce_sum3A_72[0, 0, 0] : f32 from vector<1x1x1xf32>
    %mul3A_74 = vector.broadcast %reduce_sum3A_73 : f32 to vector<1024x1xf32>
    %mul3A_75 = arith.mulf %div3A_29, %mul3A_74 : vector<1024x1xf32>
    %sub3A_76 = arith.subf %sub3A_67, %mul3A_75 : vector<1024x1xf32>
    %mul3A_77 = arith.mulf %div3A_57, %sub3A_76 : vector<1024x1xf32>
    %reduce_sum3A_78 = vector.shape_cast %mul3A_77 : vector<1024x1xf32> to vector<1x1024x1xf32>
    %reduce_sum3A_79 = arith.constant dense<0.000000e+00> : vector<1xf32>
    %reduce_sum3A_80 = vector.multi_reduction <add>, %reduce_sum3A_78, %reduce_sum3A_79 [1, 2] : vector<1x1024x1xf32> to vector<1xf32>
    %reduce_sum3A_81 = vector.shape_cast %reduce_sum3A_80 : vector<1xf32> to vector<1x1x1xf32>
    %reduce_sum3A_82 = vector.extract %reduce_sum3A_81[0, 0, 0] : f32 from vector<1x1x1xf32>
    %mul3A_83 = vector.broadcast %reduce_sum3A_82 : f32 to vector<1024x1xf32>
    %mul3A_84 = arith.mulf %div3A_57, %mul3A_83 : vector<1024x1xf32>
    %sub3A_85 = arith.subf %sub3A_76, %mul3A_84 : vector<1024x1xf32>
    %mul3A_86 = arith.mulf %sub3A_85, %sub3A_85 : vector<1024x1xf32>
    %reduce_sum3A_87 = vector.shape_cast %mul3A_86 : vector<1024x1xf32> to vector<1x1024x1xf32>
    %reduce_sum3A_88 = arith.constant dense<0.000000e+00> : vector<1xf32>
    %reduce_sum3A_89 = vector.multi_reduction <add>, %reduce_sum3A_87, %reduce_sum3A_88 [1, 2] : vector<1x1024x1xf32> to vector<1xf32>
    %reduce_sum3A_90 = vector.shape_cast %reduce_sum3A_89 : vector<1xf32> to vector<1x1x1xf32>
    %reduce_sum3A_91 = vector.extract %reduce_sum3A_90[0, 0, 0] : f32 from vector<1x1x1xf32>
    %sqrt3A_92 = math.sqrt %reduce_sum3A_91 : f32
    %div3A_93 = vector.broadcast %sqrt3A_92 : f32 to vector<1024x1xf32>
    %div3A_94 = arith.divf %sub3A_85, %div3A_93 : vector<1024x1xf32>
    %slice3A_95 = vector.extract_strided_slice %dot_general3A_6 {offsets = [0, 4], sizes = [1024, 1], strides = [1, 1]} : vector<1024x8xf32> to vector<1024x1xf32>
    %mul3A_96 = arith.mulf %div3A_11, %slice3A_95 : vector<1024x1xf32>
    %reduce_sum3A_97 = vector.shape_cast %mul3A_96 : vector<1024x1xf32> to vector<1x1024x1xf32>
    %reduce_sum3A_98 = arith.constant dense<0.000000e+00> : vector<1xf32>
    %reduce_sum3A_99 = vector.multi_reduction <add>, %reduce_sum3A_97, %reduce_sum3A_98 [1, 2] : vector<1x1024x1xf32> to vector<1xf32>
    %reduce_sum3A_100 = vector.shape_cast %reduce_sum3A_99 : vector<1xf32> to vector<1x1x1xf32>
    %reduce_sum3A_101 = vector.extract %reduce_sum3A_100[0, 0, 0] : f32 from vector<1x1x1xf32>
    %mul3A_102 = vector.broadcast %reduce_sum3A_101 : f32 to vector<1024x1xf32>
    %mul3A_103 = arith.mulf %div3A_11, %mul3A_102 : vector<1024x1xf32>
    %sub3A_104 = arith.subf %slice3A_95, %mul3A_103 : vector<1024x1xf32>
    %mul3A_105 = arith.mulf %div3A_29, %sub3A_104 : vector<1024x1xf32>
    %reduce_sum3A_106 = vector.shape_cast %mul3A_105 : vector<1024x1xf32> to vector<1x1024x1xf32>
    %reduce_sum3A_107 = arith.constant dense<0.000000e+00> : vector<1xf32>
    %reduce_sum3A_108 = vector.multi_reduction <add>, %reduce_sum3A_106, %reduce_sum3A_107 [1, 2] : vector<1x1024x1xf32> to vector<1xf32>
    %reduce_sum3A_109 = vector.shape_cast %reduce_sum3A_108 : vector<1xf32> to vector<1x1x1xf32>
    %reduce_sum3A_110 = vector.extract %reduce_sum3A_109[0, 0, 0] : f32 from vector<1x1x1xf32>
    %mul3A_111 = vector.broadcast %reduce_sum3A_110 : f32 to vector<1024x1xf32>
    %mul3A_112 = arith.mulf %div3A_29, %mul3A_111 : vector<1024x1xf32>
    %sub3A_113 = arith.subf %sub3A_104, %mul3A_112 : vector<1024x1xf32>
    %mul3A_114 = arith.mulf %div3A_57, %sub3A_113 : vector<1024x1xf32>
    %reduce_sum3A_115 = vector.shape_cast %mul3A_114 : vector<1024x1xf32> to vector<1x1024x1xf32>
    %reduce_sum3A_116 = arith.constant dense<0.000000e+00> : vector<1xf32>
    %reduce_sum3A_117 = vector.multi_reduction <add>, %reduce_sum3A_115, %reduce_sum3A_116 [1, 2] : vector<1x1024x1xf32> to vector<1xf32>
    %reduce_sum3A_118 = vector.shape_cast %reduce_sum3A_117 : vector<1xf32> to vector<1x1x1xf32>
    %reduce_sum3A_119 = vector.extract %reduce_sum3A_118[0, 0, 0] : f32 from vector<1x1x1xf32>
    %mul3A_120 = vector.broadcast %reduce_sum3A_119 : f32 to vector<1024x1xf32>
    %mul3A_121 = arith.mulf %div3A_57, %mul3A_120 : vector<1024x1xf32>
    %sub3A_122 = arith.subf %sub3A_113, %mul3A_121 : vector<1024x1xf32>
    %mul3A_123 = arith.mulf %div3A_94, %sub3A_122 : vector<1024x1xf32>
    %reduce_sum3A_124 = vector.shape_cast %mul3A_123 : vector<1024x1xf32> to vector<1x1024x1xf32>
    %reduce_sum3A_125 = arith.constant dense<0.000000e+00> : vector<1xf32>
    %reduce_sum3A_126 = vector.multi_reduction <add>, %reduce_sum3A_124, %reduce_sum3A_125 [1, 2] : vector<1x1024x1xf32> to vector<1xf32>
    %reduce_sum3A_127 = vector.shape_cast %reduce_sum3A_126 : vector<1xf32> to vector<1x1x1xf32>
    %reduce_sum3A_128 = vector.extract %reduce_sum3A_127[0, 0, 0] : f32 from vector<1x1x1xf32>
    %mul3A_129 = vector.broadcast %reduce_sum3A_128 : f32 to vector<1024x1xf32>
    %mul3A_130 = arith.mulf %div3A_94, %mul3A_129 : vector<1024x1xf32>
    %sub3A_131 = arith.subf %sub3A_122, %mul3A_130 : vector<1024x1xf32>
    %mul3A_132 = arith.mulf %sub3A_131, %sub3A_131 : vector<1024x1xf32>
    %reduce_sum3A_133 = vector.shape_cast %mul3A_132 : vector<1024x1xf32> to vector<1x1024x1xf32>
    %reduce_sum3A_134 = arith.constant dense<0.000000e+00> : vector<1xf32>
    %reduce_sum3A_135 = vector.multi_reduction <add>, %reduce_sum3A_133, %reduce_sum3A_134 [1, 2] : vector<1x1024x1xf32> to vector<1xf32>
    %reduce_sum3A_136 = vector.shape_cast %reduce_sum3A_135 : vector<1xf32> to vector<1x1x1xf32>
    %reduce_sum3A_137 = vector.extract %reduce_sum3A_136[0, 0, 0] : f32 from vector<1x1x1xf32>
    %sqrt3A_138 = math.sqrt %reduce_sum3A_137 : f32
    %div3A_139 = vector.broadcast %sqrt3A_138 : f32 to vector<1024x1xf32>
    %div3A_140 = arith.divf %sub3A_131, %div3A_139 : vector<1024x1xf32>
    %slice3A_141 = vector.extract_strided_slice %dot_general3A_6 {offsets = [0, 5], sizes = [1024, 1], strides = [1, 1]} : vector<1024x8xf32> to vector<1024x1xf32>
    %mul3A_142 = arith.mulf %div3A_11, %slice3A_141 : vector<1024x1xf32>
    %reduce_sum3A_143 = vector.shape_cast %mul3A_142 : vector<1024x1xf32> to vector<1x1024x1xf32>
    %reduce_sum3A_144 = arith.constant dense<0.000000e+00> : vector<1xf32>
    %reduce_sum3A_145 = vector.multi_reduction <add>, %reduce_sum3A_143, %reduce_sum3A_144 [1, 2] : vector<1x1024x1xf32> to vector<1xf32>
    %reduce_sum3A_146 = vector.shape_cast %reduce_sum3A_145 : vector<1xf32> to vector<1x1x1xf32>
    %reduce_sum3A_147 = vector.extract %reduce_sum3A_146[0, 0, 0] : f32 from vector<1x1x1xf32>
    %mul3A_148 = vector.broadcast %reduce_sum3A_147 : f32 to vector<1024x1xf32>
    %mul3A_149 = arith.mulf %div3A_11, %mul3A_148 : vector<1024x1xf32>
    %sub3A_150 = arith.subf %slice3A_141, %mul3A_149 : vector<1024x1xf32>
    %mul3A_151 = arith.mulf %div3A_29, %sub3A_150 : vector<1024x1xf32>
    %reduce_sum3A_152 = vector.shape_cast %mul3A_151 : vector<1024x1xf32> to vector<1x1024x1xf32>
    %reduce_sum3A_153 = arith.constant dense<0.000000e+00> : vector<1xf32>
    %reduce_sum3A_154 = vector.multi_reduction <add>, %reduce_sum3A_152, %reduce_sum3A_153 [1, 2] : vector<1x1024x1xf32> to vector<1xf32>
    %reduce_sum3A_155 = vector.shape_cast %reduce_sum3A_154 : vector<1xf32> to vector<1x1x1xf32>
    %reduce_sum3A_156 = vector.extract %reduce_sum3A_155[0, 0, 0] : f32 from vector<1x1x1xf32>
    %mul3A_157 = vector.broadcast %reduce_sum3A_156 : f32 to vector<1024x1xf32>
    %mul3A_158 = arith.mulf %div3A_29, %mul3A_157 : vector<1024x1xf32>
    %sub3A_159 = arith.subf %sub3A_150, %mul3A_158 : vector<1024x1xf32>
    %mul3A_160 = arith.mulf %div3A_57, %sub3A_159 : vector<1024x1xf32>
    %reduce_sum3A_161 = vector.shape_cast %mul3A_160 : vector<1024x1xf32> to vector<1x1024x1xf32>
    %reduce_sum3A_162 = arith.constant dense<0.000000e+00> : vector<1xf32>
    %reduce_sum3A_163 = vector.multi_reduction <add>, %reduce_sum3A_161, %reduce_sum3A_162 [1, 2] : vector<1x1024x1xf32> to vector<1xf32>
    %reduce_sum3A_164 = vector.shape_cast %reduce_sum3A_163 : vector<1xf32> to vector<1x1x1xf32>
    %reduce_sum3A_165 = vector.extract %reduce_sum3A_164[0, 0, 0] : f32 from vector<1x1x1xf32>
    %mul3A_166 = vector.broadcast %reduce_sum3A_165 : f32 to vector<1024x1xf32>
    %mul3A_167 = arith.mulf %div3A_57, %mul3A_166 : vector<1024x1xf32>
    %sub3A_168 = arith.subf %sub3A_159, %mul3A_167 : vector<1024x1xf32>
    %mul3A_169 = arith.mulf %div3A_94, %sub3A_168 : vector<1024x1xf32>
    %reduce_sum3A_170 = vector.shape_cast %mul3A_169 : vector<1024x1xf32> to vector<1x1024x1xf32>
    %reduce_sum3A_171 = arith.constant dense<0.000000e+00> : vector<1xf32>
    %reduce_sum3A_172 = vector.multi_reduction <add>, %reduce_sum3A_170, %reduce_sum3A_171 [1, 2] : vector<1x1024x1xf32> to vector<1xf32>
    %reduce_sum3A_173 = vector.shape_cast %reduce_sum3A_172 : vector<1xf32> to vector<1x1x1xf32>
    %reduce_sum3A_174 = vector.extract %reduce_sum3A_173[0, 0, 0] : f32 from vector<1x1x1xf32>
    %mul3A_175 = vector.broadcast %reduce_sum3A_174 : f32 to vector<1024x1xf32>
    %mul3A_176 = arith.mulf %div3A_94, %mul3A_175 : vector<1024x1xf32>
    %sub3A_177 = arith.subf %sub3A_168, %mul3A_176 : vector<1024x1xf32>
    %mul3A_178 = arith.mulf %div3A_140, %sub3A_177 : vector<1024x1xf32>
    %reduce_sum3A_179 = vector.shape_cast %mul3A_178 : vector<1024x1xf32> to vector<1x1024x1xf32>
    %reduce_sum3A_180 = arith.constant dense<0.000000e+00> : vector<1xf32>
    %reduce_sum3A_181 = vector.multi_reduction <add>, %reduce_sum3A_179, %reduce_sum3A_180 [1, 2] : vector<1x1024x1xf32> to vector<1xf32>
    %reduce_sum3A_182 = vector.shape_cast %reduce_sum3A_181 : vector<1xf32> to vector<1x1x1xf32>
    %reduce_sum3A_183 = vector.extract %reduce_sum3A_182[0, 0, 0] : f32 from vector<1x1x1xf32>
    %mul3A_184 = vector.broadcast %reduce_sum3A_183 : f32 to vector<1024x1xf32>
    %mul3A_185 = arith.mulf %div3A_140, %mul3A_184 : vector<1024x1xf32>
    %sub3A_186 = arith.subf %sub3A_177, %mul3A_185 : vector<1024x1xf32>
    %mul3A_187 = arith.mulf %sub3A_186, %sub3A_186 : vector<1024x1xf32>
    %reduce_sum3A_188 = vector.shape_cast %mul3A_187 : vector<1024x1xf32> to vector<1x1024x1xf32>
    %reduce_sum3A_189 = arith.constant dense<0.000000e+00> : vector<1xf32>
    %reduce_sum3A_190 = vector.multi_reduction <add>, %reduce_sum3A_188, %reduce_sum3A_189 [1, 2] : vector<1x1024x1xf32> to vector<1xf32>
    %reduce_sum3A_191 = vector.shape_cast %reduce_sum3A_190 : vector<1xf32> to vector<1x1x1xf32>
    %reduce_sum3A_192 = vector.extract %reduce_sum3A_191[0, 0, 0] : f32 from vector<1x1x1xf32>
    %sqrt3A_193 = math.sqrt %reduce_sum3A_192 : f32
    %div3A_194 = vector.broadcast %sqrt3A_193 : f32 to vector<1024x1xf32>
    %div3A_195 = arith.divf %sub3A_186, %div3A_194 : vector<1024x1xf32>
    %slice3A_196 = vector.extract_strided_slice %dot_general3A_6 {offsets = [0, 6], sizes = [1024, 1], strides = [1, 1]} : vector<1024x8xf32> to vector<1024x1xf32>
    %mul3A_197 = arith.mulf %div3A_11, %slice3A_196 : vector<1024x1xf32>
    %reduce_sum3A_198 = vector.shape_cast %mul3A_197 : vector<1024x1xf32> to vector<1x1024x1xf32>
    %reduce_sum3A_199 = arith.constant dense<0.000000e+00> : vector<1xf32>
    %reduce_sum3A_200 = vector.multi_reduction <add>, %reduce_sum3A_198, %reduce_sum3A_199 [1, 2] : vector<1x1024x1xf32> to vector<1xf32>
    %reduce_sum3A_201 = vector.shape_cast %reduce_sum3A_200 : vector<1xf32> to vector<1x1x1xf32>
    %reduce_sum3A_202 = vector.extract %reduce_sum3A_201[0, 0, 0] : f32 from vector<1x1x1xf32>
    %mul3A_203 = vector.broadcast %reduce_sum3A_202 : f32 to vector<1024x1xf32>
    %mul3A_204 = arith.mulf %div3A_11, %mul3A_203 : vector<1024x1xf32>
    %sub3A_205 = arith.subf %slice3A_196, %mul3A_204 : vector<1024x1xf32>
    %mul3A_206 = arith.mulf %div3A_29, %sub3A_205 : vector<1024x1xf32>
    %reduce_sum3A_207 = vector.shape_cast %mul3A_206 : vector<1024x1xf32> to vector<1x1024x1xf32>
    %reduce_sum3A_208 = arith.constant dense<0.000000e+00> : vector<1xf32>
    %reduce_sum3A_209 = vector.multi_reduction <add>, %reduce_sum3A_207, %reduce_sum3A_208 [1, 2] : vector<1x1024x1xf32> to vector<1xf32>
    %reduce_sum3A_210 = vector.shape_cast %reduce_sum3A_209 : vector<1xf32> to vector<1x1x1xf32>
    %reduce_sum3A_211 = vector.extract %reduce_sum3A_210[0, 0, 0] : f32 from vector<1x1x1xf32>
    %mul3A_212 = vector.broadcast %reduce_sum3A_211 : f32 to vector<1024x1xf32>
    %mul3A_213 = arith.mulf %div3A_29, %mul3A_212 : vector<1024x1xf32>
    %sub3A_214 = arith.subf %sub3A_205, %mul3A_213 : vector<1024x1xf32>
    %mul3A_215 = arith.mulf %div3A_57, %sub3A_214 : vector<1024x1xf32>
    %reduce_sum3A_216 = vector.shape_cast %mul3A_215 : vector<1024x1xf32> to vector<1x1024x1xf32>
    %reduce_sum3A_217 = arith.constant dense<0.000000e+00> : vector<1xf32>
    %reduce_sum3A_218 = vector.multi_reduction <add>, %reduce_sum3A_216, %reduce_sum3A_217 [1, 2] : vector<1x1024x1xf32> to vector<1xf32>
    %reduce_sum3A_219 = vector.shape_cast %reduce_sum3A_218 : vector<1xf32> to vector<1x1x1xf32>
    %reduce_sum3A_220 = vector.extract %reduce_sum3A_219[0, 0, 0] : f32 from vector<1x1x1xf32>
    %mul3A_221 = vector.broadcast %reduce_sum3A_220 : f32 to vector<1024x1xf32>
    %mul3A_222 = arith.mulf %div3A_57, %mul3A_221 : vector<1024x1xf32>
    %sub3A_223 = arith.subf %sub3A_214, %mul3A_222 : vector<1024x1xf32>
    %mul3A_224 = arith.mulf %div3A_94, %sub3A_223 : vector<1024x1xf32>
    %reduce_sum3A_225 = vector.shape_cast %mul3A_224 : vector<1024x1xf32> to vector<1x1024x1xf32>
    %reduce_sum3A_226 = arith.constant dense<0.000000e+00> : vector<1xf32>
    %reduce_sum3A_227 = vector.multi_reduction <add>, %reduce_sum3A_225, %reduce_sum3A_226 [1, 2] : vector<1x1024x1xf32> to vector<1xf32>
    %reduce_sum3A_228 = vector.shape_cast %reduce_sum3A_227 : vector<1xf32> to vector<1x1x1xf32>
    %reduce_sum3A_229 = vector.extract %reduce_sum3A_228[0, 0, 0] : f32 from vector<1x1x1xf32>
    %mul3A_230 = vector.broadcast %reduce_sum3A_229 : f32 to vector<1024x1xf32>
    %mul3A_231 = arith.mulf %div3A_94, %mul3A_230 : vector<1024x1xf32>
    %sub3A_232 = arith.subf %sub3A_223, %mul3A_231 : vector<1024x1xf32>
    %mul3A_233 = arith.mulf %div3A_140, %sub3A_232 : vector<1024x1xf32>
    %reduce_sum3A_234 = vector.shape_cast %mul3A_233 : vector<1024x1xf32> to vector<1x1024x1xf32>
    %reduce_sum3A_235 = arith.constant dense<0.000000e+00> : vector<1xf32>
    %reduce_sum3A_236 = vector.multi_reduction <add>, %reduce_sum3A_234, %reduce_sum3A_235 [1, 2] : vector<1x1024x1xf32> to vector<1xf32>
    %reduce_sum3A_237 = vector.shape_cast %reduce_sum3A_236 : vector<1xf32> to vector<1x1x1xf32>
    %reduce_sum3A_238 = vector.extract %reduce_sum3A_237[0, 0, 0] : f32 from vector<1x1x1xf32>
    %mul3A_239 = vector.broadcast %reduce_sum3A_238 : f32 to vector<1024x1xf32>
    %mul3A_240 = arith.mulf %div3A_140, %mul3A_239 : vector<1024x1xf32>
    %sub3A_241 = arith.subf %sub3A_232, %mul3A_240 : vector<1024x1xf32>
    %mul3A_242 = arith.mulf %div3A_195, %sub3A_241 : vector<1024x1xf32>
    %reduce_sum3A_243 = vector.shape_cast %mul3A_242 : vector<1024x1xf32> to vector<1x1024x1xf32>
    %reduce_sum3A_244 = arith.constant dense<0.000000e+00> : vector<1xf32>
    %reduce_sum3A_245 = vector.multi_reduction <add>, %reduce_sum3A_243, %reduce_sum3A_244 [1, 2] : vector<1x1024x1xf32> to vector<1xf32>
    %reduce_sum3A_246 = vector.shape_cast %reduce_sum3A_245 : vector<1xf32> to vector<1x1x1xf32>
    %reduce_sum3A_247 = vector.extract %reduce_sum3A_246[0, 0, 0] : f32 from vector<1x1x1xf32>
    %mul3A_248 = vector.broadcast %reduce_sum3A_247 : f32 to vector<1024x1xf32>
    %mul3A_249 = arith.mulf %div3A_195, %mul3A_248 : vector<1024x1xf32>
    %sub3A_250 = arith.subf %sub3A_241, %mul3A_249 : vector<1024x1xf32>
    %mul3A_251 = arith.mulf %sub3A_250, %sub3A_250 : vector<1024x1xf32>
    %reduce_sum3A_252 = vector.shape_cast %mul3A_251 : vector<1024x1xf32> to vector<1x1024x1xf32>
    %reduce_sum3A_253 = arith.constant dense<0.000000e+00> : vector<1xf32>
    %reduce_sum3A_254 = vector.multi_reduction <add>, %reduce_sum3A_252, %reduce_sum3A_253 [1, 2] : vector<1x1024x1xf32> to vector<1xf32>
    %reduce_sum3A_255 = vector.shape_cast %reduce_sum3A_254 : vector<1xf32> to vector<1x1x1xf32>
    %reduce_sum3A_256 = vector.extract %reduce_sum3A_255[0, 0, 0] : f32 from vector<1x1x1xf32>
    %sqrt3A_257 = math.sqrt %reduce_sum3A_256 : f32
    %div3A_258 = vector.broadcast %sqrt3A_257 : f32 to vector<1024x1xf32>
    %div3A_259 = arith.divf %sub3A_250, %div3A_258 : vector<1024x1xf32>
    %slice3A_260 = vector.extract_strided_slice %dot_general3A_6 {offsets = [0, 7], sizes = [1024, 1], strides = [1, 1]} : vector<1024x8xf32> to vector<1024x1xf32>
    %mul3A_261 = arith.mulf %div3A_11, %slice3A_260 : vector<1024x1xf32>
    %reduce_sum3A_262 = vector.shape_cast %mul3A_261 : vector<1024x1xf32> to vector<1x1024x1xf32>
    %reduce_sum3A_263 = arith.constant dense<0.000000e+00> : vector<1xf32>
    %reduce_sum3A_264 = vector.multi_reduction <add>, %reduce_sum3A_262, %reduce_sum3A_263 [1, 2] : vector<1x1024x1xf32> to vector<1xf32>
    %reduce_sum3A_265 = vector.shape_cast %reduce_sum3A_264 : vector<1xf32> to vector<1x1x1xf32>
    %reduce_sum3A_266 = vector.extract %reduce_sum3A_265[0, 0, 0] : f32 from vector<1x1x1xf32>
    %mul3A_267 = vector.broadcast %reduce_sum3A_266 : f32 to vector<1024x1xf32>
    %mul3A_268 = arith.mulf %div3A_11, %mul3A_267 : vector<1024x1xf32>
    %sub3A_269 = arith.subf %slice3A_260, %mul3A_268 : vector<1024x1xf32>
    %mul3A_270 = arith.mulf %div3A_29, %sub3A_269 : vector<1024x1xf32>
    %reduce_sum3A_271 = vector.shape_cast %mul3A_270 : vector<1024x1xf32> to vector<1x1024x1xf32>
    %reduce_sum3A_272 = arith.constant dense<0.000000e+00> : vector<1xf32>
    %reduce_sum3A_273 = vector.multi_reduction <add>, %reduce_sum3A_271, %reduce_sum3A_272 [1, 2] : vector<1x1024x1xf32> to vector<1xf32>
    %reduce_sum3A_274 = vector.shape_cast %reduce_sum3A_273 : vector<1xf32> to vector<1x1x1xf32>
    %reduce_sum3A_275 = vector.extract %reduce_sum3A_274[0, 0, 0] : f32 from vector<1x1x1xf32>
    %mul3A_276 = vector.broadcast %reduce_sum3A_275 : f32 to vector<1024x1xf32>
    %mul3A_277 = arith.mulf %div3A_29, %mul3A_276 : vector<1024x1xf32>
    %sub3A_278 = arith.subf %sub3A_269, %mul3A_277 : vector<1024x1xf32>
    %mul3A_279 = arith.mulf %div3A_57, %sub3A_278 : vector<1024x1xf32>
    %reduce_sum3A_280 = vector.shape_cast %mul3A_279 : vector<1024x1xf32> to vector<1x1024x1xf32>
    %reduce_sum3A_281 = arith.constant dense<0.000000e+00> : vector<1xf32>
    %reduce_sum3A_282 = vector.multi_reduction <add>, %reduce_sum3A_280, %reduce_sum3A_281 [1, 2] : vector<1x1024x1xf32> to vector<1xf32>
    %reduce_sum3A_283 = vector.shape_cast %reduce_sum3A_282 : vector<1xf32> to vector<1x1x1xf32>
    %reduce_sum3A_284 = vector.extract %reduce_sum3A_283[0, 0, 0] : f32 from vector<1x1x1xf32>
    %mul3A_285 = vector.broadcast %reduce_sum3A_284 : f32 to vector<1024x1xf32>
    %mul3A_286 = arith.mulf %div3A_57, %mul3A_285 : vector<1024x1xf32>
    %sub3A_287 = arith.subf %sub3A_278, %mul3A_286 : vector<1024x1xf32>
    %mul3A_288 = arith.mulf %div3A_94, %sub3A_287 : vector<1024x1xf32>
    %reduce_sum3A_289 = vector.shape_cast %mul3A_288 : vector<1024x1xf32> to vector<1x1024x1xf32>
    %reduce_sum3A_290 = arith.constant dense<0.000000e+00> : vector<1xf32>
    %reduce_sum3A_291 = vector.multi_reduction <add>, %reduce_sum3A_289, %reduce_sum3A_290 [1, 2] : vector<1x1024x1xf32> to vector<1xf32>
    %reduce_sum3A_292 = vector.shape_cast %reduce_sum3A_291 : vector<1xf32> to vector<1x1x1xf32>
    %reduce_sum3A_293 = vector.extract %reduce_sum3A_292[0, 0, 0] : f32 from vector<1x1x1xf32>
    %mul3A_294 = vector.broadcast %reduce_sum3A_293 : f32 to vector<1024x1xf32>
    %mul3A_295 = arith.mulf %div3A_94, %mul3A_294 : vector<1024x1xf32>
    %sub3A_296 = arith.subf %sub3A_287, %mul3A_295 : vector<1024x1xf32>
    %mul3A_297 = arith.mulf %div3A_140, %sub3A_296 : vector<1024x1xf32>
    %reduce_sum3A_298 = vector.shape_cast %mul3A_297 : vector<1024x1xf32> to vector<1x1024x1xf32>
    %reduce_sum3A_299 = arith.constant dense<0.000000e+00> : vector<1xf32>
    %reduce_sum3A_300 = vector.multi_reduction <add>, %reduce_sum3A_298, %reduce_sum3A_299 [1, 2] : vector<1x1024x1xf32> to vector<1xf32>
    %reduce_sum3A_301 = vector.shape_cast %reduce_sum3A_300 : vector<1xf32> to vector<1x1x1xf32>
    %reduce_sum3A_302 = vector.extract %reduce_sum3A_301[0, 0, 0] : f32 from vector<1x1x1xf32>
    %mul3A_303 = vector.broadcast %reduce_sum3A_302 : f32 to vector<1024x1xf32>
    %mul3A_304 = arith.mulf %div3A_140, %mul3A_303 : vector<1024x1xf32>
    %sub3A_305 = arith.subf %sub3A_296, %mul3A_304 : vector<1024x1xf32>
    %mul3A_306 = arith.mulf %div3A_195, %sub3A_305 : vector<1024x1xf32>
    %reduce_sum3A_307 = vector.shape_cast %mul3A_306 : vector<1024x1xf32> to vector<1x1024x1xf32>
    %reduce_sum3A_308 = arith.constant dense<0.000000e+00> : vector<1xf32>
    %reduce_sum3A_309 = vector.multi_reduction <add>, %reduce_sum3A_307, %reduce_sum3A_308 [1, 2] : vector<1x1024x1xf32> to vector<1xf32>
    %reduce_sum3A_310 = vector.shape_cast %reduce_sum3A_309 : vector<1xf32> to vector<1x1x1xf32>
    %reduce_sum3A_311 = vector.extract %reduce_sum3A_310[0, 0, 0] : f32 from vector<1x1x1xf32>
    %mul3A_312 = vector.broadcast %reduce_sum3A_311 : f32 to vector<1024x1xf32>
    %mul3A_313 = arith.mulf %div3A_195, %mul3A_312 : vector<1024x1xf32>
    %sub3A_314 = arith.subf %sub3A_305, %mul3A_313 : vector<1024x1xf32>
    %mul3A_315 = arith.mulf %div3A_259, %sub3A_314 : vector<1024x1xf32>
    %reduce_sum3A_316 = vector.shape_cast %mul3A_315 : vector<1024x1xf32> to vector<1x1024x1xf32>
    %reduce_sum3A_317 = arith.constant dense<0.000000e+00> : vector<1xf32>
    %reduce_sum3A_318 = vector.multi_reduction <add>, %reduce_sum3A_316, %reduce_sum3A_317 [1, 2] : vector<1x1024x1xf32> to vector<1xf32>
    %reduce_sum3A_319 = vector.shape_cast %reduce_sum3A_318 : vector<1xf32> to vector<1x1x1xf32>
    %reduce_sum3A_320 = vector.extract %reduce_sum3A_319[0, 0, 0] : f32 from vector<1x1x1xf32>
    %mul3A_321 = vector.broadcast %reduce_sum3A_320 : f32 to vector<1024x1xf32>
    %mul3A_322 = arith.mulf %div3A_259, %mul3A_321 : vector<1024x1xf32>
    %sub3A_323 = arith.subf %sub3A_314, %mul3A_322 : vector<1024x1xf32>
    %mul3A_324 = arith.mulf %sub3A_323, %sub3A_323 : vector<1024x1xf32>
    %reduce_sum3A_325 = vector.shape_cast %mul3A_324 : vector<1024x1xf32> to vector<1x1024x1xf32>
    %reduce_sum3A_326 = arith.constant dense<0.000000e+00> : vector<1xf32>
    %reduce_sum3A_327 = vector.multi_reduction <add>, %reduce_sum3A_325, %reduce_sum3A_326 [1, 2] : vector<1x1024x1xf32> to vector<1xf32>
    %reduce_sum3A_328 = vector.shape_cast %reduce_sum3A_327 : vector<1xf32> to vector<1x1x1xf32>
    %reduce_sum3A_329 = vector.extract %reduce_sum3A_328[0, 0, 0] : f32 from vector<1x1x1xf32>
    %sqrt3A_330 = math.sqrt %reduce_sum3A_329 : f32
    %div3A_331 = vector.broadcast %sqrt3A_330 : f32 to vector<1024x1xf32>
    %div3A_332 = arith.divf %sub3A_323, %div3A_331 : vector<1024x1xf32>
    %concatenate3A = tpu.concatenate %div3A_11, %div3A_29, %div3A_57, %div3A_94, %div3A_140, %div3A_195, %div3A_259, %div3A_332 in 1 : vector<1024x1xf32>, vector<1024x1xf32>, vector<1024x1xf32>, vector<1024x1xf32>, vector<1024x1xf32>, vector<1024x1xf32>, vector<1024x1xf32>, vector<1024x1xf32> -> vector<1024x8xf32>
    %dot_general3A_333 = arith.constant dense<0.000000e+00> : vector<8x1024xf32>
    %dot_general3A_334 = tpu.matmul %concatenate3A, %get3A_1, %dot_general3A_333 {dimension_numbers = #tpu.dot_dimension_numbers<[0], [0], [1], [1], [0, 1, 1, 1], [], []>, transpose_lhs_hint = false} : vector<1024x8xf32>, vector<1024x1024xf32>, vector<8x1024xf32> -> vector<8x1024xf32>
    %dot_general3A_335 = arith.constant dense<0.000000e+00> : vector<1024x1024xf32>
    %dot_general3A_336 = tpu.matmul %concatenate3A, %dot_general3A_334, %dot_general3A_335 {dimension_numbers = #tpu.dot_dimension_numbers<[1], [0], [0], [1], [0, 0, 1, 1], [], []>, transpose_lhs_hint = false} : vector<1024x8xf32>, vector<8x1024xf32>, vector<1024x1024xf32> -> vector<1024x1024xf32>
    %abs3A = math.absf %dot_general3A_336 : vector<1024x1024xf32>
    %reduce_max3A = arith.constant dense<0xFF800000> : vector<1024xf32>
    %reduce_max3A_337 = vector.multi_reduction <maximumf>, %abs3A, %reduce_max3A [1] : vector<1024x1024xf32> to vector<1024xf32>
    %broadcast_in_dim3A = vector.shape_cast %reduce_max3A_337 : vector<1024xf32> to vector<1024x1xf32>
    %sub3A_338 = vector.broadcast %broadcast_in_dim3A : vector<1024x1xf32> to vector<1024x1024xf32>
    %sub3A_339 = arith.subf %abs3A, %sub3A_338 : vector<1024x1024xf32>
    %exp3A = math.exp %sub3A_339 : vector<1024x1024xf32>
    %reduce_sum3A_340 = arith.constant dense<0.000000e+00> : vector<1024xf32>
    %reduce_sum3A_341 = vector.multi_reduction <add>, %exp3A, %reduce_sum3A_340 [1] : vector<1024x1024xf32> to vector<1024xf32>
    %broadcast_in_dim3A_342 = vector.shape_cast %reduce_sum3A_341 : vector<1024xf32> to vector<1024x1xf32>
    %div3A_343 = vector.broadcast %broadcast_in_dim3A_342 : vector<1024x1xf32> to vector<1024x1024xf32>
    %div3A_344 = arith.divf %exp3A, %div3A_343 : vector<1024x1024xf32>
    %swap3A = arith.constant 0 : index
    %swap3A_345 = arith.constant 0 : index
    %swap3A_346 = vector.load %arg2[%swap3A, %swap3A_345] : memref<1024x1024xf32, #tpu.memory_space<vmem>>, vector<1024x1024xf32>
    tpu.vector_store %arg2[%swap3A, %swap3A_345], %div3A_344 {strides = array<i32>} : memref<1024x1024xf32, #tpu.memory_space<vmem>>, vector<1024x1024xf32>,
    return
  }
}

module attributes {stable_mosaic.version = 14 : i64} {
  func.func @_k4_body(%arg0: i32, %arg1: memref<1x1024x1024xf32, #tpu.memory_space<vmem>>, %arg2: memref<1024x1024xf32, #tpu.memory_space<vmem>>, %arg3: memref<1024x16xf32, #tpu.memory_space<vmem>>, %arg4: memref<1x4xf32, #tpu.memory_space<vmem>>, %arg5: memref<1024x1xf32, #tpu.memory_space<vmem>>, %arg6: memref<8x4xf32, #tpu.memory_space<vmem>>, %arg7: memref<4x1024xf32, #tpu.memory_space<vmem>>) attributes {dimension_semantics = [#tpu.dimension_semantics<arbitrary>], iteration_bounds = array<i64: 4>, scalar_prefetch = 0 : i64, scratch_operands = 2 : i64, tpu.core_type = #tpu.core_type<tc>, window_params = [{transform_indices = @transform_0, window_bounds = array<i64: 1, 1024, 1024>}, {pipeline_mode = #tpu.pipeline_mode<synchronous>, transform_indices = @transform_1, window_bounds = array<i64: 1024, 1024>}, {pipeline_mode = #tpu.pipeline_mode<synchronous>, transform_indices = @transform_2, window_bounds = array<i64: 1024, 16>}, {pipeline_mode = #tpu.pipeline_mode<synchronous>, transform_indices = @transform_3, window_bounds = array<i64: 1, 4>}, {pipeline_mode = #tpu.pipeline_mode<synchronous>, transform_indices = @transform_4, window_bounds = array<i64: 1024, 1>}]} {
    %get3A = arith.constant 0 : index
    %get3A_0 = arith.constant 0 : index
    %get3A_1 = vector.load %arg3[%get3A, %get3A_0] : memref<1024x16xf32, #tpu.memory_space<vmem>>, vector<1024x16xf32>
    %eq3A = arith.constant 0 : i32
    %eq3A_2 = arith.cmpi eq, %arg0, %eq3A : i32
    %convert_element_type3A = arith.extui %eq3A_2 : i1 to i32
    %cond3A = arith.constant 0 : i32
    %cond3A_3 = arith.cmpi ne, %convert_element_type3A, %cond3A : i32
    scf.if %cond3A_3 {
      %get3A_76 = arith.constant 0 : index
      %get3A_77 = arith.constant 0 : index
      %get3A_78 = vector.load %arg2[%get3A_76, %get3A_77] : memref<1024x1024xf32, #tpu.memory_space<vmem>>, vector<1024x1024xf32>
      %reduce_sum3A_79 = arith.constant dense<0.000000e+00> : vector<1024xf32>
      %reduce_sum3A_80 = vector.multi_reduction <add>, %get3A_78, %reduce_sum3A_79 [1] : vector<1024x1024xf32> to vector<1024xf32>
      %reduce_max3A_81 = vector.shape_cast %reduce_sum3A_80 : vector<1024xf32> to vector<1x1024xf32>
      %reduce_max3A_82 = arith.constant dense<0xFF800000> : vector<1xf32>
      %reduce_max3A_83 = vector.multi_reduction <maximumf>, %reduce_max3A_81, %reduce_max3A_82 [1] : vector<1x1024xf32> to vector<1xf32>
      %reduce_max3A_84 = vector.shape_cast %reduce_max3A_83 : vector<1xf32> to vector<1x1xf32>
      %reduce_max3A_85 = vector.extract %reduce_max3A_84[0, 0] : f32 from vector<1x1xf32>
      %add3A_86 = arith.constant 9.99999993E-9 : f32
      %add3A_87 = arith.addf %reduce_max3A_85, %add3A_86 : f32
      %div3A_88 = arith.constant 1.000000e+00 : f32
      %div3A_89 = arith.divf %div3A_88, %add3A_87 : f32
      %dot_general3A_90 = arith.constant dense<0.000000e+00> : vector<1024x16xf32>
      %dot_general3A_91 = tpu.matmul %get3A_78, %get3A_1, %dot_general3A_90 {dimension_numbers = #tpu.dot_dimension_numbers<[1], [0], [0], [1], [0, 0, 1, 1], [], []>, transpose_lhs_hint = false} : vector<1024x1024xf32>, vector<1024x16xf32>, vector<1024x16xf32> -> vector<1024x16xf32>
      %mul3A_92 = vector.broadcast %div3A_89 : f32 to vector<1024x16xf32>
      %mul3A_93 = arith.mulf %dot_general3A_91, %mul3A_92 : vector<1024x16xf32>
      %mul3A_94 = arith.mulf %get3A_1, %mul3A_93 : vector<1024x16xf32>
      %reduce_sum3A_95 = vector.shape_cast %mul3A_94 : vector<1024x16xf32> to vector<1x1024x16xf32>
      %reduce_sum3A_96 = arith.constant dense<0.000000e+00> : vector<1xf32>
      %reduce_sum3A_97 = vector.multi_reduction <add>, %reduce_sum3A_95, %reduce_sum3A_96 [1, 2] : vector<1x1024x16xf32> to vector<1xf32>
      %reduce_sum3A_98 = vector.shape_cast %reduce_sum3A_97 : vector<1xf32> to vector<1x1x1xf32>
      %reduce_sum3A_99 = vector.extract %reduce_sum3A_98[0, 0, 0] : f32 from vector<1x1x1xf32>
      %mul3A_100 = arith.constant 6.10351563E-5 : f32
      %mul3A_101 = arith.mulf %reduce_sum3A_99, %mul3A_100 : f32
      %reshape3A_102 = vector.broadcast %mul3A_101 : f32 to vector<1x1xf32>
      %dot_general3A_103 = arith.constant dense<0.000000e+00> : vector<1024x16xf32>
      %dot_general3A_104 = tpu.matmul %get3A_78, %mul3A_93, %dot_general3A_103 {dimension_numbers = #tpu.dot_dimension_numbers<[1], [0], [0], [1], [0, 0, 1, 1], [], []>, transpose_lhs_hint = false} : vector<1024x1024xf32>, vector<1024x16xf32>, vector<1024x16xf32> -> vector<1024x16xf32>
      %mul3A_105 = vector.broadcast %div3A_89 : f32 to vector<1024x16xf32>
      %mul3A_106 = arith.mulf %dot_general3A_104, %mul3A_105 : vector<1024x16xf32>
      %mul3A_107 = arith.mulf %get3A_1, %mul3A_106 : vector<1024x16xf32>
      %reduce_sum3A_108 = vector.shape_cast %mul3A_107 : vector<1024x16xf32> to vector<1x1024x16xf32>
      %reduce_sum3A_109 = arith.constant dense<0.000000e+00> : vector<1xf32>
      %reduce_sum3A_110 = vector.multi_reduction <add>, %reduce_sum3A_108, %reduce_sum3A_109 [1, 2] : vector<1x1024x16xf32> to vector<1xf32>
      %reduce_sum3A_111 = vector.shape_cast %reduce_sum3A_110 : vector<1xf32> to vector<1x1x1xf32>
      %reduce_sum3A_112 = vector.extract %reduce_sum3A_111[0, 0, 0] : f32 from vector<1x1x1xf32>
      %mul3A_113 = arith.constant 6.10351563E-5 : f32
      %mul3A_114 = arith.mulf %reduce_sum3A_112, %mul3A_113 : f32
      %reshape3A_115 = vector.broadcast %mul3A_114 : f32 to vector<1x1xf32>
      %dot_general3A_116 = arith.constant dense<0.000000e+00> : vector<1024x16xf32>
      %dot_general3A_117 = tpu.matmul %get3A_78, %mul3A_106, %dot_general3A_116 {dimension_numbers = #tpu.dot_dimension_numbers<[1], [0], [0], [1], [0, 0, 1, 1], [], []>, transpose_lhs_hint = false} : vector<1024x1024xf32>, vector<1024x16xf32>, vector<1024x16xf32> -> vector<1024x16xf32>
      %mul3A_118 = vector.broadcast %div3A_89 : f32 to vector<1024x16xf32>
      %mul3A_119 = arith.mulf %dot_general3A_117, %mul3A_118 : vector<1024x16xf32>
      %mul3A_120 = arith.mulf %get3A_1, %mul3A_119 : vector<1024x16xf32>
      %reduce_sum3A_121 = vector.shape_cast %mul3A_120 : vector<1024x16xf32> to vector<1x1024x16xf32>
      %reduce_sum3A_122 = arith.constant dense<0.000000e+00> : vector<1xf32>
      %reduce_sum3A_123 = vector.multi_reduction <add>, %reduce_sum3A_121, %reduce_sum3A_122 [1, 2] : vector<1x1024x16xf32> to vector<1xf32>
      %reduce_sum3A_124 = vector.shape_cast %reduce_sum3A_123 : vector<1xf32> to vector<1x1x1xf32>
      %reduce_sum3A_125 = vector.extract %reduce_sum3A_124[0, 0, 0] : f32 from vector<1x1x1xf32>
      %mul3A_126 = arith.constant 6.10351563E-5 : f32
      %mul3A_127 = arith.mulf %reduce_sum3A_125, %mul3A_126 : f32
      %reshape3A_128 = vector.broadcast %mul3A_127 : f32 to vector<1x1xf32>
      %dot_general3A_129 = arith.constant dense<0.000000e+00> : vector<1024x16xf32>
      %dot_general3A_130 = tpu.matmul %get3A_78, %mul3A_119, %dot_general3A_129 {dimension_numbers = #tpu.dot_dimension_numbers<[1], [0], [0], [1], [0, 0, 1, 1], [], []>, transpose_lhs_hint = false} : vector<1024x1024xf32>, vector<1024x16xf32>, vector<1024x16xf32> -> vector<1024x16xf32>
      %mul3A_131 = vector.broadcast %div3A_89 : f32 to vector<1024x16xf32>
      %mul3A_132 = arith.mulf %dot_general3A_130, %mul3A_131 : vector<1024x16xf32>
      %mul3A_133 = arith.mulf %get3A_1, %mul3A_132 : vector<1024x16xf32>
      %reduce_sum3A_134 = vector.shape_cast %mul3A_133 : vector<1024x16xf32> to vector<1x1024x16xf32>
      %reduce_sum3A_135 = arith.constant dense<0.000000e+00> : vector<1xf32>
      %reduce_sum3A_136 = vector.multi_reduction <add>, %reduce_sum3A_134, %reduce_sum3A_135 [1, 2] : vector<1x1024x16xf32> to vector<1xf32>
      %reduce_sum3A_137 = vector.shape_cast %reduce_sum3A_136 : vector<1xf32> to vector<1x1x1xf32>
      %reduce_sum3A_138 = vector.extract %reduce_sum3A_137[0, 0, 0] : f32 from vector<1x1x1xf32>
      %mul3A_139 = arith.constant 6.10351563E-5 : f32
      %mul3A_140 = arith.mulf %reduce_sum3A_138, %mul3A_139 : f32
      %reshape3A_141 = vector.broadcast %mul3A_140 : f32 to vector<1x1xf32>
      %concatenate3A_142 = tpu.concatenate %reshape3A_102, %reshape3A_115, %reshape3A_128, %reshape3A_141 in 1 : vector<1x1xf32>, vector<1x1xf32>, vector<1x1xf32>, vector<1x1xf32> -> vector<1x4xf32>
      %swap3A_143 = arith.constant 4 : index
      %swap3A_144 = arith.constant 0 : index
      %swap3A_145 = vector.load %arg6[%swap3A_143, %swap3A_144] : memref<8x4xf32, #tpu.memory_space<vmem>>, vector<1x4xf32>
      tpu.vector_store %arg6[%swap3A_143, %swap3A_144], %concatenate3A_142 {strides = array<i32>} : memref<8x4xf32, #tpu.memory_space<vmem>>, vector<1x4xf32>,
    } else {
    }
    %get3A_4 = arith.constant 0 : index
    %get3A_5 = arith.constant 0 : index
    %get3A_6 = arith.constant 0 : index
    %get3A_7 = vector.load %arg1[%get3A_4, %get3A_5, %get3A_6] : memref<1x1024x1024xf32, #tpu.memory_space<vmem>>, vector<1x1024x1024xf32>
    %get3A_8 = vector.shape_cast %get3A_7 : vector<1x1024x1024xf32> to vector<1024x1024xf32>
    %reduce_sum3A = arith.constant dense<0.000000e+00> : vector<1024xf32>
    %reduce_sum3A_9 = vector.multi_reduction <add>, %get3A_8, %reduce_sum3A [1] : vector<1024x1024xf32> to vector<1024xf32>
    %reduce_max3A = vector.shape_cast %reduce_sum3A_9 : vector<1024xf32> to vector<1x1024xf32>
    %reduce_max3A_10 = arith.constant dense<0xFF800000> : vector<1xf32>
    %reduce_max3A_11 = vector.multi_reduction <maximumf>, %reduce_max3A, %reduce_max3A_10 [1] : vector<1x1024xf32> to vector<1xf32>
    %reduce_max3A_12 = vector.shape_cast %reduce_max3A_11 : vector<1xf32> to vector<1x1xf32>
    %reduce_max3A_13 = vector.extract %reduce_max3A_12[0, 0] : f32 from vector<1x1xf32>
    %add3A = arith.constant 9.99999993E-9 : f32
    %add3A_14 = arith.addf %reduce_max3A_13, %add3A : f32
    %div3A = arith.constant 1.000000e+00 : f32
    %div3A_15 = arith.divf %div3A, %add3A_14 : f32
    %dot_general3A = arith.constant dense<0.000000e+00> : vector<1024x16xf32>
    %dot_general3A_16 = tpu.matmul %get3A_8, %get3A_1, %dot_general3A {dimension_numbers = #tpu.dot_dimension_numbers<[1], [0], [0], [1], [0, 0, 1, 1], [], []>, transpose_lhs_hint = false} : vector<1024x1024xf32>, vector<1024x16xf32>, vector<1024x16xf32> -> vector<1024x16xf32>
    %mul3A = vector.broadcast %div3A_15 : f32 to vector<1024x16xf32>
    %mul3A_17 = arith.mulf %dot_general3A_16, %mul3A : vector<1024x16xf32>
    %mul3A_18 = arith.mulf %get3A_1, %mul3A_17 : vector<1024x16xf32>
    %reduce_sum3A_19 = vector.shape_cast %mul3A_18 : vector<1024x16xf32> to vector<1x1024x16xf32>
    %reduce_sum3A_20 = arith.constant dense<0.000000e+00> : vector<1xf32>
    %reduce_sum3A_21 = vector.multi_reduction <add>, %reduce_sum3A_19, %reduce_sum3A_20 [1, 2] : vector<1x1024x16xf32> to vector<1xf32>
    %reduce_sum3A_22 = vector.shape_cast %reduce_sum3A_21 : vector<1xf32> to vector<1x1x1xf32>
    %reduce_sum3A_23 = vector.extract %reduce_sum3A_22[0, 0, 0] : f32 from vector<1x1x1xf32>
    %mul3A_24 = arith.constant 6.10351563E-5 : f32
    %mul3A_25 = arith.mulf %reduce_sum3A_23, %mul3A_24 : f32
    %reshape3A = vector.broadcast %mul3A_25 : f32 to vector<1x1xf32>
    %dot_general3A_26 = arith.constant dense<0.000000e+00> : vector<1024x16xf32>
    %dot_general3A_27 = tpu.matmul %get3A_8, %mul3A_17, %dot_general3A_26 {dimension_numbers = #tpu.dot_dimension_numbers<[1], [0], [0], [1], [0, 0, 1, 1], [], []>, transpose_lhs_hint = false} : vector<1024x1024xf32>, vector<1024x16xf32>, vector<1024x16xf32> -> vector<1024x16xf32>
    %mul3A_28 = vector.broadcast %div3A_15 : f32 to vector<1024x16xf32>
    %mul3A_29 = arith.mulf %dot_general3A_27, %mul3A_28 : vector<1024x16xf32>
    %mul3A_30 = arith.mulf %get3A_1, %mul3A_29 : vector<1024x16xf32>
    %reduce_sum3A_31 = vector.shape_cast %mul3A_30 : vector<1024x16xf32> to vector<1x1024x16xf32>
    %reduce_sum3A_32 = arith.constant dense<0.000000e+00> : vector<1xf32>
    %reduce_sum3A_33 = vector.multi_reduction <add>, %reduce_sum3A_31, %reduce_sum3A_32 [1, 2] : vector<1x1024x16xf32> to vector<1xf32>
    %reduce_sum3A_34 = vector.shape_cast %reduce_sum3A_33 : vector<1xf32> to vector<1x1x1xf32>
    %reduce_sum3A_35 = vector.extract %reduce_sum3A_34[0, 0, 0] : f32 from vector<1x1x1xf32>
    %mul3A_36 = arith.constant 6.10351563E-5 : f32
    %mul3A_37 = arith.mulf %reduce_sum3A_35, %mul3A_36 : f32
    %reshape3A_38 = vector.broadcast %mul3A_37 : f32 to vector<1x1xf32>
    %dot_general3A_39 = arith.constant dense<0.000000e+00> : vector<1024x16xf32>
    %dot_general3A_40 = tpu.matmul %get3A_8, %mul3A_29, %dot_general3A_39 {dimension_numbers = #tpu.dot_dimension_numbers<[1], [0], [0], [1], [0, 0, 1, 1], [], []>, transpose_lhs_hint = false} : vector<1024x1024xf32>, vector<1024x16xf32>, vector<1024x16xf32> -> vector<1024x16xf32>
    %mul3A_41 = vector.broadcast %div3A_15 : f32 to vector<1024x16xf32>
    %mul3A_42 = arith.mulf %dot_general3A_40, %mul3A_41 : vector<1024x16xf32>
    %mul3A_43 = arith.mulf %get3A_1, %mul3A_42 : vector<1024x16xf32>
    %reduce_sum3A_44 = vector.shape_cast %mul3A_43 : vector<1024x16xf32> to vector<1x1024x16xf32>
    %reduce_sum3A_45 = arith.constant dense<0.000000e+00> : vector<1xf32>
    %reduce_sum3A_46 = vector.multi_reduction <add>, %reduce_sum3A_44, %reduce_sum3A_45 [1, 2] : vector<1x1024x16xf32> to vector<1xf32>
    %reduce_sum3A_47 = vector.shape_cast %reduce_sum3A_46 : vector<1xf32> to vector<1x1x1xf32>
    %reduce_sum3A_48 = vector.extract %reduce_sum3A_47[0, 0, 0] : f32 from vector<1x1x1xf32>
    %mul3A_49 = arith.constant 6.10351563E-5 : f32
    %mul3A_50 = arith.mulf %reduce_sum3A_48, %mul3A_49 : f32
    %reshape3A_51 = vector.broadcast %mul3A_50 : f32 to vector<1x1xf32>
    %dot_general3A_52 = arith.constant dense<0.000000e+00> : vector<1024x16xf32>
    %dot_general3A_53 = tpu.matmul %get3A_8, %mul3A_42, %dot_general3A_52 {dimension_numbers = #tpu.dot_dimension_numbers<[1], [0], [0], [1], [0, 0, 1, 1], [], []>, transpose_lhs_hint = false} : vector<1024x1024xf32>, vector<1024x16xf32>, vector<1024x16xf32> -> vector<1024x16xf32>
    %mul3A_54 = vector.broadcast %div3A_15 : f32 to vector<1024x16xf32>
    %mul3A_55 = arith.mulf %dot_general3A_53, %mul3A_54 : vector<1024x16xf32>
    %mul3A_56 = arith.mulf %get3A_1, %mul3A_55 : vector<1024x16xf32>
    %reduce_sum3A_57 = vector.shape_cast %mul3A_56 : vector<1024x16xf32> to vector<1x1024x16xf32>
    %reduce_sum3A_58 = arith.constant dense<0.000000e+00> : vector<1xf32>
    %reduce_sum3A_59 = vector.multi_reduction <add>, %reduce_sum3A_57, %reduce_sum3A_58 [1, 2] : vector<1x1024x16xf32> to vector<1xf32>
    %reduce_sum3A_60 = vector.shape_cast %reduce_sum3A_59 : vector<1xf32> to vector<1x1x1xf32>
    %reduce_sum3A_61 = vector.extract %reduce_sum3A_60[0, 0, 0] : f32 from vector<1x1x1xf32>
    %mul3A_62 = arith.constant 6.10351563E-5 : f32
    %mul3A_63 = arith.mulf %reduce_sum3A_61, %mul3A_62 : f32
    %reshape3A_64 = vector.broadcast %mul3A_63 : f32 to vector<1x1xf32>
    %concatenate3A = tpu.concatenate %reshape3A, %reshape3A_38, %reshape3A_51, %reshape3A_64 in 1 : vector<1x1xf32>, vector<1x1xf32>, vector<1x1xf32>, vector<1x1xf32> -> vector<1x4xf32>
    %reshape3A_65 = vector.shape_cast %reduce_sum3A_9 : vector<1024xf32> to vector<1x1024xf32>
    %swap3A = arith.index_cast %arg0 : i32 to index
    %swap3A_66 = arith.constant 0 : index
    %swap3A_67 = vector.load %arg7[%swap3A, %swap3A_66] : memref<4x1024xf32, #tpu.memory_space<vmem>>, vector<1x1024xf32>
    tpu.vector_store %arg7[%swap3A, %swap3A_66], %reshape3A_65 {strides = array<i32>} : memref<4x1024xf32, #tpu.memory_space<vmem>>, vector<1x1024xf32>,
    %swap3A_68 = arith.index_cast %arg0 : i32 to index
    %swap3A_69 = arith.constant 0 : index
    %swap3A_70 = vector.load %arg6[%swap3A_68, %swap3A_69] : memref<8x4xf32, #tpu.memory_space<vmem>>, vector<1x4xf32>
    tpu.vector_store %arg6[%swap3A_68, %swap3A_69], %concatenate3A {strides = array<i32>} : memref<8x4xf32, #tpu.memory_space<vmem>>, vector<1x4xf32>,
    %eq3A_71 = arith.constant 3 : i32
    %eq3A_72 = arith.cmpi eq, %arg0, %eq3A_71 : i32
    %convert_element_type3A_73 = arith.extui %eq3A_72 : i1 to i32
    %cond3A_74 = arith.constant 0 : i32
    %cond3A_75 = arith.cmpi ne, %convert_element_type3A_73, %cond3A_74 : i32
    scf.if %cond3A_75 {
      %get3A_76 = arith.constant 0 : index
      %get3A_77 = arith.constant 0 : index
      %get3A_78 = vector.load %arg6[%get3A_76, %get3A_77] : memref<8x4xf32, #tpu.memory_space<vmem>>, vector<8x4xf32>
      %slice3A = vector.extract_strided_slice %get3A_78 {offsets = [4, 0], sizes = [1, 4], strides = [1, 1]} : vector<8x4xf32> to vector<1x4xf32>
      %slice3A_79 = vector.extract_strided_slice %get3A_78 {offsets = [0, 0], sizes = [4, 4], strides = [1, 1]} : vector<8x4xf32> to vector<4x4xf32>
      %sub3A = vector.broadcast %slice3A : vector<1x4xf32> to vector<4x4xf32>
      %sub3A_80 = arith.subf %slice3A_79, %sub3A : vector<4x4xf32>
      %integer_pow3A = arith.mulf %sub3A_80, %sub3A_80 : vector<4x4xf32>
      %reduce_sum3A_81 = arith.constant dense<0.000000e+00> : vector<4xf32>
      %reduce_sum3A_82 = vector.multi_reduction <add>, %integer_pow3A, %reduce_sum3A_81 [1] : vector<4x4xf32> to vector<4xf32>
      %broadcast_in_dim3A = vector.shape_cast %reduce_sum3A_82 : vector<4xf32> to vector<4x1xf32>
      %sqrt3A = math.sqrt %broadcast_in_dim3A : vector<4x1xf32>
      %neg3A = arith.constant 0.000000e+00 : f32
      %neg3A_83 = vector.broadcast %neg3A : f32 to vector<4x1xf32>
      %neg3A_84 = arith.subf %neg3A_83, %sqrt3A : vector<4x1xf32>
      %div3A_85 = arith.constant 1.000000e+00 : f32
      %div3A_86 = vector.broadcast %div3A_85 : f32 to vector<4x1xf32>
      %div3A_87 = arith.divf %neg3A_84, %div3A_86 : vector<4x1xf32>
      %reduce_max3A_88 = vector.shape_cast %div3A_87 : vector<4x1xf32> to vector<1x4x1xf32>
      %reduce_max3A_89 = arith.constant dense<0xFF800000> : vector<1xf32>
      %reduce_max3A_90 = vector.multi_reduction <maximumf>, %reduce_max3A_88, %reduce_max3A_89 [1, 2] : vector<1x4x1xf32> to vector<1xf32>
      %reduce_max3A_91 = vector.shape_cast %reduce_max3A_90 : vector<1xf32> to vector<1x1x1xf32>
      %reduce_max3A_92 = vector.extract %reduce_max3A_91[0, 0, 0] : f32 from vector<1x1x1xf32>
      %sub3A_93 = vector.broadcast %reduce_max3A_92 : f32 to vector<4x1xf32>
      %sub3A_94 = arith.subf %div3A_87, %sub3A_93 : vector<4x1xf32>
      %exp3A = math.exp %sub3A_94 : vector<4x1xf32>
      %reduce_sum3A_95 = vector.shape_cast %exp3A : vector<4x1xf32> to vector<1x4x1xf32>
      %reduce_sum3A_96 = arith.constant dense<0.000000e+00> : vector<1xf32>
      %reduce_sum3A_97 = vector.multi_reduction <add>, %reduce_sum3A_95, %reduce_sum3A_96 [1, 2] : vector<1x4x1xf32> to vector<1xf32>
      %reduce_sum3A_98 = vector.shape_cast %reduce_sum3A_97 : vector<1xf32> to vector<1x1x1xf32>
      %reduce_sum3A_99 = vector.extract %reduce_sum3A_98[0, 0, 0] : f32 from vector<1x1x1xf32>
      %div3A_100 = vector.broadcast %reduce_sum3A_99 : f32 to vector<4x1xf32>
      %div3A_101 = arith.divf %exp3A, %div3A_100 : vector<4x1xf32>
      %reshape3A_102 = vector.shape_cast %div3A_101 : vector<4x1xf32> to vector<1x4xf32>
      %swap3A_103 = arith.constant 0 : index
      %swap3A_104 = arith.constant 0 : index
      %swap3A_105 = vector.load %arg4[%swap3A_103, %swap3A_104] : memref<1x4xf32, #tpu.memory_space<vmem>>, vector<1x4xf32>
      tpu.vector_store %arg4[%swap3A_103, %swap3A_104], %reshape3A_102 {strides = array<i32>} : memref<1x4xf32, #tpu.memory_space<vmem>>, vector<1x4xf32>,
      %get3A_106 = arith.constant 0 : index
      %get3A_107 = arith.constant 0 : index
      %get3A_108 = vector.load %arg7[%get3A_106, %get3A_107] : memref<4x1024xf32, #tpu.memory_space<vmem>>, vector<4x1024xf32>
      %mul3A_109 = vector.broadcast %div3A_101 : vector<4x1xf32> to vector<4x1024xf32>
      %mul3A_110 = arith.mulf %get3A_108, %mul3A_109 : vector<4x1024xf32>
      %reduce_sum3A_111 = arith.constant dense<0.000000e+00> : vector<1024xf32>
      %reduce_sum3A_112 = vector.multi_reduction <add>, %mul3A_110, %reduce_sum3A_111 [0] : vector<4x1024xf32> to vector<1024xf32>
      %add3A_113 = arith.constant 9.99999993E-9 : f32
      %add3A_114 = vector.broadcast %add3A_113 : f32 to vector<1024xf32>
      %add3A_115 = arith.addf %reduce_sum3A_112, %add3A_114 : vector<1024xf32>
      %reshape3A_116 = vector.shape_cast %add3A_115 : vector<1024xf32> to vector<1024x1xf32>
      %swap3A_117 = arith.constant 0 : index
      %swap3A_118 = arith.constant 0 : index
      %swap3A_119 = vector.load %arg5[%swap3A_117, %swap3A_118] : memref<1024x1xf32, #tpu.memory_space<vmem>>, vector<1024x1xf32>
      tpu.vector_store %arg5[%swap3A_117, %swap3A_118], %reshape3A_116 {strides = array<i32>} : memref<1024x1xf32, #tpu.memory_space<vmem>>, vector<1024x1xf32>,
    } else {
    }
    return
  }
  func.func @transform_0(%arg0: i32) -> (i32, i32, i32) {
    %c0_i32 = arith.constant 0 : i32
    %c0_i32_0 = arith.constant 0 : i32
    %c0_i32_1 = arith.constant 0 : i32
    return %arg0, %c0_i32, %c0_i32_0 : i32, i32, i32
  }
  func.func @transform_1(%arg0: i32) -> (i32, i32) {
    %c0_i32 = arith.constant 0 : i32
    %c0_i32_0 = arith.constant 0 : i32
    %c0_i32_1 = arith.constant 0 : i32
    return %c0_i32, %c0_i32_0 : i32, i32
  }
  func.func @transform_2(%arg0: i32) -> (i32, i32) {
    %c0_i32 = arith.constant 0 : i32
    %c0_i32_0 = arith.constant 0 : i32
    %c0_i32_1 = arith.constant 0 : i32
    return %c0_i32, %c0_i32_0 : i32, i32
  }
  func.func @transform_3(%arg0: i32) -> (i32, i32) {
    %c0_i32 = arith.constant 0 : i32
    %c0_i32_0 = arith.constant 0 : i32
    %c0_i32_1 = arith.constant 0 : i32
    return %c0_i32, %c0_i32_0 : i32, i32
  }
  func.func @transform_4(%arg0: i32) -> (i32, i32) {
    %c0_i32 = arith.constant 0 : i32
    %c0_i32_0 = arith.constant 0 : i32
    %c0_i32_1 = arith.constant 0 : i32
    return %c0_i32, %c0_i32_0 : i32, i32
  }
}

module attributes {stable_mosaic.version = 14 : i64} {
  func.func @_k6_body(%arg0: i32, %arg1: memref<1024x96xf32, #tpu.memory_space<vmem>>, %arg2: memref<1024x16xf32, #tpu.memory_space<vmem>>, %arg3: memref<1024x128xf32, #tpu.memory_space<vmem>>, %arg4: memref<4x1024xf32, #tpu.memory_space<vmem>>, %arg5: memref<1x4xf32, #tpu.memory_space<vmem>>, %arg6: memref<1024x1xf32, #tpu.memory_space<vmem>>, %arg7: memref<8x32xf32, #tpu.memory_space<vmem>>, %arg8: memref<1x32xf32, #tpu.memory_space<vmem>>, %arg9: memref<1x32xf32, #tpu.memory_space<vmem>>, %arg10: memref<1x1xf32, #tpu.memory_space<vmem>>, %arg11: memref<1x1x1024xf32, #tpu.memory_space<vmem>>, %arg12: memref<1x1x1024xf32, #tpu.memory_space<vmem>>) attributes {dimension_semantics = [#tpu.dimension_semantics<arbitrary>], iteration_bounds = array<i64: 20>, scalar_prefetch = 0 : i64, scratch_operands = 0 : i64, tpu.core_type = #tpu.core_type<tc>, window_params = [{pipeline_mode = #tpu.pipeline_mode<synchronous>, transform_indices = @transform_0, window_bounds = array<i64: 1024, 96>}, {pipeline_mode = #tpu.pipeline_mode<synchronous>, transform_indices = @transform_1, window_bounds = array<i64: 1024, 16>}, {transform_indices = @transform_2, window_bounds = array<i64: 1024, 128>}, {transform_indices = @transform_3, window_bounds = array<i64: 4, 1024>}, {pipeline_mode = #tpu.pipeline_mode<synchronous>, transform_indices = @transform_4, window_bounds = array<i64: 1, 4>}, {pipeline_mode = #tpu.pipeline_mode<synchronous>, transform_indices = @transform_5, window_bounds = array<i64: 1024, 1>}, {pipeline_mode = #tpu.pipeline_mode<synchronous>, transform_indices = @transform_6, window_bounds = array<i64: 8, 32>}, {pipeline_mode = #tpu.pipeline_mode<synchronous>, transform_indices = @transform_7, window_bounds = array<i64: 1, 32>}, {pipeline_mode = #tpu.pipeline_mode<synchronous>, transform_indices = @transform_8, window_bounds = array<i64: 1, 32>}, {pipeline_mode = #tpu.pipeline_mode<synchronous>, transform_indices = @transform_9, window_bounds = array<i64: 1, 1>}, {transform_indices = @transform_10, window_bounds = array<i64: 1, 1, 1024>}, {transform_indices = @transform_11, window_bounds = array<i64: 1, 1, 1024>}]} {
    %get3A = arith.constant 0 : index
    %get3A_0 = arith.constant 0 : index
    %get3A_1 = vector.load %arg3[%get3A, %get3A_0] : memref<1024x128xf32, #tpu.memory_space<vmem>>, vector<1024x128xf32>
    %slice3A = vector.extract_strided_slice %get3A_1 {offsets = [0, 0], sizes = [1024, 96], strides = [1, 1]} : vector<1024x128xf32> to vector<1024x96xf32>
    %slice3A_2 = vector.extract_strided_slice %get3A_1 {offsets = [0, 96], sizes = [1024, 8], strides = [1, 1]} : vector<1024x128xf32> to vector<1024x8xf32>
    %get3A_3 = arith.constant 0 : index
    %get3A_4 = arith.constant 0 : index
    %get3A_5 = vector.load %arg1[%get3A_3, %get3A_4] : memref<1024x96xf32, #tpu.memory_space<vmem>>, vector<1024x96xf32>
    %get3A_6 = arith.constant 0 : index
    %get3A_7 = arith.constant 0 : index
    %get3A_8 = vector.load %arg2[%get3A_6, %get3A_7] : memref<1024x16xf32, #tpu.memory_space<vmem>>, vector<1024x16xf32>
    %slice3A_9 = vector.extract_strided_slice %get3A_8 {offsets = [0, 0], sizes = [1024, 8], strides = [1, 1]} : vector<1024x16xf32> to vector<1024x8xf32>
    %mul3A = arith.mulf %slice3A_9, %slice3A_2 : vector<1024x8xf32>
    %reduce_sum3A = arith.constant dense<0.000000e+00> : vector<1024xf32>
    %reduce_sum3A_10 = vector.multi_reduction <add>, %mul3A, %reduce_sum3A [1] : vector<1024x8xf32> to vector<1024xf32>
    %broadcast_in_dim3A = vector.shape_cast %reduce_sum3A_10 : vector<1024xf32> to vector<1024x1xf32>
    %get3A_11 = arith.constant 0 : index
    %get3A_12 = arith.constant 0 : index
    %get3A_13 = vector.load %arg4[%get3A_11, %get3A_12] : memref<4x1024xf32, #tpu.memory_space<vmem>>, vector<4x1024xf32>
    %get3A_14 = arith.constant 0 : index
    %get3A_15 = arith.constant 0 : index
    %get3A_16 = vector.load %arg5[%get3A_14, %get3A_15] : memref<1x4xf32, #tpu.memory_space<vmem>>, vector<1x4xf32>
    %reshape3A = vector.shape_cast %get3A_16 : vector<1x4xf32> to vector<4x1xf32>
    %mul3A_17 = vector.broadcast %reshape3A : vector<4x1xf32> to vector<4x1024xf32>
    %mul3A_18 = arith.mulf %get3A_13, %mul3A_17 : vector<4x1024xf32>
    %reduce_sum3A_19 = arith.constant dense<0.000000e+00> : vector<1024xf32>
    %reduce_sum3A_20 = vector.multi_reduction <add>, %mul3A_18, %reduce_sum3A_19 [0] : vector<4x1024xf32> to vector<1024xf32>
    %broadcast_in_dim3A_21 = vector.shape_cast %reduce_sum3A_20 : vector<1024xf32> to vector<1024x1xf32>
    %mul3A_22 = arith.mulf %broadcast_in_dim3A, %broadcast_in_dim3A_21 : vector<1024x1xf32>
    %get3A_23 = arith.constant 0 : index
    %get3A_24 = arith.constant 0 : index
    %get3A_25 = vector.load %arg6[%get3A_23, %get3A_24] : memref<1024x1xf32, #tpu.memory_space<vmem>>, vector<1024x1xf32>
    %div3A = arith.divf %mul3A_22, %get3A_25 : vector<1024x1xf32>
    %reshape3A_26 = vector.shape_cast %div3A : vector<1024x1xf32> to vector<1x1x1024xf32>
    %swap3A = arith.constant 0 : index
    %swap3A_27 = arith.constant 0 : index
    %swap3A_28 = arith.constant 0 : index
    %swap3A_29 = vector.load %arg11[%swap3A, %swap3A_27, %swap3A_28] : memref<1x1x1024xf32, #tpu.memory_space<vmem>>, vector<1x1x1024xf32>
    tpu.vector_store %arg11[%swap3A, %swap3A_27, %swap3A_28], %reshape3A_26 {strides = array<i32>} : memref<1x1x1024xf32, #tpu.memory_space<vmem>>, vector<1x1x1024xf32>,
    %mul3A_30 = arith.mulf %get3A_5, %slice3A : vector<1024x96xf32>
    %reduce_sum3A_31 = arith.constant dense<0.000000e+00> : vector<1024xf32>
    %reduce_sum3A_32 = vector.multi_reduction <add>, %mul3A_30, %reduce_sum3A_31 [1] : vector<1024x96xf32> to vector<1024xf32>
    %broadcast_in_dim3A_33 = vector.shape_cast %reduce_sum3A_32 : vector<1024xf32> to vector<1024x1xf32>
    %div3A_34 = arith.constant 9.600000e+01 : f32
    %div3A_35 = vector.broadcast %div3A_34 : f32 to vector<1024x1xf32>
    %div3A_36 = arith.divf %broadcast_in_dim3A_33, %div3A_35 : vector<1024x1xf32>
    %slice3A_37 = vector.extract_strided_slice %get3A_5 {offsets = [0, 1], sizes = [1024, 95], strides = [1, 1]} : vector<1024x96xf32> to vector<1024x95xf32>
    %slice3A_38 = vector.extract_strided_slice %slice3A {offsets = [0, 0], sizes = [1024, 95], strides = [1, 1]} : vector<1024x96xf32> to vector<1024x95xf32>
    %mul3A_39 = arith.mulf %slice3A_37, %slice3A_38 : vector<1024x95xf32>
    %reduce_sum3A_40 = arith.constant dense<0.000000e+00> : vector<1024xf32>
    %reduce_sum3A_41 = vector.multi_reduction <add>, %mul3A_39, %reduce_sum3A_40 [1] : vector<1024x95xf32> to vector<1024xf32>
    %broadcast_in_dim3A_42 = vector.shape_cast %reduce_sum3A_41 : vector<1024xf32> to vector<1024x1xf32>
    %div3A_43 = arith.constant 9.500000e+01 : f32
    %div3A_44 = vector.broadcast %div3A_43 : f32 to vector<1024x1xf32>
    %div3A_45 = arith.divf %broadcast_in_dim3A_42, %div3A_44 : vector<1024x1xf32>
    %slice3A_46 = vector.extract_strided_slice %get3A_5 {offsets = [0, 2], sizes = [1024, 94], strides = [1, 1]} : vector<1024x96xf32> to vector<1024x94xf32>
    %slice3A_47 = vector.extract_strided_slice %slice3A {offsets = [0, 0], sizes = [1024, 94], strides = [1, 1]} : vector<1024x96xf32> to vector<1024x94xf32>
    %mul3A_48 = arith.mulf %slice3A_46, %slice3A_47 : vector<1024x94xf32>
    %reduce_sum3A_49 = arith.constant dense<0.000000e+00> : vector<1024xf32>
    %reduce_sum3A_50 = vector.multi_reduction <add>, %mul3A_48, %reduce_sum3A_49 [1] : vector<1024x94xf32> to vector<1024xf32>
    %broadcast_in_dim3A_51 = vector.shape_cast %reduce_sum3A_50 : vector<1024xf32> to vector<1024x1xf32>
    %div3A_52 = arith.constant 9.400000e+01 : f32
    %div3A_53 = vector.broadcast %div3A_52 : f32 to vector<1024x1xf32>
    %div3A_54 = arith.divf %broadcast_in_dim3A_51, %div3A_53 : vector<1024x1xf32>
    %slice3A_55 = vector.extract_strided_slice %get3A_5 {offsets = [0, 3], sizes = [1024, 93], strides = [1, 1]} : vector<1024x96xf32> to vector<1024x93xf32>
    %slice3A_56 = vector.extract_strided_slice %slice3A {offsets = [0, 0], sizes = [1024, 93], strides = [1, 1]} : vector<1024x96xf32> to vector<1024x93xf32>
    %mul3A_57 = arith.mulf %slice3A_55, %slice3A_56 : vector<1024x93xf32>
    %reduce_sum3A_58 = arith.constant dense<0.000000e+00> : vector<1024xf32>
    %reduce_sum3A_59 = vector.multi_reduction <add>, %mul3A_57, %reduce_sum3A_58 [1] : vector<1024x93xf32> to vector<1024xf32>
    %broadcast_in_dim3A_60 = vector.shape_cast %reduce_sum3A_59 : vector<1024xf32> to vector<1024x1xf32>
    %div3A_61 = arith.constant 9.300000e+01 : f32
    %div3A_62 = vector.broadcast %div3A_61 : f32 to vector<1024x1xf32>
    %div3A_63 = arith.divf %broadcast_in_dim3A_60, %div3A_62 : vector<1024x1xf32>
    %slice3A_64 = vector.extract_strided_slice %get3A_5 {offsets = [0, 4], sizes = [1024, 92], strides = [1, 1]} : vector<1024x96xf32> to vector<1024x92xf32>
    %slice3A_65 = vector.extract_strided_slice %slice3A {offsets = [0, 0], sizes = [1024, 92], strides = [1, 1]} : vector<1024x96xf32> to vector<1024x92xf32>
    %mul3A_66 = arith.mulf %slice3A_64, %slice3A_65 : vector<1024x92xf32>
    %reduce_sum3A_67 = arith.constant dense<0.000000e+00> : vector<1024xf32>
    %reduce_sum3A_68 = vector.multi_reduction <add>, %mul3A_66, %reduce_sum3A_67 [1] : vector<1024x92xf32> to vector<1024xf32>
    %broadcast_in_dim3A_69 = vector.shape_cast %reduce_sum3A_68 : vector<1024xf32> to vector<1024x1xf32>
    %div3A_70 = arith.constant 9.200000e+01 : f32
    %div3A_71 = vector.broadcast %div3A_70 : f32 to vector<1024x1xf32>
    %div3A_72 = arith.divf %broadcast_in_dim3A_69, %div3A_71 : vector<1024x1xf32>
    %slice3A_73 = vector.extract_strided_slice %get3A_5 {offsets = [0, 5], sizes = [1024, 91], strides = [1, 1]} : vector<1024x96xf32> to vector<1024x91xf32>
    %slice3A_74 = vector.extract_strided_slice %slice3A {offsets = [0, 0], sizes = [1024, 91], strides = [1, 1]} : vector<1024x96xf32> to vector<1024x91xf32>
    %mul3A_75 = arith.mulf %slice3A_73, %slice3A_74 : vector<1024x91xf32>
    %reduce_sum3A_76 = arith.constant dense<0.000000e+00> : vector<1024xf32>
    %reduce_sum3A_77 = vector.multi_reduction <add>, %mul3A_75, %reduce_sum3A_76 [1] : vector<1024x91xf32> to vector<1024xf32>
    %broadcast_in_dim3A_78 = vector.shape_cast %reduce_sum3A_77 : vector<1024xf32> to vector<1024x1xf32>
    %div3A_79 = arith.constant 9.100000e+01 : f32
    %div3A_80 = vector.broadcast %div3A_79 : f32 to vector<1024x1xf32>
    %div3A_81 = arith.divf %broadcast_in_dim3A_78, %div3A_80 : vector<1024x1xf32>
    %slice3A_82 = vector.extract_strided_slice %get3A_5 {offsets = [0, 6], sizes = [1024, 90], strides = [1, 1]} : vector<1024x96xf32> to vector<1024x90xf32>
    %slice3A_83 = vector.extract_strided_slice %slice3A {offsets = [0, 0], sizes = [1024, 90], strides = [1, 1]} : vector<1024x96xf32> to vector<1024x90xf32>
    %mul3A_84 = arith.mulf %slice3A_82, %slice3A_83 : vector<1024x90xf32>
    %reduce_sum3A_85 = arith.constant dense<0.000000e+00> : vector<1024xf32>
    %reduce_sum3A_86 = vector.multi_reduction <add>, %mul3A_84, %reduce_sum3A_85 [1] : vector<1024x90xf32> to vector<1024xf32>
    %broadcast_in_dim3A_87 = vector.shape_cast %reduce_sum3A_86 : vector<1024xf32> to vector<1024x1xf32>
    %div3A_88 = arith.constant 9.000000e+01 : f32
    %div3A_89 = vector.broadcast %div3A_88 : f32 to vector<1024x1xf32>
    %div3A_90 = arith.divf %broadcast_in_dim3A_87, %div3A_89 : vector<1024x1xf32>
    %slice3A_91 = vector.extract_strided_slice %get3A_5 {offsets = [0, 7], sizes = [1024, 89], strides = [1, 1]} : vector<1024x96xf32> to vector<1024x89xf32>
    %slice3A_92 = vector.extract_strided_slice %slice3A {offsets = [0, 0], sizes = [1024, 89], strides = [1, 1]} : vector<1024x96xf32> to vector<1024x89xf32>
    %mul3A_93 = arith.mulf %slice3A_91, %slice3A_92 : vector<1024x89xf32>
    %reduce_sum3A_94 = arith.constant dense<0.000000e+00> : vector<1024xf32>
    %reduce_sum3A_95 = vector.multi_reduction <add>, %mul3A_93, %reduce_sum3A_94 [1] : vector<1024x89xf32> to vector<1024xf32>
    %broadcast_in_dim3A_96 = vector.shape_cast %reduce_sum3A_95 : vector<1024xf32> to vector<1024x1xf32>
    %div3A_97 = arith.constant 8.900000e+01 : f32
    %div3A_98 = vector.broadcast %div3A_97 : f32 to vector<1024x1xf32>
    %div3A_99 = arith.divf %broadcast_in_dim3A_96, %div3A_98 : vector<1024x1xf32>
    %concatenate3A = tpu.concatenate %div3A_36, %div3A_45, %div3A_54, %div3A_63, %div3A_72, %div3A_81, %div3A_90, %div3A_99 in 1 : vector<1024x1xf32>, vector<1024x1xf32>, vector<1024x1xf32>, vector<1024x1xf32>, vector<1024x1xf32>, vector<1024x1xf32>, vector<1024x1xf32>, vector<1024x1xf32> -> vector<1024x8xf32>
    %get3A_100 = arith.constant 0 : index
    %get3A_101 = arith.constant 0 : index
    %get3A_102 = vector.load %arg7[%get3A_100, %get3A_101] : memref<8x32xf32, #tpu.memory_space<vmem>>, vector<8x32xf32>
    %dot_general3A = arith.constant dense<0.000000e+00> : vector<1024x32xf32>
    %dot_general3A_103 = tpu.matmul %concatenate3A, %get3A_102, %dot_general3A {dimension_numbers = #tpu.dot_dimension_numbers<[1], [0], [0], [1], [0, 0, 1, 1], [], []>, transpose_lhs_hint = false} : vector<1024x8xf32>, vector<8x32xf32>, vector<1024x32xf32> -> vector<1024x32xf32>
    %get3A_104 = arith.constant 0 : index
    %get3A_105 = arith.constant 0 : index
    %get3A_106 = vector.load %arg8[%get3A_104, %get3A_105] : memref<1x32xf32, #tpu.memory_space<vmem>>, vector<1x32xf32>
    %add3A = vector.broadcast %get3A_106 : vector<1x32xf32> to vector<1024x32xf32>
    %add3A_107 = arith.addf %dot_general3A_103, %add3A : vector<1024x32xf32>
    %max3A = arith.constant 0.000000e+00 : f32
    %max3A_108 = vector.broadcast %max3A : f32 to vector<1024x32xf32>
    %max3A_109 = arith.maximumf %add3A_107, %max3A_108 : vector<1024x32xf32>
    %get3A_110 = arith.constant 0 : index
    %get3A_111 = arith.constant 0 : index
    %get3A_112 = vector.load %arg9[%get3A_110, %get3A_111] : memref<1x32xf32, #tpu.memory_space<vmem>>, vector<1x32xf32>
    %mul3A_113 = vector.broadcast %get3A_112 : vector<1x32xf32> to vector<1024x32xf32>
    %mul3A_114 = arith.mulf %max3A_109, %mul3A_113 : vector<1024x32xf32>
    %reduce_sum3A_115 = arith.constant dense<0.000000e+00> : vector<1024xf32>
    %reduce_sum3A_116 = vector.multi_reduction <add>, %mul3A_114, %reduce_sum3A_115 [1] : vector<1024x32xf32> to vector<1024xf32>
    %broadcast_in_dim3A_117 = vector.shape_cast %reduce_sum3A_116 : vector<1024xf32> to vector<1024x1xf32>
    %get3A_118 = arith.constant 0 : index
    %get3A_119 = arith.constant 0 : index
    %get3A_120 = vector.load %arg10[%get3A_118, %get3A_119] : memref<1x1xf32, #tpu.memory_space<vmem>>, vector<1x1xf32>
    %add3A_121 = vector.broadcast %get3A_120 : vector<1x1xf32> to vector<1024x1xf32>
    %add3A_122 = arith.addf %broadcast_in_dim3A_117, %add3A_121 : vector<1024x1xf32>
    %reshape3A_123 = vector.shape_cast %add3A_122 : vector<1024x1xf32> to vector<1x1x1024xf32>
    %swap3A_124 = arith.constant 0 : index
    %swap3A_125 = arith.constant 0 : index
    %swap3A_126 = arith.constant 0 : index
    %swap3A_127 = vector.load %arg12[%swap3A_124, %swap3A_125, %swap3A_126] : memref<1x1x1024xf32, #tpu.memory_space<vmem>>, vector<1x1x1024xf32>
    tpu.vector_store %arg12[%swap3A_124, %swap3A_125, %swap3A_126], %reshape3A_123 {strides = array<i32>} : memref<1x1x1024xf32, #tpu.memory_space<vmem>>, vector<1x1x1024xf32>,
    return
  }
  func.func @transform_0(%arg0: i32) -> (i32, i32) {
    %c0_i32 = arith.constant 0 : i32
    %c0_i32_0 = arith.constant 0 : i32
    %c0_i32_1 = arith.constant 0 : i32
    return %c0_i32, %c0_i32_0 : i32, i32
  }
  func.func @transform_1(%arg0: i32) -> (i32, i32) {
    %c0_i32 = arith.constant 0 : i32
    %c0_i32_0 = arith.constant 0 : i32
    %c0_i32_1 = arith.constant 0 : i32
    return %c0_i32, %c0_i32_0 : i32, i32
  }
  func.func @transform_2(%arg0: i32) -> (i32, i32) {
    %c0_i32 = arith.constant 0 : i32
    %c0_i32_0 = arith.constant 0 : i32
    return %arg0, %c0_i32 : i32, i32
  }
  func.func @transform_3(%arg0: i32) -> (i32, i32) {
    %c0_i32 = arith.constant 0 : i32
    %c0_i32_0 = arith.constant 0 : i32
    return %c0_i32, %arg0 : i32, i32
  }
  func.func @transform_4(%arg0: i32) -> (i32, i32) {
    %c0_i32 = arith.constant 0 : i32
    %c0_i32_0 = arith.constant 0 : i32
    %c0_i32_1 = arith.constant 0 : i32
    return %c0_i32, %c0_i32_0 : i32, i32
  }
  func.func @transform_5(%arg0: i32) -> (i32, i32) {
    %c0_i32 = arith.constant 0 : i32
    %c0_i32_0 = arith.constant 0 : i32
    %c0_i32_1 = arith.constant 0 : i32
    return %c0_i32, %c0_i32_0 : i32, i32
  }
  func.func @transform_6(%arg0: i32) -> (i32, i32) {
    %c0_i32 = arith.constant 0 : i32
    %c0_i32_0 = arith.constant 0 : i32
    %c0_i32_1 = arith.constant 0 : i32
    return %c0_i32, %c0_i32_0 : i32, i32
  }
  func.func @transform_7(%arg0: i32) -> (i32, i32) {
    %c0_i32 = arith.constant 0 : i32
    %c0_i32_0 = arith.constant 0 : i32
    %c0_i32_1 = arith.constant 0 : i32
    return %c0_i32, %c0_i32_0 : i32, i32
  }
  func.func @transform_8(%arg0: i32) -> (i32, i32) {
    %c0_i32 = arith.constant 0 : i32
    %c0_i32_0 = arith.constant 0 : i32
    %c0_i32_1 = arith.constant 0 : i32
    return %c0_i32, %c0_i32_0 : i32, i32
  }
  func.func @transform_9(%arg0: i32) -> (i32, i32) {
    %c0_i32 = arith.constant 0 : i32
    %c0_i32_0 = arith.constant 0 : i32
    %c0_i32_1 = arith.constant 0 : i32
    return %c0_i32, %c0_i32_0 : i32, i32
  }
  func.func @transform_10(%arg0: i32) -> (i32, i32, i32) {
    %c0_i32 = arith.constant 0 : i32
    %c0_i32_0 = arith.constant 0 : i32
    %c0_i32_1 = arith.constant 0 : i32
    return %arg0, %c0_i32, %c0_i32_0 : i32, i32, i32
  }
  func.func @transform_11(%arg0: i32) -> (i32, i32, i32) {
    %c0_i32 = arith.constant 0 : i32
    %c0_i32_0 = arith.constant 0 : i32
    %c0_i32_1 = arith.constant 0 : i32
    return %arg0, %c0_i32, %c0_i32_0 : i32, i32, i32
  }
}

module attributes {stable_mosaic.version = 14 : i64} {
  func.func @_k7_body(%arg0: memref<20x1024xf32, #tpu.memory_space<vmem>>, %arg1: memref<20x1024xf32, #tpu.memory_space<vmem>>, %arg2: memref<20x1024xf32, #tpu.memory_space<vmem>>, %arg3: memref<20x1024xf32, #tpu.memory_space<vmem>>) attributes {dimension_semantics = [], scalar_prefetch = 0 : i64, scratch_operands = 0 : i64, tpu.core_type = #tpu.core_type<tc>} {
    %get3A = arith.constant 0 : index
    %get3A_0 = arith.constant 0 : index
    %get3A_1 = vector.load %arg0[%get3A, %get3A_0] : memref<20x1024xf32, #tpu.memory_space<vmem>>, vector<20x1024xf32>
    %reduce_sum3A = vector.shape_cast %get3A_1 : vector<20x1024xf32> to vector<1x20x1024xf32>
    %reduce_sum3A_2 = arith.constant dense<0.000000e+00> : vector<1xf32>
    %reduce_sum3A_3 = vector.multi_reduction <add>, %reduce_sum3A, %reduce_sum3A_2 [1, 2] : vector<1x20x1024xf32> to vector<1xf32>
    %reduce_sum3A_4 = vector.shape_cast %reduce_sum3A_3 : vector<1xf32> to vector<1x1x1xf32>
    %reduce_sum3A_5 = vector.extract %reduce_sum3A_4[0, 0, 0] : f32 from vector<1x1x1xf32>
    %div3A = arith.constant 2.048000e+04 : f32
    %div3A_6 = arith.divf %reduce_sum3A_5, %div3A : f32
    %sub3A = vector.broadcast %div3A_6 : f32 to vector<20x1024xf32>
    %sub3A_7 = arith.subf %get3A_1, %sub3A : vector<20x1024xf32>
    %integer_pow3A = arith.mulf %sub3A_7, %sub3A_7 : vector<20x1024xf32>
    %reduce_sum3A_8 = vector.shape_cast %integer_pow3A : vector<20x1024xf32> to vector<1x20x1024xf32>
    %reduce_sum3A_9 = arith.constant dense<0.000000e+00> : vector<1xf32>
    %reduce_sum3A_10 = vector.multi_reduction <add>, %reduce_sum3A_8, %reduce_sum3A_9 [1, 2] : vector<1x20x1024xf32> to vector<1xf32>
    %reduce_sum3A_11 = vector.shape_cast %reduce_sum3A_10 : vector<1xf32> to vector<1x1x1xf32>
    %reduce_sum3A_12 = vector.extract %reduce_sum3A_11[0, 0, 0] : f32 from vector<1x1x1xf32>
    %div3A_13 = arith.constant 2.048000e+04 : f32
    %div3A_14 = arith.divf %reduce_sum3A_12, %div3A_13 : f32
    %sqrt3A = math.sqrt %div3A_14 : f32
    %sub3A_15 = vector.broadcast %div3A_6 : f32 to vector<20x1024xf32>
    %sub3A_16 = arith.subf %get3A_1, %sub3A_15 : vector<20x1024xf32>
    %add3A = arith.constant 9.99999993E-9 : f32
    %add3A_17 = arith.addf %sqrt3A, %add3A : f32
    %div3A_18 = vector.broadcast %add3A_17 : f32 to vector<20x1024xf32>
    %div3A_19 = arith.divf %sub3A_16, %div3A_18 : vector<20x1024xf32>
    %mul3A = arith.constant 3.000000e-01 : f32
    %mul3A_20 = vector.broadcast %mul3A : f32 to vector<20x1024xf32>
    %mul3A_21 = arith.mulf %mul3A_20, %div3A_19 : vector<20x1024xf32>
    %get3A_22 = arith.constant 0 : index
    %get3A_23 = arith.constant 0 : index
    %get3A_24 = vector.load %arg1[%get3A_22, %get3A_23] : memref<20x1024xf32, #tpu.memory_space<vmem>>, vector<20x1024xf32>
    %reduce_sum3A_25 = vector.shape_cast %get3A_24 : vector<20x1024xf32> to vector<1x20x1024xf32>
    %reduce_sum3A_26 = arith.constant dense<0.000000e+00> : vector<1xf32>
    %reduce_sum3A_27 = vector.multi_reduction <add>, %reduce_sum3A_25, %reduce_sum3A_26 [1, 2] : vector<1x20x1024xf32> to vector<1xf32>
    %reduce_sum3A_28 = vector.shape_cast %reduce_sum3A_27 : vector<1xf32> to vector<1x1x1xf32>
    %reduce_sum3A_29 = vector.extract %reduce_sum3A_28[0, 0, 0] : f32 from vector<1x1x1xf32>
    %div3A_30 = arith.constant 2.048000e+04 : f32
    %div3A_31 = arith.divf %reduce_sum3A_29, %div3A_30 : f32
    %sub3A_32 = vector.broadcast %div3A_31 : f32 to vector<20x1024xf32>
    %sub3A_33 = arith.subf %get3A_24, %sub3A_32 : vector<20x1024xf32>
    %integer_pow3A_34 = arith.mulf %sub3A_33, %sub3A_33 : vector<20x1024xf32>
    %reduce_sum3A_35 = vector.shape_cast %integer_pow3A_34 : vector<20x1024xf32> to vector<1x20x1024xf32>
    %reduce_sum3A_36 = arith.constant dense<0.000000e+00> : vector<1xf32>
    %reduce_sum3A_37 = vector.multi_reduction <add>, %reduce_sum3A_35, %reduce_sum3A_36 [1, 2] : vector<1x20x1024xf32> to vector<1xf32>
    %reduce_sum3A_38 = vector.shape_cast %reduce_sum3A_37 : vector<1xf32> to vector<1x1x1xf32>
    %reduce_sum3A_39 = vector.extract %reduce_sum3A_38[0, 0, 0] : f32 from vector<1x1x1xf32>
    %div3A_40 = arith.constant 2.048000e+04 : f32
    %div3A_41 = arith.divf %reduce_sum3A_39, %div3A_40 : f32
    %sqrt3A_42 = math.sqrt %div3A_41 : f32
    %sub3A_43 = vector.broadcast %div3A_31 : f32 to vector<20x1024xf32>
    %sub3A_44 = arith.subf %get3A_24, %sub3A_43 : vector<20x1024xf32>
    %add3A_45 = arith.constant 9.99999993E-9 : f32
    %add3A_46 = arith.addf %sqrt3A_42, %add3A_45 : f32
    %div3A_47 = vector.broadcast %add3A_46 : f32 to vector<20x1024xf32>
    %div3A_48 = arith.divf %sub3A_44, %div3A_47 : vector<20x1024xf32>
    %mul3A_49 = arith.constant 4.000000e-01 : f32
    %mul3A_50 = vector.broadcast %mul3A_49 : f32 to vector<20x1024xf32>
    %mul3A_51 = arith.mulf %mul3A_50, %div3A_48 : vector<20x1024xf32>
    %add3A_52 = arith.addf %mul3A_21, %mul3A_51 : vector<20x1024xf32>
    %get3A_53 = arith.constant 0 : index
    %get3A_54 = arith.constant 0 : index
    %get3A_55 = vector.load %arg2[%get3A_53, %get3A_54] : memref<20x1024xf32, #tpu.memory_space<vmem>>, vector<20x1024xf32>
    %reduce_sum3A_56 = vector.shape_cast %get3A_55 : vector<20x1024xf32> to vector<1x20x1024xf32>
    %reduce_sum3A_57 = arith.constant dense<0.000000e+00> : vector<1xf32>
    %reduce_sum3A_58 = vector.multi_reduction <add>, %reduce_sum3A_56, %reduce_sum3A_57 [1, 2] : vector<1x20x1024xf32> to vector<1xf32>
    %reduce_sum3A_59 = vector.shape_cast %reduce_sum3A_58 : vector<1xf32> to vector<1x1x1xf32>
    %reduce_sum3A_60 = vector.extract %reduce_sum3A_59[0, 0, 0] : f32 from vector<1x1x1xf32>
    %div3A_61 = arith.constant 2.048000e+04 : f32
    %div3A_62 = arith.divf %reduce_sum3A_60, %div3A_61 : f32
    %sub3A_63 = vector.broadcast %div3A_62 : f32 to vector<20x1024xf32>
    %sub3A_64 = arith.subf %get3A_55, %sub3A_63 : vector<20x1024xf32>
    %integer_pow3A_65 = arith.mulf %sub3A_64, %sub3A_64 : vector<20x1024xf32>
    %reduce_sum3A_66 = vector.shape_cast %integer_pow3A_65 : vector<20x1024xf32> to vector<1x20x1024xf32>
    %reduce_sum3A_67 = arith.constant dense<0.000000e+00> : vector<1xf32>
    %reduce_sum3A_68 = vector.multi_reduction <add>, %reduce_sum3A_66, %reduce_sum3A_67 [1, 2] : vector<1x20x1024xf32> to vector<1xf32>
    %reduce_sum3A_69 = vector.shape_cast %reduce_sum3A_68 : vector<1xf32> to vector<1x1x1xf32>
    %reduce_sum3A_70 = vector.extract %reduce_sum3A_69[0, 0, 0] : f32 from vector<1x1x1xf32>
    %div3A_71 = arith.constant 2.048000e+04 : f32
    %div3A_72 = arith.divf %reduce_sum3A_70, %div3A_71 : f32
    %sqrt3A_73 = math.sqrt %div3A_72 : f32
    %sub3A_74 = vector.broadcast %div3A_62 : f32 to vector<20x1024xf32>
    %sub3A_75 = arith.subf %get3A_55, %sub3A_74 : vector<20x1024xf32>
    %add3A_76 = arith.constant 9.99999993E-9 : f32
    %add3A_77 = arith.addf %sqrt3A_73, %add3A_76 : f32
    %div3A_78 = vector.broadcast %add3A_77 : f32 to vector<20x1024xf32>
    %div3A_79 = arith.divf %sub3A_75, %div3A_78 : vector<20x1024xf32>
    %mul3A_80 = arith.constant 1.000000e-01 : f32
    %mul3A_81 = vector.broadcast %mul3A_80 : f32 to vector<20x1024xf32>
    %mul3A_82 = arith.mulf %mul3A_81, %div3A_79 : vector<20x1024xf32>
    %add3A_83 = arith.addf %add3A_52, %mul3A_82 : vector<20x1024xf32>
    %neg3A = arith.constant 0.000000e+00 : f32
    %neg3A_84 = vector.broadcast %neg3A : f32 to vector<20x1024xf32>
    %neg3A_85 = arith.subf %neg3A_84, %add3A_83 : vector<20x1024xf32>
    %exp3A = math.exp %neg3A_85 : vector<20x1024xf32>
    %add3A_86 = arith.constant 1.000000e+00 : f32
    %add3A_87 = vector.broadcast %add3A_86 : f32 to vector<20x1024xf32>
    %add3A_88 = arith.addf %add3A_87, %exp3A : vector<20x1024xf32>
    %div3A_89 = arith.constant 1.000000e+00 : f32
    %div3A_90 = vector.broadcast %div3A_89 : f32 to vector<20x1024xf32>
    %div3A_91 = arith.divf %div3A_90, %add3A_88 : vector<20x1024xf32>
    %reduce_max3A = arith.constant dense<0xFF800000> : vector<1024xf32>
    %reduce_max3A_92 = vector.multi_reduction <maximumf>, %div3A_91, %reduce_max3A [0] : vector<20x1024xf32> to vector<1024xf32>
    %broadcast_in_dim3A = vector.shape_cast %reduce_max3A_92 : vector<1024xf32> to vector<1x1024xf32>
    %sub3A_93 = vector.broadcast %broadcast_in_dim3A : vector<1x1024xf32> to vector<20x1024xf32>
    %sub3A_94 = arith.subf %div3A_91, %sub3A_93 : vector<20x1024xf32>
    %exp3A_95 = math.exp %sub3A_94 : vector<20x1024xf32>
    %reduce_sum3A_96 = arith.constant dense<0.000000e+00> : vector<1024xf32>
    %reduce_sum3A_97 = vector.multi_reduction <add>, %exp3A_95, %reduce_sum3A_96 [0] : vector<20x1024xf32> to vector<1024xf32>
    %broadcast_in_dim3A_98 = vector.shape_cast %reduce_sum3A_97 : vector<1024xf32> to vector<1x1024xf32>
    %div3A_99 = vector.broadcast %broadcast_in_dim3A_98 : vector<1x1024xf32> to vector<20x1024xf32>
    %div3A_100 = arith.divf %exp3A_95, %div3A_99 : vector<20x1024xf32>
    %swap3A = arith.constant 0 : index
    %swap3A_101 = arith.constant 0 : index
    %swap3A_102 = vector.load %arg3[%swap3A, %swap3A_101] : memref<20x1024xf32, #tpu.memory_space<vmem>>, vector<20x1024xf32>
    tpu.vector_store %arg3[%swap3A, %swap3A_101], %div3A_100 {strides = array<i32>} : memref<20x1024xf32, #tpu.memory_space<vmem>>, vector<20x1024xf32>,
    return
  }
}

</mosaic_0001>

<sc_bundles>
// kernel: kernel.11.cloned.1.call-start
scs
__scs_entry_jumppad:
0x0: {  	(pc) =	sbr.rel $0x88, $3  }
0x1: {  	(tag) =	ssettag $0x0;
	lr =	simm.s32 $0x1  }
0x2: {  	[smem:$0x3F9B] =	sst lr;
	_ =	strace $0xD0000000  }
0x3: {  	_ = 	snop  }
0x4: {  	_ = 	snop  }
0x5: {  	_ = 	snop  }
0x6: {  	_ = 	snop  }
0x7: {  	_ = 	snop  }
__scs_overlays_trampoline_lowered:
0x8: {  	[smem:$0x3FAA] =	sst s0  }
0x9: {  	[smem:$0x3FAB] =	sst s1  }
0xa: {  	[smem:$0x3FAC] =	sst s2  }
0xb: {  	[smem:$0x3FAD] =	sst s3  }
0xc: {  	[smem:$0x3FAE] =	sst s4  }
0xd: {  	[smem:$0x3FAF] =	sst s5  }
0xe: {  	[smem:$0x3FB0] =	sst s6  }
0xf: {  	[smem:$0x3FB1] =	sst s7  }
0x10: {  	[smem:$0x3FB2] =	sst s8  }
0x11: {  	[smem:$0x3FB3] =	sst s9;
	s0 =	simm.s32 @!p0 $0x0  }
0x12: {  	s1 =	sld [smem:$0x3F99];
	s0 =	simm.s32 @p0 $0x1  }
0x13: {  	[smem:$0x3FB4] =	sst s0;
	s0 =	simm.s32 @!p1 $0x0  }
0x14: {  	s2 =	sld [smem:$0x3F98];
	s0 =	simm.s32 @p1 $0x1  }
0x15: {  	[smem:$0x3FB5] =	sst s0;
	s0 =	simm.s32 @!p2 $0x0  }
0x16: {  	s3 =	sld [smem:$0x3FDB];
	s0 =	simm.s32 @p2 $0x1  }
0x17: {  	s4 =	simm.s32 $0x1BF5;
	[smem:$0x3FB7] =	sst s0  }
0x18: {  	s0 =	sld [smem:$0x3F9A];
	_ =	swait.ge [sflag:s4], $0x0  }
0x19: {  	s7 =	sld [smem:$0x3F9B]  }
0x1a: {  	s8 =	sadd.s32 $0xFFFFE003, lr  }
0x1b: {  	s9 =	sadd.s32 $0xFFFFFEF7, lr;
	s5 =	simm.s32 $0xFFFFFFFF;
	p2 =	slt.u32 s8, $0xFFFFF086  }
0x1c: {  	p1 =	slt.u32 s9, $0xF7A;
	s5 =	simm.s32 @!p2 $0x0  }
0x1d: {  	s5 =	simm.s32 @p1 $0x1;
	p0 =	seq.s32 s7, s2  }
0x1e: {  	s7 =	smul.u32 @!p0 $0xF7A, s2;
	p2 =	seq.s32 @!p0 s5, $0x0  }
0x1f: {  	s9 =	smul.u32 $0xF7A, s1;
	s8 =	simm.s32 @!p0 $0x1BF5;
	p2 =	por !p2, p0  }
0x20: {  	[sflag:s8] =	ssyncset.s32 @!p0 $0xFFFFF086;
	s6 =	sadd.s32 @!p0 s3, s7;
	s7 =	simm.s32 @!p0 $0x108  }
0x21: {  	s3 =	sadd.s32 s3, s9;
	s6 =	sadd.s32 @!p0 $0x88, s6;
	s7 =	simm.s32 @p2 $0x1082  }
0x22: {  	[simem:s7], [sflag:s8] =	dma.local @!p0 [hbm:s6], $0xF7A  }
0x23: {  	s9 =	sor.u32 $0xD0000000, s2;
	s6 =	simm.s32 $0x108;
	_ =	swait.ge @!p0 [sflag:s8], $0x0  }
0x24: {  	s3 =	sadd.s32 $0x88, s3;
	s6 =	simm.s32 @!p1 $0x1082;
	[sflag:s4] =	ssyncset.s32 $0xFFFFF086  }
0x25: {  	[simem:s6], [sflag:s4] =	dma.local [hbm:s3], $0xF7A  }
0x26: {  	[smem:$0x3F9B] =	sst s1;
	(tag) =	ssettag s2;
	_ =	strace s9  }
0x27: {  	s1 =	sld [smem:$0x3FAB]  }
0x28: {  	s2 =	sld [smem:$0x3FAC]  }
0x29: {  	s4 =	sld [smem:$0x3FAE]  }
0x2a: {  	p0 =	seq.s32 s5, $0x0;
	s5 =	sld [smem:$0x3FAF]  }
0x2b: {  	s6 =	sld [smem:$0x3FB0]  }
0x2c: {  	s7 =	sld [smem:$0x3FB1]  }
0x2d: {  	s3 =	simm.s32 $0x108;
	s8 =	sld [smem:$0x3FB2]  }
0x2e: {  	s3 =	simm.s32 @!p0 $0x1082;
	s9 =	sld [smem:$0x3FB3]  }
0x2f: {  	lr =	sadd.s32 s0, s3;
	s0 =	sld [smem:$0x3FAA]  }
0x30: {  	s3 =	sld [smem:$0x3FAD]  }
0x31: {  	[smem:$0x3FB6] =	sst s10  }
0x32: {  	s10 =	sld [smem:$0x3FB4];
	_ =	sdelay $0x3  }
0x33: {  	p0 =	seq.s32 s10, $0x1;
	s10 =	sld [smem:$0x3FB6];
	_ =	sdelay $0x3  }
0x34: {  	[smem:$0x3FB6] =	sst s10  }
0x35: {  	s10 =	sld [smem:$0x3FB5];
	_ =	sdelay $0x3  }
0x36: {  	p1 =	seq.s32 s10, $0x1;
	s10 =	sld [smem:$0x3FB6];
	_ =	sdelay $0x3  }
0x37: {  	[smem:$0x3FB6] =	sst s10  }
0x38: {  	s10 =	sld [smem:$0x3FB7]  }
0x39: {  	_ = 	snop;
	(pc) =	sbr.ind lr, $3  }
0x3a: {  	_ = 	snop  }
0x3b: {  	_ = 	snop  }
0x3c: {  	p2 =	seq.s32 s10, $0x1;
	s10 =	sld [smem:$0x3FB6]  }
0x3d: {  	_ =	shalt  }
0x3e: {  	_ =	shalt  }
0x3f: {  	_ =	shalt  }
0x40: {  	_ =	shalt  }
0x41: {  	_ =	shalt  }
0x42: {  	_ =	shalt  }
0x43: {  	_ =	shalt  }
0x44: {  	_ =	shalt  }
0x45: {  	_ =	shalt  }
0x46: {  	_ =	shalt  }
0x47: {  	_ =	shalt  }
0x48: {  	_ =	shalt  }
0x49: {  	_ =	shalt  }
0x4a: {  	_ =	shalt  }
0x4b: {  	_ =	shalt  }
0x4c: {  	_ =	shalt  }
0x4d: {  	_ =	shalt  }
0x4e: {  	_ =	shalt  }
0x4f: {  	_ =	shalt  }
0x50: {  	_ =	shalt  }
0x51: {  	_ =	shalt  }
0x52: {  	_ =	shalt  }
0x53: {  	_ =	shalt  }
0x54: {  	_ =	shalt  }
0x55: {  	_ =	shalt  }
0x56: {  	_ =	shalt  }
0x57: {  	_ =	shalt  }
0x58: {  	_ =	shalt  }
0x59: {  	_ =	shalt  }
0x5a: {  	_ =	shalt  }
0x5b: {  	_ =	shalt  }
0x5c: {  	_ =	shalt  }
0x5d: {  	_ =	shalt  }
0x5e: {  	_ =	shalt  }
0x5f: {  	_ =	shalt  }
0x60: {  	_ =	shalt  }
0x61: {  	_ =	shalt  }
0x62: {  	_ =	shalt  }
0x63: {  	_ =	shalt  }
0x64: {  	_ =	shalt  }
0x65: {  	_ =	shalt  }
0x66: {  	_ =	shalt  }
0x67: {  	_ =	shalt  }
0x68: {  	_ =	shalt  }
0x69: {  	_ =	shalt  }
0x6a: {  	_ =	shalt  }
0x6b: {  	_ =	shalt  }
0x6c: {  	_ =	shalt  }
0x6d: {  	_ =	shalt  }
0x6e: {  	_ =	shalt  }
0x6f: {  	_ =	shalt  }
0x70: {  	_ =	shalt  }
0x71: {  	_ =	shalt  }
0x72: {  	_ =	shalt  }
0x73: {  	_ =	shalt  }
0x74: {  	_ =	shalt  }
0x75: {  	_ =	shalt  }
0x76: {  	_ =	shalt  }
0x77: {  	_ =	shalt  }
0x78: {  	_ =	shalt  }
0x79: {  	_ =	shalt  }
0x7a: {  	_ =	shalt  }
0x7b: {  	_ =	shalt  }
0x7c: {  	_ =	shalt  }
0x7d: {  	_ =	shalt  }
0x7e: {  	_ =	shalt  }
0x7f: {  	_ =	shalt  }
0x80: {  	_ =	shalt  }
0x81: {  	_ =	shalt  }
0x82: {  	_ =	shalt  }
0x83: {  	_ =	shalt  }
0x84: {  	_ =	shalt  }
0x85: {  	_ =	shalt  }
0x86: {  	_ =	shalt  }
0x87: {  	_ =	shalt  }
.Lfunc_end0:
.L_simem_size_0:
called_computation_lowered:
.L_overlay_start_0:
0x88: {  	s2 =	sld [smem:$0x3FD9]  }
0x89: {  	s3 =	sld [smem:$0x3FFE];
	_ =	sdelay $0x1  }
0x8a: {  	s1 =	srdreg.scid  }
0x8b: {  	s0 =	sand.u32 $0x1, s1  }
0x8c: {  	s17 =	sshll.u32 s0, $0xA;
	s2 =	sadd.s32 s3, s2  }
0x8d: {  	s2 =	sadd.s32 s2, s17  }
0x8e: {  	[smem:$0x3FC2] =	sst s2  }
0x8f: {  	_ = 	snop  }
0x90: {  	s2 =	sld [smem:$0x3FD0];
	(tm) =	ssettm $0x1  }
0x91: {  	s18 =	sld [smem:$0x3FFB];
	_ =	sdelay $0x3  }
0x92: {  	_ =	strace s18  }
0x93: {  	s3 =	sld [smem:$0x3FFC];
	_ =	sdelay $0x3  }
0x94: {  	_ =	strace s3  }
0x95: {  	s3 =	sld [smem:$0x3FFD];
	_ =	sdelay $0x3  }
0x96: {  	_ =	strace s3  }
0x97: {  	_ =	strace $0x8FFFFFFF  }
0x98: {  	s19 =	sld [smem:$0x3FDB];
	_ =	sdelay $0x1  }
0x99: {  	s4 =	simm.s32 $_scs_section_size  }
0x9a: {  	s5 =	simm.s32 $_size__tile_overlayer_lowered;
	s6 =	simm.s32 $_tile_overlayer_lowered  }
0x9b: {  	s22 =	simm.s32 $0x1BFF;
	s21 =	sshll.u32 s6, $0x1;
	s3 =	sadd.s32 s4, s19  }
0x9c: {  	s7 =	simm.s32 $0x0;
	s20 =	sshll.u32 s5, $0x1;
	s5 =	sadd.s32 s21, s3  }
0x9d: {  	[timem:s7], [sflag:s22] =	dma.local [hbm:s5], s20  }
0x9e: {  	_ =	swait.ge [sflag:s22], s20  }
0x9f: {  	s4 =	ssub.s32 $0x0, s20;
	[sflag:s22] =	ssyncset.done $0x0  }
0xa0: {  	[sflag:s22] =	ssyncadd.s32 s4;
	_ =	sdelay $0x1  }
0xa1: {  	s23 =	simm.s32 $0x1B8B  }
0xa2: {  	_ =	swait.ge [sflag:s23], $0x1  }
0xa3: {  	[sflag:s23] =	ssyncset.done $0x0  }
0xa4: {  	s25 =	simm.s32 $0x1B8E;
	s24 =	sld [smem:$0x3FFE];
	[sflag:s23] =	ssyncadd.s32 $0xFFFFFFFF  }
0xa5: {  	s26 =	simm.s32 $execute0_lowered;
	[smem:$0x3FD2] =	sst s25  }
0xa6: {  	s5 =	sshll.u32 s26, $0x1;
	_ =	strace $0x80000046;
	[dreg:$0x1] =	wrdreg $0xFFFFFFFF  }
0xa7: {  	s28 =	simm.s32 $_size_execute0_lowered;
	s3 =	sadd.s32 s3, s5;
	[dreg:$0x0] =	wrdreg $0x0  }
0xa8: {  	s5 =	sshll.u32 s28, $0x1;
	[dreg:$0x2] =	wrdreg s3  }
0xa9: {  	[dreg:$0x3] =	wrdreg s5  }
0xaa: {  	[dreg:$0x4] =	wrdreg $0xC0  }
0xab: {  	_ =	task [dreg:s7], $0x5FFFF  }
0xac: {  	[dreg:$0x1] =	wrdreg $0xFFFFFFFF  }
0xad: {  	[dreg:$0x0] =	wrdreg $0x60  }
0xae: {  	[dreg:$0x2] =	wrdreg s24  }
0xaf: {  	[dreg:$0x3] =	wrdreg s2  }
0xb0: {  	[dreg:$0x4] =	wrdreg $0x9  }
0xb1: {  	_ =	task.clear_ibuf [dreg:s7], $0x5FFFF;
	_ =	strace $0x90000046  }
0xb2: {  	s29 =	simm.s32 $0x9;
	_ =	strace $0x80000048  }
0xb3: {  	_ =	swait.ge [sflag:s29], $0x1  }
0xb4: {  	[sflag:s29] =	ssyncadd.s32 $0xFFFFFFFF  }
0xb5: {  	_ =	strace $0x90000048  }
0xb6: {  	_ =	sfence  }
0xb7: {  	s30 =	sld [smem:$0x0];
	_ =	sdelay $0x2  }
0xb8: {  	s31 =	sshll.u32 s1, $0xD;
	s1 =	sshrl.u32 s1, $0x2  }
0xb9: {  	s3 =	sand.u32 $0x4000, s31;
	s1 =	sadd.s32 s1, s30  }
0xba: {  	s0 =	sor.u32 s3, s0;
	s1 =	sshll.u32 s1, $0x11  }
0xbb: {  	s0 =	sor.u32 s1, s0  }
0xbc: {  	s0 =	sadd.s32 $0x8F2B, s0  }
0xbd: {  	[sflag:s0] =	ssyncadd.remote.s32 $0x1  }
0xbe: {  	_ =	sfence.sel $0xFFFF  }
0xbf: {  	[dreg:$0x0] =	wrdreg $0xFFFFFFFF;
	(pc) =	sbr.abs _section_cstart, $3  }
0xc0: {  	[dreg:$0x1] =	wrdreg $0xFFFFFFFF  }
0xc1: {  	_ =	task.clear_ibuf [dreg:s7], $0x2FFFF;
	_ =	strace $0x9FFFFFFF  }
0xc2: {  	(tm) =	ssettm $0x7FFFFFFF  }
0xc3: {  	_ =	shalt  }
tec
execute0_lowered:
.L_overlay_start_1:
0x0: {  	(tag) =	ssettag $0x1  }
0x1: {  	s5 =	rddreg [dreg:$0x0];
	s3 =	simm.s32 $0x0  }
0x2: {  	s12 =	simm.s32 $0x400;
	[smem:$0x7FF] =	sst s3  }
0x3: {  	s13 =	simm.s32 $0x800;
	_ =	strace $0x80000047;
	[dreg:$0xa] =	wrdreg s12  }
0x4: {  	s14 =	simm.s32 $0xA80;
	[dreg:$0xb] =	wrdreg s13  }
0x5: {  	s15 =	simm.s32 $0xD00;
	[dreg:$0xc] =	wrdreg s14  }
0x6: {  	s16 =	simm.s32 $0xF80;
	[dreg:$0xd] =	wrdreg s15  }
0x7: {  	s17 =	simm.s32 $0x480;
	[dreg:$0xe] =	wrdreg s16  }
0x8: {  	s18 =	simm.s32 $0x6080;
	[dreg:$0xf] =	wrdreg s17  }
0x9: {  	s19 =	simm.s32 $0x1480;
	[dreg:$0x10] =	wrdreg s18  }
0xa: {  	s20 =	simm.s32 $0x880;
	[dreg:$0x11] =	wrdreg s19  }
0xb: {  	s2 =	sadd.s32 $0x84C00, s5;
	[dreg:$0x12] =	wrdreg s20  }
0xc: {  	s21 =	simm.s32 $0xB00;
	[smem:$0x7EF] =	sst s2  }
0xd: {  	s22 =	simm.s32 $0xD80;
	[dreg:$0x13] =	wrdreg s21  }
0xe: {  	s23 =	simm.s32 $0x1000;
	[dreg:$0x14] =	wrdreg s22  }
0xf: {  	s0 =	srdreg.scid;
	s24 =	simm.s32 $0x500;
	[dreg:$0x15] =	wrdreg s23  }
0x10: {  	s1 =	stileid.u32;
	s25 =	simm.s32 $0xA080;
	[dreg:$0x16] =	wrdreg s24  }
0x11: {  	s28 =	simm.s32 $0x1680;
	[dreg:$0x17] =	wrdreg s25;
	s12 =	simm.s32 $0x1080  }
0x12: {  	s29 =	simm.s32 $0x1700;
	s13 =	simm.s32 $0x580;
	[dreg:$0x1c] =	wrdreg s12  }
0x13: {  	s30 =	simm.s32 $0x1780;
	s14 =	simm.s32 $0xE080;
	[dreg:$0x1d] =	wrdreg s13  }
0x14: {  	s31 =	simm.s32 $0x1800;
	s15 =	simm.s32 $0x1580;
	[dreg:$0x1e] =	wrdreg s14  }
0x15: {  	s0 =	sand.u32 $0x1, s0;
	s16 =	simm.s32 $0x980;
	[dreg:$0x1f] =	wrdreg s15  }
0x16: {  	s1 =	sshll.u32 s1, $0x1;
	s17 =	simm.s32 $0xC00;
	[smem:$0x7F3] =	sst s16  }
0x17: {  	s1 =	sor.u32 s0, s1;
	s18 =	simm.s32 $0xE80;
	[smem:$0x7F4] =	sst s17  }
0x18: {  	s0 =	ssub.s32 $0x2, s0;
	s19 =	simm.s32 $0x1100;
	[smem:$0x7F5] =	sst s18  }
0x19: {  	s20 =	simm.s32 $0x600;
	s21 =	simm.s32 $0x12080;
	[smem:$0x7F6] =	sst s19  }
0x1a: {  	s22 =	simm.s32 $0x1600;
	s23 =	simm.s32 $0xA00;
	[smem:$0x7F7] =	sst s20  }
0x1b: {  	s24 =	simm.s32 $0xC80;
	s4 =	smul.u32 $0x280, s1;
	[smem:$0x7F8] =	sst s21  }
0x1c: {  	s25 =	simm.s32 $0xF00;
	s1 =	smul.u32 $0x2800, s1;
	[smem:$0x7F9] =	sst s22  }
0x1d: {  	s2 =	simm.s32 $0x1D00;
	s12 =	simm.s32 $0x80;
	[smem:$0x7FA] =	sst s23  }
0x1e: {  	[smem:$0x7FB] =	sst s24;
	s4 =	sshrl.u32 s4, $0x3;
	s1 =	sadd.s32 s1, s5  }
0x1f: {  	[smem:$0x7FC] =	sst s25;
	s9 =	sadd.s32 s4, s5;
	s1 =	sadd.s32 $0x8BE00, s1  }
0x20: {  	s18 =	simm.s32 $0x1;
	s4 =	sadd.s32 $0x4200, s9;
	[dreg:$0x8] =	wrdreg s1  }
0x21: {  	s25 =	simm.s32 $0x2080;
	s6 =	sadd.s32 $0x4210, s9;
	[dreg:$0x3] =	wrdreg s4  }
0x22: {  	s13 =	simm.s32 $0x1980;
	s7 =	sadd.s32 $0x4220, s9;
	[dreg:$0x4] =	wrdreg s6  }
0x23: {  	s14 =	simm.s32 $0x1A00;
	s8 =	sadd.s32 $0x4230, s9;
	[dreg:$0x5] =	wrdreg s7  }
0x24: {  	s15 =	simm.s32 $0x1B00;
	s10 =	sadd.s32 $0x4240, s9;
	[dreg:$0x6] =	wrdreg s8  }
0x25: {  	s16 =	simm.s32 $0x1B80;
	s11 =	sadd.s32 $0x88C00, s9;
	[dreg:$0x7] =	wrdreg s10  }
0x26: {  	s17 =	simm.s32 $0x1C00;
	s26 =	sadd.s32 $0x89600, s9;
	[dreg:$0x9] =	wrdreg s11  }
0x27: {  	s4 =	sadd.s32 $0x4C00, s5;
	[smem:$0x7F0] =	sst s26;
	s5 =	simm.s32 $0x1500  }
0x28: {  	s24 =	simm.s32 $0x1D80;
	s8 =	sadd.s32 $0x8AA00, s9;
	[dreg:$0x18] =	wrdreg s5  }
0x29: {  	s6 =	sshrl.u32 s0, $0x1;
	s7 =	simm.s32 $0x900;
	[smem:$0x7F2] =	sst s8  }
0x2a: {  	s10 =	simm.s32 $0xB80;
	s11 =	simm.s32 $0xE00;
	[dreg:$0x19] =	wrdreg s7  }
0x2b: {  	s26 =	simm.s32 $0x1180;
	s0 =	ssub.s32 s0, s6;
	[dreg:$0x1a] =	wrdreg s10  }
0x2c: {  	s6 =	sadd.s32 $0x8A000, s9;
	s9 =	sadd.s32 $0x8B400, s9;
	[dreg:$0x1b] =	wrdreg s11  }
0x2d: {  	s11 =	simm.s32 $0x2;
	[smem:$0x7FD] =	sst s26;
	s26 =	simm.s32 $0x1400  }
0x2e: {  	s7 =	simm.s32 $0x1E00;
	[smem:$0x7F1] =	sst s6;
	s10 =	smax.u32 s0, $0x1  }
.LBB2_1:
0x2f: {  	s19 =	rddreg [dreg:$0x3]  }
0x30: {  	[tilespmem:s3], [sflag:$0x2] =	stream.linear.gather [hbm4b:s19+s3], $0x80, $0x38;
	[tilespmem:$0x16080] =	vst v63  }
0x31: {  	_ =	swait.ge [sflag:s11], $0x80  }
0x32: {  	[sflag:s11] =	ssyncset.done $0x0  }
0x33: {  	s5 =	rddreg [dreg:$0x4];
	[sflag:s11] =	ssyncadd.s32 $0xFFFFFF80  }
0x34: {  	[tilespmem:s12], [sflag:$0x2] =	stream.linear.gather [hbm4b:s5+s3], $0x80, $0x38;
	[tilespmem:$0x16080] =	vst v63  }
0x35: {  	_ =	swait.ge [sflag:s11], $0x80  }
0x36: {  	[sflag:s11] =	ssyncset.done $0x0  }
0x37: {  	s22 =	simm.s32 $0x100;
	s6 =	rddreg [dreg:$0x5];
	[sflag:s11] =	ssyncadd.s32 $0xFFFFFF80  }
0x38: {  	[tilespmem:s22], [sflag:$0x2] =	stream.linear.gather [hbm4b:s6+s3], $0x80, $0x38;
	[tilespmem:$0x16080] =	vst v63  }
0x39: {  	_ =	swait.ge [sflag:s11], $0x80  }
0x3a: {  	[sflag:s11] =	ssyncset.done $0x0  }
0x3b: {  	s23 =	simm.s32 $0x180;
	s8 =	rddreg [dreg:$0x6];
	[sflag:s11] =	ssyncadd.s32 $0xFFFFFF80  }
0x3c: {  	[tilespmem:s23], [sflag:$0x2] =	stream.linear.gather [hbm4b:s8+s3], $0x80, $0x38;
	[tilespmem:$0x16080] =	vst v63  }
0x3d: {  	_ =	swait.ge [sflag:s11], $0x80  }
0x3e: {  	[sflag:s11] =	ssyncset.done $0x0  }
0x3f: {  	s8 =	simm.s32 $0x200;
	s20 =	rddreg [dreg:$0x7];
	[sflag:s11] =	ssyncadd.s32 $0xFFFFFF80  }
0x40: {  	[tilespmem:s8], [sflag:$0x2] =	stream.linear.gather [hbm4b:s20+s3], $0x80, $0x38;
	[tilespmem:$0x16080] =	vst v63  }
0x41: {  	_ =	swait.ge [sflag:s11], $0x80  }
0x42: {  	[sflag:s11] =	ssyncset.done $0x0  }
0x43: {  	[sflag:s11] =	ssyncadd.s32 $0xFFFFFF80  }
0x44: {  	v0 =	vld [tilespmem:$0x0]  }
0x45: {  	v2 =	vld [tilespmem:$0x10]  }
0x46: {  	v51 =	vld [tilespmem:$0x20]  }
0x47: {  	v56 =	vld [tilespmem:$0x30]  }
0x48: {  	v61 =	vld [tilespmem:$0x40]  }
0x49: {  	v6 =	vld [tilespmem:$0x50];
	[tilespmem:$0x800] =	vst v0  }
0x4a: {  	v11 =	vld [tilespmem:$0x60];
	[tilespmem:$0x810] =	vst v2  }
0x4b: {  	v16 =	vld [tilespmem:$0x70];
	[tilespmem:$0x820] =	vst v51  }
0x4c: {  	v21 =	vld [tilespmem:$0x80];
	[tilespmem:$0x830] =	vst v56  }
0x4d: {  	v26 =	vld [tilespmem:$0x90];
	[tilespmem:$0x840] =	vst v61  }
0x4e: {  	v31 =	vld [tilespmem:$0xA0];
	[tilespmem:$0x850] =	vst v6  }
0x4f: {  	v36 =	vld [tilespmem:$0xB0];
	[tilespmem:$0x860] =	vst v11  }
0x50: {  	v41 =	vld [tilespmem:$0xC0];
	[tilespmem:$0x870] =	vst v16  }
0x51: {  	v46 =	vld [tilespmem:$0xD0];
	[tilespmem:$0x880] =	vst v21  }
0x52: {  	[tilespmem:$0x890] =	vst v26  }
0x53: {  	[tilespmem:$0x8A0] =	vst v31  }
0x54: {  	[tilespmem:$0x8B0] =	vst v36  }
0x55: {  	[tilespmem:$0x8C0] =	vst v41  }
0x56: {  	v1 =	vand.u32 $0x3FF, v0;
	[tilespmem:$0x8D0] =	vst v46  }
0x57: {  	v48 =	vadd.s32 $0x100000, v0;
	[tilespmem:$0x400] =	vst v1  }
0x58: {  	v49 =	vadd.s32 $0x200000, v0;
	[tilespmem:$0xA80] =	vst v48  }
0x59: {  	v0 =	vadd.s32 $0x300000, v0;
	[tilespmem:$0xD00] =	vst v49  }
0x5a: {  	v50 =	vand.u32 $0x3FF, v2;
	[tilespmem:$0xF80] =	vst v0  }
0x5b: {  	v52 =	vadd.s32 $0x100000, v2;
	[tilespmem:$0x410] =	vst v50  }
0x5c: {  	v53 =	vadd.s32 $0x200000, v2;
	[tilespmem:$0xA90] =	vst v52  }
0x5d: {  	v54 =	vadd.s32 $0x300000, v2;
	[tilespmem:$0xD10] =	vst v53  }
0x5e: {  	v55 =	vand.u32 $0x3FF, v51;
	[tilespmem:$0xF90] =	vst v54  }
0x5f: {  	v57 =	vadd.s32 $0x100000, v51;
	[tilespmem:$0x420] =	vst v55  }
0x60: {  	v58 =	vadd.s32 $0x200000, v51;
	[tilespmem:$0xAA0] =	vst v57  }
0x61: {  	v59 =	vadd.s32 $0x300000, v51;
	[tilespmem:$0xD20] =	vst v58  }
0x62: {  	v60 =	vand.u32 $0x3FF, v56;
	[tilespmem:$0xFA0] =	vst v59  }
0x63: {  	v62 =	vadd.s32 $0x100000, v56;
	[tilespmem:$0x430] =	vst v60  }
0x64: {  	v63 =	vadd.s32 $0x200000, v56;
	[tilespmem:$0xAB0] =	vst v62  }
0x65: {  	v4 =	vadd.s32 $0x300000, v56;
	[tilespmem:$0xD30] =	vst v63  }
0x66: {  	v5 =	vand.u32 $0x3FF, v61;
	[tilespmem:$0xFB0] =	vst v4  }
0x67: {  	v7 =	vadd.s32 $0x100000, v61;
	[tilespmem:$0x440] =	vst v5  }
0x68: {  	v8 =	vadd.s32 $0x200000, v61;
	[tilespmem:$0xAC0] =	vst v7  }
0x69: {  	v9 =	vadd.s32 $0x300000, v61;
	[tilespmem:$0xD40] =	vst v8  }
0x6a: {  	v10 =	vand.u32 $0x3FF, v6;
	[tilespmem:$0xFC0] =	vst v9  }
0x6b: {  	v12 =	vadd.s32 $0x100000, v6;
	[tilespmem:$0x450] =	vst v10  }
0x6c: {  	v13 =	vadd.s32 $0x200000, v6;
	[tilespmem:$0xAD0] =	vst v12  }
0x6d: {  	v14 =	vadd.s32 $0x300000, v6;
	[tilespmem:$0xD50] =	vst v13  }
0x6e: {  	v15 =	vand.u32 $0x3FF, v11;
	[tilespmem:$0xFD0] =	vst v14  }
0x6f: {  	v17 =	vadd.s32 $0x100000, v11;
	[tilespmem:$0x460] =	vst v15  }
0x70: {  	v18 =	vadd.s32 $0x200000, v11;
	[tilespmem:$0xAE0] =	vst v17  }
0x71: {  	v19 =	vadd.s32 $0x300000, v11;
	[tilespmem:$0xD60] =	vst v18  }
0x72: {  	v20 =	vand.u32 $0x3FF, v16;
	[tilespmem:$0xFE0] =	vst v19  }
0x73: {  	v22 =	vadd.s32 $0x100000, v16;
	[tilespmem:$0x470] =	vst v20  }
0x74: {  	v23 =	vadd.s32 $0x200000, v16;
	[tilespmem:$0xAF0] =	vst v22  }
0x75: {  	v24 =	vadd.s32 $0x300000, v16;
	[tilespmem:$0xD70] =	vst v23  }
0x76: {  	v25 =	vand.u32 $0x3FF, v21;
	[tilespmem:$0xFF0] =	vst v24  }
0x77: {  	v27 =	vadd.s32 $0x100000, v21;
	[tilespmem:$0x480] =	vst v25  }
0x78: {  	v28 =	vadd.s32 $0x200000, v21;
	[tilespmem:$0xB00] =	vst v27  }
0x79: {  	v29 =	vadd.s32 $0x300000, v21;
	[tilespmem:$0xD80] =	vst v28  }
0x7a: {  	v30 =	vand.u32 $0x3FF, v26;
	[tilespmem:$0x1000] =	vst v29  }
0x7b: {  	v32 =	vadd.s32 $0x100000, v26;
	[tilespmem:$0x490] =	vst v30  }
0x7c: {  	v33 =	vadd.s32 $0x200000, v26;
	[tilespmem:$0xB10] =	vst v32  }
0x7d: {  	v34 =	vadd.s32 $0x300000, v26;
	[tilespmem:$0xD90] =	vst v33  }
0x7e: {  	v35 =	vand.u32 $0x3FF, v31;
	[tilespmem:$0x1010] =	vst v34  }
0x7f: {  	v37 =	vadd.s32 $0x100000, v31;
	[tilespmem:$0x4A0] =	vst v35  }
0x80: {  	v38 =	vadd.s32 $0x200000, v31;
	[tilespmem:$0xB20] =	vst v37  }
0x81: {  	v39 =	vadd.s32 $0x300000, v31;
	[tilespmem:$0xDA0] =	vst v38  }
0x82: {  	v40 =	vand.u32 $0x3FF, v36;
	[tilespmem:$0x1020] =	vst v39  }
0x83: {  	v42 =	vadd.s32 $0x100000, v36;
	[tilespmem:$0x4B0] =	vst v40  }
0x84: {  	v43 =	vadd.s32 $0x200000, v36;
	[tilespmem:$0xB30] =	vst v42  }
0x85: {  	v44 =	vadd.s32 $0x300000, v36;
	[tilespmem:$0xDB0] =	vst v43  }
0x86: {  	v45 =	vand.u32 $0x3FF, v41;
	[tilespmem:$0x1030] =	vst v44  }
0x87: {  	v47 =	vadd.s32 $0x100000, v41;
	[tilespmem:$0x4C0] =	vst v45  }
0x88: {  	[tilespmem:$0xB40] =	vst v47;
	v48 =	vadd.s32 $0x200000, v41  }
0x89: {  	v49 =	vadd.s32 $0x300000, v41;
	[tilespmem:$0xDC0] =	vst v48  }
0x8a: {  	v51 =	vld [tilespmem:$0xE0];
	v50 =	vand.u32 $0x3FF, v46;
	[tilespmem:$0x1040] =	vst v49  }
0x8b: {  	v56 =	vld [tilespmem:$0xF0];
	v52 =	vadd.s32 $0x100000, v46;
	[tilespmem:$0x4D0] =	vst v50  }
0x8c: {  	v61 =	vld [tilespmem:$0x100];
	v53 =	vadd.s32 $0x200000, v46;
	[tilespmem:$0xB50] =	vst v52  }
0x8d: {  	v6 =	vld [tilespmem:$0x110];
	v54 =	vadd.s32 $0x300000, v46;
	[tilespmem:$0xDD0] =	vst v53  }
0x8e: {  	v11 =	vld [tilespmem:$0x120];
	[tilespmem:$0x1050] =	vst v54  }
0x8f: {  	v16 =	vld [tilespmem:$0x130];
	[tilespmem:$0x8E0] =	vst v51  }
0x90: {  	v21 =	vld [tilespmem:$0x140];
	[tilespmem:$0x8F0] =	vst v56  }
0x91: {  	v26 =	vld [tilespmem:$0x150];
	[tilespmem:$0x900] =	vst v61  }
0x92: {  	v31 =	vld [tilespmem:$0x160];
	[tilespmem:$0x910] =	vst v6  }
0x93: {  	v36 =	vld [tilespmem:$0x170];
	[tilespmem:$0x920] =	vst v11  }
0x94: {  	[tilespmem:$0x930] =	vst v16  }
0x95: {  	[tilespmem:$0x940] =	vst v21  }
0x96: {  	[tilespmem:$0x950] =	vst v26  }
0x97: {  	[tilespmem:$0x960] =	vst v31  }
0x98: {  	v55 =	vand.u32 $0x3FF, v51;
	[tilespmem:$0x970] =	vst v36  }
0x99: {  	v57 =	vadd.s32 $0x100000, v51;
	[tilespmem:$0x4E0] =	vst v55  }
0x9a: {  	v58 =	vadd.s32 $0x200000, v51;
	[tilespmem:$0xB60] =	vst v57  }
0x9b: {  	v59 =	vadd.s32 $0x300000, v51;
	[tilespmem:$0xDE0] =	vst v58  }
0x9c: {  	v60 =	vand.u32 $0x3FF, v56;
	[tilespmem:$0x1060] =	vst v59  }
0x9d: {  	v62 =	vadd.s32 $0x100000, v56;
	[tilespmem:$0x4F0] =	vst v60  }
0x9e: {  	v63 =	vadd.s32 $0x200000, v56;
	[tilespmem:$0xB70] =	vst v62  }
0x9f: {  	v4 =	vadd.s32 $0x300000, v56;
	[tilespmem:$0xDF0] =	vst v63  }
0xa0: {  	v5 =	vand.u32 $0x3FF, v61;
	[tilespmem:$0x1070] =	vst v4  }
0xa1: {  	v7 =	vadd.s32 $0x100000, v61;
	[tilespmem:$0x500] =	vst v5  }
0xa2: {  	v8 =	vadd.s32 $0x200000, v61;
	[tilespmem:$0xB80] =	vst v7  }
0xa3: {  	v9 =	vadd.s32 $0x300000, v61;
	[tilespmem:$0xE00] =	vst v8  }
0xa4: {  	v10 =	vand.u32 $0x3FF, v6;
	[tilespmem:$0x1080] =	vst v9  }
0xa5: {  	v12 =	vadd.s32 $0x100000, v6;
	[tilespmem:$0x510] =	vst v10  }
0xa6: {  	v13 =	vadd.s32 $0x200000, v6;
	[tilespmem:$0xB90] =	vst v12  }
0xa7: {  	v14 =	vadd.s32 $0x300000, v6;
	[tilespmem:$0xE10] =	vst v13  }
0xa8: {  	v15 =	vand.u32 $0x3FF, v11;
	[tilespmem:$0x1090] =	vst v14  }
0xa9: {  	v17 =	vadd.s32 $0x100000, v11;
	[tilespmem:$0x520] =	vst v15  }
0xaa: {  	v18 =	vadd.s32 $0x200000, v11;
	[tilespmem:$0xBA0] =	vst v17  }
0xab: {  	v19 =	vadd.s32 $0x300000, v11;
	[tilespmem:$0xE20] =	vst v18  }
0xac: {  	v20 =	vand.u32 $0x3FF, v16;
	[tilespmem:$0x10A0] =	vst v19  }
0xad: {  	v22 =	vadd.s32 $0x100000, v16;
	[tilespmem:$0x530] =	vst v20  }
0xae: {  	v23 =	vadd.s32 $0x200000, v16;
	[tilespmem:$0xBB0] =	vst v22  }
0xaf: {  	v24 =	vadd.s32 $0x300000, v16;
	[tilespmem:$0xE30] =	vst v23  }
0xb0: {  	v25 =	vand.u32 $0x3FF, v21;
	[tilespmem:$0x10B0] =	vst v24  }
0xb1: {  	v27 =	vadd.s32 $0x100000, v21;
	[tilespmem:$0x540] =	vst v25  }
0xb2: {  	v28 =	vadd.s32 $0x200000, v21;
	[tilespmem:$0xBC0] =	vst v27  }
0xb3: {  	v29 =	vadd.s32 $0x300000, v21;
	[tilespmem:$0xE40] =	vst v28  }
0xb4: {  	v30 =	vand.u32 $0x3FF, v26;
	[tilespmem:$0x10C0] =	vst v29  }
0xb5: {  	v32 =	vadd.s32 $0x100000, v26;
	[tilespmem:$0x550] =	vst v30  }
0xb6: {  	v33 =	vadd.s32 $0x200000, v26;
	[tilespmem:$0xBD0] =	vst v32  }
0xb7: {  	v34 =	vadd.s32 $0x300000, v26;
	[tilespmem:$0xE50] =	vst v33  }
0xb8: {  	v35 =	vand.u32 $0x3FF, v31;
	[tilespmem:$0x10D0] =	vst v34  }
0xb9: {  	v37 =	vadd.s32 $0x100000, v31;
	[tilespmem:$0x560] =	vst v35  }
0xba: {  	v38 =	vadd.s32 $0x200000, v31;
	[tilespmem:$0xBE0] =	vst v37  }
0xbb: {  	v39 =	vadd.s32 $0x300000, v31;
	[tilespmem:$0xE60] =	vst v38  }
0xbc: {  	v41 =	vld [tilespmem:$0x180];
	v40 =	vand.u32 $0x3FF, v36;
	[tilespmem:$0x10E0] =	vst v39  }
0xbd: {  	v46 =	vld [tilespmem:$0x190];
	v42 =	vadd.s32 $0x100000, v36;
	[tilespmem:$0x570] =	vst v40  }
0xbe: {  	v43 =	vadd.s32 $0x200000, v36;
	[tilespmem:$0xBF0] =	vst v42  }
0xbf: {  	v44 =	vadd.s32 $0x300000, v36;
	[tilespmem:$0xE70] =	vst v43  }
0xc0: {  	[tilespmem:$0x10F0] =	vst v44  }
0xc1: {  	[tilespmem:$0x980] =	vst v41  }
0xc2: {  	v45 =	vand.u32 $0x3FF, v41;
	[tilespmem:$0x990] =	vst v46  }
0xc3: {  	v47 =	vadd.s32 $0x100000, v41;
	[tilespmem:$0x580] =	vst v45  }
0xc4: {  	v48 =	vadd.s32 $0x200000, v41;
	[tilespmem:$0xC00] =	vst v47  }
0xc5: {  	v49 =	vadd.s32 $0x300000, v41;
	[tilespmem:$0xE80] =	vst v48  }
0xc6: {  	v51 =	vld [tilespmem:$0x1A0];
	v50 =	vand.u32 $0x3FF, v46;
	[tilespmem:$0x1100] =	vst v49  }
0xc7: {  	v56 =	vld [tilespmem:$0x1B0];
	v52 =	vadd.s32 $0x100000, v46;
	[tilespmem:$0x590] =	vst v50  }
0xc8: {  	v61 =	vld [tilespmem:$0x1C0];
	v53 =	vadd.s32 $0x200000, v46;
	[tilespmem:$0xC10] =	vst v52  }
0xc9: {  	v6 =	vld [tilespmem:$0x1D0];
	v54 =	vadd.s32 $0x300000, v46;
	[tilespmem:$0xE90] =	vst v53  }
0xca: {  	v11 =	vld [tilespmem:$0x1E0];
	[tilespmem:$0x1110] =	vst v54  }
0xcb: {  	v16 =	vld [tilespmem:$0x1F0];
	[tilespmem:$0x9A0] =	vst v51  }
0xcc: {  	v21 =	vld [tilespmem:$0x200];
	[tilespmem:$0x9B0] =	vst v56  }
0xcd: {  	v26 =	vld [tilespmem:$0x210];
	[tilespmem:$0x9C0] =	vst v61  }
0xce: {  	v31 =	vld [tilespmem:$0x220];
	[tilespmem:$0x9D0] =	vst v6  }
0xcf: {  	v36 =	vld [tilespmem:$0x230];
	[tilespmem:$0x9E0] =	vst v11  }
0xd0: {  	[tilespmem:$0x9F0] =	vst v16  }
0xd1: {  	[tilespmem:$0xA00] =	vst v21  }
0xd2: {  	[tilespmem:$0xA10] =	vst v26  }
0xd3: {  	[tilespmem:$0xA20] =	vst v31  }
0xd4: {  	v55 =	vand.u32 $0x3FF, v51;
	[tilespmem:$0xA30] =	vst v36  }
0xd5: {  	v57 =	vadd.s32 $0x100000, v51;
	[tilespmem:$0x5A0] =	vst v55  }
0xd6: {  	v58 =	vadd.s32 $0x200000, v51;
	[tilespmem:$0xC20] =	vst v57  }
0xd7: {  	v59 =	vadd.s32 $0x300000, v51;
	[tilespmem:$0xEA0] =	vst v58  }
0xd8: {  	v60 =	vand.u32 $0x3FF, v56;
	[tilespmem:$0x1120] =	vst v59  }
0xd9: {  	v62 =	vadd.s32 $0x100000, v56;
	[tilespmem:$0x5B0] =	vst v60  }
0xda: {  	v63 =	vadd.s32 $0x200000, v56;
	[tilespmem:$0xC30] =	vst v62  }
0xdb: {  	v4 =	vadd.s32 $0x300000, v56;
	[tilespmem:$0xEB0] =	vst v63  }
0xdc: {  	v5 =	vand.u32 $0x3FF, v61;
	[tilespmem:$0x1130] =	vst v4  }
0xdd: {  	v7 =	vadd.s32 $0x100000, v61;
	[tilespmem:$0x5C0] =	vst v5  }
0xde: {  	v8 =	vadd.s32 $0x200000, v61;
	[tilespmem:$0xC40] =	vst v7  }
0xdf: {  	v9 =	vadd.s32 $0x300000, v61;
	[tilespmem:$0xEC0] =	vst v8  }
0xe0: {  	v10 =	vand.u32 $0x3FF, v6;
	[tilespmem:$0x1140] =	vst v9  }
0xe1: {  	v12 =	vadd.s32 $0x100000, v6;
	[tilespmem:$0x5D0] =	vst v10  }
0xe2: {  	v13 =	vadd.s32 $0x200000, v6;
	[tilespmem:$0xC50] =	vst v12  }
0xe3: {  	v14 =	vadd.s32 $0x300000, v6;
	[tilespmem:$0xED0] =	vst v13  }
0xe4: {  	v15 =	vand.u32 $0x3FF, v11;
	[tilespmem:$0x1150] =	vst v14  }
0xe5: {  	v17 =	vadd.s32 $0x100000, v11;
	[tilespmem:$0x5E0] =	vst v15  }
0xe6: {  	v18 =	vadd.s32 $0x200000, v11;
	[tilespmem:$0xC60] =	vst v17  }
0xe7: {  	v19 =	vadd.s32 $0x300000, v11;
	[tilespmem:$0xEE0] =	vst v18  }
0xe8: {  	v20 =	vand.u32 $0x3FF, v16;
	[tilespmem:$0x1160] =	vst v19  }
0xe9: {  	v22 =	vadd.s32 $0x100000, v16;
	[tilespmem:$0x5F0] =	vst v20  }
0xea: {  	v23 =	vadd.s32 $0x200000, v16;
	[tilespmem:$0xC70] =	vst v22  }
0xeb: {  	v24 =	vadd.s32 $0x300000, v16;
	[tilespmem:$0xEF0] =	vst v23  }
0xec: {  	v25 =	vand.u32 $0x3FF, v21;
	[tilespmem:$0x1170] =	vst v24  }
0xed: {  	v27 =	vadd.s32 $0x100000, v21;
	[tilespmem:$0x600] =	vst v25  }
0xee: {  	v28 =	vadd.s32 $0x200000, v21;
	[tilespmem:$0xC80] =	vst v27  }
0xef: {  	v29 =	vadd.s32 $0x300000, v21;
	[tilespmem:$0xF00] =	vst v28  }
0xf0: {  	v30 =	vand.u32 $0x3FF, v26;
	[tilespmem:$0x1180] =	vst v29  }
0xf1: {  	v32 =	vadd.s32 $0x100000, v26;
	[tilespmem:$0x610] =	vst v30  }
0xf2: {  	v33 =	vadd.s32 $0x200000, v26;
	[tilespmem:$0xC90] =	vst v32  }
0xf3: {  	v34 =	vadd.s32 $0x300000, v26;
	[tilespmem:$0xF10] =	vst v33  }
0xf4: {  	v35 =	vand.u32 $0x3FF, v31;
	[tilespmem:$0x1190] =	vst v34  }
0xf5: {  	v37 =	vadd.s32 $0x100000, v31;
	[tilespmem:$0x620] =	vst v35  }
0xf6: {  	v38 =	vadd.s32 $0x200000, v31;
	[tilespmem:$0xCA0] =	vst v37  }
0xf7: {  	v39 =	vadd.s32 $0x300000, v31;
	[tilespmem:$0xF20] =	vst v38  }
0xf8: {  	v41 =	vld [tilespmem:$0x240];
	v40 =	vand.u32 $0x3FF, v36;
	[tilespmem:$0x11A0] =	vst v39  }
0xf9: {  	v46 =	vld [tilespmem:$0x250];
	v42 =	vadd.s32 $0x100000, v36;
	[tilespmem:$0x630] =	vst v40  }
0xfa: {  	v43 =	vadd.s32 $0x200000, v36;
	[tilespmem:$0xCB0] =	vst v42  }
0xfb: {  	v44 =	vadd.s32 $0x300000, v36;
	[tilespmem:$0xF30] =	vst v43  }
0xfc: {  	[tilespmem:$0x11B0] =	vst v44  }
0xfd: {  	[tilespmem:$0xA40] =	vst v41  }
0xfe: {  	v45 =	vand.u32 $0x3FF, v41;
	[tilespmem:$0xA50] =	vst v46  }
0xff: {  	v47 =	vadd.s32 $0x100000, v41;
	[tilespmem:$0x640] =	vst v45  }
0x100: {  	v48 =	vadd.s32 $0x200000, v41;
	[tilespmem:$0xCC0] =	vst v47  }
0x101: {  	v49 =	vadd.s32 $0x300000, v41;
	[tilespmem:$0xF40] =	vst v48  }
0x102: {  	v51 =	vld [tilespmem:$0x260];
	v50 =	vand.u32 $0x3FF, v46;
	[tilespmem:$0x11C0] =	vst v49  }
0x103: {  	v56 =	vld [tilespmem:$0x270];
	v52 =	vadd.s32 $0x100000, v46;
	[tilespmem:$0x650] =	vst v50  }
0x104: {  	v53 =	vadd.s32 $0x200000, v46;
	[tilespmem:$0xCD0] =	vst v52  }
0x105: {  	v54 =	vadd.s32 $0x300000, v46;
	[tilespmem:$0xF50] =	vst v53  }
0x106: {  	[tilespmem:$0x11D0] =	vst v54  }
0x107: {  	[tilespmem:$0xA60] =	vst v51  }
0x108: {  	v55 =	vand.u32 $0x3FF, v51;
	[tilespmem:$0xA70] =	vst v56  }
0x109: {  	v57 =	vadd.s32 $0x100000, v51;
	[tilespmem:$0x660] =	vst v55  }
0x10a: {  	v58 =	vadd.s32 $0x200000, v51;
	[tilespmem:$0xCE0] =	vst v57  }
0x10b: {  	v59 =	vadd.s32 $0x300000, v51;
	[tilespmem:$0xF60] =	vst v58  }
0x10c: {  	s21 =	rddreg [dreg:$0xa];
	v60 =	vand.u32 $0x3FF, v56;
	[tilespmem:$0x11E0] =	vst v59  }
0x10d: {  	s6 =	sld [smem:$0x7EF];
	v61 =	vadd.s32 $0x100000, v56;
	[tilespmem:$0x670] =	vst v60  }
0x10e: {  	s0 =	rddreg [dreg:$0xb];
	v62 =	vadd.s32 $0x200000, v56;
	[tilespmem:$0xCF0] =	vst v61  }
0x10f: {  	s20 =	rddreg [dreg:$0xc];
	v63 =	vadd.s32 $0x300000, v56;
	[tilespmem:$0xF70] =	vst v62  }
0x110: {  	s1 =	rddreg [dreg:$0xd];
	[tilespmem:$0x11F0] =	vst v63  }
0x111: {  	[tilespmem:s25], [sflag:$0x1] =	stream.indirect.gather [hbm4b:s6+s12], $0x80, s21, s12, $0xb8;
	[tilespmem:$0x16080] =	vst v63  }
0x112: {  	s5 =	rddreg [dreg:$0x1]  }
0x113: {  	[tilespmem:s26], [sflag:$0x1] =	stream.indirect.gather [hbm4b:s5+s12], $0x1, s3, s12, $0xb8;
	[tilespmem:$0x16080] =	vst v63  }
0x114: {  	s19 =	rddreg [dreg:$0x13]  }
0x115: {  	[tilespmem:s28], [sflag:$0x1] =	stream.indirect.gather [hbm4b:s4+s12], $0x1, s0, s12, $0xb8;
	[tilespmem:$0x16080] =	vst v63  }
0x116: {  	s21 =	rddreg [dreg:$0x10]  }
0x117: {  	[tilespmem:s29], [sflag:$0x1] =	stream.indirect.gather [hbm4b:s4+s12], $0x1, s20, s12, $0xb8;
	[tilespmem:$0x16080] =	vst v63  }
0x118: {  	s0 =	rddreg [dreg:$0xf]  }
0x119: {  	[tilespmem:s30], [sflag:$0x1] =	stream.indirect.gather [hbm4b:s4+s12], $0x1, s1, s12, $0xb8;
	[tilespmem:$0x16080] =	vst v63  }
0x11a: {  	s20 =	rddreg [dreg:$0xe]  }
0x11b: {  	[tilespmem:s31], [sflag:$0x1] =	stream.indirect.gather [hbm4b:s4+s12], $0x1, s20, s12, $0xb8;
	[tilespmem:$0x16080] =	vst v63  }
0x11c: {  	s1 =	rddreg [dreg:$0x11]  }
0x11d: {  	[tilespmem:s21], [sflag:$0x1] =	stream.indirect.gather [hbm4b:s6+s12], $0x80, s0, s12, $0xb8;
	[tilespmem:$0x16080] =	vst v63  }
0x11e: {  	s20 =	rddreg [dreg:$0x16]  }
0x11f: {  	[tilespmem:s1], [sflag:$0x1] =	stream.indirect.gather [hbm4b:s5+s12], $0x1, s12, s12, $0xb8;
	[tilespmem:$0x16080] =	vst v63  }
0x120: {  	s0 =	rddreg [dreg:$0x12];
	s1 =	simm.s32 $0x1880  }
0x121: {  	[tilespmem:s1], [sflag:$0x1] =	stream.indirect.gather [hbm4b:s4+s12], $0x1, s0, s12, $0xb8;
	[tilespmem:$0x16080] =	vst v63  }
0x122: {  	s21 =	rddreg [dreg:$0x14];
	s0 =	simm.s32 $0x1900  }
0x123: {  	[tilespmem:s0], [sflag:$0x1] =	stream.indirect.gather [hbm4b:s4+s12], $0x1, s19, s12, $0xb8;
	[tilespmem:$0x16080] =	vst v63  }
0x124: {  	s19 =	rddreg [dreg:$0x15]  }
0x125: {  	[tilespmem:s13], [sflag:$0x1] =	stream.indirect.gather [hbm4b:s4+s12], $0x1, s21, s12, $0xb8;
	[tilespmem:$0x16080] =	vst v63  }
0x126: {  	s21 =	rddreg [dreg:$0x17]  }
0x127: {  	[tilespmem:s14], [sflag:$0x1] =	stream.indirect.gather [hbm4b:s4+s12], $0x1, s19, s12, $0xb8;
	[tilespmem:$0x16080] =	vst v63  }
0x128: {  	s19 =	rddreg [dreg:$0x18]  }
0x129: {  	[tilespmem:s21], [sflag:$0x1] =	stream.indirect.gather [hbm4b:s6+s12], $0x80, s20, s12, $0xb8;
	[tilespmem:$0x16080] =	vst v63  }
0x12a: {  	s21 =	rddreg [dreg:$0x19]  }
0x12b: {  	s20 =	rddreg [dreg:$0x1d]  }
0x12c: {  	[tilespmem:s19], [sflag:$0x1] =	stream.indirect.gather [hbm4b:s5+s12], $0x1, s22, s12, $0xb8;
	[tilespmem:$0x16080] =	vst v63  }
0x12d: {  	s19 =	rddreg [dreg:$0x1a];
	s22 =	simm.s32 $0x1A80  }
0x12e: {  	[tilespmem:s22], [sflag:$0x1] =	stream.indirect.gather [hbm4b:s4+s12], $0x1, s21, s12, $0xb8;
	[tilespmem:$0x16080] =	vst v63  }
0x12f: {  	s21 =	rddreg [dreg:$0x1b]  }
0x130: {  	[tilespmem:s15], [sflag:$0x1] =	stream.indirect.gather [hbm4b:s4+s12], $0x1, s19, s12, $0xb8;
	[tilespmem:$0x16080] =	vst v63  }
0x131: {  	s19 =	rddreg [dreg:$0x1c]  }
0x132: {  	[tilespmem:s16], [sflag:$0x1] =	stream.indirect.gather [hbm4b:s4+s12], $0x1, s21, s12, $0xb8;
	[tilespmem:$0x16080] =	vst v63  }
0x133: {  	s21 =	rddreg [dreg:$0x1e]  }
0x134: {  	[tilespmem:s17], [sflag:$0x1] =	stream.indirect.gather [hbm4b:s4+s12], $0x1, s19, s12, $0xb8;
	[tilespmem:$0x16080] =	vst v63  }
0x135: {  	s19 =	rddreg [dreg:$0x1f]  }
0x136: {  	[tilespmem:s21], [sflag:$0x1] =	stream.indirect.gather [hbm4b:s6+s12], $0x80, s20, s12, $0xb8;
	[tilespmem:$0x16080] =	vst v63  }
0x137: {  	s21 =	sld [smem:$0x7F3]  }
0x138: {  	s20 =	sld [smem:$0x7F7]  }
0x139: {  	[tilespmem:s19], [sflag:$0x1] =	stream.indirect.gather [hbm4b:s5+s12], $0x1, s23, s12, $0xb8;
	[tilespmem:$0x16080] =	vst v63  }
0x13a: {  	s19 =	sld [smem:$0x7F4];
	s23 =	simm.s32 $0x1C80  }
0x13b: {  	[tilespmem:s23], [sflag:$0x1] =	stream.indirect.gather [hbm4b:s4+s12], $0x1, s21, s12, $0xb8;
	[tilespmem:$0x16080] =	vst v63  }
0x13c: {  	s21 =	sld [smem:$0x7F5]  }
0x13d: {  	[tilespmem:s2], [sflag:$0x1] =	stream.indirect.gather [hbm4b:s4+s12], $0x1, s19, s12, $0xb8;
	[tilespmem:$0x16080] =	vst v63  }
0x13e: {  	s19 =	sld [smem:$0x7F6]  }
0x13f: {  	[tilespmem:s24], [sflag:$0x1] =	stream.indirect.gather [hbm4b:s4+s12], $0x1, s21, s12, $0xb8;
	[tilespmem:$0x16080] =	vst v63  }
0x140: {  	s21 =	sld [smem:$0x7F8]  }
0x141: {  	[tilespmem:s7], [sflag:$0x1] =	stream.indirect.gather [hbm4b:s4+s12], $0x1, s19, s12, $0xb8;
	[tilespmem:$0x16080] =	vst v63  }
0x142: {  	s19 =	sld [smem:$0x7F9]  }
0x143: {  	[tilespmem:s21], [sflag:$0x1] =	stream.indirect.gather [hbm4b:s6+s12], $0x80, s20, s12, $0xb8;
	[tilespmem:$0x16080] =	vst v63  }
0x144: {  	s21 =	sld [smem:$0x7FA]  }
0x145: {  	[tilespmem:s19], [sflag:$0x1] =	stream.indirect.gather [hbm4b:s5+s12], $0x1, s8, s12, $0xb8;
	[tilespmem:$0x16080] =	vst v63  }
0x146: {  	s6 =	simm.s32 $0x1E80;
	s8 =	sld [smem:$0x7FB]  }
0x147: {  	[tilespmem:s6], [sflag:$0x1] =	stream.indirect.gather [hbm4b:s4+s12], $0x1, s21, s12, $0xb8;
	[tilespmem:$0x16080] =	vst v63  }
0x148: {  	s20 =	sld [smem:$0x7FC];
	s21 =	simm.s32 $0x1F00  }
0x149: {  	[tilespmem:s21], [sflag:$0x1] =	stream.indirect.gather [hbm4b:s4+s12], $0x1, s8, s12, $0xb8;
	[tilespmem:$0x16080] =	vst v63  }
0x14a: {  	s5 =	sld [smem:$0x7FD];
	s8 =	simm.s32 $0x1F80  }
0x14b: {  	[tilespmem:s8], [sflag:$0x1] =	stream.indirect.gather [hbm4b:s4+s12], $0x1, s20, s12, $0xb8;
	[tilespmem:$0x16080] =	vst v63  }
0x14c: {  	s20 =	simm.s32 $0x2000  }
0x14d: {  	[tilespmem:s20], [sflag:$0x1] =	stream.indirect.gather [hbm4b:s4+s12], $0x1, s5, s12, $0xb8;
	[tilespmem:$0x16080] =	vst v63  }
0x14e: {  	_ =	swait.ge [sflag:s18], $0x4000  }
0x14f: {  	[sflag:s18] =	ssyncset.done $0x0  }
0x150: {  	[sflag:s18] =	ssyncadd.s32 $0xFFFFC000  }
0x151: {  	_ =	swait.ge [sflag:s18], $0x80  }
0x152: {  	[sflag:s18] =	ssyncset.done $0x0  }
0x153: {  	[sflag:s18] =	ssyncadd.s32 $0xFFFFFF80  }
0x154: {  	_ =	swait.ge [sflag:s18], $0x80  }
0x155: {  	[sflag:s18] =	ssyncset.done $0x0  }
0x156: {  	[sflag:s18] =	ssyncadd.s32 $0xFFFFFF80  }
0x157: {  	_ =	swait.ge [sflag:s18], $0x80  }
0x158: {  	[sflag:s18] =	ssyncset.done $0x0  }
0x159: {  	[sflag:s18] =	ssyncadd.s32 $0xFFFFFF80  }
0x15a: {  	_ =	swait.ge [sflag:s18], $0x80  }
0x15b: {  	[sflag:s18] =	ssyncset.done $0x0  }
0x15c: {  	[sflag:s18] =	ssyncadd.s32 $0xFFFFFF80  }
0x15d: {  	_ =	swait.ge [sflag:s18], $0x80  }
0x15e: {  	[sflag:s18] =	ssyncset.done $0x0  }
0x15f: {  	[sflag:s18] =	ssyncadd.s32 $0xFFFFFF80  }
0x160: {  	_ =	swait.ge [sflag:s18], $0x4000  }
0x161: {  	[sflag:s18] =	ssyncset.done $0x0  }
0x162: {  	[sflag:s18] =	ssyncadd.s32 $0xFFFFC000  }
0x163: {  	_ =	swait.ge [sflag:s18], $0x80  }
0x164: {  	[sflag:s18] =	ssyncset.done $0x0  }
0x165: {  	[sflag:s18] =	ssyncadd.s32 $0xFFFFFF80  }
0x166: {  	_ =	swait.ge [sflag:s18], $0x80  }
0x167: {  	[sflag:s18] =	ssyncset.done $0x0  }
0x168: {  	[sflag:s18] =	ssyncadd.s32 $0xFFFFFF80  }
0x169: {  	_ =	swait.ge [sflag:s18], $0x80  }
0x16a: {  	[sflag:s18] =	ssyncset.done $0x0  }
0x16b: {  	[sflag:s18] =	ssyncadd.s32 $0xFFFFFF80  }
0x16c: {  	_ =	swait.ge [sflag:s18], $0x80  }
0x16d: {  	[sflag:s18] =	ssyncset.done $0x0  }
0x16e: {  	[sflag:s18] =	ssyncadd.s32 $0xFFFFFF80  }
0x16f: {  	_ =	swait.ge [sflag:s18], $0x80  }
0x170: {  	[sflag:s18] =	ssyncset.done $0x0  }
0x171: {  	[sflag:s18] =	ssyncadd.s32 $0xFFFFFF80  }
0x172: {  	_ =	swait.ge [sflag:s18], $0x4000  }
0x173: {  	[sflag:s18] =	ssyncset.done $0x0  }
0x174: {  	[sflag:s18] =	ssyncadd.s32 $0xFFFFC000  }
0x175: {  	_ =	swait.ge [sflag:s18], $0x80  }
0x176: {  	[sflag:s18] =	ssyncset.done $0x0  }
0x177: {  	[sflag:s18] =	ssyncadd.s32 $0xFFFFFF80  }
0x178: {  	_ =	swait.ge [sflag:s18], $0x80  }
0x179: {  	[sflag:s18] =	ssyncset.done $0x0  }
0x17a: {  	[sflag:s18] =	ssyncadd.s32 $0xFFFFFF80  }
0x17b: {  	_ =	swait.ge [sflag:s18], $0x80  }
0x17c: {  	[sflag:s18] =	ssyncset.done $0x0  }
0x17d: {  	[sflag:s18] =	ssyncadd.s32 $0xFFFFFF80  }
0x17e: {  	_ =	swait.ge [sflag:s18], $0x80  }
0x17f: {  	[sflag:s18] =	ssyncset.done $0x0  }
0x180: {  	[sflag:s18] =	ssyncadd.s32 $0xFFFFFF80  }
0x181: {  	_ =	swait.ge [sflag:s18], $0x80  }
0x182: {  	[sflag:s18] =	ssyncset.done $0x0  }
0x183: {  	[sflag:s18] =	ssyncadd.s32 $0xFFFFFF80  }
0x184: {  	_ =	swait.ge [sflag:s18], $0x4000  }
0x185: {  	[sflag:s18] =	ssyncset.done $0x0  }
0x186: {  	[sflag:s18] =	ssyncadd.s32 $0xFFFFC000  }
0x187: {  	_ =	swait.ge [sflag:s18], $0x80  }
0x188: {  	[sflag:s18] =	ssyncset.done $0x0  }
0x189: {  	[sflag:s18] =	ssyncadd.s32 $0xFFFFFF80  }
0x18a: {  	_ =	swait.ge [sflag:s18], $0x80  }
0x18b: {  	[sflag:s18] =	ssyncset.done $0x0  }
0x18c: {  	[sflag:s18] =	ssyncadd.s32 $0xFFFFFF80  }
0x18d: {  	_ =	swait.ge [sflag:s18], $0x80  }
0x18e: {  	[sflag:s18] =	ssyncset.done $0x0  }
0x18f: {  	[sflag:s18] =	ssyncadd.s32 $0xFFFFFF80  }
0x190: {  	_ =	swait.ge [sflag:s18], $0x80  }
0x191: {  	[sflag:s18] =	ssyncset.done $0x0  }
0x192: {  	[sflag:s18] =	ssyncadd.s32 $0xFFFFFF80  }
0x193: {  	_ =	swait.ge [sflag:s18], $0x80  }
0x194: {  	[sflag:s18] =	ssyncset.done $0x0  }
0x195: {  	[sflag:s18] =	ssyncadd.s32 $0xFFFFFF80  }
0x196: {  	_ =	swait.ge [sflag:s18], $0x4000  }
0x197: {  	[sflag:s18] =	ssyncset.done $0x0  }
0x198: {  	[sflag:s18] =	ssyncadd.s32 $0xFFFFC000  }
0x199: {  	_ =	swait.ge [sflag:s18], $0x80  }
0x19a: {  	[sflag:s18] =	ssyncset.done $0x0  }
0x19b: {  	[sflag:s18] =	ssyncadd.s32 $0xFFFFFF80  }
0x19c: {  	_ =	swait.ge [sflag:s18], $0x80  }
0x19d: {  	[sflag:s18] =	ssyncset.done $0x0  }
0x19e: {  	[sflag:s18] =	ssyncadd.s32 $0xFFFFFF80  }
0x19f: {  	_ =	swait.ge [sflag:s18], $0x80  }
0x1a0: {  	[sflag:s18] =	ssyncset.done $0x0  }
0x1a1: {  	[sflag:s18] =	ssyncadd.s32 $0xFFFFFF80  }
0x1a2: {  	_ =	swait.ge [sflag:s18], $0x80  }
0x1a3: {  	[sflag:s18] =	ssyncset.done $0x0  }
0x1a4: {  	[sflag:s18] =	ssyncadd.s32 $0xFFFFFF80  }
0x1a5: {  	_ =	swait.ge [sflag:s18], $0x80  }
0x1a6: {  	[sflag:s18] =	ssyncset.done $0x0  }
0x1a7: {  	s5 =	rddreg [dreg:$0x8];
	[sflag:s18] =	ssyncadd.s32 $0xFFFFFF80  }
0x1a8: {  	[hbm4b:s5+s3] =	stream.linear.scatter [tilespmem:s25], [sflag:$0x2], $0x14000, $0x38;
	[tilespmem:$0x16080] =	vst v63  }
0x1a9: {  	_ =	swait.ge [sflag:s11], $0x14000  }
0x1aa: {  	[sflag:s11] =	ssyncset.done $0x0  }
0x1ab: {  	s5 =	rddreg [dreg:$0x9];
	[sflag:s11] =	ssyncadd.s32 $0xFFFEC000  }
0x1ac: {  	[hbm4b:s5+s3] =	stream.linear.scatter [tilespmem:s26], [sflag:$0x2], $0x280, $0x38;
	[tilespmem:$0x16080] =	vst v63  }
0x1ad: {  	_ =	swait.ge [sflag:s11], $0x280  }
0x1ae: {  	s5 =	sld [smem:$0x7F0]  }
0x1af: {  	[sflag:s11] =	ssyncset.done $0x0  }
0x1b0: {  	[sflag:s11] =	ssyncadd.s32 $0xFFFFFD80  }
0x1b1: {  	[hbm4b:s5+s3] =	stream.linear.scatter [tilespmem:s28], [sflag:$0x2], $0x80, $0x38;
	[tilespmem:$0x16080] =	vst v63  }
0x1b2: {  	s19 =	sadd.s32 $0x10, s5  }
0x1b3: {  	[hbm4b:s19+s3] =	stream.linear.scatter [tilespmem:s1], [sflag:$0x2], $0x80, $0x38;
	[tilespmem:$0x16080] =	vst v63  }
0x1b4: {  	s1 =	sadd.s32 $0x20, s5  }
0x1b5: {  	[hbm4b:s1+s3] =	stream.linear.scatter [tilespmem:s22], [sflag:$0x2], $0x80, $0x38;
	[tilespmem:$0x16080] =	vst v63  }
0x1b6: {  	s1 =	sadd.s32 $0x30, s5  }
0x1b7: {  	[hbm4b:s1+s3] =	stream.linear.scatter [tilespmem:s23], [sflag:$0x2], $0x80, $0x38;
	[tilespmem:$0x16080] =	vst v63  }
0x1b8: {  	s5 =	sadd.s32 $0x40, s5  }
0x1b9: {  	[hbm4b:s5+s3] =	stream.linear.scatter [tilespmem:s6], [sflag:$0x2], $0x80, $0x38;
	[tilespmem:$0x16080] =	vst v63  }
0x1ba: {  	_ =	swait.ge [sflag:s11], $0x280  }
0x1bb: {  	s22 =	sld [smem:$0x7F1]  }
0x1bc: {  	[sflag:s11] =	ssyncset.done $0x0  }
0x1bd: {  	[sflag:s11] =	ssyncadd.s32 $0xFFFFFD80  }
0x1be: {  	[hbm4b:s22+s3] =	stream.linear.scatter [tilespmem:s29], [sflag:$0x2], $0x80, $0x38;
	[tilespmem:$0x16080] =	vst v63  }
0x1bf: {  	s23 =	sadd.s32 $0x10, s22  }
0x1c0: {  	[hbm4b:s23+s3] =	stream.linear.scatter [tilespmem:s0], [sflag:$0x2], $0x80, $0x38;
	[tilespmem:$0x16080] =	vst v63  }
0x1c1: {  	s0 =	sadd.s32 $0x20, s22  }
0x1c2: {  	[hbm4b:s0+s3] =	stream.linear.scatter [tilespmem:s15], [sflag:$0x2], $0x80, $0x38;
	[tilespmem:$0x16080] =	vst v63  }
0x1c3: {  	s5 =	sadd.s32 $0x30, s22  }
0x1c4: {  	[hbm4b:s5+s3] =	stream.linear.scatter [tilespmem:s2], [sflag:$0x2], $0x80, $0x38;
	[tilespmem:$0x16080] =	vst v63  }
0x1c5: {  	s6 =	sadd.s32 $0x40, s22  }
0x1c6: {  	[hbm4b:s6+s3] =	stream.linear.scatter [tilespmem:s21], [sflag:$0x2], $0x80, $0x38;
	[tilespmem:$0x16080] =	vst v63  }
0x1c7: {  	_ =	swait.ge [sflag:s11], $0x280  }
0x1c8: {  	s22 =	sld [smem:$0x7F2]  }
0x1c9: {  	[sflag:s11] =	ssyncset.done $0x0  }
0x1ca: {  	[sflag:s11] =	ssyncadd.s32 $0xFFFFFD80  }
0x1cb: {  	[hbm4b:s22+s3] =	stream.linear.scatter [tilespmem:s30], [sflag:$0x2], $0x80, $0x38;
	[tilespmem:$0x16080] =	vst v63  }
0x1cc: {  	s23 =	sadd.s32 $0x10, s22  }
0x1cd: {  	[hbm4b:s23+s3] =	stream.linear.scatter [tilespmem:s13], [sflag:$0x2], $0x80, $0x38;
	[tilespmem:$0x16080] =	vst v63  }
0x1ce: {  	s1 =	sadd.s32 $0x20, s22  }
0x1cf: {  	[hbm4b:s1+s3] =	stream.linear.scatter [tilespmem:s16], [sflag:$0x2], $0x80, $0x38;
	[tilespmem:$0x16080] =	vst v63  }
0x1d0: {  	s5 =	sadd.s32 $0x30, s22  }
0x1d1: {  	[hbm4b:s5+s3] =	stream.linear.scatter [tilespmem:s24], [sflag:$0x2], $0x80, $0x38;
	[tilespmem:$0x16080] =	vst v63  }
0x1d2: {  	s6 =	sadd.s32 $0x40, s22  }
0x1d3: {  	[hbm4b:s6+s3] =	stream.linear.scatter [tilespmem:s8], [sflag:$0x2], $0x80, $0x38;
	[tilespmem:$0x16080] =	vst v63  }
0x1d4: {  	_ =	swait.ge [sflag:s11], $0x280  }
0x1d5: {  	[sflag:s11] =	ssyncset.done $0x0  }
0x1d6: {  	[sflag:s11] =	ssyncadd.s32 $0xFFFFFD80  }
0x1d7: {  	[hbm4b:s9+s3] =	stream.linear.scatter [tilespmem:s31], [sflag:$0x2], $0x80, $0x38;
	[tilespmem:$0x16080] =	vst v63  }
0x1d8: {  	s8 =	sadd.s32 $0x10, s9  }
0x1d9: {  	[hbm4b:s8+s3] =	stream.linear.scatter [tilespmem:s14], [sflag:$0x2], $0x80, $0x38;
	[tilespmem:$0x16080] =	vst v63  }
0x1da: {  	s21 =	sadd.s32 $0x20, s9  }
0x1db: {  	[hbm4b:s21+s3] =	stream.linear.scatter [tilespmem:s17], [sflag:$0x2], $0x80, $0x38;
	[tilespmem:$0x16080] =	vst v63  }
0x1dc: {  	p0 =	sne.s32 s10, $0x1;
	s22 =	sadd.s32 $0x30, s9  }
0x1dd: {  	[hbm4b:s22+s3] =	stream.linear.scatter [tilespmem:s7], [sflag:$0x2], $0x80, $0x38;
	[tilespmem:$0x16080] =	vst v63  }
.Ltmp0:
0x1de: {  	s23 =	sadd.s32 $0x40, s9;
	(pc) =	sbr.rel @p0 .LBB2_1-.Ltmp0, $4  }
0x1df: {  	[hbm4b:s23+s3] =	stream.linear.scatter [tilespmem:s20], [sflag:$0x2], $0x80, $0x38;
	[tilespmem:$0x16080] =	vst v63  }
0x1e0: {  	_ =	swait.ge [sflag:s11], $0x280  }
0x1e1: {  	[sflag:s11] =	ssyncset.done $0x0  }
0x1e2: {  	s10 =	sadd.s32 $0xFFFFFFFF, s10;
	[sflag:s11] =	ssyncadd.s32 $0xFFFFFD80  }
0x1e3: {  	_ =	sfence.sel $0x180000  }
0x1e4: {  	[bflag:$0x0] =	sbarrier.arrive $0xFFFF  }
0x1e5: {  	_ =	strace $0x90000047  }
0x1e6: {  	s0 =	stileid.u32;
	[bflag:$0x2] =	sbarrier.arrive $0xFFFF  }
0x1e7: {  	p0 =	sne.s32 s0, $0x0;
	s0 =	rddreg [dreg:$0x2]  }
0x1e8: {  	s0 =	sadd.s32 @!p0 $0x100000, s0  }
0x1e9: {  	[sflag:s0] =	ssyncadd.tile.s32 @!p0 $0x1;
	_ =	shalt  }
.Lfunc_end2:
_tile_overlayer_lowered:
.L_overlay_start_2:
0x1ea: {  	(tag) =	ssettag $0x2  }
0x1eb: {  	s0 =	rddreg [dreg:$0x0];
	s2 =	stileid.u32  }
0x1ec: {  	s1 =	rddreg [dreg:$0x1];
	p0 =	sne.s32 s2, $0x0  }
0x1ed: {  	s3 =	rddreg [dreg:$0x2];
	[bflag:$0x3] =	sbarrier.arrive $0xFFFF;
	s2 =	simm.s32 @!p0 $0x1C02  }
0x1ee: {  	[timem:s3], [sflag:s2] =	dma.local @!p0 [hbm:s0], s1  }
0x1ef: {  	s0 =	simm.s32 @!p0 $0x2  }
0x1f0: {  	_ =	swait.ge @!p0 [sflag:s0], s1  }
0x1f1: {  	s1 =	ssub.s32 @!p0 $0x0, s1;
	[sflag:s0] =	ssyncset.done @!p0 $0x0  }
0x1f2: {  	[sflag:s0] =	ssyncadd.s32 @!p0 s1  }
0x1f3: {  	[bflag:$0x3] =	sbarrier.arrive $0xFFFF  }
0x1f4: {  	_ =	shalt  }

// kernel: kernel.14.cloned.1.call-start
scs
__scs_entry_jumppad:
0x0: {  	(pc) =	sbr.rel $0x88, $3  }
0x1: {  	(tag) =	ssettag $0x0;
	lr =	simm.s32 $0x1  }
0x2: {  	[smem:$0x3F9B] =	sst lr;
	_ =	strace $0xD0000000  }
0x3: {  	_ = 	snop  }
0x4: {  	_ = 	snop  }
0x5: {  	_ = 	snop  }
0x6: {  	_ = 	snop  }
0x7: {  	_ = 	snop  }
__scs_overlays_trampoline_lowered:
0x8: {  	[smem:$0x3FAA] =	sst s0  }
0x9: {  	[smem:$0x3FAB] =	sst s1  }
0xa: {  	[smem:$0x3FAC] =	sst s2  }
0xb: {  	[smem:$0x3FAD] =	sst s3  }
0xc: {  	[smem:$0x3FAE] =	sst s4  }
0xd: {  	[smem:$0x3FAF] =	sst s5  }
0xe: {  	[smem:$0x3FB0] =	sst s6  }
0xf: {  	[smem:$0x3FB1] =	sst s7  }
0x10: {  	[smem:$0x3FB2] =	sst s8  }
0x11: {  	[smem:$0x3FB3] =	sst s9;
	s0 =	simm.s32 @!p0 $0x0  }
0x12: {  	s1 =	sld [smem:$0x3F99];
	s0 =	simm.s32 @p0 $0x1  }
0x13: {  	[smem:$0x3FB4] =	sst s0;
	s0 =	simm.s32 @!p1 $0x0  }
0x14: {  	s2 =	sld [smem:$0x3F98];
	s0 =	simm.s32 @p1 $0x1  }
0x15: {  	[smem:$0x3FB5] =	sst s0;
	s0 =	simm.s32 @!p2 $0x0  }
0x16: {  	s3 =	sld [smem:$0x3FDB];
	s0 =	simm.s32 @p2 $0x1  }
0x17: {  	s4 =	simm.s32 $0x1BF5;
	[smem:$0x3FB7] =	sst s0  }
0x18: {  	s0 =	sld [smem:$0x3F9A];
	_ =	swait.ge [sflag:s4], $0x0  }
0x19: {  	s7 =	sld [smem:$0x3F9B]  }
0x1a: {  	s8 =	sadd.s32 $0xFFFFE003, lr  }
0x1b: {  	s9 =	sadd.s32 $0xFFFFFEF7, lr;
	s5 =	simm.s32 $0xFFFFFFFF;
	p2 =	slt.u32 s8, $0xFFFFF086  }
0x1c: {  	p1 =	slt.u32 s9, $0xF7A;
	s5 =	simm.s32 @!p2 $0x0  }
0x1d: {  	s5 =	simm.s32 @p1 $0x1;
	p0 =	seq.s32 s7, s2  }
0x1e: {  	s7 =	smul.u32 @!p0 $0xF7A, s2;
	p2 =	seq.s32 @!p0 s5, $0x0  }
0x1f: {  	s9 =	smul.u32 $0xF7A, s1;
	s8 =	simm.s32 @!p0 $0x1BF5;
	p2 =	por !p2, p0  }
0x20: {  	[sflag:s8] =	ssyncset.s32 @!p0 $0xFFFFF086;
	s6 =	sadd.s32 @!p0 s3, s7;
	s7 =	simm.s32 @!p0 $0x108  }
0x21: {  	s3 =	sadd.s32 s3, s9;
	s6 =	sadd.s32 @!p0 $0x88, s6;
	s7 =	simm.s32 @p2 $0x1082  }
0x22: {  	[simem:s7], [sflag:s8] =	dma.local @!p0 [hbm:s6], $0xF7A  }
0x23: {  	s9 =	sor.u32 $0xD0000000, s2;
	s6 =	simm.s32 $0x108;
	_ =	swait.ge @!p0 [sflag:s8], $0x0  }
0x24: {  	s3 =	sadd.s32 $0x88, s3;
	s6 =	simm.s32 @!p1 $0x1082;
	[sflag:s4] =	ssyncset.s32 $0xFFFFF086  }
0x25: {  	[simem:s6], [sflag:s4] =	dma.local [hbm:s3], $0xF7A  }
0x26: {  	[smem:$0x3F9B] =	sst s1;
	(tag) =	ssettag s2;
	_ =	strace s9  }
0x27: {  	s1 =	sld [smem:$0x3FAB]  }
0x28: {  	s2 =	sld [smem:$0x3FAC]  }
0x29: {  	s4 =	sld [smem:$0x3FAE]  }
0x2a: {  	p0 =	seq.s32 s5, $0x0;
	s5 =	sld [smem:$0x3FAF]  }
0x2b: {  	s6 =	sld [smem:$0x3FB0]  }
0x2c: {  	s7 =	sld [smem:$0x3FB1]  }
0x2d: {  	s3 =	simm.s32 $0x108;
	s8 =	sld [smem:$0x3FB2]  }
0x2e: {  	s3 =	simm.s32 @!p0 $0x1082;
	s9 =	sld [smem:$0x3FB3]  }
0x2f: {  	lr =	sadd.s32 s0, s3;
	s0 =	sld [smem:$0x3FAA]  }
0x30: {  	s3 =	sld [smem:$0x3FAD]  }
0x31: {  	[smem:$0x3FB6] =	sst s10  }
0x32: {  	s10 =	sld [smem:$0x3FB4];
	_ =	sdelay $0x3  }
0x33: {  	p0 =	seq.s32 s10, $0x1;
	s10 =	sld [smem:$0x3FB6];
	_ =	sdelay $0x3  }
0x34: {  	[smem:$0x3FB6] =	sst s10  }
0x35: {  	s10 =	sld [smem:$0x3FB5];
	_ =	sdelay $0x3  }
0x36: {  	p1 =	seq.s32 s10, $0x1;
	s10 =	sld [smem:$0x3FB6];
	_ =	sdelay $0x3  }
0x37: {  	[smem:$0x3FB6] =	sst s10  }
0x38: {  	s10 =	sld [smem:$0x3FB7]  }
0x39: {  	_ = 	snop;
	(pc) =	sbr.ind lr, $3  }
0x3a: {  	_ = 	snop  }
0x3b: {  	_ = 	snop  }
0x3c: {  	p2 =	seq.s32 s10, $0x1;
	s10 =	sld [smem:$0x3FB6]  }
0x3d: {  	_ =	shalt  }
0x3e: {  	_ =	shalt  }
0x3f: {  	_ =	shalt  }
0x40: {  	_ =	shalt  }
0x41: {  	_ =	shalt  }
0x42: {  	_ =	shalt  }
0x43: {  	_ =	shalt  }
0x44: {  	_ =	shalt  }
0x45: {  	_ =	shalt  }
0x46: {  	_ =	shalt  }
0x47: {  	_ =	shalt  }
0x48: {  	_ =	shalt  }
0x49: {  	_ =	shalt  }
0x4a: {  	_ =	shalt  }
0x4b: {  	_ =	shalt  }
0x4c: {  	_ =	shalt  }
0x4d: {  	_ =	shalt  }
0x4e: {  	_ =	shalt  }
0x4f: {  	_ =	shalt  }
0x50: {  	_ =	shalt  }
0x51: {  	_ =	shalt  }
0x52: {  	_ =	shalt  }
0x53: {  	_ =	shalt  }
0x54: {  	_ =	shalt  }
0x55: {  	_ =	shalt  }
0x56: {  	_ =	shalt  }
0x57: {  	_ =	shalt  }
0x58: {  	_ =	shalt  }
0x59: {  	_ =	shalt  }
0x5a: {  	_ =	shalt  }
0x5b: {  	_ =	shalt  }
0x5c: {  	_ =	shalt  }
0x5d: {  	_ =	shalt  }
0x5e: {  	_ =	shalt  }
0x5f: {  	_ =	shalt  }
0x60: {  	_ =	shalt  }
0x61: {  	_ =	shalt  }
0x62: {  	_ =	shalt  }
0x63: {  	_ =	shalt  }
0x64: {  	_ =	shalt  }
0x65: {  	_ =	shalt  }
0x66: {  	_ =	shalt  }
0x67: {  	_ =	shalt  }
0x68: {  	_ =	shalt  }
0x69: {  	_ =	shalt  }
0x6a: {  	_ =	shalt  }
0x6b: {  	_ =	shalt  }
0x6c: {  	_ =	shalt  }
0x6d: {  	_ =	shalt  }
0x6e: {  	_ =	shalt  }
0x6f: {  	_ =	shalt  }
0x70: {  	_ =	shalt  }
0x71: {  	_ =	shalt  }
0x72: {  	_ =	shalt  }
0x73: {  	_ =	shalt  }
0x74: {  	_ =	shalt  }
0x75: {  	_ =	shalt  }
0x76: {  	_ =	shalt  }
0x77: {  	_ =	shalt  }
0x78: {  	_ =	shalt  }
0x79: {  	_ =	shalt  }
0x7a: {  	_ =	shalt  }
0x7b: {  	_ =	shalt  }
0x7c: {  	_ =	shalt  }
0x7d: {  	_ =	shalt  }
0x7e: {  	_ =	shalt  }
0x7f: {  	_ =	shalt  }
0x80: {  	_ =	shalt  }
0x81: {  	_ =	shalt  }
0x82: {  	_ =	shalt  }
0x83: {  	_ =	shalt  }
0x84: {  	_ =	shalt  }
0x85: {  	_ =	shalt  }
0x86: {  	_ =	shalt  }
0x87: {  	_ =	shalt  }
.Lfunc_end0:
.L_simem_size_0:
called_computation.1_lowered:
.L_overlay_start_0:
0x88: {  	s2 =	sld [smem:$0x3FD9]  }
0x89: {  	s3 =	sld [smem:$0x3FFE];
	_ =	sdelay $0x1  }
0x8a: {  	s1 =	srdreg.scid  }
0x8b: {  	s0 =	sand.u32 $0x1, s1  }
0x8c: {  	s17 =	sshll.u32 s0, $0xA;
	s2 =	sadd.s32 s3, s2  }
0x8d: {  	s2 =	sadd.s32 s2, s17  }
0x8e: {  	[smem:$0x3FC2] =	sst s2  }
0x8f: {  	_ = 	snop  }
0x90: {  	s2 =	sld [smem:$0x3FD0];
	(tm) =	ssettm $0x1  }
0x91: {  	s18 =	sld [smem:$0x3FFB];
	_ =	sdelay $0x3  }
0x92: {  	_ =	strace s18  }
0x93: {  	s3 =	sld [smem:$0x3FFC];
	_ =	sdelay $0x3  }
0x94: {  	_ =	strace s3  }
0x95: {  	s3 =	sld [smem:$0x3FFD];
	_ =	sdelay $0x3  }
0x96: {  	_ =	strace s3  }
0x97: {  	_ =	strace $0x8FFFFFFF  }
0x98: {  	s19 =	sld [smem:$0x3FDB];
	_ =	sdelay $0x1  }
0x99: {  	s4 =	simm.s32 $_scs_section_size  }
0x9a: {  	s5 =	simm.s32 $_size__tile_overlayer_lowered;
	s6 =	simm.s32 $_tile_overlayer_lowered  }
0x9b: {  	s22 =	simm.s32 $0x1BFF;
	s21 =	sshll.u32 s6, $0x1;
	s3 =	sadd.s32 s4, s19  }
0x9c: {  	s7 =	simm.s32 $0x0;
	s20 =	sshll.u32 s5, $0x1;
	s5 =	sadd.s32 s21, s3  }
0x9d: {  	[timem:s7], [sflag:s22] =	dma.local [hbm:s5], s20  }
0x9e: {  	_ =	swait.ge [sflag:s22], s20  }
0x9f: {  	s4 =	ssub.s32 $0x0, s20;
	[sflag:s22] =	ssyncset.done $0x0  }
0xa0: {  	[sflag:s22] =	ssyncadd.s32 s4;
	_ =	sdelay $0x1  }
0xa1: {  	s23 =	simm.s32 $0x1B8B  }
0xa2: {  	_ =	swait.ge [sflag:s23], $0x1  }
0xa3: {  	[sflag:s23] =	ssyncset.done $0x0  }
0xa4: {  	s25 =	simm.s32 $0x1B8E;
	s24 =	sld [smem:$0x3FFE];
	[sflag:s23] =	ssyncadd.s32 $0xFFFFFFFF  }
0xa5: {  	s26 =	simm.s32 $execute0_lowered;
	[smem:$0x3FD2] =	sst s25  }
0xa6: {  	s5 =	sshll.u32 s26, $0x1;
	_ =	strace $0x80000049;
	[dreg:$0x1] =	wrdreg $0xFFFFFFFF  }
0xa7: {  	s28 =	simm.s32 $_size_execute0_lowered;
	s3 =	sadd.s32 s3, s5;
	[dreg:$0x0] =	wrdreg $0x0  }
0xa8: {  	s5 =	sshll.u32 s28, $0x1;
	[dreg:$0x2] =	wrdreg s3  }
0xa9: {  	[dreg:$0x3] =	wrdreg s5  }
0xaa: {  	[dreg:$0x4] =	wrdreg $0xC0  }
0xab: {  	_ =	task [dreg:s7], $0x5FFFF  }
0xac: {  	[dreg:$0x1] =	wrdreg $0xFFFFFFFF  }
0xad: {  	[dreg:$0x0] =	wrdreg $0x60  }
0xae: {  	[dreg:$0x2] =	wrdreg s24  }
0xaf: {  	[dreg:$0x3] =	wrdreg s2  }
0xb0: {  	[dreg:$0x4] =	wrdreg $0x9  }
0xb1: {  	_ =	task.clear_ibuf [dreg:s7], $0x5FFFF;
	_ =	strace $0x90000049  }
0xb2: {  	s29 =	simm.s32 $0x9;
	_ =	strace $0x8000004B  }
0xb3: {  	_ =	swait.ge [sflag:s29], $0x1  }
0xb4: {  	[sflag:s29] =	ssyncadd.s32 $0xFFFFFFFF  }
0xb5: {  	_ =	strace $0x9000004B  }
0xb6: {  	_ =	sfence  }
0xb7: {  	s30 =	sld [smem:$0x0];
	_ =	sdelay $0x2  }
0xb8: {  	s31 =	sshll.u32 s1, $0xD;
	s1 =	sshrl.u32 s1, $0x2  }
0xb9: {  	s3 =	sand.u32 $0x4000, s31;
	s1 =	sadd.s32 s1, s30  }
0xba: {  	s0 =	sor.u32 s3, s0;
	s1 =	sshll.u32 s1, $0x11  }
0xbb: {  	s0 =	sor.u32 s1, s0  }
0xbc: {  	s0 =	sadd.s32 $0x8F2B, s0  }
0xbd: {  	[sflag:s0] =	ssyncadd.remote.s32 $0x1  }
0xbe: {  	_ =	sfence.sel $0xFFFF  }
0xbf: {  	[dreg:$0x0] =	wrdreg $0xFFFFFFFF;
	(pc) =	sbr.abs _section_cstart, $3  }
0xc0: {  	[dreg:$0x1] =	wrdreg $0xFFFFFFFF  }
0xc1: {  	_ =	task.clear_ibuf [dreg:s7], $0x2FFFF;
	_ =	strace $0x9FFFFFFF  }
0xc2: {  	(tm) =	ssettm $0x7FFFFFFF  }
0xc3: {  	_ =	shalt  }
tec
execute0_lowered:
.L_overlay_start_1:
0x0: {  	(tag) =	ssettag $0x1  }
0x1: {  	s8 =	rddreg [dreg:$0x0]  }
0x2: {  	s1 =	rddreg [dreg:$0x1]  }
0x3: {  	s0 =	rddreg [dreg:$0x2]  }
0x4: {  	s3 =	simm.s32 $0x0;
	s4 =	srdreg.scid;
	s2 =	stileid.u32  }
0x5: {  	s5 =	simm.s32 $0x2;
	[smem:$0x7FF] =	sst s3;
	s24 =	sand.u32 $0x1, s4  }
0x6: {  	s6 =	sshll.u32 s2, $0x1;
	s4 =	simm.s32 $0x400;
	_ =	strace $0x8000004A  }
0x7: {  	[tilespmem:s4], [sflag:$0x2] =	stream.linear.gather [hbm4b:s1+s3], $0x8000, $0x38;
	[tilespmem:$0x8680] =	vst v63  }
0x8: {  	s7 =	sor.u32 s24, s6;
	_ =	swait.ge [sflag:s5], $0x8000  }
0x9: {  	s6 =	sadd.s32 $0x4C00, s8;
	s9 =	sshll.u32 s7, $0xC;
	[sflag:s5] =	ssyncset.done $0x0  }
0xa: {  	s10 =	smul.u32 $0x280, s7;
	s7 =	sadd.s32 s6, s9;
	[sflag:s5] =	ssyncadd.s32 $0xFFFF8000  }
0xb: {  	[hbm4b:s7+s3] =	stream.linear.scatter [tilespmem:s4], [sflag:$0x2], $0x8000, $0x38;
	[tilespmem:$0x8680] =	vst v63  }
0xc: {  	s31 =	sshrl.u32 s10, $0x3;
	_ =	swait.ge [sflag:s5], $0x8000  }
0xd: {  	s17 =	sadd.s32 s31, s8;
	[sflag:s5] =	ssyncset.done $0x0  }
0xe: {  	s8 =	sadd.s32 $0xDBE00, s17;
	[sflag:s5] =	ssyncadd.s32 $0xFFFF8000  }
0xf: {  	[tilespmem:s3], [sflag:$0x2] =	stream.linear.gather [hbm4b:s8+s3], $0x80, $0x38;
	[tilespmem:$0x8680] =	vst v63  }
0x10: {  	_ =	swait.ge [sflag:s5], $0x80  }
0x11: {  	[sflag:s5] =	ssyncset.done $0x0  }
0x12: {  	s10 =	simm.s32 $0x80;
	s9 =	sadd.s32 $0xDBE10, s17;
	[sflag:s5] =	ssyncadd.s32 $0xFFFFFF80  }
0x13: {  	[tilespmem:s10], [sflag:$0x2] =	stream.linear.gather [hbm4b:s9+s3], $0x80, $0x38;
	[tilespmem:$0x8680] =	vst v63  }
0x14: {  	_ =	swait.ge [sflag:s5], $0x80  }
0x15: {  	[sflag:s5] =	ssyncset.done $0x0  }
0x16: {  	s12 =	simm.s32 $0x100;
	s11 =	sadd.s32 $0xDBE20, s17;
	[sflag:s5] =	ssyncadd.s32 $0xFFFFFF80  }
0x17: {  	[tilespmem:s12], [sflag:$0x2] =	stream.linear.gather [hbm4b:s11+s3], $0x80, $0x38;
	[tilespmem:$0x8680] =	vst v63  }
0x18: {  	_ =	swait.ge [sflag:s5], $0x80  }
0x19: {  	[sflag:s5] =	ssyncset.done $0x0  }
0x1a: {  	s14 =	simm.s32 $0x180;
	s13 =	sadd.s32 $0xDBE30, s17;
	[sflag:s5] =	ssyncadd.s32 $0xFFFFFF80  }
0x1b: {  	[tilespmem:s14], [sflag:$0x2] =	stream.linear.gather [hbm4b:s13+s3], $0x80, $0x38;
	[tilespmem:$0x8680] =	vst v63  }
0x1c: {  	_ =	swait.ge [sflag:s5], $0x80  }
0x1d: {  	[sflag:s5] =	ssyncset.done $0x0  }
0x1e: {  	s16 =	simm.s32 $0x200;
	s15 =	sadd.s32 $0xDBE40, s17;
	[sflag:s5] =	ssyncadd.s32 $0xFFFFFF80  }
0x1f: {  	[tilespmem:s16], [sflag:$0x2] =	stream.linear.gather [hbm4b:s15+s3], $0x80, $0x38;
	[tilespmem:$0x8680] =	vst v63  }
0x20: {  	_ =	swait.ge [sflag:s5], $0x80  }
0x21: {  	[sflag:s5] =	ssyncset.done $0x0  }
0x22: {  	s18 =	simm.s32 $0x8400;
	s17 =	sadd.s32 $0x4200, s17;
	[sflag:s5] =	ssyncadd.s32 $0xFFFFFF80  }
0x23: {  	[tilespmem:s18], [sflag:$0x2] =	stream.linear.gather [hbm4b:s17+s3], $0x280, $0x38;
	[tilespmem:$0x8680] =	vst v63  }
0x24: {  	_ =	swait.ge [sflag:s5], $0x280  }
0x25: {  	[sflag:s5] =	ssyncset.done $0x0  }
0x26: {  	[sflag:s5] =	ssyncadd.s32 $0xFFFFFD80  }
0x27: {  	[hbm4b:s6+s10] =	stream.indirect.scatter [tilespmem:s18], [sflag:$0x1], $0x1, s3, s10, $0xb8;
	[tilespmem:$0x8680] =	vst v63  }
0x28: {  	s19 =	simm.s32 $0x8480  }
0x29: {  	[hbm4b:s6+s10] =	stream.indirect.scatter [tilespmem:s19], [sflag:$0x1], $0x1, s10, s10, $0xb8;
	[tilespmem:$0x8680] =	vst v63  }
0x2a: {  	s20 =	simm.s32 $0x8500  }
0x2b: {  	[hbm4b:s6+s10] =	stream.indirect.scatter [tilespmem:s20], [sflag:$0x1], $0x1, s12, s10, $0xb8;
	[tilespmem:$0x8680] =	vst v63  }
0x2c: {  	s21 =	simm.s32 $0x8580  }
0x2d: {  	[hbm4b:s6+s10] =	stream.indirect.scatter [tilespmem:s21], [sflag:$0x1], $0x1, s14, s10, $0xb8;
	[tilespmem:$0x8680] =	vst v63  }
0x2e: {  	s23 =	simm.s32 $0x8600;
	s22 =	simm.s32 $0x1  }
0x2f: {  	[hbm4b:s6+s10] =	stream.indirect.scatter [tilespmem:s23], [sflag:$0x1], $0x1, s16, s10, $0xb8;
	[tilespmem:$0x8680] =	vst v63  }
0x30: {  	_ =	swait.ge [sflag:s22], $0x80  }
0x31: {  	[sflag:s22] =	ssyncset.done $0x0  }
0x32: {  	[sflag:s22] =	ssyncadd.s32 $0xFFFFFF80  }
0x33: {  	_ =	swait.ge [sflag:s22], $0x80  }
0x34: {  	s24 =	ssub.s32 $0x2, s24;
	[sflag:s22] =	ssyncset.done $0x0  }
0x35: {  	s25 =	sshrl.u32 s24, $0x1;
	[sflag:s22] =	ssyncadd.s32 $0xFFFFFF80  }
0x36: {  	s24 =	ssub.s32 s24, s25;
	_ =	swait.ge [sflag:s22], $0x80  }
0x37: {  	s24 =	smax.u32 s24, $0x1;
	[sflag:s22] =	ssyncset.done $0x0  }
0x38: {  	p0 =	sne.s32 s24, $0x1;
	[sflag:s22] =	ssyncadd.s32 $0xFFFFFF80  }
.Ltmp0:
0x39: {  	_ =	swait.ge [sflag:s22], $0x80;
	(pc) =	sbr.rel @!p0 .LBB2_2-.Ltmp0, $4  }
0x3a: {  	[sflag:s22] =	ssyncset.done $0x0  }
0x3b: {  	[sflag:s22] =	ssyncadd.s32 $0xFFFFFF80  }
0x3c: {  	_ =	swait.ge [sflag:s22], $0x80  }
0x3d: {  	s24 =	sadd.s32 $0xFFFFFFFF, s24;
	[sflag:s22] =	ssyncset.done $0x0  }
.LBB2_1:
0x3e: {  	p0 =	sne.s32 s24, $0x1;
	s24 =	sadd.s32 $0xFFFFFFFF, s24;
	[sflag:s22] =	ssyncadd.s32 $0xFFFFFF80  }
0x3f: {  	[tilespmem:s4], [sflag:$0x2] =	stream.linear.gather [hbm4b:s1+s3], $0x8000, $0x38;
	[tilespmem:$0x8680] =	vst v63  }
0x40: {  	_ =	swait.ge [sflag:s5], $0x8000  }
0x41: {  	[sflag:s5] =	ssyncset.done $0x0  }
0x42: {  	[sflag:s5] =	ssyncadd.s32 $0xFFFF8000  }
0x43: {  	[hbm4b:s7+s3] =	stream.linear.scatter [tilespmem:s4], [sflag:$0x2], $0x8000, $0x38;
	[tilespmem:$0x8680] =	vst v63  }
0x44: {  	_ =	swait.ge [sflag:s5], $0x8000  }
0x45: {  	[sflag:s5] =	ssyncset.done $0x0  }
0x46: {  	[sflag:s5] =	ssyncadd.s32 $0xFFFF8000  }
0x47: {  	[tilespmem:s3], [sflag:$0x2] =	stream.linear.gather [hbm4b:s8+s3], $0x80, $0x38;
	[tilespmem:$0x8680] =	vst v63  }
0x48: {  	_ =	swait.ge [sflag:s5], $0x80  }
0x49: {  	[sflag:s5] =	ssyncset.done $0x0  }
0x4a: {  	[sflag:s5] =	ssyncadd.s32 $0xFFFFFF80  }
0x4b: {  	[tilespmem:s10], [sflag:$0x2] =	stream.linear.gather [hbm4b:s9+s3], $0x80, $0x38;
	[tilespmem:$0x8680] =	vst v63  }
0x4c: {  	_ =	swait.ge [sflag:s5], $0x80  }
0x4d: {  	[sflag:s5] =	ssyncset.done $0x0  }
0x4e: {  	[sflag:s5] =	ssyncadd.s32 $0xFFFFFF80  }
0x4f: {  	[tilespmem:s12], [sflag:$0x2] =	stream.linear.gather [hbm4b:s11+s3], $0x80, $0x38;
	[tilespmem:$0x8680] =	vst v63  }
0x50: {  	_ =	swait.ge [sflag:s5], $0x80  }
0x51: {  	[sflag:s5] =	ssyncset.done $0x0  }
0x52: {  	[sflag:s5] =	ssyncadd.s32 $0xFFFFFF80  }
0x53: {  	[tilespmem:s14], [sflag:$0x2] =	stream.linear.gather [hbm4b:s13+s3], $0x80, $0x38;
	[tilespmem:$0x8680] =	vst v63  }
0x54: {  	_ =	swait.ge [sflag:s5], $0x80  }
0x55: {  	[sflag:s5] =	ssyncset.done $0x0  }
0x56: {  	[sflag:s5] =	ssyncadd.s32 $0xFFFFFF80  }
0x57: {  	[tilespmem:s16], [sflag:$0x2] =	stream.linear.gather [hbm4b:s15+s3], $0x80, $0x38;
	[tilespmem:$0x8680] =	vst v63  }
0x58: {  	_ =	swait.ge [sflag:s5], $0x80  }
0x59: {  	[sflag:s5] =	ssyncset.done $0x0  }
0x5a: {  	[sflag:s5] =	ssyncadd.s32 $0xFFFFFF80  }
0x5b: {  	[tilespmem:s18], [sflag:$0x2] =	stream.linear.gather [hbm4b:s17+s3], $0x280, $0x38;
	[tilespmem:$0x8680] =	vst v63  }
0x5c: {  	_ =	swait.ge [sflag:s5], $0x280  }
0x5d: {  	[sflag:s5] =	ssyncset.done $0x0  }
0x5e: {  	[sflag:s5] =	ssyncadd.s32 $0xFFFFFD80  }
0x5f: {  	[hbm4b:s6+s10] =	stream.indirect.scatter [tilespmem:s18], [sflag:$0x1], $0x1, s3, s10, $0xb8;
	[tilespmem:$0x8680] =	vst v63  }
0x60: {  	_ = 	snop  }
0x61: {  	[hbm4b:s6+s10] =	stream.indirect.scatter [tilespmem:s19], [sflag:$0x1], $0x1, s10, s10, $0xb8;
	[tilespmem:$0x8680] =	vst v63  }
0x62: {  	_ = 	snop  }
0x63: {  	[hbm4b:s6+s10] =	stream.indirect.scatter [tilespmem:s20], [sflag:$0x1], $0x1, s12, s10, $0xb8;
	[tilespmem:$0x8680] =	vst v63  }
0x64: {  	_ = 	snop  }
0x65: {  	[hbm4b:s6+s10] =	stream.indirect.scatter [tilespmem:s21], [sflag:$0x1], $0x1, s14, s10, $0xb8;
	[tilespmem:$0x8680] =	vst v63  }
0x66: {  	_ = 	snop  }
0x67: {  	[hbm4b:s6+s10] =	stream.indirect.scatter [tilespmem:s23], [sflag:$0x1], $0x1, s16, s10, $0xb8;
	[tilespmem:$0x8680] =	vst v63  }
0x68: {  	_ =	swait.ge [sflag:s22], $0x80  }
0x69: {  	[sflag:s22] =	ssyncset.done $0x0  }
0x6a: {  	[sflag:s22] =	ssyncadd.s32 $0xFFFFFF80  }
0x6b: {  	_ =	swait.ge [sflag:s22], $0x80  }
0x6c: {  	[sflag:s22] =	ssyncset.done $0x0  }
0x6d: {  	[sflag:s22] =	ssyncadd.s32 $0xFFFFFF80  }
0x6e: {  	_ =	swait.ge [sflag:s22], $0x80  }
0x6f: {  	[sflag:s22] =	ssyncset.done $0x0  }
0x70: {  	[sflag:s22] =	ssyncadd.s32 $0xFFFFFF80  }
.Ltmp1:
0x71: {  	_ =	swait.ge [sflag:s22], $0x80;
	(pc) =	sbr.rel @p0 .LBB2_1-.Ltmp1, $4  }
0x72: {  	[sflag:s22] =	ssyncset.done $0x0  }
0x73: {  	[sflag:s22] =	ssyncadd.s32 $0xFFFFFF80  }
0x74: {  	_ =	swait.ge [sflag:s22], $0x80  }
0x75: {  	[sflag:s22] =	ssyncset.done $0x0  }
.LBB2_2:
0x76: {  	[sflag:s22] =	ssyncadd.s32 $0xFFFFFF80  }
0x77: {  	_ =	sfence.sel $0x180000  }
0x78: {  	[bflag:$0x0] =	sbarrier.arrive $0xFFFF  }
0x79: {  	p0 =	sne.s32 s2, $0x0;
	_ =	strace $0x9000004A  }
0x7a: {  	s0 =	sadd.s32 @!p0 $0x100000, s0;
	[bflag:$0x2] =	sbarrier.arrive $0xFFFF  }
0x7b: {  	[sflag:s0] =	ssyncadd.tile.s32 @!p0 $0x1;
	_ =	shalt  }
.Lfunc_end2:
_tile_overlayer_lowered:
.L_overlay_start_2:
0x7c: {  	(tag) =	ssettag $0x2  }
0x7d: {  	s0 =	rddreg [dreg:$0x0];
	s2 =	stileid.u32  }
0x7e: {  	s1 =	rddreg [dreg:$0x1];
	p0 =	sne.s32 s2, $0x0  }
0x7f: {  	s3 =	rddreg [dreg:$0x2];
	[bflag:$0x3] =	sbarrier.arrive $0xFFFF;
	s2 =	simm.s32 @!p0 $0x1C02  }
0x80: {  	[timem:s3], [sflag:s2] =	dma.local @!p0 [hbm:s0], s1  }
0x81: {  	s0 =	simm.s32 @!p0 $0x2  }
0x82: {  	_ =	swait.ge @!p0 [sflag:s0], s1  }
0x83: {  	s1 =	ssub.s32 @!p0 $0x0, s1;
	[sflag:s0] =	ssyncset.done @!p0 $0x0  }
0x84: {  	[sflag:s0] =	ssyncadd.s32 @!p0 s1  }
0x85: {  	[bflag:$0x3] =	sbarrier.arrive $0xFFFF  }
0x86: {  	_ =	shalt  }

</sc_bundles>
